<compile_context>
chip_gen: v7x
topology: tpu7x:2x2x1
jax: 0.10.2.dev20260603
libtpu: 0.0.44.dev20260713+nightly
codegen_flags: <defaults>
</compile_context>

<pallas_src>
import functools

import jax
import jax.numpy as jnp
from jax import lax
from jax.experimental import pallas as pl
from jax.experimental.pallas import tpu as pltpu
from jax.experimental.pallas import tpu_sc as plsc

N = 10000
E = 320000
D = 128

NC = 2
NS = 16
NW = NC * NS
EPW = E // NW
K = 80
NCHUNK = EPW // K
R0 = 624
R15 = N - 15 * R0
DEGW = 128

_MESH = plsc.VectorSubcoreMesh(core_axis_name="c", subcore_axis_name="s")


def _make_sc_agg(with_deg: bool):
    out_type = [jax.ShapeDtypeStruct((NC, N, D), jnp.float32)]
    if with_deg:
        out_type.append(jax.ShapeDtypeStruct((NC, N, DEGW), jnp.float32))

    @functools.partial(
        pl.kernel, mesh=_MESH, out_type=out_type,
        scratch_types=[
            pltpu.VMEM_SHARED((N, D), jnp.float32),
            pltpu.VMEM((EPW,), jnp.int32),
            pltpu.VMEM((EPW,), jnp.int32),
            pltpu.VMEM((3, K, D), jnp.float32),
            pltpu.SemaphoreType.DMA,
            pltpu.SemaphoreType.DMA,
            pltpu.SemaphoreType.DMA,
        ])
    def body(x_hbm, src_hbm, dst_hbm, out_hbm, *rest):
        if with_deg:
            degout_hbm, acc_sh, sidx, didx, rows, sem0, sem1, sem2 = rest
        else:
            acc_sh, sidx, didx, rows, sem0, sem1, sem2 = rest
        cid = lax.axis_index("c")
        sid = lax.axis_index("s")
        wid = cid * NS + sid
        row0 = sid * R0
        last = sid == NS - 1
        sems = (sem0, sem1, sem2)

        def _gather(j, b):
            return pltpu.make_async_copy(
                x_hbm.at[sidx.at[pl.ds(j * K, K)]], rows.at[b], sems[b])

        def _fill_acc_rows(src_buf):
            @pl.when(jnp.logical_not(last))
            def _():
                for t in range(7):
                    pltpu.sync_copy(src_buf,
                                    acc_sh.at[pl.ds(row0 + t * K, K)])
                pltpu.sync_copy(src_buf.at[pl.ds(0, 64)],
                                acc_sh.at[pl.ds(row0 + 7 * K, 64)])

            @pl.when(last)
            def _():
                for t in range(8):
                    pltpu.sync_copy(src_buf,
                                    acc_sh.at[pl.ds(row0 + t * K, K)])

        def _write_out(dst_hbm_ref):
            @pl.when(jnp.logical_not(last))
            def _():
                pltpu.sync_copy(acc_sh.at[pl.ds(row0, R0)],
                                dst_hbm_ref.at[cid, pl.ds(row0, R0)])

            @pl.when(last)
            def _():
                pltpu.sync_copy(acc_sh.at[pl.ds(row0, R15)],
                                dst_hbm_ref.at[cid, pl.ds(row0, R15)])

        pltpu.sync_copy(src_hbm.at[pl.ds(wid * EPW, EPW)], sidx)
        pltpu.sync_copy(dst_hbm.at[pl.ds(wid * EPW, EPW)], didx)

        zb = 0 if with_deg else 2
        if not with_deg:
            _gather(0, 0).start()
            _gather(1, 1).start()

        def zrow(r, carry):
            for j in range(D // 16):
                rows[zb, r, pl.ds(j * 16, 16)] = jnp.zeros((16,),
                                                           jnp.float32)
            return carry
        lax.fori_loop(0, K, zrow, 0)

        if with_deg:
            def orow(r, carry):
                for j in range(D // 16):
                    rows[2, r, pl.ds(j * 16, 16)] = jnp.full(
                        (16,), 1.0, jnp.float32)
                return carry
            lax.fori_loop(0, K, orow, 0)
            _fill_acc_rows(rows.at[0])
            plsc.subcore_barrier()

            def fire(j, carry):
                pltpu.async_copy(rows.at[2],
                                 acc_sh.at[didx.at[pl.ds(j * K, K)]],
                                 sem0, add=True)
                return carry
            lax.fori_loop(0, NCHUNK, fire, 0)

            def drain(j, carry):
                pltpu.make_async_copy(
                    rows.at[2], acc_sh.at[didx.at[pl.ds(j * K, K)]],
                    sem0).wait()
                return carry
            lax.fori_loop(0, NCHUNK, drain, 0)
            plsc.subcore_barrier()
            _write_out(degout_hbm)
            plsc.subcore_barrier()

        @pl.when(jnp.logical_and(cid == 0, jnp.logical_not(last)))
        def _():
            pltpu.sync_copy(x_hbm.at[pl.ds(row0, R0)],
                            acc_sh.at[pl.ds(row0, R0)])

        @pl.when(jnp.logical_and(cid == 0, last))
        def _():
            pltpu.sync_copy(x_hbm.at[pl.ds(row0, R15)],
                            acc_sh.at[pl.ds(row0, R15)])

        @pl.when(cid != 0)
        def _():
            _fill_acc_rows(rows.at[zb])

        plsc.subcore_barrier()

        if with_deg:
            _gather(0, 0).start()
            _gather(1, 1).start()

        def loop(t, carry):
            for o in range(3):
                j = 3 * t + o
                _gather(j + 2, (o + 2) % 3).start()
                _gather(j, o).wait()
                pltpu.sync_copy(rows.at[o],
                                acc_sh.at[didx.at[pl.ds(j * K, K)]],
                                add=True)
            return carry
        lax.fori_loop(0, (NCHUNK - 2) // 3, loop, 0)
        _gather(NCHUNK - 2, 0).wait()
        pltpu.sync_copy(rows.at[0],
                        acc_sh.at[didx.at[pl.ds((NCHUNK - 2) * K, K)]],
                        add=True)
        _gather(NCHUNK - 1, 1).wait()
        pltpu.sync_copy(rows.at[1],
                        acc_sh.at[didx.at[pl.ds((NCHUNK - 1) * K, K)]],
                        add=True)
        plsc.subcore_barrier()

        _write_out(out_hbm)

    return body


_sc_agg_deg = _make_sc_agg(with_deg=True)
_sc_agg = _make_sc_agg(with_deg=False)

RB = 2000


def _tc_layer1(part, degp, W, b):
    def body(p_ref, d_ref, w_ref, b_ref, o_ref, dc_ref):
        deg = d_ref[0, :, :1] + d_ref[1, :, :1] + 1.0
        h = (p_ref[0] + p_ref[1]) / deg
        out = jnp.dot(h, w_ref[...], preferred_element_type=jnp.float32)
        o_ref[...] = jnp.maximum(out + b_ref[...], 0.0)
        dc_ref[...] = deg

    return pl.pallas_call(
        body,
        grid=(N // RB,),
        in_specs=[
            pl.BlockSpec((NC, RB, D), lambda i: (0, i, 0)),
            pl.BlockSpec((NC, RB, DEGW), lambda i: (0, i, 0)),
            pl.BlockSpec((D, D), lambda i: (0, 0)),
            pl.BlockSpec((1, D), lambda i: (0, 0)),
        ],
        out_specs=[
            pl.BlockSpec((RB, D), lambda i: (i, 0)),
            pl.BlockSpec((RB, 1), lambda i: (i, 0)),
        ],
        out_shape=[
            jax.ShapeDtypeStruct((N, D), jnp.float32),
            jax.ShapeDtypeStruct((N, 1), jnp.float32),
        ],
    )(part, degp, W, b)


def _tc_layer2(part, degc, W, b):
    def body(p_ref, dc_ref, w_ref, b_ref, o_ref):
        h = (p_ref[0] + p_ref[1]) / dc_ref[...]
        out = jnp.dot(h, w_ref[...], preferred_element_type=jnp.float32)
        o_ref[...] = out + b_ref[...]

    return pl.pallas_call(
        body,
        grid=(N // RB,),
        in_specs=[
            pl.BlockSpec((NC, RB, D), lambda i: (0, i, 0)),
            pl.BlockSpec((RB, 1), lambda i: (i, 0)),
            pl.BlockSpec((D, D), lambda i: (0, 0)),
            pl.BlockSpec((1, D), lambda i: (0, 0)),
        ],
        out_specs=pl.BlockSpec((RB, D), lambda i: (i, 0)),
        out_shape=jax.ShapeDtypeStruct((N, D), jnp.float32),
    )(part, degc, W, b)


def kernel(g, features, W1, b1, W2, b2):
    src = g[0]
    dst = g[1]
    part1, degp = _sc_agg_deg(features, src, dst)
    h1, degc = _tc_layer1(part1, degp, W1, b1.reshape(1, D))
    (part2,) = _sc_agg(h1, src, dst)
    out = _tc_layer2(part2, degc, W2, b2.reshape(1, D))
    return out

# --- scband reference (transcript-rebuilt; emitter-appended) ---
"""Pipeline reference for scband-gcn-5944234737825 (READ-ONLY COPY).

The authoritative reference and input builder live on the scoring server;
editing this copy changes nothing except your own understanding.
"""

import jax, jax.numpy as jnp
import numpy as np

N = 10000
E = 320000
D = 128


def setup_inputs(seed: int = 0) -> dict:
    key = jax.random.key(seed)
    k1, k2, k3, k4 = jax.random.split(key, 4)
    g = jax.random.randint(k1, (2, E), 0, N, dtype=jnp.int32)
    features = jax.random.normal(k2, (N, D), dtype=jnp.float32)
    W1 = jax.random.normal(k3, (D, D), dtype=jnp.float32) * 0.05
    b1 = jnp.zeros((D,), dtype=jnp.float32)
    W2 = jax.random.normal(k4, (D, D), dtype=jnp.float32) * 0.05
    b2 = jnp.zeros((D,), dtype=jnp.float32)
    return {"g": g, "features": features, "W1": W1, "b1": b1, "W2": W2, "b2": b2}


def _sage_gcn_layer(x, src, dst, W, b):
    # DGL SAGEConv with aggregator_type='gcn':
    # h_neigh = (sum_{u in N_in(v)} x_u + x_v) / (in_deg(v) + 1); out = h_neigh @ W + b
    msg = jnp.take(x, src, axis=0)                     # gather (SparseCore)
    agg = jax.ops.segment_sum(msg, dst, num_segments=N)  # scatter-add
    deg = jax.ops.segment_sum(jnp.ones((src.shape[0],), dtype=x.dtype), dst, num_segments=N)
    h = (agg + x) / (deg[:, None] + 1.0)
    return h @ W + b


def reference(g, features, W1, b1, W2, b2):
    src, dst = g[0], g[1]
    # layer 0: SAGEConv(in_feats -> n_hidden), activation=relu
    h = jax.nn.relu(_sage_gcn_layer(features, src, dst, W1, b1))
    # dropout(p=0.0) is identity
    # layer 1: SAGEConv(n_hidden -> output_dim), activation=None
    h = _sage_gcn_layer(h, src, dst, W2, b2)
    return h

if __name__ == "__main__":
    import jax
    _d = setup_inputs()
    print(jax.jit(kernel)(*tuple(_d.values())))

</pallas_src>

<mosaic_0001>
#map = affine_map<(d0, d1) -> (0, 0)>
#map1 = affine_map<(d0, d1) -> (0)>
#map2 = affine_map<(d0, d1) -> (0, 0, 0)>
module attributes {stable_mosaic.version = 14 : i64} {
  func.func @body(%arg0: i32, %arg1: i32, %arg2: memref<10000x128xf32, #tpu.memory_space<hbm>>, %arg3: memref<320000xi32, #tpu.memory_space<hbm>>, %arg4: memref<320000xi32, #tpu.memory_space<hbm>>, %arg5: memref<2x10000x128xf32, #tpu.memory_space<hbm>>, %arg6: memref<2x10000x128xf32, #tpu.memory_space<hbm>>, %arg7: memref<10000x128xf32, #tpu.memory_space<vmem_shared>>, %arg8: memref<10000xi32, #tpu.memory_space<vmem>>, %arg9: memref<10000xi32, #tpu.memory_space<vmem>>, %arg10: memref<3x80x128xf32, #tpu.memory_space<vmem>>, %arg11: memref<!tpu.dma_semaphore, #tpu.memory_space<semaphore_mem>>, %arg12: memref<!tpu.dma_semaphore, #tpu.memory_space<semaphore_mem>>, %arg13: memref<!tpu.dma_semaphore, #tpu.memory_space<semaphore_mem>>) attributes {dimension_semantics = [#tpu.dimension_semantics<core_parallel>, #tpu.dimension_semantics<subcore_parallel>], iteration_bounds = array<i64: 2, 16>, scalar_prefetch = 0 : i64, scratch_operands = 7 : i64, tpu.core_type = #tpu.core_type<sc_vector_subcore>, window_params = [{transform_indices = #map}, {transform_indices = #map1}, {transform_indices = #map1}, {transform_indices = #map2}, {transform_indices = #map2}]} {
    %mul3A = arith.constant 16 : i32
    %mul3A_0 = arith.muli %arg0, %mul3A : i32
    %add3A = arith.addi %mul3A_0, %arg1 : i32
    %mul3A_1 = arith.constant 624 : i32
    %mul3A_2 = arith.muli %arg1, %mul3A_1 : i32
    %eq3A = arith.constant 15 : i32
    %eq3A_3 = arith.cmpi eq, %arg1, %eq3A : i32
    %mul3A_4 = arith.constant 10000 : i32
    %mul3A_5 = arith.muli %add3A, %mul3A_4 : i32
    "tpu.region"() ({
      %run_scoped3A_120 = tpu.sem_alloc : memref<!tpu.dma_semaphore, #tpu.memory_space<semaphore_mem>>
      %dma_start3A_121 = tpu.memref_slice %arg3[%mul3A_5] : memref<320000xi32, #tpu.memory_space<hbm>> -> memref<10000xi32, #tpu.memory_space<hbm>>
      %dma_start3A_122 = tpu.memref_slice %arg3[%mul3A_5] : memref<320000xi32, #tpu.memory_space<hbm>> -> memref<10000xi32, #tpu.memory_space<hbm>>
      tpu.enqueue_dma source(%dma_start3A_122 : memref<10000xi32, #tpu.memory_space<hbm>>) target(%arg8 : memref<10000xi32, #tpu.memory_space<vmem>>) target_semaphore(%run_scoped3A_120 : memref<!tpu.dma_semaphore, #tpu.memory_space<semaphore_mem>>)
      %dma_wait3A_123 = tpu.memref_slice %arg3[%mul3A_5] : memref<320000xi32, #tpu.memory_space<hbm>> -> memref<10000xi32, #tpu.memory_space<hbm>>
      %dma_wait3A_124 = tpu.memref_slice %arg3[%mul3A_5] : memref<320000xi32, #tpu.memory_space<hbm>> -> memref<10000xi32, #tpu.memory_space<hbm>>
      tpu.wait_dma2 semaphore(%run_scoped3A_120 : memref<!tpu.dma_semaphore, #tpu.memory_space<semaphore_mem>>) src(%dma_wait3A_124 : memref<10000xi32, #tpu.memory_space<hbm>>) dst(%arg8 : memref<10000xi32, #tpu.memory_space<vmem>>)
      tpu.yield
    }) : () -> ()
    %mul3A_6 = arith.constant 10000 : i32
    %mul3A_7 = arith.muli %add3A, %mul3A_6 : i32
    "tpu.region"() ({
      %run_scoped3A_120 = tpu.sem_alloc : memref<!tpu.dma_semaphore, #tpu.memory_space<semaphore_mem>>
      %dma_start3A_121 = tpu.memref_slice %arg4[%mul3A_7] : memref<320000xi32, #tpu.memory_space<hbm>> -> memref<10000xi32, #tpu.memory_space<hbm>>
      %dma_start3A_122 = tpu.memref_slice %arg4[%mul3A_7] : memref<320000xi32, #tpu.memory_space<hbm>> -> memref<10000xi32, #tpu.memory_space<hbm>>
      tpu.enqueue_dma source(%dma_start3A_122 : memref<10000xi32, #tpu.memory_space<hbm>>) target(%arg9 : memref<10000xi32, #tpu.memory_space<vmem>>) target_semaphore(%run_scoped3A_120 : memref<!tpu.dma_semaphore, #tpu.memory_space<semaphore_mem>>)
      %dma_wait3A_123 = tpu.memref_slice %arg4[%mul3A_7] : memref<320000xi32, #tpu.memory_space<hbm>> -> memref<10000xi32, #tpu.memory_space<hbm>>
      %dma_wait3A_124 = tpu.memref_slice %arg4[%mul3A_7] : memref<320000xi32, #tpu.memory_space<hbm>> -> memref<10000xi32, #tpu.memory_space<hbm>>
      tpu.wait_dma2 semaphore(%run_scoped3A_120 : memref<!tpu.dma_semaphore, #tpu.memory_space<semaphore_mem>>) src(%dma_wait3A_124 : memref<10000xi32, #tpu.memory_space<hbm>>) dst(%arg9 : memref<10000xi32, #tpu.memory_space<vmem>>)
      tpu.yield
    }) : () -> ()
    %scan3A = arith.constant 0 : i32
    %scan3A_8 = arith.constant 0 : i32
    %scan3A_9 = arith.constant 80 : i32
    %scan3A_10 = arith.addi %scan3A_8, %scan3A_9 : i32
    %scan3A_11 = arith.constant 1 : i32
    scf.for %scan3A_120 = %scan3A_8 to %scan3A_10 step %scan3A_11  : i32 {
      %broadcast_in_dim3A = arith.constant 0.000000e+00 : f32
      %broadcast_in_dim3A_121 = vector.broadcast %broadcast_in_dim3A : f32 to vector<16xf32>
      %swap3A = arith.constant 0 : i32
      %swap3A_122 = arith.index_cast %swap3A : i32 to index
      %swap3A_123 = arith.index_cast %scan3A_120 : i32 to index
      %swap3A_124 = arith.constant 0 : index
      %swap3A_125 = tpu.vector_load %arg10[%swap3A_122, %swap3A_123, %swap3A_124] {strides = array<i32>} : memref<3x80x128xf32, #tpu.memory_space<vmem>>, vector<1x1x16xf32>,
      %swap3A_126 = vector.shape_cast %swap3A_125 : vector<1x1x16xf32> to vector<16xf32>
      %swap3A_127 = vector.shape_cast %broadcast_in_dim3A_121 : vector<16xf32> to vector<1x1x16xf32>
      tpu.vector_store %arg10[%swap3A_122, %swap3A_123, %swap3A_124], %swap3A_127 {strides = array<i32>} : memref<3x80x128xf32, #tpu.memory_space<vmem>>, vector<1x1x16xf32>,
      %broadcast_in_dim3A_128 = arith.constant 0.000000e+00 : f32
      %broadcast_in_dim3A_129 = vector.broadcast %broadcast_in_dim3A_128 : f32 to vector<16xf32>
      %swap3A_130 = arith.constant 0 : i32
      %swap3A_131 = arith.index_cast %swap3A_130 : i32 to index
      %swap3A_132 = arith.index_cast %scan3A_120 : i32 to index
      %swap3A_133 = arith.constant 16 : index
      %swap3A_134 = tpu.vector_load %arg10[%swap3A_131, %swap3A_132, %swap3A_133] {strides = array<i32>} : memref<3x80x128xf32, #tpu.memory_space<vmem>>, vector<1x1x16xf32>,
      %swap3A_135 = vector.shape_cast %swap3A_134 : vector<1x1x16xf32> to vector<16xf32>
      %swap3A_136 = vector.shape_cast %broadcast_in_dim3A_129 : vector<16xf32> to vector<1x1x16xf32>
      tpu.vector_store %arg10[%swap3A_131, %swap3A_132, %swap3A_133], %swap3A_136 {strides = array<i32>} : memref<3x80x128xf32, #tpu.memory_space<vmem>>, vector<1x1x16xf32>,
      %broadcast_in_dim3A_137 = arith.constant 0.000000e+00 : f32
      %broadcast_in_dim3A_138 = vector.broadcast %broadcast_in_dim3A_137 : f32 to vector<16xf32>
      %swap3A_139 = arith.constant 0 : i32
      %swap3A_140 = arith.index_cast %swap3A_139 : i32 to index
      %swap3A_141 = arith.index_cast %scan3A_120 : i32 to index
      %swap3A_142 = arith.constant 32 : index
      %swap3A_143 = tpu.vector_load %arg10[%swap3A_140, %swap3A_141, %swap3A_142] {strides = array<i32>} : memref<3x80x128xf32, #tpu.memory_space<vmem>>, vector<1x1x16xf32>,
      %swap3A_144 = vector.shape_cast %swap3A_143 : vector<1x1x16xf32> to vector<16xf32>
      %swap3A_145 = vector.shape_cast %broadcast_in_dim3A_138 : vector<16xf32> to vector<1x1x16xf32>
      tpu.vector_store %arg10[%swap3A_140, %swap3A_141, %swap3A_142], %swap3A_145 {strides = array<i32>} : memref<3x80x128xf32, #tpu.memory_space<vmem>>, vector<1x1x16xf32>,
      %broadcast_in_dim3A_146 = arith.constant 0.000000e+00 : f32
      %broadcast_in_dim3A_147 = vector.broadcast %broadcast_in_dim3A_146 : f32 to vector<16xf32>
      %swap3A_148 = arith.constant 0 : i32
      %swap3A_149 = arith.index_cast %swap3A_148 : i32 to index
      %swap3A_150 = arith.index_cast %scan3A_120 : i32 to index
      %swap3A_151 = arith.constant 48 : index
      %swap3A_152 = tpu.vector_load %arg10[%swap3A_149, %swap3A_150, %swap3A_151] {strides = array<i32>} : memref<3x80x128xf32, #tpu.memory_space<vmem>>, vector<1x1x16xf32>,
      %swap3A_153 = vector.shape_cast %swap3A_152 : vector<1x1x16xf32> to vector<16xf32>
      %swap3A_154 = vector.shape_cast %broadcast_in_dim3A_147 : vector<16xf32> to vector<1x1x16xf32>
      tpu.vector_store %arg10[%swap3A_149, %swap3A_150, %swap3A_151], %swap3A_154 {strides = array<i32>} : memref<3x80x128xf32, #tpu.memory_space<vmem>>, vector<1x1x16xf32>,
      %broadcast_in_dim3A_155 = arith.constant 0.000000e+00 : f32
      %broadcast_in_dim3A_156 = vector.broadcast %broadcast_in_dim3A_155 : f32 to vector<16xf32>
      %swap3A_157 = arith.constant 0 : i32
      %swap3A_158 = arith.index_cast %swap3A_157 : i32 to index
      %swap3A_159 = arith.index_cast %scan3A_120 : i32 to index
      %swap3A_160 = arith.constant 64 : index
      %swap3A_161 = tpu.vector_load %arg10[%swap3A_158, %swap3A_159, %swap3A_160] {strides = array<i32>} : memref<3x80x128xf32, #tpu.memory_space<vmem>>, vector<1x1x16xf32>,
      %swap3A_162 = vector.shape_cast %swap3A_161 : vector<1x1x16xf32> to vector<16xf32>
      %swap3A_163 = vector.shape_cast %broadcast_in_dim3A_156 : vector<16xf32> to vector<1x1x16xf32>
      tpu.vector_store %arg10[%swap3A_158, %swap3A_159, %swap3A_160], %swap3A_163 {strides = array<i32>} : memref<3x80x128xf32, #tpu.memory_space<vmem>>, vector<1x1x16xf32>,
      %broadcast_in_dim3A_164 = arith.constant 0.000000e+00 : f32
      %broadcast_in_dim3A_165 = vector.broadcast %broadcast_in_dim3A_164 : f32 to vector<16xf32>
      %swap3A_166 = arith.constant 0 : i32
      %swap3A_167 = arith.index_cast %swap3A_166 : i32 to index
      %swap3A_168 = arith.index_cast %scan3A_120 : i32 to index
      %swap3A_169 = arith.constant 80 : index
      %swap3A_170 = tpu.vector_load %arg10[%swap3A_167, %swap3A_168, %swap3A_169] {strides = array<i32>} : memref<3x80x128xf32, #tpu.memory_space<vmem>>, vector<1x1x16xf32>,
      %swap3A_171 = vector.shape_cast %swap3A_170 : vector<1x1x16xf32> to vector<16xf32>
      %swap3A_172 = vector.shape_cast %broadcast_in_dim3A_165 : vector<16xf32> to vector<1x1x16xf32>
      tpu.vector_store %arg10[%swap3A_167, %swap3A_168, %swap3A_169], %swap3A_172 {strides = array<i32>} : memref<3x80x128xf32, #tpu.memory_space<vmem>>, vector<1x1x16xf32>,
      %broadcast_in_dim3A_173 = arith.constant 0.000000e+00 : f32
      %broadcast_in_dim3A_174 = vector.broadcast %broadcast_in_dim3A_173 : f32 to vector<16xf32>
      %swap3A_175 = arith.constant 0 : i32
      %swap3A_176 = arith.index_cast %swap3A_175 : i32 to index
      %swap3A_177 = arith.index_cast %scan3A_120 : i32 to index
      %swap3A_178 = arith.constant 96 : index
      %swap3A_179 = tpu.vector_load %arg10[%swap3A_176, %swap3A_177, %swap3A_178] {strides = array<i32>} : memref<3x80x128xf32, #tpu.memory_space<vmem>>, vector<1x1x16xf32>,
      %swap3A_180 = vector.shape_cast %swap3A_179 : vector<1x1x16xf32> to vector<16xf32>
      %swap3A_181 = vector.shape_cast %broadcast_in_dim3A_174 : vector<16xf32> to vector<1x1x16xf32>
      tpu.vector_store %arg10[%swap3A_176, %swap3A_177, %swap3A_178], %swap3A_181 {strides = array<i32>} : memref<3x80x128xf32, #tpu.memory_space<vmem>>, vector<1x1x16xf32>,
      %broadcast_in_dim3A_182 = arith.constant 0.000000e+00 : f32
      %broadcast_in_dim3A_183 = vector.broadcast %broadcast_in_dim3A_182 : f32 to vector<16xf32>
      %swap3A_184 = arith.constant 0 : i32
      %swap3A_185 = arith.index_cast %swap3A_184 : i32 to index
      %swap3A_186 = arith.index_cast %scan3A_120 : i32 to index
      %swap3A_187 = arith.constant 112 : index
      %swap3A_188 = tpu.vector_load %arg10[%swap3A_185, %swap3A_186, %swap3A_187] {strides = array<i32>} : memref<3x80x128xf32, #tpu.memory_space<vmem>>, vector<1x1x16xf32>,
      %swap3A_189 = vector.shape_cast %swap3A_188 : vector<1x1x16xf32> to vector<16xf32>
      %swap3A_190 = vector.shape_cast %broadcast_in_dim3A_183 : vector<16xf32> to vector<1x1x16xf32>
      tpu.vector_store %arg10[%swap3A_185, %swap3A_186, %swap3A_187], %swap3A_190 {strides = array<i32>} : memref<3x80x128xf32, #tpu.memory_space<vmem>>, vector<1x1x16xf32>,
    }
    %scan3A_12 = arith.constant 80 : i32
    %scan3A_13 = arith.constant 0 : i32
    %scan3A_14 = arith.constant 0 : i32
    %scan3A_15 = arith.constant 80 : i32
    %scan3A_16 = arith.addi %scan3A_14, %scan3A_15 : i32
    %scan3A_17 = arith.constant 1 : i32
    scf.for %scan3A_120 = %scan3A_14 to %scan3A_16 step %scan3A_17  : i32 {
      %broadcast_in_dim3A = arith.constant 1.000000e+00 : f32
      %broadcast_in_dim3A_121 = vector.broadcast %broadcast_in_dim3A : f32 to vector<16xf32>
      %swap3A = arith.constant 2 : i32
      %swap3A_122 = arith.index_cast %swap3A : i32 to index
      %swap3A_123 = arith.index_cast %scan3A_120 : i32 to index
      %swap3A_124 = arith.constant 0 : index
      %swap3A_125 = tpu.vector_load %arg10[%swap3A_122, %swap3A_123, %swap3A_124] {strides = array<i32>} : memref<3x80x128xf32, #tpu.memory_space<vmem>>, vector<1x1x16xf32>,
      %swap3A_126 = vector.shape_cast %swap3A_125 : vector<1x1x16xf32> to vector<16xf32>
      %swap3A_127 = vector.shape_cast %broadcast_in_dim3A_121 : vector<16xf32> to vector<1x1x16xf32>
      tpu.vector_store %arg10[%swap3A_122, %swap3A_123, %swap3A_124], %swap3A_127 {strides = array<i32>} : memref<3x80x128xf32, #tpu.memory_space<vmem>>, vector<1x1x16xf32>,
      %broadcast_in_dim3A_128 = arith.constant 1.000000e+00 : f32
      %broadcast_in_dim3A_129 = vector.broadcast %broadcast_in_dim3A_128 : f32 to vector<16xf32>
      %swap3A_130 = arith.constant 2 : i32
      %swap3A_131 = arith.index_cast %swap3A_130 : i32 to index
      %swap3A_132 = arith.index_cast %scan3A_120 : i32 to index
      %swap3A_133 = arith.constant 16 : index
      %swap3A_134 = tpu.vector_load %arg10[%swap3A_131, %swap3A_132, %swap3A_133] {strides = array<i32>} : memref<3x80x128xf32, #tpu.memory_space<vmem>>, vector<1x1x16xf32>,
      %swap3A_135 = vector.shape_cast %swap3A_134 : vector<1x1x16xf32> to vector<16xf32>
      %swap3A_136 = vector.shape_cast %broadcast_in_dim3A_129 : vector<16xf32> to vector<1x1x16xf32>
      tpu.vector_store %arg10[%swap3A_131, %swap3A_132, %swap3A_133], %swap3A_136 {strides = array<i32>} : memref<3x80x128xf32, #tpu.memory_space<vmem>>, vector<1x1x16xf32>,
      %broadcast_in_dim3A_137 = arith.constant 1.000000e+00 : f32
      %broadcast_in_dim3A_138 = vector.broadcast %broadcast_in_dim3A_137 : f32 to vector<16xf32>
      %swap3A_139 = arith.constant 2 : i32
      %swap3A_140 = arith.index_cast %swap3A_139 : i32 to index
      %swap3A_141 = arith.index_cast %scan3A_120 : i32 to index
      %swap3A_142 = arith.constant 32 : index
      %swap3A_143 = tpu.vector_load %arg10[%swap3A_140, %swap3A_141, %swap3A_142] {strides = array<i32>} : memref<3x80x128xf32, #tpu.memory_space<vmem>>, vector<1x1x16xf32>,
      %swap3A_144 = vector.shape_cast %swap3A_143 : vector<1x1x16xf32> to vector<16xf32>
      %swap3A_145 = vector.shape_cast %broadcast_in_dim3A_138 : vector<16xf32> to vector<1x1x16xf32>
      tpu.vector_store %arg10[%swap3A_140, %swap3A_141, %swap3A_142], %swap3A_145 {strides = array<i32>} : memref<3x80x128xf32, #tpu.memory_space<vmem>>, vector<1x1x16xf32>,
      %broadcast_in_dim3A_146 = arith.constant 1.000000e+00 : f32
      %broadcast_in_dim3A_147 = vector.broadcast %broadcast_in_dim3A_146 : f32 to vector<16xf32>
      %swap3A_148 = arith.constant 2 : i32
      %swap3A_149 = arith.index_cast %swap3A_148 : i32 to index
      %swap3A_150 = arith.index_cast %scan3A_120 : i32 to index
      %swap3A_151 = arith.constant 48 : index
      %swap3A_152 = tpu.vector_load %arg10[%swap3A_149, %swap3A_150, %swap3A_151] {strides = array<i32>} : memref<3x80x128xf32, #tpu.memory_space<vmem>>, vector<1x1x16xf32>,
      %swap3A_153 = vector.shape_cast %swap3A_152 : vector<1x1x16xf32> to vector<16xf32>
      %swap3A_154 = vector.shape_cast %broadcast_in_dim3A_147 : vector<16xf32> to vector<1x1x16xf32>
      tpu.vector_store %arg10[%swap3A_149, %swap3A_150, %swap3A_151], %swap3A_154 {strides = array<i32>} : memref<3x80x128xf32, #tpu.memory_space<vmem>>, vector<1x1x16xf32>,
      %broadcast_in_dim3A_155 = arith.constant 1.000000e+00 : f32
      %broadcast_in_dim3A_156 = vector.broadcast %broadcast_in_dim3A_155 : f32 to vector<16xf32>
      %swap3A_157 = arith.constant 2 : i32
      %swap3A_158 = arith.index_cast %swap3A_157 : i32 to index
      %swap3A_159 = arith.index_cast %scan3A_120 : i32 to index
      %swap3A_160 = arith.constant 64 : index
      %swap3A_161 = tpu.vector_load %arg10[%swap3A_158, %swap3A_159, %swap3A_160] {strides = array<i32>} : memref<3x80x128xf32, #tpu.memory_space<vmem>>, vector<1x1x16xf32>,
      %swap3A_162 = vector.shape_cast %swap3A_161 : vector<1x1x16xf32> to vector<16xf32>
      %swap3A_163 = vector.shape_cast %broadcast_in_dim3A_156 : vector<16xf32> to vector<1x1x16xf32>
      tpu.vector_store %arg10[%swap3A_158, %swap3A_159, %swap3A_160], %swap3A_163 {strides = array<i32>} : memref<3x80x128xf32, #tpu.memory_space<vmem>>, vector<1x1x16xf32>,
      %broadcast_in_dim3A_164 = arith.constant 1.000000e+00 : f32
      %broadcast_in_dim3A_165 = vector.broadcast %broadcast_in_dim3A_164 : f32 to vector<16xf32>
      %swap3A_166 = arith.constant 2 : i32
      %swap3A_167 = arith.index_cast %swap3A_166 : i32 to index
      %swap3A_168 = arith.index_cast %scan3A_120 : i32 to index
      %swap3A_169 = arith.constant 80 : index
      %swap3A_170 = tpu.vector_load %arg10[%swap3A_167, %swap3A_168, %swap3A_169] {strides = array<i32>} : memref<3x80x128xf32, #tpu.memory_space<vmem>>, vector<1x1x16xf32>,
      %swap3A_171 = vector.shape_cast %swap3A_170 : vector<1x1x16xf32> to vector<16xf32>
      %swap3A_172 = vector.shape_cast %broadcast_in_dim3A_165 : vector<16xf32> to vector<1x1x16xf32>
      tpu.vector_store %arg10[%swap3A_167, %swap3A_168, %swap3A_169], %swap3A_172 {strides = array<i32>} : memref<3x80x128xf32, #tpu.memory_space<vmem>>, vector<1x1x16xf32>,
      %broadcast_in_dim3A_173 = arith.constant 1.000000e+00 : f32
      %broadcast_in_dim3A_174 = vector.broadcast %broadcast_in_dim3A_173 : f32 to vector<16xf32>
      %swap3A_175 = arith.constant 2 : i32
      %swap3A_176 = arith.index_cast %swap3A_175 : i32 to index
      %swap3A_177 = arith.index_cast %scan3A_120 : i32 to index
      %swap3A_178 = arith.constant 96 : index
      %swap3A_179 = tpu.vector_load %arg10[%swap3A_176, %swap3A_177, %swap3A_178] {strides = array<i32>} : memref<3x80x128xf32, #tpu.memory_space<vmem>>, vector<1x1x16xf32>,
      %swap3A_180 = vector.shape_cast %swap3A_179 : vector<1x1x16xf32> to vector<16xf32>
      %swap3A_181 = vector.shape_cast %broadcast_in_dim3A_174 : vector<16xf32> to vector<1x1x16xf32>
      tpu.vector_store %arg10[%swap3A_176, %swap3A_177, %swap3A_178], %swap3A_181 {strides = array<i32>} : memref<3x80x128xf32, #tpu.memory_space<vmem>>, vector<1x1x16xf32>,
      %broadcast_in_dim3A_182 = arith.constant 1.000000e+00 : f32
      %broadcast_in_dim3A_183 = vector.broadcast %broadcast_in_dim3A_182 : f32 to vector<16xf32>
      %swap3A_184 = arith.constant 2 : i32
      %swap3A_185 = arith.index_cast %swap3A_184 : i32 to index
      %swap3A_186 = arith.index_cast %scan3A_120 : i32 to index
      %swap3A_187 = arith.constant 112 : index
      %swap3A_188 = tpu.vector_load %arg10[%swap3A_185, %swap3A_186, %swap3A_187] {strides = array<i32>} : memref<3x80x128xf32, #tpu.memory_space<vmem>>, vector<1x1x16xf32>,
      %swap3A_189 = vector.shape_cast %swap3A_188 : vector<1x1x16xf32> to vector<16xf32>
      %swap3A_190 = vector.shape_cast %broadcast_in_dim3A_183 : vector<16xf32> to vector<1x1x16xf32>
      tpu.vector_store %arg10[%swap3A_185, %swap3A_186, %swap3A_187], %swap3A_190 {strides = array<i32>} : memref<3x80x128xf32, #tpu.memory_space<vmem>>, vector<1x1x16xf32>,
    }
    %scan3A_18 = arith.constant 80 : i32
    %not3A = arith.constant true
    %not3A_19 = arith.xori %eq3A_3, %not3A : i1
    %convert_element_type3A = arith.extui %not3A_19 : i1 to i32
    %cond3A = arith.constant 0 : i32
    %cond3A_20 = arith.constant 0 : i32
    %cond3A_21 = arith.cmpi ne, %convert_element_type3A, %cond3A_20 : i32
    scf.if %cond3A_21 {
      %add3A_120 = arith.constant 0 : i32
      %add3A_121 = arith.addi %mul3A_2, %add3A_120 : i32
      "tpu.region"() ({
        %run_scoped3A_136 = tpu.sem_alloc : memref<!tpu.dma_semaphore, #tpu.memory_space<semaphore_mem>>
        %dma_start3A_137 = arith.constant 0 : i32
        %dma_start3A_138 = arith.constant 0 : i32
        %dma_start3A_139 = tpu.memref_slice %arg10[%cond3A, %dma_start3A_137, %dma_start3A_138] : memref<3x80x128xf32, #tpu.memory_space<vmem>> -> memref<1x80x128xf32, #tpu.memory_space<vmem>>
        %dma_start3A_140 = tpu.memref_squeeze %dma_start3A_139 : memref<1x80x128xf32, #tpu.memory_space<vmem>> -> memref<80x128xf32, #tpu.memory_space<vmem>>
        %dma_start3A_141 = arith.constant 0 : i32
        %dma_start3A_142 = tpu.memref_slice %arg7[%add3A_121, %dma_start3A_141] : memref<10000x128xf32, #tpu.memory_space<vmem_shared>> -> memref<80x128xf32, #tpu.memory_space<vmem_shared>>
        %dma_start3A_143 = arith.constant 0 : i32
        %dma_start3A_144 = tpu.memref_slice %arg7[%add3A_121, %dma_start3A_143] : memref<10000x128xf32, #tpu.memory_space<vmem_shared>> -> memref<80x128xf32, #tpu.memory_space<vmem_shared>>
        %dma_start3A_145 = arith.constant 0 : i32
        %dma_start3A_146 = arith.constant 0 : i32
        %dma_start3A_147 = tpu.memref_slice %arg10[%cond3A, %dma_start3A_145, %dma_start3A_146] : memref<3x80x128xf32, #tpu.memory_space<vmem>> -> memref<1x80x128xf32, #tpu.memory_space<vmem>>
        %dma_start3A_148 = tpu.memref_squeeze %dma_start3A_147 : memref<1x80x128xf32, #tpu.memory_space<vmem>> -> memref<80x128xf32, #tpu.memory_space<vmem>>
        tpu.enqueue_dma source(%dma_start3A_148 : memref<80x128xf32, #tpu.memory_space<vmem>>) target(%dma_start3A_144 : memref<80x128xf32, #tpu.memory_space<vmem_shared>>) target_semaphore(%run_scoped3A_136 : memref<!tpu.dma_semaphore, #tpu.memory_space<semaphore_mem>>)
        %dma_wait3A_149 = arith.constant 0 : i32
        %dma_wait3A_150 = arith.constant 0 : i32
        %dma_wait3A_151 = tpu.memref_slice %arg10[%cond3A, %dma_wait3A_149, %dma_wait3A_150] : memref<3x80x128xf32, #tpu.memory_space<vmem>> -> memref<1x80x128xf32, #tpu.memory_space<vmem>>
        %dma_wait3A_152 = tpu.memref_squeeze %dma_wait3A_151 : memref<1x80x128xf32, #tpu.memory_space<vmem>> -> memref<80x128xf32, #tpu.memory_space<vmem>>
        %dma_wait3A_153 = arith.constant 0 : i32
        %dma_wait3A_154 = tpu.memref_slice %arg7[%add3A_121, %dma_wait3A_153] : memref<10000x128xf32, #tpu.memory_space<vmem_shared>> -> memref<80x128xf32, #tpu.memory_space<vmem_shared>>
        %dma_wait3A_155 = arith.constant 0 : i32
        %dma_wait3A_156 = tpu.memref_slice %arg7[%add3A_121, %dma_wait3A_155] : memref<10000x128xf32, #tpu.memory_space<vmem_shared>> -> memref<80x128xf32, #tpu.memory_space<vmem_shared>>
        %dma_wait3A_157 = arith.constant 0 : i32
        %dma_wait3A_158 = arith.constant 0 : i32
        %dma_wait3A_159 = tpu.memref_slice %arg10[%cond3A, %dma_wait3A_157, %dma_wait3A_158] : memref<3x80x128xf32, #tpu.memory_space<vmem>> -> memref<1x80x128xf32, #tpu.memory_space<vmem>>
        %dma_wait3A_160 = tpu.memref_squeeze %dma_wait3A_159 : memref<1x80x128xf32, #tpu.memory_space<vmem>> -> memref<80x128xf32, #tpu.memory_space<vmem>>
        tpu.wait_dma2 semaphore(%run_scoped3A_136 : memref<!tpu.dma_semaphore, #tpu.memory_space<semaphore_mem>>) src(%dma_wait3A_160 : memref<80x128xf32, #tpu.memory_space<vmem>>) dst(%dma_wait3A_156 : memref<80x128xf32, #tpu.memory_space<vmem_shared>>)
        tpu.yield
      }) : () -> ()
      %add3A_122 = arith.constant 80 : i32
      %add3A_123 = arith.addi %mul3A_2, %add3A_122 : i32
      "tpu.region"() ({
        %run_scoped3A_136 = tpu.sem_alloc : memref<!tpu.dma_semaphore, #tpu.memory_space<semaphore_mem>>
        %dma_start3A_137 = arith.constant 0 : i32
        %dma_start3A_138 = arith.constant 0 : i32
        %dma_start3A_139 = tpu.memref_slice %arg10[%cond3A, %dma_start3A_137, %dma_start3A_138] : memref<3x80x128xf32, #tpu.memory_space<vmem>> -> memref<1x80x128xf32, #tpu.memory_space<vmem>>
        %dma_start3A_140 = tpu.memref_squeeze %dma_start3A_139 : memref<1x80x128xf32, #tpu.memory_space<vmem>> -> memref<80x128xf32, #tpu.memory_space<vmem>>
        %dma_start3A_141 = arith.constant 0 : i32
        %dma_start3A_142 = tpu.memref_slice %arg7[%add3A_123, %dma_start3A_141] : memref<10000x128xf32, #tpu.memory_space<vmem_shared>> -> memref<80x128xf32, #tpu.memory_space<vmem_shared>>
        %dma_start3A_143 = arith.constant 0 : i32
        %dma_start3A_144 = tpu.memref_slice %arg7[%add3A_123, %dma_start3A_143] : memref<10000x128xf32, #tpu.memory_space<vmem_shared>> -> memref<80x128xf32, #tpu.memory_space<vmem_shared>>
        %dma_start3A_145 = arith.constant 0 : i32
        %dma_start3A_146 = arith.constant 0 : i32
        %dma_start3A_147 = tpu.memref_slice %arg10[%cond3A, %dma_start3A_145, %dma_start3A_146] : memref<3x80x128xf32, #tpu.memory_space<vmem>> -> memref<1x80x128xf32, #tpu.memory_space<vmem>>
        %dma_start3A_148 = tpu.memref_squeeze %dma_start3A_147 : memref<1x80x128xf32, #tpu.memory_space<vmem>> -> memref<80x128xf32, #tpu.memory_space<vmem>>
        tpu.enqueue_dma source(%dma_start3A_148 : memref<80x128xf32, #tpu.memory_space<vmem>>) target(%dma_start3A_144 : memref<80x128xf32, #tpu.memory_space<vmem_shared>>) target_semaphore(%run_scoped3A_136 : memref<!tpu.dma_semaphore, #tpu.memory_space<semaphore_mem>>)
        %dma_wait3A_149 = arith.constant 0 : i32
        %dma_wait3A_150 = arith.constant 0 : i32
        %dma_wait3A_151 = tpu.memref_slice %arg10[%cond3A, %dma_wait3A_149, %dma_wait3A_150] : memref<3x80x128xf32, #tpu.memory_space<vmem>> -> memref<1x80x128xf32, #tpu.memory_space<vmem>>
        %dma_wait3A_152 = tpu.memref_squeeze %dma_wait3A_151 : memref<1x80x128xf32, #tpu.memory_space<vmem>> -> memref<80x128xf32, #tpu.memory_space<vmem>>
        %dma_wait3A_153 = arith.constant 0 : i32
        %dma_wait3A_154 = tpu.memref_slice %arg7[%add3A_123, %dma_wait3A_153] : memref<10000x128xf32, #tpu.memory_space<vmem_shared>> -> memref<80x128xf32, #tpu.memory_space<vmem_shared>>
        %dma_wait3A_155 = arith.constant 0 : i32
        %dma_wait3A_156 = tpu.memref_slice %arg7[%add3A_123, %dma_wait3A_155] : memref<10000x128xf32, #tpu.memory_space<vmem_shared>> -> memref<80x128xf32, #tpu.memory_space<vmem_shared>>
        %dma_wait3A_157 = arith.constant 0 : i32
        %dma_wait3A_158 = arith.constant 0 : i32
        %dma_wait3A_159 = tpu.memref_slice %arg10[%cond3A, %dma_wait3A_157, %dma_wait3A_158] : memref<3x80x128xf32, #tpu.memory_space<vmem>> -> memref<1x80x128xf32, #tpu.memory_space<vmem>>
        %dma_wait3A_160 = tpu.memref_squeeze %dma_wait3A_159 : memref<1x80x128xf32, #tpu.memory_space<vmem>> -> memref<80x128xf32, #tpu.memory_space<vmem>>
        tpu.wait_dma2 semaphore(%run_scoped3A_136 : memref<!tpu.dma_semaphore, #tpu.memory_space<semaphore_mem>>) src(%dma_wait3A_160 : memref<80x128xf32, #tpu.memory_space<vmem>>) dst(%dma_wait3A_156 : memref<80x128xf32, #tpu.memory_space<vmem_shared>>)
        tpu.yield
      }) : () -> ()
      %add3A_124 = arith.constant 160 : i32
      %add3A_125 = arith.addi %mul3A_2, %add3A_124 : i32
      "tpu.region"() ({
        %run_scoped3A_136 = tpu.sem_alloc : memref<!tpu.dma_semaphore, #tpu.memory_space<semaphore_mem>>
        %dma_start3A_137 = arith.constant 0 : i32
        %dma_start3A_138 = arith.constant 0 : i32
        %dma_start3A_139 = tpu.memref_slice %arg10[%cond3A, %dma_start3A_137, %dma_start3A_138] : memref<3x80x128xf32, #tpu.memory_space<vmem>> -> memref<1x80x128xf32, #tpu.memory_space<vmem>>
        %dma_start3A_140 = tpu.memref_squeeze %dma_start3A_139 : memref<1x80x128xf32, #tpu.memory_space<vmem>> -> memref<80x128xf32, #tpu.memory_space<vmem>>
        %dma_start3A_141 = arith.constant 0 : i32
        %dma_start3A_142 = tpu.memref_slice %arg7[%add3A_125, %dma_start3A_141] : memref<10000x128xf32, #tpu.memory_space<vmem_shared>> -> memref<80x128xf32, #tpu.memory_space<vmem_shared>>
        %dma_start3A_143 = arith.constant 0 : i32
        %dma_start3A_144 = tpu.memref_slice %arg7[%add3A_125, %dma_start3A_143] : memref<10000x128xf32, #tpu.memory_space<vmem_shared>> -> memref<80x128xf32, #tpu.memory_space<vmem_shared>>
        %dma_start3A_145 = arith.constant 0 : i32
        %dma_start3A_146 = arith.constant 0 : i32
        %dma_start3A_147 = tpu.memref_slice %arg10[%cond3A, %dma_start3A_145, %dma_start3A_146] : memref<3x80x128xf32, #tpu.memory_space<vmem>> -> memref<1x80x128xf32, #tpu.memory_space<vmem>>
        %dma_start3A_148 = tpu.memref_squeeze %dma_start3A_147 : memref<1x80x128xf32, #tpu.memory_space<vmem>> -> memref<80x128xf32, #tpu.memory_space<vmem>>
        tpu.enqueue_dma source(%dma_start3A_148 : memref<80x128xf32, #tpu.memory_space<vmem>>) target(%dma_start3A_144 : memref<80x128xf32, #tpu.memory_space<vmem_shared>>) target_semaphore(%run_scoped3A_136 : memref<!tpu.dma_semaphore, #tpu.memory_space<semaphore_mem>>)
        %dma_wait3A_149 = arith.constant 0 : i32
        %dma_wait3A_150 = arith.constant 0 : i32
        %dma_wait3A_151 = tpu.memref_slice %arg10[%cond3A, %dma_wait3A_149, %dma_wait3A_150] : memref<3x80x128xf32, #tpu.memory_space<vmem>> -> memref<1x80x128xf32, #tpu.memory_space<vmem>>
        %dma_wait3A_152 = tpu.memref_squeeze %dma_wait3A_151 : memref<1x80x128xf32, #tpu.memory_space<vmem>> -> memref<80x128xf32, #tpu.memory_space<vmem>>
        %dma_wait3A_153 = arith.constant 0 : i32
        %dma_wait3A_154 = tpu.memref_slice %arg7[%add3A_125, %dma_wait3A_153] : memref<10000x128xf32, #tpu.memory_space<vmem_shared>> -> memref<80x128xf32, #tpu.memory_space<vmem_shared>>
        %dma_wait3A_155 = arith.constant 0 : i32
        %dma_wait3A_156 = tpu.memref_slice %arg7[%add3A_125, %dma_wait3A_155] : memref<10000x128xf32, #tpu.memory_space<vmem_shared>> -> memref<80x128xf32, #tpu.memory_space<vmem_shared>>
        %dma_wait3A_157 = arith.constant 0 : i32
        %dma_wait3A_158 = arith.constant 0 : i32
        %dma_wait3A_159 = tpu.memref_slice %arg10[%cond3A, %dma_wait3A_157, %dma_wait3A_158] : memref<3x80x128xf32, #tpu.memory_space<vmem>> -> memref<1x80x128xf32, #tpu.memory_space<vmem>>
        %dma_wait3A_160 = tpu.memref_squeeze %dma_wait3A_159 : memref<1x80x128xf32, #tpu.memory_space<vmem>> -> memref<80x128xf32, #tpu.memory_space<vmem>>
        tpu.wait_dma2 semaphore(%run_scoped3A_136 : memref<!tpu.dma_semaphore, #tpu.memory_space<semaphore_mem>>) src(%dma_wait3A_160 : memref<80x128xf32, #tpu.memory_space<vmem>>) dst(%dma_wait3A_156 : memref<80x128xf32, #tpu.memory_space<vmem_shared>>)
        tpu.yield
      }) : () -> ()
      %add3A_126 = arith.constant 240 : i32
      %add3A_127 = arith.addi %mul3A_2, %add3A_126 : i32
      "tpu.region"() ({
        %run_scoped3A_136 = tpu.sem_alloc : memref<!tpu.dma_semaphore, #tpu.memory_space<semaphore_mem>>
        %dma_start3A_137 = arith.constant 0 : i32
        %dma_start3A_138 = arith.constant 0 : i32
        %dma_start3A_139 = tpu.memref_slice %arg10[%cond3A, %dma_start3A_137, %dma_start3A_138] : memref<3x80x128xf32, #tpu.memory_space<vmem>> -> memref<1x80x128xf32, #tpu.memory_space<vmem>>
        %dma_start3A_140 = tpu.memref_squeeze %dma_start3A_139 : memref<1x80x128xf32, #tpu.memory_space<vmem>> -> memref<80x128xf32, #tpu.memory_space<vmem>>
        %dma_start3A_141 = arith.constant 0 : i32
        %dma_start3A_142 = tpu.memref_slice %arg7[%add3A_127, %dma_start3A_141] : memref<10000x128xf32, #tpu.memory_space<vmem_shared>> -> memref<80x128xf32, #tpu.memory_space<vmem_shared>>
        %dma_start3A_143 = arith.constant 0 : i32
        %dma_start3A_144 = tpu.memref_slice %arg7[%add3A_127, %dma_start3A_143] : memref<10000x128xf32, #tpu.memory_space<vmem_shared>> -> memref<80x128xf32, #tpu.memory_space<vmem_shared>>
        %dma_start3A_145 = arith.constant 0 : i32
        %dma_start3A_146 = arith.constant 0 : i32
        %dma_start3A_147 = tpu.memref_slice %arg10[%cond3A, %dma_start3A_145, %dma_start3A_146] : memref<3x80x128xf32, #tpu.memory_space<vmem>> -> memref<1x80x128xf32, #tpu.memory_space<vmem>>
        %dma_start3A_148 = tpu.memref_squeeze %dma_start3A_147 : memref<1x80x128xf32, #tpu.memory_space<vmem>> -> memref<80x128xf32, #tpu.memory_space<vmem>>
        tpu.enqueue_dma source(%dma_start3A_148 : memref<80x128xf32, #tpu.memory_space<vmem>>) target(%dma_start3A_144 : memref<80x128xf32, #tpu.memory_space<vmem_shared>>) target_semaphore(%run_scoped3A_136 : memref<!tpu.dma_semaphore, #tpu.memory_space<semaphore_mem>>)
        %dma_wait3A_149 = arith.constant 0 : i32
        %dma_wait3A_150 = arith.constant 0 : i32
        %dma_wait3A_151 = tpu.memref_slice %arg10[%cond3A, %dma_wait3A_149, %dma_wait3A_150] : memref<3x80x128xf32, #tpu.memory_space<vmem>> -> memref<1x80x128xf32, #tpu.memory_space<vmem>>
        %dma_wait3A_152 = tpu.memref_squeeze %dma_wait3A_151 : memref<1x80x128xf32, #tpu.memory_space<vmem>> -> memref<80x128xf32, #tpu.memory_space<vmem>>
        %dma_wait3A_153 = arith.constant 0 : i32
        %dma_wait3A_154 = tpu.memref_slice %arg7[%add3A_127, %dma_wait3A_153] : memref<10000x128xf32, #tpu.memory_space<vmem_shared>> -> memref<80x128xf32, #tpu.memory_space<vmem_shared>>
        %dma_wait3A_155 = arith.constant 0 : i32
        %dma_wait3A_156 = tpu.memref_slice %arg7[%add3A_127, %dma_wait3A_155] : memref<10000x128xf32, #tpu.memory_space<vmem_shared>> -> memref<80x128xf32, #tpu.memory_space<vmem_shared>>
        %dma_wait3A_157 = arith.constant 0 : i32
        %dma_wait3A_158 = arith.constant 0 : i32
        %dma_wait3A_159 = tpu.memref_slice %arg10[%cond3A, %dma_wait3A_157, %dma_wait3A_158] : memref<3x80x128xf32, #tpu.memory_space<vmem>> -> memref<1x80x128xf32, #tpu.memory_space<vmem>>
        %dma_wait3A_160 = tpu.memref_squeeze %dma_wait3A_159 : memref<1x80x128xf32, #tpu.memory_space<vmem>> -> memref<80x128xf32, #tpu.memory_space<vmem>>
        tpu.wait_dma2 semaphore(%run_scoped3A_136 : memref<!tpu.dma_semaphore, #tpu.memory_space<semaphore_mem>>) src(%dma_wait3A_160 : memref<80x128xf32, #tpu.memory_space<vmem>>) dst(%dma_wait3A_156 : memref<80x128xf32, #tpu.memory_space<vmem_shared>>)
        tpu.yield
      }) : () -> ()
      %add3A_128 = arith.constant 320 : i32
      %add3A_129 = arith.addi %mul3A_2, %add3A_128 : i32
      "tpu.region"() ({
        %run_scoped3A_136 = tpu.sem_alloc : memref<!tpu.dma_semaphore, #tpu.memory_space<semaphore_mem>>
        %dma_start3A_137 = arith.constant 0 : i32
        %dma_start3A_138 = arith.constant 0 : i32
        %dma_start3A_139 = tpu.memref_slice %arg10[%cond3A, %dma_start3A_137, %dma_start3A_138] : memref<3x80x128xf32, #tpu.memory_space<vmem>> -> memref<1x80x128xf32, #tpu.memory_space<vmem>>
        %dma_start3A_140 = tpu.memref_squeeze %dma_start3A_139 : memref<1x80x128xf32, #tpu.memory_space<vmem>> -> memref<80x128xf32, #tpu.memory_space<vmem>>
        %dma_start3A_141 = arith.constant 0 : i32
        %dma_start3A_142 = tpu.memref_slice %arg7[%add3A_129, %dma_start3A_141] : memref<10000x128xf32, #tpu.memory_space<vmem_shared>> -> memref<80x128xf32, #tpu.memory_space<vmem_shared>>
        %dma_start3A_143 = arith.constant 0 : i32
        %dma_start3A_144 = tpu.memref_slice %arg7[%add3A_129, %dma_start3A_143] : memref<10000x128xf32, #tpu.memory_space<vmem_shared>> -> memref<80x128xf32, #tpu.memory_space<vmem_shared>>
        %dma_start3A_145 = arith.constant 0 : i32
        %dma_start3A_146 = arith.constant 0 : i32
        %dma_start3A_147 = tpu.memref_slice %arg10[%cond3A, %dma_start3A_145, %dma_start3A_146] : memref<3x80x128xf32, #tpu.memory_space<vmem>> -> memref<1x80x128xf32, #tpu.memory_space<vmem>>
        %dma_start3A_148 = tpu.memref_squeeze %dma_start3A_147 : memref<1x80x128xf32, #tpu.memory_space<vmem>> -> memref<80x128xf32, #tpu.memory_space<vmem>>
        tpu.enqueue_dma source(%dma_start3A_148 : memref<80x128xf32, #tpu.memory_space<vmem>>) target(%dma_start3A_144 : memref<80x128xf32, #tpu.memory_space<vmem_shared>>) target_semaphore(%run_scoped3A_136 : memref<!tpu.dma_semaphore, #tpu.memory_space<semaphore_mem>>)
        %dma_wait3A_149 = arith.constant 0 : i32
        %dma_wait3A_150 = arith.constant 0 : i32
        %dma_wait3A_151 = tpu.memref_slice %arg10[%cond3A, %dma_wait3A_149, %dma_wait3A_150] : memref<3x80x128xf32, #tpu.memory_space<vmem>> -> memref<1x80x128xf32, #tpu.memory_space<vmem>>
        %dma_wait3A_152 = tpu.memref_squeeze %dma_wait3A_151 : memref<1x80x128xf32, #tpu.memory_space<vmem>> -> memref<80x128xf32, #tpu.memory_space<vmem>>
        %dma_wait3A_153 = arith.constant 0 : i32
        %dma_wait3A_154 = tpu.memref_slice %arg7[%add3A_129, %dma_wait3A_153] : memref<10000x128xf32, #tpu.memory_space<vmem_shared>> -> memref<80x128xf32, #tpu.memory_space<vmem_shared>>
        %dma_wait3A_155 = arith.constant 0 : i32
        %dma_wait3A_156 = tpu.memref_slice %arg7[%add3A_129, %dma_wait3A_155] : memref<10000x128xf32, #tpu.memory_space<vmem_shared>> -> memref<80x128xf32, #tpu.memory_space<vmem_shared>>
        %dma_wait3A_157 = arith.constant 0 : i32
        %dma_wait3A_158 = arith.constant 0 : i32
        %dma_wait3A_159 = tpu.memref_slice %arg10[%cond3A, %dma_wait3A_157, %dma_wait3A_158] : memref<3x80x128xf32, #tpu.memory_space<vmem>> -> memref<1x80x128xf32, #tpu.memory_space<vmem>>
        %dma_wait3A_160 = tpu.memref_squeeze %dma_wait3A_159 : memref<1x80x128xf32, #tpu.memory_space<vmem>> -> memref<80x128xf32, #tpu.memory_space<vmem>>
        tpu.wait_dma2 semaphore(%run_scoped3A_136 : memref<!tpu.dma_semaphore, #tpu.memory_space<semaphore_mem>>) src(%dma_wait3A_160 : memref<80x128xf32, #tpu.memory_space<vmem>>) dst(%dma_wait3A_156 : memref<80x128xf32, #tpu.memory_space<vmem_shared>>)
        tpu.yield
      }) : () -> ()
      %add3A_130 = arith.constant 400 : i32
      %add3A_131 = arith.addi %mul3A_2, %add3A_130 : i32
      "tpu.region"() ({
        %run_scoped3A_136 = tpu.sem_alloc : memref<!tpu.dma_semaphore, #tpu.memory_space<semaphore_mem>>
        %dma_start3A_137 = arith.constant 0 : i32
        %dma_start3A_138 = arith.constant 0 : i32
        %dma_start3A_139 = tpu.memref_slice %arg10[%cond3A, %dma_start3A_137, %dma_start3A_138] : memref<3x80x128xf32, #tpu.memory_space<vmem>> -> memref<1x80x128xf32, #tpu.memory_space<vmem>>
        %dma_start3A_140 = tpu.memref_squeeze %dma_start3A_139 : memref<1x80x128xf32, #tpu.memory_space<vmem>> -> memref<80x128xf32, #tpu.memory_space<vmem>>
        %dma_start3A_141 = arith.constant 0 : i32
        %dma_start3A_142 = tpu.memref_slice %arg7[%add3A_131, %dma_start3A_141] : memref<10000x128xf32, #tpu.memory_space<vmem_shared>> -> memref<80x128xf32, #tpu.memory_space<vmem_shared>>
        %dma_start3A_143 = arith.constant 0 : i32
        %dma_start3A_144 = tpu.memref_slice %arg7[%add3A_131, %dma_start3A_143] : memref<10000x128xf32, #tpu.memory_space<vmem_shared>> -> memref<80x128xf32, #tpu.memory_space<vmem_shared>>
        %dma_start3A_145 = arith.constant 0 : i32
        %dma_start3A_146 = arith.constant 0 : i32
        %dma_start3A_147 = tpu.memref_slice %arg10[%cond3A, %dma_start3A_145, %dma_start3A_146] : memref<3x80x128xf32, #tpu.memory_space<vmem>> -> memref<1x80x128xf32, #tpu.memory_space<vmem>>
        %dma_start3A_148 = tpu.memref_squeeze %dma_start3A_147 : memref<1x80x128xf32, #tpu.memory_space<vmem>> -> memref<80x128xf32, #tpu.memory_space<vmem>>
        tpu.enqueue_dma source(%dma_start3A_148 : memref<80x128xf32, #tpu.memory_space<vmem>>) target(%dma_start3A_144 : memref<80x128xf32, #tpu.memory_space<vmem_shared>>) target_semaphore(%run_scoped3A_136 : memref<!tpu.dma_semaphore, #tpu.memory_space<semaphore_mem>>)
        %dma_wait3A_149 = arith.constant 0 : i32
        %dma_wait3A_150 = arith.constant 0 : i32
        %dma_wait3A_151 = tpu.memref_slice %arg10[%cond3A, %dma_wait3A_149, %dma_wait3A_150] : memref<3x80x128xf32, #tpu.memory_space<vmem>> -> memref<1x80x128xf32, #tpu.memory_space<vmem>>
        %dma_wait3A_152 = tpu.memref_squeeze %dma_wait3A_151 : memref<1x80x128xf32, #tpu.memory_space<vmem>> -> memref<80x128xf32, #tpu.memory_space<vmem>>
        %dma_wait3A_153 = arith.constant 0 : i32
        %dma_wait3A_154 = tpu.memref_slice %arg7[%add3A_131, %dma_wait3A_153] : memref<10000x128xf32, #tpu.memory_space<vmem_shared>> -> memref<80x128xf32, #tpu.memory_space<vmem_shared>>
        %dma_wait3A_155 = arith.constant 0 : i32
        %dma_wait3A_156 = tpu.memref_slice %arg7[%add3A_131, %dma_wait3A_155] : memref<10000x128xf32, #tpu.memory_space<vmem_shared>> -> memref<80x128xf32, #tpu.memory_space<vmem_shared>>
        %dma_wait3A_157 = arith.constant 0 : i32
        %dma_wait3A_158 = arith.constant 0 : i32
        %dma_wait3A_159 = tpu.memref_slice %arg10[%cond3A, %dma_wait3A_157, %dma_wait3A_158] : memref<3x80x128xf32, #tpu.memory_space<vmem>> -> memref<1x80x128xf32, #tpu.memory_space<vmem>>
        %dma_wait3A_160 = tpu.memref_squeeze %dma_wait3A_159 : memref<1x80x128xf32, #tpu.memory_space<vmem>> -> memref<80x128xf32, #tpu.memory_space<vmem>>
        tpu.wait_dma2 semaphore(%run_scoped3A_136 : memref<!tpu.dma_semaphore, #tpu.memory_space<semaphore_mem>>) src(%dma_wait3A_160 : memref<80x128xf32, #tpu.memory_space<vmem>>) dst(%dma_wait3A_156 : memref<80x128xf32, #tpu.memory_space<vmem_shared>>)
        tpu.yield
      }) : () -> ()
      %add3A_132 = arith.constant 480 : i32
      %add3A_133 = arith.addi %mul3A_2, %add3A_132 : i32
      "tpu.region"() ({
        %run_scoped3A_136 = tpu.sem_alloc : memref<!tpu.dma_semaphore, #tpu.memory_space<semaphore_mem>>
        %dma_start3A_137 = arith.constant 0 : i32
        %dma_start3A_138 = arith.constant 0 : i32
        %dma_start3A_139 = tpu.memref_slice %arg10[%cond3A, %dma_start3A_137, %dma_start3A_138] : memref<3x80x128xf32, #tpu.memory_space<vmem>> -> memref<1x80x128xf32, #tpu.memory_space<vmem>>
        %dma_start3A_140 = tpu.memref_squeeze %dma_start3A_139 : memref<1x80x128xf32, #tpu.memory_space<vmem>> -> memref<80x128xf32, #tpu.memory_space<vmem>>
        %dma_start3A_141 = arith.constant 0 : i32
        %dma_start3A_142 = tpu.memref_slice %arg7[%add3A_133, %dma_start3A_141] : memref<10000x128xf32, #tpu.memory_space<vmem_shared>> -> memref<80x128xf32, #tpu.memory_space<vmem_shared>>
        %dma_start3A_143 = arith.constant 0 : i32
        %dma_start3A_144 = tpu.memref_slice %arg7[%add3A_133, %dma_start3A_143] : memref<10000x128xf32, #tpu.memory_space<vmem_shared>> -> memref<80x128xf32, #tpu.memory_space<vmem_shared>>
        %dma_start3A_145 = arith.constant 0 : i32
        %dma_start3A_146 = arith.constant 0 : i32
        %dma_start3A_147 = tpu.memref_slice %arg10[%cond3A, %dma_start3A_145, %dma_start3A_146] : memref<3x80x128xf32, #tpu.memory_space<vmem>> -> memref<1x80x128xf32, #tpu.memory_space<vmem>>
        %dma_start3A_148 = tpu.memref_squeeze %dma_start3A_147 : memref<1x80x128xf32, #tpu.memory_space<vmem>> -> memref<80x128xf32, #tpu.memory_space<vmem>>
        tpu.enqueue_dma source(%dma_start3A_148 : memref<80x128xf32, #tpu.memory_space<vmem>>) target(%dma_start3A_144 : memref<80x128xf32, #tpu.memory_space<vmem_shared>>) target_semaphore(%run_scoped3A_136 : memref<!tpu.dma_semaphore, #tpu.memory_space<semaphore_mem>>)
        %dma_wait3A_149 = arith.constant 0 : i32
        %dma_wait3A_150 = arith.constant 0 : i32
        %dma_wait3A_151 = tpu.memref_slice %arg10[%cond3A, %dma_wait3A_149, %dma_wait3A_150] : memref<3x80x128xf32, #tpu.memory_space<vmem>> -> memref<1x80x128xf32, #tpu.memory_space<vmem>>
        %dma_wait3A_152 = tpu.memref_squeeze %dma_wait3A_151 : memref<1x80x128xf32, #tpu.memory_space<vmem>> -> memref<80x128xf32, #tpu.memory_space<vmem>>
        %dma_wait3A_153 = arith.constant 0 : i32
        %dma_wait3A_154 = tpu.memref_slice %arg7[%add3A_133, %dma_wait3A_153] : memref<10000x128xf32, #tpu.memory_space<vmem_shared>> -> memref<80x128xf32, #tpu.memory_space<vmem_shared>>
        %dma_wait3A_155 = arith.constant 0 : i32
        %dma_wait3A_156 = tpu.memref_slice %arg7[%add3A_133, %dma_wait3A_155] : memref<10000x128xf32, #tpu.memory_space<vmem_shared>> -> memref<80x128xf32, #tpu.memory_space<vmem_shared>>
        %dma_wait3A_157 = arith.constant 0 : i32
        %dma_wait3A_158 = arith.constant 0 : i32
        %dma_wait3A_159 = tpu.memref_slice %arg10[%cond3A, %dma_wait3A_157, %dma_wait3A_158] : memref<3x80x128xf32, #tpu.memory_space<vmem>> -> memref<1x80x128xf32, #tpu.memory_space<vmem>>
        %dma_wait3A_160 = tpu.memref_squeeze %dma_wait3A_159 : memref<1x80x128xf32, #tpu.memory_space<vmem>> -> memref<80x128xf32, #tpu.memory_space<vmem>>
        tpu.wait_dma2 semaphore(%run_scoped3A_136 : memref<!tpu.dma_semaphore, #tpu.memory_space<semaphore_mem>>) src(%dma_wait3A_160 : memref<80x128xf32, #tpu.memory_space<vmem>>) dst(%dma_wait3A_156 : memref<80x128xf32, #tpu.memory_space<vmem_shared>>)
        tpu.yield
      }) : () -> ()
      %add3A_134 = arith.constant 560 : i32
      %add3A_135 = arith.addi %mul3A_2, %add3A_134 : i32
      "tpu.region"() ({
        %run_scoped3A_136 = tpu.sem_alloc : memref<!tpu.dma_semaphore, #tpu.memory_space<semaphore_mem>>
        %dma_start3A_137 = arith.constant 0 : i32
        %dma_start3A_138 = arith.constant 0 : i32
        %dma_start3A_139 = tpu.memref_slice %arg10[%cond3A, %dma_start3A_137, %dma_start3A_138] : memref<3x80x128xf32, #tpu.memory_space<vmem>> -> memref<1x80x128xf32, #tpu.memory_space<vmem>>
        %dma_start3A_140 = tpu.memref_squeeze %dma_start3A_139 : memref<1x80x128xf32, #tpu.memory_space<vmem>> -> memref<80x128xf32, #tpu.memory_space<vmem>>
        %dma_start3A_141 = arith.constant 0 : i32
        %dma_start3A_142 = arith.constant 0 : i32
        %dma_start3A_143 = tpu.memref_slice %dma_start3A_140[%dma_start3A_141, %dma_start3A_142] : memref<80x128xf32, #tpu.memory_space<vmem>> -> memref<64x128xf32, #tpu.memory_space<vmem>>
        %dma_start3A_144 = arith.constant 0 : i32
        %dma_start3A_145 = tpu.memref_slice %arg7[%add3A_135, %dma_start3A_144] : memref<10000x128xf32, #tpu.memory_space<vmem_shared>> -> memref<64x128xf32, #tpu.memory_space<vmem_shared>>
        %dma_start3A_146 = arith.constant 0 : i32
        %dma_start3A_147 = tpu.memref_slice %arg7[%add3A_135, %dma_start3A_146] : memref<10000x128xf32, #tpu.memory_space<vmem_shared>> -> memref<64x128xf32, #tpu.memory_space<vmem_shared>>
        %dma_start3A_148 = arith.constant 0 : i32
        %dma_start3A_149 = arith.constant 0 : i32
        %dma_start3A_150 = tpu.memref_slice %arg10[%cond3A, %dma_start3A_148, %dma_start3A_149] : memref<3x80x128xf32, #tpu.memory_space<vmem>> -> memref<1x80x128xf32, #tpu.memory_space<vmem>>
        %dma_start3A_151 = tpu.memref_squeeze %dma_start3A_150 : memref<1x80x128xf32, #tpu.memory_space<vmem>> -> memref<80x128xf32, #tpu.memory_space<vmem>>
        %dma_start3A_152 = arith.constant 0 : i32
        %dma_start3A_153 = arith.constant 0 : i32
        %dma_start3A_154 = tpu.memref_slice %dma_start3A_151[%dma_start3A_152, %dma_start3A_153] : memref<80x128xf32, #tpu.memory_space<vmem>> -> memref<64x128xf32, #tpu.memory_space<vmem>>
        tpu.enqueue_dma source(%dma_start3A_154 : memref<64x128xf32, #tpu.memory_space<vmem>>) target(%dma_start3A_147 : memref<64x128xf32, #tpu.memory_space<vmem_shared>>) target_semaphore(%run_scoped3A_136 : memref<!tpu.dma_semaphore, #tpu.memory_space<semaphore_mem>>)
        %dma_wait3A_155 = arith.constant 0 : i32
        %dma_wait3A_156 = arith.constant 0 : i32
        %dma_wait3A_157 = tpu.memref_slice %arg10[%cond3A, %dma_wait3A_155, %dma_wait3A_156] : memref<3x80x128xf32, #tpu.memory_space<vmem>> -> memref<1x80x128xf32, #tpu.memory_space<vmem>>
        %dma_wait3A_158 = tpu.memref_squeeze %dma_wait3A_157 : memref<1x80x128xf32, #tpu.memory_space<vmem>> -> memref<80x128xf32, #tpu.memory_space<vmem>>
        %dma_wait3A_159 = arith.constant 0 : i32
        %dma_wait3A_160 = arith.constant 0 : i32
        %dma_wait3A_161 = tpu.memref_slice %dma_wait3A_158[%dma_wait3A_159, %dma_wait3A_160] : memref<80x128xf32, #tpu.memory_space<vmem>> -> memref<64x128xf32, #tpu.memory_space<vmem>>
        %dma_wait3A_162 = arith.constant 0 : i32
        %dma_wait3A_163 = tpu.memref_slice %arg7[%add3A_135, %dma_wait3A_162] : memref<10000x128xf32, #tpu.memory_space<vmem_shared>> -> memref<64x128xf32, #tpu.memory_space<vmem_shared>>
        %dma_wait3A_164 = arith.constant 0 : i32
        %dma_wait3A_165 = tpu.memref_slice %arg7[%add3A_135, %dma_wait3A_164] : memref<10000x128xf32, #tpu.memory_space<vmem_shared>> -> memref<64x128xf32, #tpu.memory_space<vmem_shared>>
        %dma_wait3A_166 = arith.constant 0 : i32
        %dma_wait3A_167 = arith.constant 0 : i32
        %dma_wait3A_168 = tpu.memref_slice %arg10[%cond3A, %dma_wait3A_166, %dma_wait3A_167] : memref<3x80x128xf32, #tpu.memory_space<vmem>> -> memref<1x80x128xf32, #tpu.memory_space<vmem>>
        %dma_wait3A_169 = tpu.memref_squeeze %dma_wait3A_168 : memref<1x80x128xf32, #tpu.memory_space<vmem>> -> memref<80x128xf32, #tpu.memory_space<vmem>>
        %dma_wait3A_170 = arith.constant 0 : i32
        %dma_wait3A_171 = arith.constant 0 : i32
        %dma_wait3A_172 = tpu.memref_slice %dma_wait3A_169[%dma_wait3A_170, %dma_wait3A_171] : memref<80x128xf32, #tpu.memory_space<vmem>> -> memref<64x128xf32, #tpu.memory_space<vmem>>
        tpu.wait_dma2 semaphore(%run_scoped3A_136 : memref<!tpu.dma_semaphore, #tpu.memory_space<semaphore_mem>>) src(%dma_wait3A_172 : memref<64x128xf32, #tpu.memory_space<vmem>>) dst(%dma_wait3A_165 : memref<64x128xf32, #tpu.memory_space<vmem_shared>>)
        tpu.yield
      }) : () -> ()
    } else {
    }
    %convert_element_type3A_22 = arith.extui %eq3A_3 : i1 to i32
    %cond3A_23 = arith.constant 0 : i32
    %cond3A_24 = arith.constant 0 : i32
    %cond3A_25 = arith.cmpi ne, %convert_element_type3A_22, %cond3A_24 : i32
    scf.if %cond3A_25 {
      %add3A_120 = arith.constant 0 : i32
      %add3A_121 = arith.addi %mul3A_2, %add3A_120 : i32
      "tpu.region"() ({
        %run_scoped3A_136 = tpu.sem_alloc : memref<!tpu.dma_semaphore, #tpu.memory_space<semaphore_mem>>
        %dma_start3A_137 = arith.constant 0 : i32
        %dma_start3A_138 = arith.constant 0 : i32
        %dma_start3A_139 = tpu.memref_slice %arg10[%cond3A_23, %dma_start3A_137, %dma_start3A_138] : memref<3x80x128xf32, #tpu.memory_space<vmem>> -> memref<1x80x128xf32, #tpu.memory_space<vmem>>
        %dma_start3A_140 = tpu.memref_squeeze %dma_start3A_139 : memref<1x80x128xf32, #tpu.memory_space<vmem>> -> memref<80x128xf32, #tpu.memory_space<vmem>>
        %dma_start3A_141 = arith.constant 0 : i32
        %dma_start3A_142 = tpu.memref_slice %arg7[%add3A_121, %dma_start3A_141] : memref<10000x128xf32, #tpu.memory_space<vmem_shared>> -> memref<80x128xf32, #tpu.memory_space<vmem_shared>>
        %dma_start3A_143 = arith.constant 0 : i32
        %dma_start3A_144 = tpu.memref_slice %arg7[%add3A_121, %dma_start3A_143] : memref<10000x128xf32, #tpu.memory_space<vmem_shared>> -> memref<80x128xf32, #tpu.memory_space<vmem_shared>>
        %dma_start3A_145 = arith.constant 0 : i32
        %dma_start3A_146 = arith.constant 0 : i32
        %dma_start3A_147 = tpu.memref_slice %arg10[%cond3A_23, %dma_start3A_145, %dma_start3A_146] : memref<3x80x128xf32, #tpu.memory_space<vmem>> -> memref<1x80x128xf32, #tpu.memory_space<vmem>>
        %dma_start3A_148 = tpu.memref_squeeze %dma_start3A_147 : memref<1x80x128xf32, #tpu.memory_space<vmem>> -> memref<80x128xf32, #tpu.memory_space<vmem>>
        tpu.enqueue_dma source(%dma_start3A_148 : memref<80x128xf32, #tpu.memory_space<vmem>>) target(%dma_start3A_144 : memref<80x128xf32, #tpu.memory_space<vmem_shared>>) target_semaphore(%run_scoped3A_136 : memref<!tpu.dma_semaphore, #tpu.memory_space<semaphore_mem>>)
        %dma_wait3A_149 = arith.constant 0 : i32
        %dma_wait3A_150 = arith.constant 0 : i32
        %dma_wait3A_151 = tpu.memref_slice %arg10[%cond3A_23, %dma_wait3A_149, %dma_wait3A_150] : memref<3x80x128xf32, #tpu.memory_space<vmem>> -> memref<1x80x128xf32, #tpu.memory_space<vmem>>
        %dma_wait3A_152 = tpu.memref_squeeze %dma_wait3A_151 : memref<1x80x128xf32, #tpu.memory_space<vmem>> -> memref<80x128xf32, #tpu.memory_space<vmem>>
        %dma_wait3A_153 = arith.constant 0 : i32
        %dma_wait3A_154 = tpu.memref_slice %arg7[%add3A_121, %dma_wait3A_153] : memref<10000x128xf32, #tpu.memory_space<vmem_shared>> -> memref<80x128xf32, #tpu.memory_space<vmem_shared>>
        %dma_wait3A_155 = arith.constant 0 : i32
        %dma_wait3A_156 = tpu.memref_slice %arg7[%add3A_121, %dma_wait3A_155] : memref<10000x128xf32, #tpu.memory_space<vmem_shared>> -> memref<80x128xf32, #tpu.memory_space<vmem_shared>>
        %dma_wait3A_157 = arith.constant 0 : i32
        %dma_wait3A_158 = arith.constant 0 : i32
        %dma_wait3A_159 = tpu.memref_slice %arg10[%cond3A_23, %dma_wait3A_157, %dma_wait3A_158] : memref<3x80x128xf32, #tpu.memory_space<vmem>> -> memref<1x80x128xf32, #tpu.memory_space<vmem>>
        %dma_wait3A_160 = tpu.memref_squeeze %dma_wait3A_159 : memref<1x80x128xf32, #tpu.memory_space<vmem>> -> memref<80x128xf32, #tpu.memory_space<vmem>>
        tpu.wait_dma2 semaphore(%run_scoped3A_136 : memref<!tpu.dma_semaphore, #tpu.memory_space<semaphore_mem>>) src(%dma_wait3A_160 : memref<80x128xf32, #tpu.memory_space<vmem>>) dst(%dma_wait3A_156 : memref<80x128xf32, #tpu.memory_space<vmem_shared>>)
        tpu.yield
      }) : () -> ()
      %add3A_122 = arith.constant 80 : i32
      %add3A_123 = arith.addi %mul3A_2, %add3A_122 : i32
      "tpu.region"() ({
        %run_scoped3A_136 = tpu.sem_alloc : memref<!tpu.dma_semaphore, #tpu.memory_space<semaphore_mem>>
        %dma_start3A_137 = arith.constant 0 : i32
        %dma_start3A_138 = arith.constant 0 : i32
        %dma_start3A_139 = tpu.memref_slice %arg10[%cond3A_23, %dma_start3A_137, %dma_start3A_138] : memref<3x80x128xf32, #tpu.memory_space<vmem>> -> memref<1x80x128xf32, #tpu.memory_space<vmem>>
        %dma_start3A_140 = tpu.memref_squeeze %dma_start3A_139 : memref<1x80x128xf32, #tpu.memory_space<vmem>> -> memref<80x128xf32, #tpu.memory_space<vmem>>
        %dma_start3A_141 = arith.constant 0 : i32
        %dma_start3A_142 = tpu.memref_slice %arg7[%add3A_123, %dma_start3A_141] : memref<10000x128xf32, #tpu.memory_space<vmem_shared>> -> memref<80x128xf32, #tpu.memory_space<vmem_shared>>
        %dma_start3A_143 = arith.constant 0 : i32
        %dma_start3A_144 = tpu.memref_slice %arg7[%add3A_123, %dma_start3A_143] : memref<10000x128xf32, #tpu.memory_space<vmem_shared>> -> memref<80x128xf32, #tpu.memory_space<vmem_shared>>
        %dma_start3A_145 = arith.constant 0 : i32
        %dma_start3A_146 = arith.constant 0 : i32
        %dma_start3A_147 = tpu.memref_slice %arg10[%cond3A_23, %dma_start3A_145, %dma_start3A_146] : memref<3x80x128xf32, #tpu.memory_space<vmem>> -> memref<1x80x128xf32, #tpu.memory_space<vmem>>
        %dma_start3A_148 = tpu.memref_squeeze %dma_start3A_147 : memref<1x80x128xf32, #tpu.memory_space<vmem>> -> memref<80x128xf32, #tpu.memory_space<vmem>>
        tpu.enqueue_dma source(%dma_start3A_148 : memref<80x128xf32, #tpu.memory_space<vmem>>) target(%dma_start3A_144 : memref<80x128xf32, #tpu.memory_space<vmem_shared>>) target_semaphore(%run_scoped3A_136 : memref<!tpu.dma_semaphore, #tpu.memory_space<semaphore_mem>>)
        %dma_wait3A_149 = arith.constant 0 : i32
        %dma_wait3A_150 = arith.constant 0 : i32
        %dma_wait3A_151 = tpu.memref_slice %arg10[%cond3A_23, %dma_wait3A_149, %dma_wait3A_150] : memref<3x80x128xf32, #tpu.memory_space<vmem>> -> memref<1x80x128xf32, #tpu.memory_space<vmem>>
        %dma_wait3A_152 = tpu.memref_squeeze %dma_wait3A_151 : memref<1x80x128xf32, #tpu.memory_space<vmem>> -> memref<80x128xf32, #tpu.memory_space<vmem>>
        %dma_wait3A_153 = arith.constant 0 : i32
        %dma_wait3A_154 = tpu.memref_slice %arg7[%add3A_123, %dma_wait3A_153] : memref<10000x128xf32, #tpu.memory_space<vmem_shared>> -> memref<80x128xf32, #tpu.memory_space<vmem_shared>>
        %dma_wait3A_155 = arith.constant 0 : i32
        %dma_wait3A_156 = tpu.memref_slice %arg7[%add3A_123, %dma_wait3A_155] : memref<10000x128xf32, #tpu.memory_space<vmem_shared>> -> memref<80x128xf32, #tpu.memory_space<vmem_shared>>
        %dma_wait3A_157 = arith.constant 0 : i32
        %dma_wait3A_158 = arith.constant 0 : i32
        %dma_wait3A_159 = tpu.memref_slice %arg10[%cond3A_23, %dma_wait3A_157, %dma_wait3A_158] : memref<3x80x128xf32, #tpu.memory_space<vmem>> -> memref<1x80x128xf32, #tpu.memory_space<vmem>>
        %dma_wait3A_160 = tpu.memref_squeeze %dma_wait3A_159 : memref<1x80x128xf32, #tpu.memory_space<vmem>> -> memref<80x128xf32, #tpu.memory_space<vmem>>
        tpu.wait_dma2 semaphore(%run_scoped3A_136 : memref<!tpu.dma_semaphore, #tpu.memory_space<semaphore_mem>>) src(%dma_wait3A_160 : memref<80x128xf32, #tpu.memory_space<vmem>>) dst(%dma_wait3A_156 : memref<80x128xf32, #tpu.memory_space<vmem_shared>>)
        tpu.yield
      }) : () -> ()
      %add3A_124 = arith.constant 160 : i32
      %add3A_125 = arith.addi %mul3A_2, %add3A_124 : i32
      "tpu.region"() ({
        %run_scoped3A_136 = tpu.sem_alloc : memref<!tpu.dma_semaphore, #tpu.memory_space<semaphore_mem>>
        %dma_start3A_137 = arith.constant 0 : i32
        %dma_start3A_138 = arith.constant 0 : i32
        %dma_start3A_139 = tpu.memref_slice %arg10[%cond3A_23, %dma_start3A_137, %dma_start3A_138] : memref<3x80x128xf32, #tpu.memory_space<vmem>> -> memref<1x80x128xf32, #tpu.memory_space<vmem>>
        %dma_start3A_140 = tpu.memref_squeeze %dma_start3A_139 : memref<1x80x128xf32, #tpu.memory_space<vmem>> -> memref<80x128xf32, #tpu.memory_space<vmem>>
        %dma_start3A_141 = arith.constant 0 : i32
        %dma_start3A_142 = tpu.memref_slice %arg7[%add3A_125, %dma_start3A_141] : memref<10000x128xf32, #tpu.memory_space<vmem_shared>> -> memref<80x128xf32, #tpu.memory_space<vmem_shared>>
        %dma_start3A_143 = arith.constant 0 : i32
        %dma_start3A_144 = tpu.memref_slice %arg7[%add3A_125, %dma_start3A_143] : memref<10000x128xf32, #tpu.memory_space<vmem_shared>> -> memref<80x128xf32, #tpu.memory_space<vmem_shared>>
        %dma_start3A_145 = arith.constant 0 : i32
        %dma_start3A_146 = arith.constant 0 : i32
        %dma_start3A_147 = tpu.memref_slice %arg10[%cond3A_23, %dma_start3A_145, %dma_start3A_146] : memref<3x80x128xf32, #tpu.memory_space<vmem>> -> memref<1x80x128xf32, #tpu.memory_space<vmem>>
        %dma_start3A_148 = tpu.memref_squeeze %dma_start3A_147 : memref<1x80x128xf32, #tpu.memory_space<vmem>> -> memref<80x128xf32, #tpu.memory_space<vmem>>
        tpu.enqueue_dma source(%dma_start3A_148 : memref<80x128xf32, #tpu.memory_space<vmem>>) target(%dma_start3A_144 : memref<80x128xf32, #tpu.memory_space<vmem_shared>>) target_semaphore(%run_scoped3A_136 : memref<!tpu.dma_semaphore, #tpu.memory_space<semaphore_mem>>)
        %dma_wait3A_149 = arith.constant 0 : i32
        %dma_wait3A_150 = arith.constant 0 : i32
        %dma_wait3A_151 = tpu.memref_slice %arg10[%cond3A_23, %dma_wait3A_149, %dma_wait3A_150] : memref<3x80x128xf32, #tpu.memory_space<vmem>> -> memref<1x80x128xf32, #tpu.memory_space<vmem>>
        %dma_wait3A_152 = tpu.memref_squeeze %dma_wait3A_151 : memref<1x80x128xf32, #tpu.memory_space<vmem>> -> memref<80x128xf32, #tpu.memory_space<vmem>>
        %dma_wait3A_153 = arith.constant 0 : i32
        %dma_wait3A_154 = tpu.memref_slice %arg7[%add3A_125, %dma_wait3A_153] : memref<10000x128xf32, #tpu.memory_space<vmem_shared>> -> memref<80x128xf32, #tpu.memory_space<vmem_shared>>
        %dma_wait3A_155 = arith.constant 0 : i32
        %dma_wait3A_156 = tpu.memref_slice %arg7[%add3A_125, %dma_wait3A_155] : memref<10000x128xf32, #tpu.memory_space<vmem_shared>> -> memref<80x128xf32, #tpu.memory_space<vmem_shared>>
        %dma_wait3A_157 = arith.constant 0 : i32
        %dma_wait3A_158 = arith.constant 0 : i32
        %dma_wait3A_159 = tpu.memref_slice %arg10[%cond3A_23, %dma_wait3A_157, %dma_wait3A_158] : memref<3x80x128xf32, #tpu.memory_space<vmem>> -> memref<1x80x128xf32, #tpu.memory_space<vmem>>
        %dma_wait3A_160 = tpu.memref_squeeze %dma_wait3A_159 : memref<1x80x128xf32, #tpu.memory_space<vmem>> -> memref<80x128xf32, #tpu.memory_space<vmem>>
        tpu.wait_dma2 semaphore(%run_scoped3A_136 : memref<!tpu.dma_semaphore, #tpu.memory_space<semaphore_mem>>) src(%dma_wait3A_160 : memref<80x128xf32, #tpu.memory_space<vmem>>) dst(%dma_wait3A_156 : memref<80x128xf32, #tpu.memory_space<vmem_shared>>)
        tpu.yield
      }) : () -> ()
      %add3A_126 = arith.constant 240 : i32
      %add3A_127 = arith.addi %mul3A_2, %add3A_126 : i32
      "tpu.region"() ({
        %run_scoped3A_136 = tpu.sem_alloc : memref<!tpu.dma_semaphore, #tpu.memory_space<semaphore_mem>>
        %dma_start3A_137 = arith.constant 0 : i32
        %dma_start3A_138 = arith.constant 0 : i32
        %dma_start3A_139 = tpu.memref_slice %arg10[%cond3A_23, %dma_start3A_137, %dma_start3A_138] : memref<3x80x128xf32, #tpu.memory_space<vmem>> -> memref<1x80x128xf32, #tpu.memory_space<vmem>>
        %dma_start3A_140 = tpu.memref_squeeze %dma_start3A_139 : memref<1x80x128xf32, #tpu.memory_space<vmem>> -> memref<80x128xf32, #tpu.memory_space<vmem>>
        %dma_start3A_141 = arith.constant 0 : i32
        %dma_start3A_142 = tpu.memref_slice %arg7[%add3A_127, %dma_start3A_141] : memref<10000x128xf32, #tpu.memory_space<vmem_shared>> -> memref<80x128xf32, #tpu.memory_space<vmem_shared>>
        %dma_start3A_143 = arith.constant 0 : i32
        %dma_start3A_144 = tpu.memref_slice %arg7[%add3A_127, %dma_start3A_143] : memref<10000x128xf32, #tpu.memory_space<vmem_shared>> -> memref<80x128xf32, #tpu.memory_space<vmem_shared>>
        %dma_start3A_145 = arith.constant 0 : i32
        %dma_start3A_146 = arith.constant 0 : i32
        %dma_start3A_147 = tpu.memref_slice %arg10[%cond3A_23, %dma_start3A_145, %dma_start3A_146] : memref<3x80x128xf32, #tpu.memory_space<vmem>> -> memref<1x80x128xf32, #tpu.memory_space<vmem>>
        %dma_start3A_148 = tpu.memref_squeeze %dma_start3A_147 : memref<1x80x128xf32, #tpu.memory_space<vmem>> -> memref<80x128xf32, #tpu.memory_space<vmem>>
        tpu.enqueue_dma source(%dma_start3A_148 : memref<80x128xf32, #tpu.memory_space<vmem>>) target(%dma_start3A_144 : memref<80x128xf32, #tpu.memory_space<vmem_shared>>) target_semaphore(%run_scoped3A_136 : memref<!tpu.dma_semaphore, #tpu.memory_space<semaphore_mem>>)
        %dma_wait3A_149 = arith.constant 0 : i32
        %dma_wait3A_150 = arith.constant 0 : i32
        %dma_wait3A_151 = tpu.memref_slice %arg10[%cond3A_23, %dma_wait3A_149, %dma_wait3A_150] : memref<3x80x128xf32, #tpu.memory_space<vmem>> -> memref<1x80x128xf32, #tpu.memory_space<vmem>>
        %dma_wait3A_152 = tpu.memref_squeeze %dma_wait3A_151 : memref<1x80x128xf32, #tpu.memory_space<vmem>> -> memref<80x128xf32, #tpu.memory_space<vmem>>
        %dma_wait3A_153 = arith.constant 0 : i32
        %dma_wait3A_154 = tpu.memref_slice %arg7[%add3A_127, %dma_wait3A_153] : memref<10000x128xf32, #tpu.memory_space<vmem_shared>> -> memref<80x128xf32, #tpu.memory_space<vmem_shared>>
        %dma_wait3A_155 = arith.constant 0 : i32
        %dma_wait3A_156 = tpu.memref_slice %arg7[%add3A_127, %dma_wait3A_155] : memref<10000x128xf32, #tpu.memory_space<vmem_shared>> -> memref<80x128xf32, #tpu.memory_space<vmem_shared>>
        %dma_wait3A_157 = arith.constant 0 : i32
        %dma_wait3A_158 = arith.constant 0 : i32
        %dma_wait3A_159 = tpu.memref_slice %arg10[%cond3A_23, %dma_wait3A_157, %dma_wait3A_158] : memref<3x80x128xf32, #tpu.memory_space<vmem>> -> memref<1x80x128xf32, #tpu.memory_space<vmem>>
        %dma_wait3A_160 = tpu.memref_squeeze %dma_wait3A_159 : memref<1x80x128xf32, #tpu.memory_space<vmem>> -> memref<80x128xf32, #tpu.memory_space<vmem>>
        tpu.wait_dma2 semaphore(%run_scoped3A_136 : memref<!tpu.dma_semaphore, #tpu.memory_space<semaphore_mem>>) src(%dma_wait3A_160 : memref<80x128xf32, #tpu.memory_space<vmem>>) dst(%dma_wait3A_156 : memref<80x128xf32, #tpu.memory_space<vmem_shared>>)
        tpu.yield
      }) : () -> ()
      %add3A_128 = arith.constant 320 : i32
      %add3A_129 = arith.addi %mul3A_2, %add3A_128 : i32
      "tpu.region"() ({
        %run_scoped3A_136 = tpu.sem_alloc : memref<!tpu.dma_semaphore, #tpu.memory_space<semaphore_mem>>
        %dma_start3A_137 = arith.constant 0 : i32
        %dma_start3A_138 = arith.constant 0 : i32
        %dma_start3A_139 = tpu.memref_slice %arg10[%cond3A_23, %dma_start3A_137, %dma_start3A_138] : memref<3x80x128xf32, #tpu.memory_space<vmem>> -> memref<1x80x128xf32, #tpu.memory_space<vmem>>
        %dma_start3A_140 = tpu.memref_squeeze %dma_start3A_139 : memref<1x80x128xf32, #tpu.memory_space<vmem>> -> memref<80x128xf32, #tpu.memory_space<vmem>>
        %dma_start3A_141 = arith.constant 0 : i32
        %dma_start3A_142 = tpu.memref_slice %arg7[%add3A_129, %dma_start3A_141] : memref<10000x128xf32, #tpu.memory_space<vmem_shared>> -> memref<80x128xf32, #tpu.memory_space<vmem_shared>>
        %dma_start3A_143 = arith.constant 0 : i32
        %dma_start3A_144 = tpu.memref_slice %arg7[%add3A_129, %dma_start3A_143] : memref<10000x128xf32, #tpu.memory_space<vmem_shared>> -> memref<80x128xf32, #tpu.memory_space<vmem_shared>>
        %dma_start3A_145 = arith.constant 0 : i32
        %dma_start3A_146 = arith.constant 0 : i32
        %dma_start3A_147 = tpu.memref_slice %arg10[%cond3A_23, %dma_start3A_145, %dma_start3A_146] : memref<3x80x128xf32, #tpu.memory_space<vmem>> -> memref<1x80x128xf32, #tpu.memory_space<vmem>>
        %dma_start3A_148 = tpu.memref_squeeze %dma_start3A_147 : memref<1x80x128xf32, #tpu.memory_space<vmem>> -> memref<80x128xf32, #tpu.memory_space<vmem>>
        tpu.enqueue_dma source(%dma_start3A_148 : memref<80x128xf32, #tpu.memory_space<vmem>>) target(%dma_start3A_144 : memref<80x128xf32, #tpu.memory_space<vmem_shared>>) target_semaphore(%run_scoped3A_136 : memref<!tpu.dma_semaphore, #tpu.memory_space<semaphore_mem>>)
        %dma_wait3A_149 = arith.constant 0 : i32
        %dma_wait3A_150 = arith.constant 0 : i32
        %dma_wait3A_151 = tpu.memref_slice %arg10[%cond3A_23, %dma_wait3A_149, %dma_wait3A_150] : memref<3x80x128xf32, #tpu.memory_space<vmem>> -> memref<1x80x128xf32, #tpu.memory_space<vmem>>
        %dma_wait3A_152 = tpu.memref_squeeze %dma_wait3A_151 : memref<1x80x128xf32, #tpu.memory_space<vmem>> -> memref<80x128xf32, #tpu.memory_space<vmem>>
        %dma_wait3A_153 = arith.constant 0 : i32
        %dma_wait3A_154 = tpu.memref_slice %arg7[%add3A_129, %dma_wait3A_153] : memref<10000x128xf32, #tpu.memory_space<vmem_shared>> -> memref<80x128xf32, #tpu.memory_space<vmem_shared>>
        %dma_wait3A_155 = arith.constant 0 : i32
        %dma_wait3A_156 = tpu.memref_slice %arg7[%add3A_129, %dma_wait3A_155] : memref<10000x128xf32, #tpu.memory_space<vmem_shared>> -> memref<80x128xf32, #tpu.memory_space<vmem_shared>>
        %dma_wait3A_157 = arith.constant 0 : i32
        %dma_wait3A_158 = arith.constant 0 : i32
        %dma_wait3A_159 = tpu.memref_slice %arg10[%cond3A_23, %dma_wait3A_157, %dma_wait3A_158] : memref<3x80x128xf32, #tpu.memory_space<vmem>> -> memref<1x80x128xf32, #tpu.memory_space<vmem>>
        %dma_wait3A_160 = tpu.memref_squeeze %dma_wait3A_159 : memref<1x80x128xf32, #tpu.memory_space<vmem>> -> memref<80x128xf32, #tpu.memory_space<vmem>>
        tpu.wait_dma2 semaphore(%run_scoped3A_136 : memref<!tpu.dma_semaphore, #tpu.memory_space<semaphore_mem>>) src(%dma_wait3A_160 : memref<80x128xf32, #tpu.memory_space<vmem>>) dst(%dma_wait3A_156 : memref<80x128xf32, #tpu.memory_space<vmem_shared>>)
        tpu.yield
      }) : () -> ()
      %add3A_130 = arith.constant 400 : i32
      %add3A_131 = arith.addi %mul3A_2, %add3A_130 : i32
      "tpu.region"() ({
        %run_scoped3A_136 = tpu.sem_alloc : memref<!tpu.dma_semaphore, #tpu.memory_space<semaphore_mem>>
        %dma_start3A_137 = arith.constant 0 : i32
        %dma_start3A_138 = arith.constant 0 : i32
        %dma_start3A_139 = tpu.memref_slice %arg10[%cond3A_23, %dma_start3A_137, %dma_start3A_138] : memref<3x80x128xf32, #tpu.memory_space<vmem>> -> memref<1x80x128xf32, #tpu.memory_space<vmem>>
        %dma_start3A_140 = tpu.memref_squeeze %dma_start3A_139 : memref<1x80x128xf32, #tpu.memory_space<vmem>> -> memref<80x128xf32, #tpu.memory_space<vmem>>
        %dma_start3A_141 = arith.constant 0 : i32
        %dma_start3A_142 = tpu.memref_slice %arg7[%add3A_131, %dma_start3A_141] : memref<10000x128xf32, #tpu.memory_space<vmem_shared>> -> memref<80x128xf32, #tpu.memory_space<vmem_shared>>
        %dma_start3A_143 = arith.constant 0 : i32
        %dma_start3A_144 = tpu.memref_slice %arg7[%add3A_131, %dma_start3A_143] : memref<10000x128xf32, #tpu.memory_space<vmem_shared>> -> memref<80x128xf32, #tpu.memory_space<vmem_shared>>
        %dma_start3A_145 = arith.constant 0 : i32
        %dma_start3A_146 = arith.constant 0 : i32
        %dma_start3A_147 = tpu.memref_slice %arg10[%cond3A_23, %dma_start3A_145, %dma_start3A_146] : memref<3x80x128xf32, #tpu.memory_space<vmem>> -> memref<1x80x128xf32, #tpu.memory_space<vmem>>
        %dma_start3A_148 = tpu.memref_squeeze %dma_start3A_147 : memref<1x80x128xf32, #tpu.memory_space<vmem>> -> memref<80x128xf32, #tpu.memory_space<vmem>>
        tpu.enqueue_dma source(%dma_start3A_148 : memref<80x128xf32, #tpu.memory_space<vmem>>) target(%dma_start3A_144 : memref<80x128xf32, #tpu.memory_space<vmem_shared>>) target_semaphore(%run_scoped3A_136 : memref<!tpu.dma_semaphore, #tpu.memory_space<semaphore_mem>>)
        %dma_wait3A_149 = arith.constant 0 : i32
        %dma_wait3A_150 = arith.constant 0 : i32
        %dma_wait3A_151 = tpu.memref_slice %arg10[%cond3A_23, %dma_wait3A_149, %dma_wait3A_150] : memref<3x80x128xf32, #tpu.memory_space<vmem>> -> memref<1x80x128xf32, #tpu.memory_space<vmem>>
        %dma_wait3A_152 = tpu.memref_squeeze %dma_wait3A_151 : memref<1x80x128xf32, #tpu.memory_space<vmem>> -> memref<80x128xf32, #tpu.memory_space<vmem>>
        %dma_wait3A_153 = arith.constant 0 : i32
        %dma_wait3A_154 = tpu.memref_slice %arg7[%add3A_131, %dma_wait3A_153] : memref<10000x128xf32, #tpu.memory_space<vmem_shared>> -> memref<80x128xf32, #tpu.memory_space<vmem_shared>>
        %dma_wait3A_155 = arith.constant 0 : i32
        %dma_wait3A_156 = tpu.memref_slice %arg7[%add3A_131, %dma_wait3A_155] : memref<10000x128xf32, #tpu.memory_space<vmem_shared>> -> memref<80x128xf32, #tpu.memory_space<vmem_shared>>
        %dma_wait3A_157 = arith.constant 0 : i32
        %dma_wait3A_158 = arith.constant 0 : i32
        %dma_wait3A_159 = tpu.memref_slice %arg10[%cond3A_23, %dma_wait3A_157, %dma_wait3A_158] : memref<3x80x128xf32, #tpu.memory_space<vmem>> -> memref<1x80x128xf32, #tpu.memory_space<vmem>>
        %dma_wait3A_160 = tpu.memref_squeeze %dma_wait3A_159 : memref<1x80x128xf32, #tpu.memory_space<vmem>> -> memref<80x128xf32, #tpu.memory_space<vmem>>
        tpu.wait_dma2 semaphore(%run_scoped3A_136 : memref<!tpu.dma_semaphore, #tpu.memory_space<semaphore_mem>>) src(%dma_wait3A_160 : memref<80x128xf32, #tpu.memory_space<vmem>>) dst(%dma_wait3A_156 : memref<80x128xf32, #tpu.memory_space<vmem_shared>>)
        tpu.yield
      }) : () -> ()
      %add3A_132 = arith.constant 480 : i32
      %add3A_133 = arith.addi %mul3A_2, %add3A_132 : i32
      "tpu.region"() ({
        %run_scoped3A_136 = tpu.sem_alloc : memref<!tpu.dma_semaphore, #tpu.memory_space<semaphore_mem>>
        %dma_start3A_137 = arith.constant 0 : i32
        %dma_start3A_138 = arith.constant 0 : i32
        %dma_start3A_139 = tpu.memref_slice %arg10[%cond3A_23, %dma_start3A_137, %dma_start3A_138] : memref<3x80x128xf32, #tpu.memory_space<vmem>> -> memref<1x80x128xf32, #tpu.memory_space<vmem>>
        %dma_start3A_140 = tpu.memref_squeeze %dma_start3A_139 : memref<1x80x128xf32, #tpu.memory_space<vmem>> -> memref<80x128xf32, #tpu.memory_space<vmem>>
        %dma_start3A_141 = arith.constant 0 : i32
        %dma_start3A_142 = tpu.memref_slice %arg7[%add3A_133, %dma_start3A_141] : memref<10000x128xf32, #tpu.memory_space<vmem_shared>> -> memref<80x128xf32, #tpu.memory_space<vmem_shared>>
        %dma_start3A_143 = arith.constant 0 : i32
        %dma_start3A_144 = tpu.memref_slice %arg7[%add3A_133, %dma_start3A_143] : memref<10000x128xf32, #tpu.memory_space<vmem_shared>> -> memref<80x128xf32, #tpu.memory_space<vmem_shared>>
        %dma_start3A_145 = arith.constant 0 : i32
        %dma_start3A_146 = arith.constant 0 : i32
        %dma_start3A_147 = tpu.memref_slice %arg10[%cond3A_23, %dma_start3A_145, %dma_start3A_146] : memref<3x80x128xf32, #tpu.memory_space<vmem>> -> memref<1x80x128xf32, #tpu.memory_space<vmem>>
        %dma_start3A_148 = tpu.memref_squeeze %dma_start3A_147 : memref<1x80x128xf32, #tpu.memory_space<vmem>> -> memref<80x128xf32, #tpu.memory_space<vmem>>
        tpu.enqueue_dma source(%dma_start3A_148 : memref<80x128xf32, #tpu.memory_space<vmem>>) target(%dma_start3A_144 : memref<80x128xf32, #tpu.memory_space<vmem_shared>>) target_semaphore(%run_scoped3A_136 : memref<!tpu.dma_semaphore, #tpu.memory_space<semaphore_mem>>)
        %dma_wait3A_149 = arith.constant 0 : i32
        %dma_wait3A_150 = arith.constant 0 : i32
        %dma_wait3A_151 = tpu.memref_slice %arg10[%cond3A_23, %dma_wait3A_149, %dma_wait3A_150] : memref<3x80x128xf32, #tpu.memory_space<vmem>> -> memref<1x80x128xf32, #tpu.memory_space<vmem>>
        %dma_wait3A_152 = tpu.memref_squeeze %dma_wait3A_151 : memref<1x80x128xf32, #tpu.memory_space<vmem>> -> memref<80x128xf32, #tpu.memory_space<vmem>>
        %dma_wait3A_153 = arith.constant 0 : i32
        %dma_wait3A_154 = tpu.memref_slice %arg7[%add3A_133, %dma_wait3A_153] : memref<10000x128xf32, #tpu.memory_space<vmem_shared>> -> memref<80x128xf32, #tpu.memory_space<vmem_shared>>
        %dma_wait3A_155 = arith.constant 0 : i32
        %dma_wait3A_156 = tpu.memref_slice %arg7[%add3A_133, %dma_wait3A_155] : memref<10000x128xf32, #tpu.memory_space<vmem_shared>> -> memref<80x128xf32, #tpu.memory_space<vmem_shared>>
        %dma_wait3A_157 = arith.constant 0 : i32
        %dma_wait3A_158 = arith.constant 0 : i32
        %dma_wait3A_159 = tpu.memref_slice %arg10[%cond3A_23, %dma_wait3A_157, %dma_wait3A_158] : memref<3x80x128xf32, #tpu.memory_space<vmem>> -> memref<1x80x128xf32, #tpu.memory_space<vmem>>
        %dma_wait3A_160 = tpu.memref_squeeze %dma_wait3A_159 : memref<1x80x128xf32, #tpu.memory_space<vmem>> -> memref<80x128xf32, #tpu.memory_space<vmem>>
        tpu.wait_dma2 semaphore(%run_scoped3A_136 : memref<!tpu.dma_semaphore, #tpu.memory_space<semaphore_mem>>) src(%dma_wait3A_160 : memref<80x128xf32, #tpu.memory_space<vmem>>) dst(%dma_wait3A_156 : memref<80x128xf32, #tpu.memory_space<vmem_shared>>)
        tpu.yield
      }) : () -> ()
      %add3A_134 = arith.constant 560 : i32
      %add3A_135 = arith.addi %mul3A_2, %add3A_134 : i32
      "tpu.region"() ({
        %run_scoped3A_136 = tpu.sem_alloc : memref<!tpu.dma_semaphore, #tpu.memory_space<semaphore_mem>>
        %dma_start3A_137 = arith.constant 0 : i32
        %dma_start3A_138 = arith.constant 0 : i32
        %dma_start3A_139 = tpu.memref_slice %arg10[%cond3A_23, %dma_start3A_137, %dma_start3A_138] : memref<3x80x128xf32, #tpu.memory_space<vmem>> -> memref<1x80x128xf32, #tpu.memory_space<vmem>>
        %dma_start3A_140 = tpu.memref_squeeze %dma_start3A_139 : memref<1x80x128xf32, #tpu.memory_space<vmem>> -> memref<80x128xf32, #tpu.memory_space<vmem>>
        %dma_start3A_141 = arith.constant 0 : i32
        %dma_start3A_142 = tpu.memref_slice %arg7[%add3A_135, %dma_start3A_141] : memref<10000x128xf32, #tpu.memory_space<vmem_shared>> -> memref<80x128xf32, #tpu.memory_space<vmem_shared>>
        %dma_start3A_143 = arith.constant 0 : i32
        %dma_start3A_144 = tpu.memref_slice %arg7[%add3A_135, %dma_start3A_143] : memref<10000x128xf32, #tpu.memory_space<vmem_shared>> -> memref<80x128xf32, #tpu.memory_space<vmem_shared>>
        %dma_start3A_145 = arith.constant 0 : i32
        %dma_start3A_146 = arith.constant 0 : i32
        %dma_start3A_147 = tpu.memref_slice %arg10[%cond3A_23, %dma_start3A_145, %dma_start3A_146] : memref<3x80x128xf32, #tpu.memory_space<vmem>> -> memref<1x80x128xf32, #tpu.memory_space<vmem>>
        %dma_start3A_148 = tpu.memref_squeeze %dma_start3A_147 : memref<1x80x128xf32, #tpu.memory_space<vmem>> -> memref<80x128xf32, #tpu.memory_space<vmem>>
        tpu.enqueue_dma source(%dma_start3A_148 : memref<80x128xf32, #tpu.memory_space<vmem>>) target(%dma_start3A_144 : memref<80x128xf32, #tpu.memory_space<vmem_shared>>) target_semaphore(%run_scoped3A_136 : memref<!tpu.dma_semaphore, #tpu.memory_space<semaphore_mem>>)
        %dma_wait3A_149 = arith.constant 0 : i32
        %dma_wait3A_150 = arith.constant 0 : i32
        %dma_wait3A_151 = tpu.memref_slice %arg10[%cond3A_23, %dma_wait3A_149, %dma_wait3A_150] : memref<3x80x128xf32, #tpu.memory_space<vmem>> -> memref<1x80x128xf32, #tpu.memory_space<vmem>>
        %dma_wait3A_152 = tpu.memref_squeeze %dma_wait3A_151 : memref<1x80x128xf32, #tpu.memory_space<vmem>> -> memref<80x128xf32, #tpu.memory_space<vmem>>
        %dma_wait3A_153 = arith.constant 0 : i32
        %dma_wait3A_154 = tpu.memref_slice %arg7[%add3A_135, %dma_wait3A_153] : memref<10000x128xf32, #tpu.memory_space<vmem_shared>> -> memref<80x128xf32, #tpu.memory_space<vmem_shared>>
        %dma_wait3A_155 = arith.constant 0 : i32
        %dma_wait3A_156 = tpu.memref_slice %arg7[%add3A_135, %dma_wait3A_155] : memref<10000x128xf32, #tpu.memory_space<vmem_shared>> -> memref<80x128xf32, #tpu.memory_space<vmem_shared>>
        %dma_wait3A_157 = arith.constant 0 : i32
        %dma_wait3A_158 = arith.constant 0 : i32
        %dma_wait3A_159 = tpu.memref_slice %arg10[%cond3A_23, %dma_wait3A_157, %dma_wait3A_158] : memref<3x80x128xf32, #tpu.memory_space<vmem>> -> memref<1x80x128xf32, #tpu.memory_space<vmem>>
        %dma_wait3A_160 = tpu.memref_squeeze %dma_wait3A_159 : memref<1x80x128xf32, #tpu.memory_space<vmem>> -> memref<80x128xf32, #tpu.memory_space<vmem>>
        tpu.wait_dma2 semaphore(%run_scoped3A_136 : memref<!tpu.dma_semaphore, #tpu.memory_space<semaphore_mem>>) src(%dma_wait3A_160 : memref<80x128xf32, #tpu.memory_space<vmem>>) dst(%dma_wait3A_156 : memref<80x128xf32, #tpu.memory_space<vmem_shared>>)
        tpu.yield
      }) : () -> ()
    } else {
    }
    %barrier3A = arith.constant 0 : index
    tpu.barrier barrier_id(%barrier3A)
    %scan3A_26 = arith.constant 0 : i32
    %scan3A_27 = arith.constant 0 : i32
    %scan3A_28 = arith.constant 125 : i32
    %scan3A_29 = arith.addi %scan3A_27, %scan3A_28 : i32
    %scan3A_30 = arith.constant 1 : i32
    scf.for %scan3A_120 = %scan3A_27 to %scan3A_29 step %scan3A_30  : i32 {
      %mul3A_121 = arith.constant 80 : i32
      %mul3A_122 = arith.muli %scan3A_120, %mul3A_121 : i32
      %dma_start3A_123 = arith.constant 2 : i32
      %dma_start3A_124 = arith.constant 0 : i32
      %dma_start3A_125 = arith.constant 0 : i32
      %dma_start3A_126 = tpu.memref_slice %arg10[%dma_start3A_123, %dma_start3A_124, %dma_start3A_125] : memref<3x80x128xf32, #tpu.memory_space<vmem>> -> memref<1x80x128xf32, #tpu.memory_space<vmem>>
      %dma_start3A_127 = tpu.memref_squeeze %dma_start3A_126 : memref<1x80x128xf32, #tpu.memory_space<vmem>> -> memref<80x128xf32, #tpu.memory_space<vmem>>
      %dma_start3A_128 = tpu.memref_slice %arg9[%mul3A_122] : memref<10000xi32, #tpu.memory_space<vmem>> -> memref<80xi32, #tpu.memory_space<vmem>>
      %dma_start3A_129 = arith.constant 0 : i32
      %dma_start3A_130 = arith.constant 0 : i32
      %dma_start3A_131 = tpu.memref_slice %arg7[%dma_start3A_129, %dma_start3A_130] : memref<10000x128xf32, #tpu.memory_space<vmem_shared>> -> memref<10000x128xf32, #tpu.memory_space<vmem_shared>>
      tpu.enqueue_indirect_dma source(%dma_start3A_127 : memref<80x128xf32, #tpu.memory_space<vmem>>) target(%dma_start3A_131 : memref<10000x128xf32, #tpu.memory_space<vmem_shared>>) offsets(%dma_start3A_128 : memref<80xi32, #tpu.memory_space<vmem>>) semaphore(%arg11 : memref<!tpu.dma_semaphore, #tpu.memory_space<semaphore_mem>>) {add = true}
    }
    %scan3A_31 = arith.constant 125 : i32
    %scan3A_32 = arith.constant 0 : i32
    %scan3A_33 = arith.constant 0 : i32
    %scan3A_34 = arith.constant 125 : i32
    %scan3A_35 = arith.addi %scan3A_33, %scan3A_34 : i32
    %scan3A_36 = arith.constant 1 : i32
    scf.for %scan3A_120 = %scan3A_33 to %scan3A_35 step %scan3A_36  : i32 {
      %mul3A_121 = arith.constant 80 : i32
      %mul3A_122 = arith.muli %scan3A_120, %mul3A_121 : i32
      %dma_wait3A_123 = arith.constant 2 : i32
      %dma_wait3A_124 = arith.constant 0 : i32
      %dma_wait3A_125 = arith.constant 0 : i32
      %dma_wait3A_126 = tpu.memref_slice %arg10[%dma_wait3A_123, %dma_wait3A_124, %dma_wait3A_125] : memref<3x80x128xf32, #tpu.memory_space<vmem>> -> memref<1x80x128xf32, #tpu.memory_space<vmem>>
      %dma_wait3A_127 = tpu.memref_squeeze %dma_wait3A_126 : memref<1x80x128xf32, #tpu.memory_space<vmem>> -> memref<80x128xf32, #tpu.memory_space<vmem>>
      %dma_wait3A_128 = tpu.memref_slice %arg9[%mul3A_122] : memref<10000xi32, #tpu.memory_space<vmem>> -> memref<80xi32, #tpu.memory_space<vmem>>
      %dma_wait3A_129 = arith.constant 0 : i32
      %dma_wait3A_130 = arith.constant 0 : i32
      %dma_wait3A_131 = tpu.memref_slice %arg7[%dma_wait3A_129, %dma_wait3A_130] : memref<10000x128xf32, #tpu.memory_space<vmem_shared>> -> memref<10000x128xf32, #tpu.memory_space<vmem_shared>>
      tpu.wait_indirect_dma semaphore(%arg11 : memref<!tpu.dma_semaphore, #tpu.memory_space<semaphore_mem>>) src(%dma_wait3A_127 : memref<80x128xf32, #tpu.memory_space<vmem>>) dst(%dma_wait3A_131 : memref<10000x128xf32, #tpu.memory_space<vmem_shared>>)
    }
    %scan3A_37 = arith.constant 125 : i32
    %barrier3A_38 = arith.constant 0 : index
    tpu.barrier barrier_id(%barrier3A_38)
    %not3A_39 = arith.constant true
    %not3A_40 = arith.xori %eq3A_3, %not3A_39 : i1
    %convert_element_type3A_41 = arith.extui %not3A_40 : i1 to i32
    %cond3A_42 = arith.constant 0 : i32
    %cond3A_43 = arith.cmpi ne, %convert_element_type3A_41, %cond3A_42 : i32
    scf.if %cond3A_43 {
      "tpu.region"() ({
        %run_scoped3A_120 = tpu.sem_alloc : memref<!tpu.dma_semaphore, #tpu.memory_space<semaphore_mem>>
        %dma_start3A_121 = arith.constant 0 : i32
        %dma_start3A_122 = tpu.memref_slice %arg6[%arg0, %mul3A_2, %dma_start3A_121] : memref<2x10000x128xf32, #tpu.memory_space<hbm>> -> memref<1x624x128xf32, #tpu.memory_space<hbm>>
        %dma_start3A_123 = tpu.memref_squeeze %dma_start3A_122 : memref<1x624x128xf32, #tpu.memory_space<hbm>> -> memref<624x128xf32, #tpu.memory_space<hbm>>
        %dma_start3A_124 = arith.constant 0 : i32
        %dma_start3A_125 = tpu.memref_slice %arg7[%mul3A_2, %dma_start3A_124] : memref<10000x128xf32, #tpu.memory_space<vmem_shared>> -> memref<624x128xf32, #tpu.memory_space<vmem_shared>>
        tpu.enqueue_dma source(%dma_start3A_125 : memref<624x128xf32, #tpu.memory_space<vmem_shared>>) target(%dma_start3A_123 : memref<624x128xf32, #tpu.memory_space<hbm>>) target_semaphore(%run_scoped3A_120 : memref<!tpu.dma_semaphore, #tpu.memory_space<semaphore_mem>>)
        %dma_wait3A_126 = arith.constant 0 : i32
        %dma_wait3A_127 = tpu.memref_slice %arg6[%arg0, %mul3A_2, %dma_wait3A_126] : memref<2x10000x128xf32, #tpu.memory_space<hbm>> -> memref<1x624x128xf32, #tpu.memory_space<hbm>>
        %dma_wait3A_128 = tpu.memref_squeeze %dma_wait3A_127 : memref<1x624x128xf32, #tpu.memory_space<hbm>> -> memref<624x128xf32, #tpu.memory_space<hbm>>
        %dma_wait3A_129 = arith.constant 0 : i32
        %dma_wait3A_130 = tpu.memref_slice %arg7[%mul3A_2, %dma_wait3A_129] : memref<10000x128xf32, #tpu.memory_space<vmem_shared>> -> memref<624x128xf32, #tpu.memory_space<vmem_shared>>
        tpu.wait_dma2 semaphore(%run_scoped3A_120 : memref<!tpu.dma_semaphore, #tpu.memory_space<semaphore_mem>>) src(%dma_wait3A_130 : memref<624x128xf32, #tpu.memory_space<vmem_shared>>) dst(%dma_wait3A_128 : memref<624x128xf32, #tpu.memory_space<hbm>>)
        tpu.yield
      }) : () -> ()
    } else {
    }
    %convert_element_type3A_44 = arith.extui %eq3A_3 : i1 to i32
    %cond3A_45 = arith.constant 0 : i32
    %cond3A_46 = arith.cmpi ne, %convert_element_type3A_44, %cond3A_45 : i32
    scf.if %cond3A_46 {
      "tpu.region"() ({
        %run_scoped3A_120 = tpu.sem_alloc : memref<!tpu.dma_semaphore, #tpu.memory_space<semaphore_mem>>
        %dma_start3A_121 = arith.constant 0 : i32
        %dma_start3A_122 = tpu.memref_slice %arg6[%arg0, %mul3A_2, %dma_start3A_121] : memref<2x10000x128xf32, #tpu.memory_space<hbm>> -> memref<1x640x128xf32, #tpu.memory_space<hbm>>
        %dma_start3A_123 = tpu.memref_squeeze %dma_start3A_122 : memref<1x640x128xf32, #tpu.memory_space<hbm>> -> memref<640x128xf32, #tpu.memory_space<hbm>>
        %dma_start3A_124 = arith.constant 0 : i32
        %dma_start3A_125 = tpu.memref_slice %arg7[%mul3A_2, %dma_start3A_124] : memref<10000x128xf32, #tpu.memory_space<vmem_shared>> -> memref<640x128xf32, #tpu.memory_space<vmem_shared>>
        tpu.enqueue_dma source(%dma_start3A_125 : memref<640x128xf32, #tpu.memory_space<vmem_shared>>) target(%dma_start3A_123 : memref<640x128xf32, #tpu.memory_space<hbm>>) target_semaphore(%run_scoped3A_120 : memref<!tpu.dma_semaphore, #tpu.memory_space<semaphore_mem>>)
        %dma_wait3A_126 = arith.constant 0 : i32
        %dma_wait3A_127 = tpu.memref_slice %arg6[%arg0, %mul3A_2, %dma_wait3A_126] : memref<2x10000x128xf32, #tpu.memory_space<hbm>> -> memref<1x640x128xf32, #tpu.memory_space<hbm>>
        %dma_wait3A_128 = tpu.memref_squeeze %dma_wait3A_127 : memref<1x640x128xf32, #tpu.memory_space<hbm>> -> memref<640x128xf32, #tpu.memory_space<hbm>>
        %dma_wait3A_129 = arith.constant 0 : i32
        %dma_wait3A_130 = tpu.memref_slice %arg7[%mul3A_2, %dma_wait3A_129] : memref<10000x128xf32, #tpu.memory_space<vmem_shared>> -> memref<640x128xf32, #tpu.memory_space<vmem_shared>>
        tpu.wait_dma2 semaphore(%run_scoped3A_120 : memref<!tpu.dma_semaphore, #tpu.memory_space<semaphore_mem>>) src(%dma_wait3A_130 : memref<640x128xf32, #tpu.memory_space<vmem_shared>>) dst(%dma_wait3A_128 : memref<640x128xf32, #tpu.memory_space<hbm>>)
        tpu.yield
      }) : () -> ()
    } else {
    }
    %barrier3A_47 = arith.constant 0 : index
    tpu.barrier barrier_id(%barrier3A_47)
    %eq3A_48 = arith.constant 0 : i32
    %eq3A_49 = arith.cmpi eq, %arg0, %eq3A_48 : i32
    %not3A_50 = arith.constant true
    %not3A_51 = arith.xori %eq3A_3, %not3A_50 : i1
    %and3A = arith.andi %eq3A_49, %not3A_51 : i1
    %convert_element_type3A_52 = arith.extui %and3A : i1 to i32
    %cond3A_53 = arith.constant 0 : i32
    %cond3A_54 = arith.cmpi ne, %convert_element_type3A_52, %cond3A_53 : i32
    scf.if %cond3A_54 {
      "tpu.region"() ({
        %run_scoped3A_120 = tpu.sem_alloc : memref<!tpu.dma_semaphore, #tpu.memory_space<semaphore_mem>>
        %dma_start3A_121 = arith.constant 0 : i32
        %dma_start3A_122 = tpu.memref_slice %arg7[%mul3A_2, %dma_start3A_121] : memref<10000x128xf32, #tpu.memory_space<vmem_shared>> -> memref<624x128xf32, #tpu.memory_space<vmem_shared>>
        %dma_start3A_123 = arith.constant 0 : i32
        %dma_start3A_124 = tpu.memref_slice %arg2[%mul3A_2, %dma_start3A_123] : memref<10000x128xf32, #tpu.memory_space<hbm>> -> memref<624x128xf32, #tpu.memory_space<hbm>>
        tpu.enqueue_dma source(%dma_start3A_124 : memref<624x128xf32, #tpu.memory_space<hbm>>) target(%dma_start3A_122 : memref<624x128xf32, #tpu.memory_space<vmem_shared>>) target_semaphore(%run_scoped3A_120 : memref<!tpu.dma_semaphore, #tpu.memory_space<semaphore_mem>>)
        %dma_wait3A_125 = arith.constant 0 : i32
        %dma_wait3A_126 = tpu.memref_slice %arg7[%mul3A_2, %dma_wait3A_125] : memref<10000x128xf32, #tpu.memory_space<vmem_shared>> -> memref<624x128xf32, #tpu.memory_space<vmem_shared>>
        %dma_wait3A_127 = arith.constant 0 : i32
        %dma_wait3A_128 = tpu.memref_slice %arg2[%mul3A_2, %dma_wait3A_127] : memref<10000x128xf32, #tpu.memory_space<hbm>> -> memref<624x128xf32, #tpu.memory_space<hbm>>
        tpu.wait_dma2 semaphore(%run_scoped3A_120 : memref<!tpu.dma_semaphore, #tpu.memory_space<semaphore_mem>>) src(%dma_wait3A_128 : memref<624x128xf32, #tpu.memory_space<hbm>>) dst(%dma_wait3A_126 : memref<624x128xf32, #tpu.memory_space<vmem_shared>>)
        tpu.yield
      }) : () -> ()
    } else {
    }
    %eq3A_55 = arith.constant 0 : i32
    %eq3A_56 = arith.cmpi eq, %arg0, %eq3A_55 : i32
    %and3A_57 = arith.andi %eq3A_56, %eq3A_3 : i1
    %convert_element_type3A_58 = arith.extui %and3A_57 : i1 to i32
    %cond3A_59 = arith.constant 0 : i32
    %cond3A_60 = arith.cmpi ne, %convert_element_type3A_58, %cond3A_59 : i32
    scf.if %cond3A_60 {
      "tpu.region"() ({
        %run_scoped3A_120 = tpu.sem_alloc : memref<!tpu.dma_semaphore, #tpu.memory_space<semaphore_mem>>
        %dma_start3A_121 = arith.constant 0 : i32
        %dma_start3A_122 = tpu.memref_slice %arg7[%mul3A_2, %dma_start3A_121] : memref<10000x128xf32, #tpu.memory_space<vmem_shared>> -> memref<640x128xf32, #tpu.memory_space<vmem_shared>>
        %dma_start3A_123 = arith.constant 0 : i32
        %dma_start3A_124 = tpu.memref_slice %arg2[%mul3A_2, %dma_start3A_123] : memref<10000x128xf32, #tpu.memory_space<hbm>> -> memref<640x128xf32, #tpu.memory_space<hbm>>
        tpu.enqueue_dma source(%dma_start3A_124 : memref<640x128xf32, #tpu.memory_space<hbm>>) target(%dma_start3A_122 : memref<640x128xf32, #tpu.memory_space<vmem_shared>>) target_semaphore(%run_scoped3A_120 : memref<!tpu.dma_semaphore, #tpu.memory_space<semaphore_mem>>)
        %dma_wait3A_125 = arith.constant 0 : i32
        %dma_wait3A_126 = tpu.memref_slice %arg7[%mul3A_2, %dma_wait3A_125] : memref<10000x128xf32, #tpu.memory_space<vmem_shared>> -> memref<640x128xf32, #tpu.memory_space<vmem_shared>>
        %dma_wait3A_127 = arith.constant 0 : i32
        %dma_wait3A_128 = tpu.memref_slice %arg2[%mul3A_2, %dma_wait3A_127] : memref<10000x128xf32, #tpu.memory_space<hbm>> -> memref<640x128xf32, #tpu.memory_space<hbm>>
        tpu.wait_dma2 semaphore(%run_scoped3A_120 : memref<!tpu.dma_semaphore, #tpu.memory_space<semaphore_mem>>) src(%dma_wait3A_128 : memref<640x128xf32, #tpu.memory_space<hbm>>) dst(%dma_wait3A_126 : memref<640x128xf32, #tpu.memory_space<vmem_shared>>)
        tpu.yield
      }) : () -> ()
    } else {
    }
    %ne3A = arith.constant 0 : i32
    %ne3A_61 = arith.cmpi ne, %arg0, %ne3A : i32
    %convert_element_type3A_62 = arith.extui %ne3A_61 : i1 to i32
    %cond3A_63 = arith.constant 0 : i32
    %cond3A_64 = arith.cmpi ne, %convert_element_type3A_62, %cond3A_63 : i32
    scf.if %cond3A_64 {
      %not3A_120 = arith.constant true
      %not3A_121 = arith.xori %eq3A_3, %not3A_120 : i1
      %convert_element_type3A_122 = arith.extui %not3A_121 : i1 to i32
      %cond3A_123 = arith.constant 0 : i32
      %cond3A_124 = arith.constant 0 : i32
      %cond3A_125 = arith.cmpi ne, %convert_element_type3A_122, %cond3A_124 : i32
      scf.if %cond3A_125 {
        %add3A_130 = arith.constant 0 : i32
        %add3A_131 = arith.addi %mul3A_2, %add3A_130 : i32
        "tpu.region"() ({
          %run_scoped3A_146 = tpu.sem_alloc : memref<!tpu.dma_semaphore, #tpu.memory_space<semaphore_mem>>
          %dma_start3A_147 = arith.constant 0 : i32
          %dma_start3A_148 = arith.constant 0 : i32
          %dma_start3A_149 = tpu.memref_slice %arg10[%cond3A_123, %dma_start3A_147, %dma_start3A_148] : memref<3x80x128xf32, #tpu.memory_space<vmem>> -> memref<1x80x128xf32, #tpu.memory_space<vmem>>
          %dma_start3A_150 = tpu.memref_squeeze %dma_start3A_149 : memref<1x80x128xf32, #tpu.memory_space<vmem>> -> memref<80x128xf32, #tpu.memory_space<vmem>>
          %dma_start3A_151 = arith.constant 0 : i32
          %dma_start3A_152 = tpu.memref_slice %arg7[%add3A_131, %dma_start3A_151] : memref<10000x128xf32, #tpu.memory_space<vmem_shared>> -> memref<80x128xf32, #tpu.memory_space<vmem_shared>>
          %dma_start3A_153 = arith.constant 0 : i32
          %dma_start3A_154 = tpu.memref_slice %arg7[%add3A_131, %dma_start3A_153] : memref<10000x128xf32, #tpu.memory_space<vmem_shared>> -> memref<80x128xf32, #tpu.memory_space<vmem_shared>>
          %dma_start3A_155 = arith.constant 0 : i32
          %dma_start3A_156 = arith.constant 0 : i32
          %dma_start3A_157 = tpu.memref_slice %arg10[%cond3A_123, %dma_start3A_155, %dma_start3A_156] : memref<3x80x128xf32, #tpu.memory_space<vmem>> -> memref<1x80x128xf32, #tpu.memory_space<vmem>>
          %dma_start3A_158 = tpu.memref_squeeze %dma_start3A_157 : memref<1x80x128xf32, #tpu.memory_space<vmem>> -> memref<80x128xf32, #tpu.memory_space<vmem>>
          tpu.enqueue_dma source(%dma_start3A_158 : memref<80x128xf32, #tpu.memory_space<vmem>>) target(%dma_start3A_154 : memref<80x128xf32, #tpu.memory_space<vmem_shared>>) target_semaphore(%run_scoped3A_146 : memref<!tpu.dma_semaphore, #tpu.memory_space<semaphore_mem>>)
          %dma_wait3A_159 = arith.constant 0 : i32
          %dma_wait3A_160 = arith.constant 0 : i32
          %dma_wait3A_161 = tpu.memref_slice %arg10[%cond3A_123, %dma_wait3A_159, %dma_wait3A_160] : memref<3x80x128xf32, #tpu.memory_space<vmem>> -> memref<1x80x128xf32, #tpu.memory_space<vmem>>
          %dma_wait3A_162 = tpu.memref_squeeze %dma_wait3A_161 : memref<1x80x128xf32, #tpu.memory_space<vmem>> -> memref<80x128xf32, #tpu.memory_space<vmem>>
          %dma_wait3A_163 = arith.constant 0 : i32
          %dma_wait3A_164 = tpu.memref_slice %arg7[%add3A_131, %dma_wait3A_163] : memref<10000x128xf32, #tpu.memory_space<vmem_shared>> -> memref<80x128xf32, #tpu.memory_space<vmem_shared>>
          %dma_wait3A_165 = arith.constant 0 : i32
          %dma_wait3A_166 = tpu.memref_slice %arg7[%add3A_131, %dma_wait3A_165] : memref<10000x128xf32, #tpu.memory_space<vmem_shared>> -> memref<80x128xf32, #tpu.memory_space<vmem_shared>>
          %dma_wait3A_167 = arith.constant 0 : i32
          %dma_wait3A_168 = arith.constant 0 : i32
          %dma_wait3A_169 = tpu.memref_slice %arg10[%cond3A_123, %dma_wait3A_167, %dma_wait3A_168] : memref<3x80x128xf32, #tpu.memory_space<vmem>> -> memref<1x80x128xf32, #tpu.memory_space<vmem>>
          %dma_wait3A_170 = tpu.memref_squeeze %dma_wait3A_169 : memref<1x80x128xf32, #tpu.memory_space<vmem>> -> memref<80x128xf32, #tpu.memory_space<vmem>>
          tpu.wait_dma2 semaphore(%run_scoped3A_146 : memref<!tpu.dma_semaphore, #tpu.memory_space<semaphore_mem>>) src(%dma_wait3A_170 : memref<80x128xf32, #tpu.memory_space<vmem>>) dst(%dma_wait3A_166 : memref<80x128xf32, #tpu.memory_space<vmem_shared>>)
          tpu.yield
        }) : () -> ()
        %add3A_132 = arith.constant 80 : i32
        %add3A_133 = arith.addi %mul3A_2, %add3A_132 : i32
        "tpu.region"() ({
          %run_scoped3A_146 = tpu.sem_alloc : memref<!tpu.dma_semaphore, #tpu.memory_space<semaphore_mem>>
          %dma_start3A_147 = arith.constant 0 : i32
          %dma_start3A_148 = arith.constant 0 : i32
          %dma_start3A_149 = tpu.memref_slice %arg10[%cond3A_123, %dma_start3A_147, %dma_start3A_148] : memref<3x80x128xf32, #tpu.memory_space<vmem>> -> memref<1x80x128xf32, #tpu.memory_space<vmem>>
          %dma_start3A_150 = tpu.memref_squeeze %dma_start3A_149 : memref<1x80x128xf32, #tpu.memory_space<vmem>> -> memref<80x128xf32, #tpu.memory_space<vmem>>
          %dma_start3A_151 = arith.constant 0 : i32
          %dma_start3A_152 = tpu.memref_slice %arg7[%add3A_133, %dma_start3A_151] : memref<10000x128xf32, #tpu.memory_space<vmem_shared>> -> memref<80x128xf32, #tpu.memory_space<vmem_shared>>
          %dma_start3A_153 = arith.constant 0 : i32
          %dma_start3A_154 = tpu.memref_slice %arg7[%add3A_133, %dma_start3A_153] : memref<10000x128xf32, #tpu.memory_space<vmem_shared>> -> memref<80x128xf32, #tpu.memory_space<vmem_shared>>
          %dma_start3A_155 = arith.constant 0 : i32
          %dma_start3A_156 = arith.constant 0 : i32
          %dma_start3A_157 = tpu.memref_slice %arg10[%cond3A_123, %dma_start3A_155, %dma_start3A_156] : memref<3x80x128xf32, #tpu.memory_space<vmem>> -> memref<1x80x128xf32, #tpu.memory_space<vmem>>
          %dma_start3A_158 = tpu.memref_squeeze %dma_start3A_157 : memref<1x80x128xf32, #tpu.memory_space<vmem>> -> memref<80x128xf32, #tpu.memory_space<vmem>>
          tpu.enqueue_dma source(%dma_start3A_158 : memref<80x128xf32, #tpu.memory_space<vmem>>) target(%dma_start3A_154 : memref<80x128xf32, #tpu.memory_space<vmem_shared>>) target_semaphore(%run_scoped3A_146 : memref<!tpu.dma_semaphore, #tpu.memory_space<semaphore_mem>>)
          %dma_wait3A_159 = arith.constant 0 : i32
          %dma_wait3A_160 = arith.constant 0 : i32
          %dma_wait3A_161 = tpu.memref_slice %arg10[%cond3A_123, %dma_wait3A_159, %dma_wait3A_160] : memref<3x80x128xf32, #tpu.memory_space<vmem>> -> memref<1x80x128xf32, #tpu.memory_space<vmem>>
          %dma_wait3A_162 = tpu.memref_squeeze %dma_wait3A_161 : memref<1x80x128xf32, #tpu.memory_space<vmem>> -> memref<80x128xf32, #tpu.memory_space<vmem>>
          %dma_wait3A_163 = arith.constant 0 : i32
          %dma_wait3A_164 = tpu.memref_slice %arg7[%add3A_133, %dma_wait3A_163] : memref<10000x128xf32, #tpu.memory_space<vmem_shared>> -> memref<80x128xf32, #tpu.memory_space<vmem_shared>>
          %dma_wait3A_165 = arith.constant 0 : i32
          %dma_wait3A_166 = tpu.memref_slice %arg7[%add3A_133, %dma_wait3A_165] : memref<10000x128xf32, #tpu.memory_space<vmem_shared>> -> memref<80x128xf32, #tpu.memory_space<vmem_shared>>
          %dma_wait3A_167 = arith.constant 0 : i32
          %dma_wait3A_168 = arith.constant 0 : i32
          %dma_wait3A_169 = tpu.memref_slice %arg10[%cond3A_123, %dma_wait3A_167, %dma_wait3A_168] : memref<3x80x128xf32, #tpu.memory_space<vmem>> -> memref<1x80x128xf32, #tpu.memory_space<vmem>>
          %dma_wait3A_170 = tpu.memref_squeeze %dma_wait3A_169 : memref<1x80x128xf32, #tpu.memory_space<vmem>> -> memref<80x128xf32, #tpu.memory_space<vmem>>
          tpu.wait_dma2 semaphore(%run_scoped3A_146 : memref<!tpu.dma_semaphore, #tpu.memory_space<semaphore_mem>>) src(%dma_wait3A_170 : memref<80x128xf32, #tpu.memory_space<vmem>>) dst(%dma_wait3A_166 : memref<80x128xf32, #tpu.memory_space<vmem_shared>>)
          tpu.yield
        }) : () -> ()
        %add3A_134 = arith.constant 160 : i32
        %add3A_135 = arith.addi %mul3A_2, %add3A_134 : i32
        "tpu.region"() ({
          %run_scoped3A_146 = tpu.sem_alloc : memref<!tpu.dma_semaphore, #tpu.memory_space<semaphore_mem>>
          %dma_start3A_147 = arith.constant 0 : i32
          %dma_start3A_148 = arith.constant 0 : i32
          %dma_start3A_149 = tpu.memref_slice %arg10[%cond3A_123, %dma_start3A_147, %dma_start3A_148] : memref<3x80x128xf32, #tpu.memory_space<vmem>> -> memref<1x80x128xf32, #tpu.memory_space<vmem>>
          %dma_start3A_150 = tpu.memref_squeeze %dma_start3A_149 : memref<1x80x128xf32, #tpu.memory_space<vmem>> -> memref<80x128xf32, #tpu.memory_space<vmem>>
          %dma_start3A_151 = arith.constant 0 : i32
          %dma_start3A_152 = tpu.memref_slice %arg7[%add3A_135, %dma_start3A_151] : memref<10000x128xf32, #tpu.memory_space<vmem_shared>> -> memref<80x128xf32, #tpu.memory_space<vmem_shared>>
          %dma_start3A_153 = arith.constant 0 : i32
          %dma_start3A_154 = tpu.memref_slice %arg7[%add3A_135, %dma_start3A_153] : memref<10000x128xf32, #tpu.memory_space<vmem_shared>> -> memref<80x128xf32, #tpu.memory_space<vmem_shared>>
          %dma_start3A_155 = arith.constant 0 : i32
          %dma_start3A_156 = arith.constant 0 : i32
          %dma_start3A_157 = tpu.memref_slice %arg10[%cond3A_123, %dma_start3A_155, %dma_start3A_156] : memref<3x80x128xf32, #tpu.memory_space<vmem>> -> memref<1x80x128xf32, #tpu.memory_space<vmem>>
          %dma_start3A_158 = tpu.memref_squeeze %dma_start3A_157 : memref<1x80x128xf32, #tpu.memory_space<vmem>> -> memref<80x128xf32, #tpu.memory_space<vmem>>
          tpu.enqueue_dma source(%dma_start3A_158 : memref<80x128xf32, #tpu.memory_space<vmem>>) target(%dma_start3A_154 : memref<80x128xf32, #tpu.memory_space<vmem_shared>>) target_semaphore(%run_scoped3A_146 : memref<!tpu.dma_semaphore, #tpu.memory_space<semaphore_mem>>)
          %dma_wait3A_159 = arith.constant 0 : i32
          %dma_wait3A_160 = arith.constant 0 : i32
          %dma_wait3A_161 = tpu.memref_slice %arg10[%cond3A_123, %dma_wait3A_159, %dma_wait3A_160] : memref<3x80x128xf32, #tpu.memory_space<vmem>> -> memref<1x80x128xf32, #tpu.memory_space<vmem>>
          %dma_wait3A_162 = tpu.memref_squeeze %dma_wait3A_161 : memref<1x80x128xf32, #tpu.memory_space<vmem>> -> memref<80x128xf32, #tpu.memory_space<vmem>>
          %dma_wait3A_163 = arith.constant 0 : i32
          %dma_wait3A_164 = tpu.memref_slice %arg7[%add3A_135, %dma_wait3A_163] : memref<10000x128xf32, #tpu.memory_space<vmem_shared>> -> memref<80x128xf32, #tpu.memory_space<vmem_shared>>
          %dma_wait3A_165 = arith.constant 0 : i32
          %dma_wait3A_166 = tpu.memref_slice %arg7[%add3A_135, %dma_wait3A_165] : memref<10000x128xf32, #tpu.memory_space<vmem_shared>> -> memref<80x128xf32, #tpu.memory_space<vmem_shared>>
          %dma_wait3A_167 = arith.constant 0 : i32
          %dma_wait3A_168 = arith.constant 0 : i32
          %dma_wait3A_169 = tpu.memref_slice %arg10[%cond3A_123, %dma_wait3A_167, %dma_wait3A_168] : memref<3x80x128xf32, #tpu.memory_space<vmem>> -> memref<1x80x128xf32, #tpu.memory_space<vmem>>
          %dma_wait3A_170 = tpu.memref_squeeze %dma_wait3A_169 : memref<1x80x128xf32, #tpu.memory_space<vmem>> -> memref<80x128xf32, #tpu.memory_space<vmem>>
          tpu.wait_dma2 semaphore(%run_scoped3A_146 : memref<!tpu.dma_semaphore, #tpu.memory_space<semaphore_mem>>) src(%dma_wait3A_170 : memref<80x128xf32, #tpu.memory_space<vmem>>) dst(%dma_wait3A_166 : memref<80x128xf32, #tpu.memory_space<vmem_shared>>)
          tpu.yield
        }) : () -> ()
        %add3A_136 = arith.constant 240 : i32
        %add3A_137 = arith.addi %mul3A_2, %add3A_136 : i32
        "tpu.region"() ({
          %run_scoped3A_146 = tpu.sem_alloc : memref<!tpu.dma_semaphore, #tpu.memory_space<semaphore_mem>>
          %dma_start3A_147 = arith.constant 0 : i32
          %dma_start3A_148 = arith.constant 0 : i32
          %dma_start3A_149 = tpu.memref_slice %arg10[%cond3A_123, %dma_start3A_147, %dma_start3A_148] : memref<3x80x128xf32, #tpu.memory_space<vmem>> -> memref<1x80x128xf32, #tpu.memory_space<vmem>>
          %dma_start3A_150 = tpu.memref_squeeze %dma_start3A_149 : memref<1x80x128xf32, #tpu.memory_space<vmem>> -> memref<80x128xf32, #tpu.memory_space<vmem>>
          %dma_start3A_151 = arith.constant 0 : i32
          %dma_start3A_152 = tpu.memref_slice %arg7[%add3A_137, %dma_start3A_151] : memref<10000x128xf32, #tpu.memory_space<vmem_shared>> -> memref<80x128xf32, #tpu.memory_space<vmem_shared>>
          %dma_start3A_153 = arith.constant 0 : i32
          %dma_start3A_154 = tpu.memref_slice %arg7[%add3A_137, %dma_start3A_153] : memref<10000x128xf32, #tpu.memory_space<vmem_shared>> -> memref<80x128xf32, #tpu.memory_space<vmem_shared>>
          %dma_start3A_155 = arith.constant 0 : i32
          %dma_start3A_156 = arith.constant 0 : i32
          %dma_start3A_157 = tpu.memref_slice %arg10[%cond3A_123, %dma_start3A_155, %dma_start3A_156] : memref<3x80x128xf32, #tpu.memory_space<vmem>> -> memref<1x80x128xf32, #tpu.memory_space<vmem>>
          %dma_start3A_158 = tpu.memref_squeeze %dma_start3A_157 : memref<1x80x128xf32, #tpu.memory_space<vmem>> -> memref<80x128xf32, #tpu.memory_space<vmem>>
          tpu.enqueue_dma source(%dma_start3A_158 : memref<80x128xf32, #tpu.memory_space<vmem>>) target(%dma_start3A_154 : memref<80x128xf32, #tpu.memory_space<vmem_shared>>) target_semaphore(%run_scoped3A_146 : memref<!tpu.dma_semaphore, #tpu.memory_space<semaphore_mem>>)
          %dma_wait3A_159 = arith.constant 0 : i32
          %dma_wait3A_160 = arith.constant 0 : i32
          %dma_wait3A_161 = tpu.memref_slice %arg10[%cond3A_123, %dma_wait3A_159, %dma_wait3A_160] : memref<3x80x128xf32, #tpu.memory_space<vmem>> -> memref<1x80x128xf32, #tpu.memory_space<vmem>>
          %dma_wait3A_162 = tpu.memref_squeeze %dma_wait3A_161 : memref<1x80x128xf32, #tpu.memory_space<vmem>> -> memref<80x128xf32, #tpu.memory_space<vmem>>
          %dma_wait3A_163 = arith.constant 0 : i32
          %dma_wait3A_164 = tpu.memref_slice %arg7[%add3A_137, %dma_wait3A_163] : memref<10000x128xf32, #tpu.memory_space<vmem_shared>> -> memref<80x128xf32, #tpu.memory_space<vmem_shared>>
          %dma_wait3A_165 = arith.constant 0 : i32
          %dma_wait3A_166 = tpu.memref_slice %arg7[%add3A_137, %dma_wait3A_165] : memref<10000x128xf32, #tpu.memory_space<vmem_shared>> -> memref<80x128xf32, #tpu.memory_space<vmem_shared>>
          %dma_wait3A_167 = arith.constant 0 : i32
          %dma_wait3A_168 = arith.constant 0 : i32
          %dma_wait3A_169 = tpu.memref_slice %arg10[%cond3A_123, %dma_wait3A_167, %dma_wait3A_168] : memref<3x80x128xf32, #tpu.memory_space<vmem>> -> memref<1x80x128xf32, #tpu.memory_space<vmem>>
          %dma_wait3A_170 = tpu.memref_squeeze %dma_wait3A_169 : memref<1x80x128xf32, #tpu.memory_space<vmem>> -> memref<80x128xf32, #tpu.memory_space<vmem>>
          tpu.wait_dma2 semaphore(%run_scoped3A_146 : memref<!tpu.dma_semaphore, #tpu.memory_space<semaphore_mem>>) src(%dma_wait3A_170 : memref<80x128xf32, #tpu.memory_space<vmem>>) dst(%dma_wait3A_166 : memref<80x128xf32, #tpu.memory_space<vmem_shared>>)
          tpu.yield
        }) : () -> ()
        %add3A_138 = arith.constant 320 : i32
        %add3A_139 = arith.addi %mul3A_2, %add3A_138 : i32
        "tpu.region"() ({
          %run_scoped3A_146 = tpu.sem_alloc : memref<!tpu.dma_semaphore, #tpu.memory_space<semaphore_mem>>
          %dma_start3A_147 = arith.constant 0 : i32
          %dma_start3A_148 = arith.constant 0 : i32
          %dma_start3A_149 = tpu.memref_slice %arg10[%cond3A_123, %dma_start3A_147, %dma_start3A_148] : memref<3x80x128xf32, #tpu.memory_space<vmem>> -> memref<1x80x128xf32, #tpu.memory_space<vmem>>
          %dma_start3A_150 = tpu.memref_squeeze %dma_start3A_149 : memref<1x80x128xf32, #tpu.memory_space<vmem>> -> memref<80x128xf32, #tpu.memory_space<vmem>>
          %dma_start3A_151 = arith.constant 0 : i32
          %dma_start3A_152 = tpu.memref_slice %arg7[%add3A_139, %dma_start3A_151] : memref<10000x128xf32, #tpu.memory_space<vmem_shared>> -> memref<80x128xf32, #tpu.memory_space<vmem_shared>>
          %dma_start3A_153 = arith.constant 0 : i32
          %dma_start3A_154 = tpu.memref_slice %arg7[%add3A_139, %dma_start3A_153] : memref<10000x128xf32, #tpu.memory_space<vmem_shared>> -> memref<80x128xf32, #tpu.memory_space<vmem_shared>>
          %dma_start3A_155 = arith.constant 0 : i32
          %dma_start3A_156 = arith.constant 0 : i32
          %dma_start3A_157 = tpu.memref_slice %arg10[%cond3A_123, %dma_start3A_155, %dma_start3A_156] : memref<3x80x128xf32, #tpu.memory_space<vmem>> -> memref<1x80x128xf32, #tpu.memory_space<vmem>>
          %dma_start3A_158 = tpu.memref_squeeze %dma_start3A_157 : memref<1x80x128xf32, #tpu.memory_space<vmem>> -> memref<80x128xf32, #tpu.memory_space<vmem>>
          tpu.enqueue_dma source(%dma_start3A_158 : memref<80x128xf32, #tpu.memory_space<vmem>>) target(%dma_start3A_154 : memref<80x128xf32, #tpu.memory_space<vmem_shared>>) target_semaphore(%run_scoped3A_146 : memref<!tpu.dma_semaphore, #tpu.memory_space<semaphore_mem>>)
          %dma_wait3A_159 = arith.constant 0 : i32
          %dma_wait3A_160 = arith.constant 0 : i32
          %dma_wait3A_161 = tpu.memref_slice %arg10[%cond3A_123, %dma_wait3A_159, %dma_wait3A_160] : memref<3x80x128xf32, #tpu.memory_space<vmem>> -> memref<1x80x128xf32, #tpu.memory_space<vmem>>
          %dma_wait3A_162 = tpu.memref_squeeze %dma_wait3A_161 : memref<1x80x128xf32, #tpu.memory_space<vmem>> -> memref<80x128xf32, #tpu.memory_space<vmem>>
          %dma_wait3A_163 = arith.constant 0 : i32
          %dma_wait3A_164 = tpu.memref_slice %arg7[%add3A_139, %dma_wait3A_163] : memref<10000x128xf32, #tpu.memory_space<vmem_shared>> -> memref<80x128xf32, #tpu.memory_space<vmem_shared>>
          %dma_wait3A_165 = arith.constant 0 : i32
          %dma_wait3A_166 = tpu.memref_slice %arg7[%add3A_139, %dma_wait3A_165] : memref<10000x128xf32, #tpu.memory_space<vmem_shared>> -> memref<80x128xf32, #tpu.memory_space<vmem_shared>>
          %dma_wait3A_167 = arith.constant 0 : i32
          %dma_wait3A_168 = arith.constant 0 : i32
          %dma_wait3A_169 = tpu.memref_slice %arg10[%cond3A_123, %dma_wait3A_167, %dma_wait3A_168] : memref<3x80x128xf32, #tpu.memory_space<vmem>> -> memref<1x80x128xf32, #tpu.memory_space<vmem>>
          %dma_wait3A_170 = tpu.memref_squeeze %dma_wait3A_169 : memref<1x80x128xf32, #tpu.memory_space<vmem>> -> memref<80x128xf32, #tpu.memory_space<vmem>>
          tpu.wait_dma2 semaphore(%run_scoped3A_146 : memref<!tpu.dma_semaphore, #tpu.memory_space<semaphore_mem>>) src(%dma_wait3A_170 : memref<80x128xf32, #tpu.memory_space<vmem>>) dst(%dma_wait3A_166 : memref<80x128xf32, #tpu.memory_space<vmem_shared>>)
          tpu.yield
        }) : () -> ()
        %add3A_140 = arith.constant 400 : i32
        %add3A_141 = arith.addi %mul3A_2, %add3A_140 : i32
        "tpu.region"() ({
          %run_scoped3A_146 = tpu.sem_alloc : memref<!tpu.dma_semaphore, #tpu.memory_space<semaphore_mem>>
          %dma_start3A_147 = arith.constant 0 : i32
          %dma_start3A_148 = arith.constant 0 : i32
          %dma_start3A_149 = tpu.memref_slice %arg10[%cond3A_123, %dma_start3A_147, %dma_start3A_148] : memref<3x80x128xf32, #tpu.memory_space<vmem>> -> memref<1x80x128xf32, #tpu.memory_space<vmem>>
          %dma_start3A_150 = tpu.memref_squeeze %dma_start3A_149 : memref<1x80x128xf32, #tpu.memory_space<vmem>> -> memref<80x128xf32, #tpu.memory_space<vmem>>
          %dma_start3A_151 = arith.constant 0 : i32
          %dma_start3A_152 = tpu.memref_slice %arg7[%add3A_141, %dma_start3A_151] : memref<10000x128xf32, #tpu.memory_space<vmem_shared>> -> memref<80x128xf32, #tpu.memory_space<vmem_shared>>
          %dma_start3A_153 = arith.constant 0 : i32
          %dma_start3A_154 = tpu.memref_slice %arg7[%add3A_141, %dma_start3A_153] : memref<10000x128xf32, #tpu.memory_space<vmem_shared>> -> memref<80x128xf32, #tpu.memory_space<vmem_shared>>
          %dma_start3A_155 = arith.constant 0 : i32
          %dma_start3A_156 = arith.constant 0 : i32
          %dma_start3A_157 = tpu.memref_slice %arg10[%cond3A_123, %dma_start3A_155, %dma_start3A_156] : memref<3x80x128xf32, #tpu.memory_space<vmem>> -> memref<1x80x128xf32, #tpu.memory_space<vmem>>
          %dma_start3A_158 = tpu.memref_squeeze %dma_start3A_157 : memref<1x80x128xf32, #tpu.memory_space<vmem>> -> memref<80x128xf32, #tpu.memory_space<vmem>>
          tpu.enqueue_dma source(%dma_start3A_158 : memref<80x128xf32, #tpu.memory_space<vmem>>) target(%dma_start3A_154 : memref<80x128xf32, #tpu.memory_space<vmem_shared>>) target_semaphore(%run_scoped3A_146 : memref<!tpu.dma_semaphore, #tpu.memory_space<semaphore_mem>>)
          %dma_wait3A_159 = arith.constant 0 : i32
          %dma_wait3A_160 = arith.constant 0 : i32
          %dma_wait3A_161 = tpu.memref_slice %arg10[%cond3A_123, %dma_wait3A_159, %dma_wait3A_160] : memref<3x80x128xf32, #tpu.memory_space<vmem>> -> memref<1x80x128xf32, #tpu.memory_space<vmem>>
          %dma_wait3A_162 = tpu.memref_squeeze %dma_wait3A_161 : memref<1x80x128xf32, #tpu.memory_space<vmem>> -> memref<80x128xf32, #tpu.memory_space<vmem>>
          %dma_wait3A_163 = arith.constant 0 : i32
          %dma_wait3A_164 = tpu.memref_slice %arg7[%add3A_141, %dma_wait3A_163] : memref<10000x128xf32, #tpu.memory_space<vmem_shared>> -> memref<80x128xf32, #tpu.memory_space<vmem_shared>>
          %dma_wait3A_165 = arith.constant 0 : i32
          %dma_wait3A_166 = tpu.memref_slice %arg7[%add3A_141, %dma_wait3A_165] : memref<10000x128xf32, #tpu.memory_space<vmem_shared>> -> memref<80x128xf32, #tpu.memory_space<vmem_shared>>
          %dma_wait3A_167 = arith.constant 0 : i32
          %dma_wait3A_168 = arith.constant 0 : i32
          %dma_wait3A_169 = tpu.memref_slice %arg10[%cond3A_123, %dma_wait3A_167, %dma_wait3A_168] : memref<3x80x128xf32, #tpu.memory_space<vmem>> -> memref<1x80x128xf32, #tpu.memory_space<vmem>>
          %dma_wait3A_170 = tpu.memref_squeeze %dma_wait3A_169 : memref<1x80x128xf32, #tpu.memory_space<vmem>> -> memref<80x128xf32, #tpu.memory_space<vmem>>
          tpu.wait_dma2 semaphore(%run_scoped3A_146 : memref<!tpu.dma_semaphore, #tpu.memory_space<semaphore_mem>>) src(%dma_wait3A_170 : memref<80x128xf32, #tpu.memory_space<vmem>>) dst(%dma_wait3A_166 : memref<80x128xf32, #tpu.memory_space<vmem_shared>>)
          tpu.yield
        }) : () -> ()
        %add3A_142 = arith.constant 480 : i32
        %add3A_143 = arith.addi %mul3A_2, %add3A_142 : i32
        "tpu.region"() ({
          %run_scoped3A_146 = tpu.sem_alloc : memref<!tpu.dma_semaphore, #tpu.memory_space<semaphore_mem>>
          %dma_start3A_147 = arith.constant 0 : i32
          %dma_start3A_148 = arith.constant 0 : i32
          %dma_start3A_149 = tpu.memref_slice %arg10[%cond3A_123, %dma_start3A_147, %dma_start3A_148] : memref<3x80x128xf32, #tpu.memory_space<vmem>> -> memref<1x80x128xf32, #tpu.memory_space<vmem>>
          %dma_start3A_150 = tpu.memref_squeeze %dma_start3A_149 : memref<1x80x128xf32, #tpu.memory_space<vmem>> -> memref<80x128xf32, #tpu.memory_space<vmem>>
          %dma_start3A_151 = arith.constant 0 : i32
          %dma_start3A_152 = tpu.memref_slice %arg7[%add3A_143, %dma_start3A_151] : memref<10000x128xf32, #tpu.memory_space<vmem_shared>> -> memref<80x128xf32, #tpu.memory_space<vmem_shared>>
          %dma_start3A_153 = arith.constant 0 : i32
          %dma_start3A_154 = tpu.memref_slice %arg7[%add3A_143, %dma_start3A_153] : memref<10000x128xf32, #tpu.memory_space<vmem_shared>> -> memref<80x128xf32, #tpu.memory_space<vmem_shared>>
          %dma_start3A_155 = arith.constant 0 : i32
          %dma_start3A_156 = arith.constant 0 : i32
          %dma_start3A_157 = tpu.memref_slice %arg10[%cond3A_123, %dma_start3A_155, %dma_start3A_156] : memref<3x80x128xf32, #tpu.memory_space<vmem>> -> memref<1x80x128xf32, #tpu.memory_space<vmem>>
          %dma_start3A_158 = tpu.memref_squeeze %dma_start3A_157 : memref<1x80x128xf32, #tpu.memory_space<vmem>> -> memref<80x128xf32, #tpu.memory_space<vmem>>
          tpu.enqueue_dma source(%dma_start3A_158 : memref<80x128xf32, #tpu.memory_space<vmem>>) target(%dma_start3A_154 : memref<80x128xf32, #tpu.memory_space<vmem_shared>>) target_semaphore(%run_scoped3A_146 : memref<!tpu.dma_semaphore, #tpu.memory_space<semaphore_mem>>)
          %dma_wait3A_159 = arith.constant 0 : i32
          %dma_wait3A_160 = arith.constant 0 : i32
          %dma_wait3A_161 = tpu.memref_slice %arg10[%cond3A_123, %dma_wait3A_159, %dma_wait3A_160] : memref<3x80x128xf32, #tpu.memory_space<vmem>> -> memref<1x80x128xf32, #tpu.memory_space<vmem>>
          %dma_wait3A_162 = tpu.memref_squeeze %dma_wait3A_161 : memref<1x80x128xf32, #tpu.memory_space<vmem>> -> memref<80x128xf32, #tpu.memory_space<vmem>>
          %dma_wait3A_163 = arith.constant 0 : i32
          %dma_wait3A_164 = tpu.memref_slice %arg7[%add3A_143, %dma_wait3A_163] : memref<10000x128xf32, #tpu.memory_space<vmem_shared>> -> memref<80x128xf32, #tpu.memory_space<vmem_shared>>
          %dma_wait3A_165 = arith.constant 0 : i32
          %dma_wait3A_166 = tpu.memref_slice %arg7[%add3A_143, %dma_wait3A_165] : memref<10000x128xf32, #tpu.memory_space<vmem_shared>> -> memref<80x128xf32, #tpu.memory_space<vmem_shared>>
          %dma_wait3A_167 = arith.constant 0 : i32
          %dma_wait3A_168 = arith.constant 0 : i32
          %dma_wait3A_169 = tpu.memref_slice %arg10[%cond3A_123, %dma_wait3A_167, %dma_wait3A_168] : memref<3x80x128xf32, #tpu.memory_space<vmem>> -> memref<1x80x128xf32, #tpu.memory_space<vmem>>
          %dma_wait3A_170 = tpu.memref_squeeze %dma_wait3A_169 : memref<1x80x128xf32, #tpu.memory_space<vmem>> -> memref<80x128xf32, #tpu.memory_space<vmem>>
          tpu.wait_dma2 semaphore(%run_scoped3A_146 : memref<!tpu.dma_semaphore, #tpu.memory_space<semaphore_mem>>) src(%dma_wait3A_170 : memref<80x128xf32, #tpu.memory_space<vmem>>) dst(%dma_wait3A_166 : memref<80x128xf32, #tpu.memory_space<vmem_shared>>)
          tpu.yield
        }) : () -> ()
        %add3A_144 = arith.constant 560 : i32
        %add3A_145 = arith.addi %mul3A_2, %add3A_144 : i32
        "tpu.region"() ({
          %run_scoped3A_146 = tpu.sem_alloc : memref<!tpu.dma_semaphore, #tpu.memory_space<semaphore_mem>>
          %dma_start3A_147 = arith.constant 0 : i32
          %dma_start3A_148 = arith.constant 0 : i32
          %dma_start3A_149 = tpu.memref_slice %arg10[%cond3A_123, %dma_start3A_147, %dma_start3A_148] : memref<3x80x128xf32, #tpu.memory_space<vmem>> -> memref<1x80x128xf32, #tpu.memory_space<vmem>>
          %dma_start3A_150 = tpu.memref_squeeze %dma_start3A_149 : memref<1x80x128xf32, #tpu.memory_space<vmem>> -> memref<80x128xf32, #tpu.memory_space<vmem>>
          %dma_start3A_151 = arith.constant 0 : i32
          %dma_start3A_152 = arith.constant 0 : i32
          %dma_start3A_153 = tpu.memref_slice %dma_start3A_150[%dma_start3A_151, %dma_start3A_152] : memref<80x128xf32, #tpu.memory_space<vmem>> -> memref<64x128xf32, #tpu.memory_space<vmem>>
          %dma_start3A_154 = arith.constant 0 : i32
          %dma_start3A_155 = tpu.memref_slice %arg7[%add3A_145, %dma_start3A_154] : memref<10000x128xf32, #tpu.memory_space<vmem_shared>> -> memref<64x128xf32, #tpu.memory_space<vmem_shared>>
          %dma_start3A_156 = arith.constant 0 : i32
          %dma_start3A_157 = tpu.memref_slice %arg7[%add3A_145, %dma_start3A_156] : memref<10000x128xf32, #tpu.memory_space<vmem_shared>> -> memref<64x128xf32, #tpu.memory_space<vmem_shared>>
          %dma_start3A_158 = arith.constant 0 : i32
          %dma_start3A_159 = arith.constant 0 : i32
          %dma_start3A_160 = tpu.memref_slice %arg10[%cond3A_123, %dma_start3A_158, %dma_start3A_159] : memref<3x80x128xf32, #tpu.memory_space<vmem>> -> memref<1x80x128xf32, #tpu.memory_space<vmem>>
          %dma_start3A_161 = tpu.memref_squeeze %dma_start3A_160 : memref<1x80x128xf32, #tpu.memory_space<vmem>> -> memref<80x128xf32, #tpu.memory_space<vmem>>
          %dma_start3A_162 = arith.constant 0 : i32
          %dma_start3A_163 = arith.constant 0 : i32
          %dma_start3A_164 = tpu.memref_slice %dma_start3A_161[%dma_start3A_162, %dma_start3A_163] : memref<80x128xf32, #tpu.memory_space<vmem>> -> memref<64x128xf32, #tpu.memory_space<vmem>>
          tpu.enqueue_dma source(%dma_start3A_164 : memref<64x128xf32, #tpu.memory_space<vmem>>) target(%dma_start3A_157 : memref<64x128xf32, #tpu.memory_space<vmem_shared>>) target_semaphore(%run_scoped3A_146 : memref<!tpu.dma_semaphore, #tpu.memory_space<semaphore_mem>>)
          %dma_wait3A_165 = arith.constant 0 : i32
          %dma_wait3A_166 = arith.constant 0 : i32
          %dma_wait3A_167 = tpu.memref_slice %arg10[%cond3A_123, %dma_wait3A_165, %dma_wait3A_166] : memref<3x80x128xf32, #tpu.memory_space<vmem>> -> memref<1x80x128xf32, #tpu.memory_space<vmem>>
          %dma_wait3A_168 = tpu.memref_squeeze %dma_wait3A_167 : memref<1x80x128xf32, #tpu.memory_space<vmem>> -> memref<80x128xf32, #tpu.memory_space<vmem>>
          %dma_wait3A_169 = arith.constant 0 : i32
          %dma_wait3A_170 = arith.constant 0 : i32
          %dma_wait3A_171 = tpu.memref_slice %dma_wait3A_168[%dma_wait3A_169, %dma_wait3A_170] : memref<80x128xf32, #tpu.memory_space<vmem>> -> memref<64x128xf32, #tpu.memory_space<vmem>>
          %dma_wait3A_172 = arith.constant 0 : i32
          %dma_wait3A_173 = tpu.memref_slice %arg7[%add3A_145, %dma_wait3A_172] : memref<10000x128xf32, #tpu.memory_space<vmem_shared>> -> memref<64x128xf32, #tpu.memory_space<vmem_shared>>
          %dma_wait3A_174 = arith.constant 0 : i32
          %dma_wait3A_175 = tpu.memref_slice %arg7[%add3A_145, %dma_wait3A_174] : memref<10000x128xf32, #tpu.memory_space<vmem_shared>> -> memref<64x128xf32, #tpu.memory_space<vmem_shared>>
          %dma_wait3A_176 = arith.constant 0 : i32
          %dma_wait3A_177 = arith.constant 0 : i32
          %dma_wait3A_178 = tpu.memref_slice %arg10[%cond3A_123, %dma_wait3A_176, %dma_wait3A_177] : memref<3x80x128xf32, #tpu.memory_space<vmem>> -> memref<1x80x128xf32, #tpu.memory_space<vmem>>
          %dma_wait3A_179 = tpu.memref_squeeze %dma_wait3A_178 : memref<1x80x128xf32, #tpu.memory_space<vmem>> -> memref<80x128xf32, #tpu.memory_space<vmem>>
          %dma_wait3A_180 = arith.constant 0 : i32
          %dma_wait3A_181 = arith.constant 0 : i32
          %dma_wait3A_182 = tpu.memref_slice %dma_wait3A_179[%dma_wait3A_180, %dma_wait3A_181] : memref<80x128xf32, #tpu.memory_space<vmem>> -> memref<64x128xf32, #tpu.memory_space<vmem>>
          tpu.wait_dma2 semaphore(%run_scoped3A_146 : memref<!tpu.dma_semaphore, #tpu.memory_space<semaphore_mem>>) src(%dma_wait3A_182 : memref<64x128xf32, #tpu.memory_space<vmem>>) dst(%dma_wait3A_175 : memref<64x128xf32, #tpu.memory_space<vmem_shared>>)
          tpu.yield
        }) : () -> ()
      } else {
      }
      %convert_element_type3A_126 = arith.extui %eq3A_3 : i1 to i32
      %cond3A_127 = arith.constant 0 : i32
      %cond3A_128 = arith.constant 0 : i32
      %cond3A_129 = arith.cmpi ne, %convert_element_type3A_126, %cond3A_128 : i32
      scf.if %cond3A_129 {
        %add3A_130 = arith.constant 0 : i32
        %add3A_131 = arith.addi %mul3A_2, %add3A_130 : i32
        "tpu.region"() ({
          %run_scoped3A_146 = tpu.sem_alloc : memref<!tpu.dma_semaphore, #tpu.memory_space<semaphore_mem>>
          %dma_start3A_147 = arith.constant 0 : i32
          %dma_start3A_148 = arith.constant 0 : i32
          %dma_start3A_149 = tpu.memref_slice %arg10[%cond3A_127, %dma_start3A_147, %dma_start3A_148] : memref<3x80x128xf32, #tpu.memory_space<vmem>> -> memref<1x80x128xf32, #tpu.memory_space<vmem>>
          %dma_start3A_150 = tpu.memref_squeeze %dma_start3A_149 : memref<1x80x128xf32, #tpu.memory_space<vmem>> -> memref<80x128xf32, #tpu.memory_space<vmem>>
          %dma_start3A_151 = arith.constant 0 : i32
          %dma_start3A_152 = tpu.memref_slice %arg7[%add3A_131, %dma_start3A_151] : memref<10000x128xf32, #tpu.memory_space<vmem_shared>> -> memref<80x128xf32, #tpu.memory_space<vmem_shared>>
          %dma_start3A_153 = arith.constant 0 : i32
          %dma_start3A_154 = tpu.memref_slice %arg7[%add3A_131, %dma_start3A_153] : memref<10000x128xf32, #tpu.memory_space<vmem_shared>> -> memref<80x128xf32, #tpu.memory_space<vmem_shared>>
          %dma_start3A_155 = arith.constant 0 : i32
          %dma_start3A_156 = arith.constant 0 : i32
          %dma_start3A_157 = tpu.memref_slice %arg10[%cond3A_127, %dma_start3A_155, %dma_start3A_156] : memref<3x80x128xf32, #tpu.memory_space<vmem>> -> memref<1x80x128xf32, #tpu.memory_space<vmem>>
          %dma_start3A_158 = tpu.memref_squeeze %dma_start3A_157 : memref<1x80x128xf32, #tpu.memory_space<vmem>> -> memref<80x128xf32, #tpu.memory_space<vmem>>
          tpu.enqueue_dma source(%dma_start3A_158 : memref<80x128xf32, #tpu.memory_space<vmem>>) target(%dma_start3A_154 : memref<80x128xf32, #tpu.memory_space<vmem_shared>>) target_semaphore(%run_scoped3A_146 : memref<!tpu.dma_semaphore, #tpu.memory_space<semaphore_mem>>)
          %dma_wait3A_159 = arith.constant 0 : i32
          %dma_wait3A_160 = arith.constant 0 : i32
          %dma_wait3A_161 = tpu.memref_slice %arg10[%cond3A_127, %dma_wait3A_159, %dma_wait3A_160] : memref<3x80x128xf32, #tpu.memory_space<vmem>> -> memref<1x80x128xf32, #tpu.memory_space<vmem>>
          %dma_wait3A_162 = tpu.memref_squeeze %dma_wait3A_161 : memref<1x80x128xf32, #tpu.memory_space<vmem>> -> memref<80x128xf32, #tpu.memory_space<vmem>>
          %dma_wait3A_163 = arith.constant 0 : i32
          %dma_wait3A_164 = tpu.memref_slice %arg7[%add3A_131, %dma_wait3A_163] : memref<10000x128xf32, #tpu.memory_space<vmem_shared>> -> memref<80x128xf32, #tpu.memory_space<vmem_shared>>
          %dma_wait3A_165 = arith.constant 0 : i32
          %dma_wait3A_166 = tpu.memref_slice %arg7[%add3A_131, %dma_wait3A_165] : memref<10000x128xf32, #tpu.memory_space<vmem_shared>> -> memref<80x128xf32, #tpu.memory_space<vmem_shared>>
          %dma_wait3A_167 = arith.constant 0 : i32
          %dma_wait3A_168 = arith.constant 0 : i32
          %dma_wait3A_169 = tpu.memref_slice %arg10[%cond3A_127, %dma_wait3A_167, %dma_wait3A_168] : memref<3x80x128xf32, #tpu.memory_space<vmem>> -> memref<1x80x128xf32, #tpu.memory_space<vmem>>
          %dma_wait3A_170 = tpu.memref_squeeze %dma_wait3A_169 : memref<1x80x128xf32, #tpu.memory_space<vmem>> -> memref<80x128xf32, #tpu.memory_space<vmem>>
          tpu.wait_dma2 semaphore(%run_scoped3A_146 : memref<!tpu.dma_semaphore, #tpu.memory_space<semaphore_mem>>) src(%dma_wait3A_170 : memref<80x128xf32, #tpu.memory_space<vmem>>) dst(%dma_wait3A_166 : memref<80x128xf32, #tpu.memory_space<vmem_shared>>)
          tpu.yield
        }) : () -> ()
        %add3A_132 = arith.constant 80 : i32
        %add3A_133 = arith.addi %mul3A_2, %add3A_132 : i32
        "tpu.region"() ({
          %run_scoped3A_146 = tpu.sem_alloc : memref<!tpu.dma_semaphore, #tpu.memory_space<semaphore_mem>>
          %dma_start3A_147 = arith.constant 0 : i32
          %dma_start3A_148 = arith.constant 0 : i32
          %dma_start3A_149 = tpu.memref_slice %arg10[%cond3A_127, %dma_start3A_147, %dma_start3A_148] : memref<3x80x128xf32, #tpu.memory_space<vmem>> -> memref<1x80x128xf32, #tpu.memory_space<vmem>>
          %dma_start3A_150 = tpu.memref_squeeze %dma_start3A_149 : memref<1x80x128xf32, #tpu.memory_space<vmem>> -> memref<80x128xf32, #tpu.memory_space<vmem>>
          %dma_start3A_151 = arith.constant 0 : i32
          %dma_start3A_152 = tpu.memref_slice %arg7[%add3A_133, %dma_start3A_151] : memref<10000x128xf32, #tpu.memory_space<vmem_shared>> -> memref<80x128xf32, #tpu.memory_space<vmem_shared>>
          %dma_start3A_153 = arith.constant 0 : i32
          %dma_start3A_154 = tpu.memref_slice %arg7[%add3A_133, %dma_start3A_153] : memref<10000x128xf32, #tpu.memory_space<vmem_shared>> -> memref<80x128xf32, #tpu.memory_space<vmem_shared>>
          %dma_start3A_155 = arith.constant 0 : i32
          %dma_start3A_156 = arith.constant 0 : i32
          %dma_start3A_157 = tpu.memref_slice %arg10[%cond3A_127, %dma_start3A_155, %dma_start3A_156] : memref<3x80x128xf32, #tpu.memory_space<vmem>> -> memref<1x80x128xf32, #tpu.memory_space<vmem>>
          %dma_start3A_158 = tpu.memref_squeeze %dma_start3A_157 : memref<1x80x128xf32, #tpu.memory_space<vmem>> -> memref<80x128xf32, #tpu.memory_space<vmem>>
          tpu.enqueue_dma source(%dma_start3A_158 : memref<80x128xf32, #tpu.memory_space<vmem>>) target(%dma_start3A_154 : memref<80x128xf32, #tpu.memory_space<vmem_shared>>) target_semaphore(%run_scoped3A_146 : memref<!tpu.dma_semaphore, #tpu.memory_space<semaphore_mem>>)
          %dma_wait3A_159 = arith.constant 0 : i32
          %dma_wait3A_160 = arith.constant 0 : i32
          %dma_wait3A_161 = tpu.memref_slice %arg10[%cond3A_127, %dma_wait3A_159, %dma_wait3A_160] : memref<3x80x128xf32, #tpu.memory_space<vmem>> -> memref<1x80x128xf32, #tpu.memory_space<vmem>>
          %dma_wait3A_162 = tpu.memref_squeeze %dma_wait3A_161 : memref<1x80x128xf32, #tpu.memory_space<vmem>> -> memref<80x128xf32, #tpu.memory_space<vmem>>
          %dma_wait3A_163 = arith.constant 0 : i32
          %dma_wait3A_164 = tpu.memref_slice %arg7[%add3A_133, %dma_wait3A_163] : memref<10000x128xf32, #tpu.memory_space<vmem_shared>> -> memref<80x128xf32, #tpu.memory_space<vmem_shared>>
          %dma_wait3A_165 = arith.constant 0 : i32
          %dma_wait3A_166 = tpu.memref_slice %arg7[%add3A_133, %dma_wait3A_165] : memref<10000x128xf32, #tpu.memory_space<vmem_shared>> -> memref<80x128xf32, #tpu.memory_space<vmem_shared>>
          %dma_wait3A_167 = arith.constant 0 : i32
          %dma_wait3A_168 = arith.constant 0 : i32
          %dma_wait3A_169 = tpu.memref_slice %arg10[%cond3A_127, %dma_wait3A_167, %dma_wait3A_168] : memref<3x80x128xf32, #tpu.memory_space<vmem>> -> memref<1x80x128xf32, #tpu.memory_space<vmem>>
          %dma_wait3A_170 = tpu.memref_squeeze %dma_wait3A_169 : memref<1x80x128xf32, #tpu.memory_space<vmem>> -> memref<80x128xf32, #tpu.memory_space<vmem>>
          tpu.wait_dma2 semaphore(%run_scoped3A_146 : memref<!tpu.dma_semaphore, #tpu.memory_space<semaphore_mem>>) src(%dma_wait3A_170 : memref<80x128xf32, #tpu.memory_space<vmem>>) dst(%dma_wait3A_166 : memref<80x128xf32, #tpu.memory_space<vmem_shared>>)
          tpu.yield
        }) : () -> ()
        %add3A_134 = arith.constant 160 : i32
        %add3A_135 = arith.addi %mul3A_2, %add3A_134 : i32
        "tpu.region"() ({
          %run_scoped3A_146 = tpu.sem_alloc : memref<!tpu.dma_semaphore, #tpu.memory_space<semaphore_mem>>
          %dma_start3A_147 = arith.constant 0 : i32
          %dma_start3A_148 = arith.constant 0 : i32
          %dma_start3A_149 = tpu.memref_slice %arg10[%cond3A_127, %dma_start3A_147, %dma_start3A_148] : memref<3x80x128xf32, #tpu.memory_space<vmem>> -> memref<1x80x128xf32, #tpu.memory_space<vmem>>
          %dma_start3A_150 = tpu.memref_squeeze %dma_start3A_149 : memref<1x80x128xf32, #tpu.memory_space<vmem>> -> memref<80x128xf32, #tpu.memory_space<vmem>>
          %dma_start3A_151 = arith.constant 0 : i32
          %dma_start3A_152 = tpu.memref_slice %arg7[%add3A_135, %dma_start3A_151] : memref<10000x128xf32, #tpu.memory_space<vmem_shared>> -> memref<80x128xf32, #tpu.memory_space<vmem_shared>>
          %dma_start3A_153 = arith.constant 0 : i32
          %dma_start3A_154 = tpu.memref_slice %arg7[%add3A_135, %dma_start3A_153] : memref<10000x128xf32, #tpu.memory_space<vmem_shared>> -> memref<80x128xf32, #tpu.memory_space<vmem_shared>>
          %dma_start3A_155 = arith.constant 0 : i32
          %dma_start3A_156 = arith.constant 0 : i32
          %dma_start3A_157 = tpu.memref_slice %arg10[%cond3A_127, %dma_start3A_155, %dma_start3A_156] : memref<3x80x128xf32, #tpu.memory_space<vmem>> -> memref<1x80x128xf32, #tpu.memory_space<vmem>>
          %dma_start3A_158 = tpu.memref_squeeze %dma_start3A_157 : memref<1x80x128xf32, #tpu.memory_space<vmem>> -> memref<80x128xf32, #tpu.memory_space<vmem>>
          tpu.enqueue_dma source(%dma_start3A_158 : memref<80x128xf32, #tpu.memory_space<vmem>>) target(%dma_start3A_154 : memref<80x128xf32, #tpu.memory_space<vmem_shared>>) target_semaphore(%run_scoped3A_146 : memref<!tpu.dma_semaphore, #tpu.memory_space<semaphore_mem>>)
          %dma_wait3A_159 = arith.constant 0 : i32
          %dma_wait3A_160 = arith.constant 0 : i32
          %dma_wait3A_161 = tpu.memref_slice %arg10[%cond3A_127, %dma_wait3A_159, %dma_wait3A_160] : memref<3x80x128xf32, #tpu.memory_space<vmem>> -> memref<1x80x128xf32, #tpu.memory_space<vmem>>
          %dma_wait3A_162 = tpu.memref_squeeze %dma_wait3A_161 : memref<1x80x128xf32, #tpu.memory_space<vmem>> -> memref<80x128xf32, #tpu.memory_space<vmem>>
          %dma_wait3A_163 = arith.constant 0 : i32
          %dma_wait3A_164 = tpu.memref_slice %arg7[%add3A_135, %dma_wait3A_163] : memref<10000x128xf32, #tpu.memory_space<vmem_shared>> -> memref<80x128xf32, #tpu.memory_space<vmem_shared>>
          %dma_wait3A_165 = arith.constant 0 : i32
          %dma_wait3A_166 = tpu.memref_slice %arg7[%add3A_135, %dma_wait3A_165] : memref<10000x128xf32, #tpu.memory_space<vmem_shared>> -> memref<80x128xf32, #tpu.memory_space<vmem_shared>>
          %dma_wait3A_167 = arith.constant 0 : i32
          %dma_wait3A_168 = arith.constant 0 : i32
          %dma_wait3A_169 = tpu.memref_slice %arg10[%cond3A_127, %dma_wait3A_167, %dma_wait3A_168] : memref<3x80x128xf32, #tpu.memory_space<vmem>> -> memref<1x80x128xf32, #tpu.memory_space<vmem>>
          %dma_wait3A_170 = tpu.memref_squeeze %dma_wait3A_169 : memref<1x80x128xf32, #tpu.memory_space<vmem>> -> memref<80x128xf32, #tpu.memory_space<vmem>>
          tpu.wait_dma2 semaphore(%run_scoped3A_146 : memref<!tpu.dma_semaphore, #tpu.memory_space<semaphore_mem>>) src(%dma_wait3A_170 : memref<80x128xf32, #tpu.memory_space<vmem>>) dst(%dma_wait3A_166 : memref<80x128xf32, #tpu.memory_space<vmem_shared>>)
          tpu.yield
        }) : () -> ()
        %add3A_136 = arith.constant 240 : i32
        %add3A_137 = arith.addi %mul3A_2, %add3A_136 : i32
        "tpu.region"() ({
          %run_scoped3A_146 = tpu.sem_alloc : memref<!tpu.dma_semaphore, #tpu.memory_space<semaphore_mem>>
          %dma_start3A_147 = arith.constant 0 : i32
          %dma_start3A_148 = arith.constant 0 : i32
          %dma_start3A_149 = tpu.memref_slice %arg10[%cond3A_127, %dma_start3A_147, %dma_start3A_148] : memref<3x80x128xf32, #tpu.memory_space<vmem>> -> memref<1x80x128xf32, #tpu.memory_space<vmem>>
          %dma_start3A_150 = tpu.memref_squeeze %dma_start3A_149 : memref<1x80x128xf32, #tpu.memory_space<vmem>> -> memref<80x128xf32, #tpu.memory_space<vmem>>
          %dma_start3A_151 = arith.constant 0 : i32
          %dma_start3A_152 = tpu.memref_slice %arg7[%add3A_137, %dma_start3A_151] : memref<10000x128xf32, #tpu.memory_space<vmem_shared>> -> memref<80x128xf32, #tpu.memory_space<vmem_shared>>
          %dma_start3A_153 = arith.constant 0 : i32
          %dma_start3A_154 = tpu.memref_slice %arg7[%add3A_137, %dma_start3A_153] : memref<10000x128xf32, #tpu.memory_space<vmem_shared>> -> memref<80x128xf32, #tpu.memory_space<vmem_shared>>
          %dma_start3A_155 = arith.constant 0 : i32
          %dma_start3A_156 = arith.constant 0 : i32
          %dma_start3A_157 = tpu.memref_slice %arg10[%cond3A_127, %dma_start3A_155, %dma_start3A_156] : memref<3x80x128xf32, #tpu.memory_space<vmem>> -> memref<1x80x128xf32, #tpu.memory_space<vmem>>
          %dma_start3A_158 = tpu.memref_squeeze %dma_start3A_157 : memref<1x80x128xf32, #tpu.memory_space<vmem>> -> memref<80x128xf32, #tpu.memory_space<vmem>>
          tpu.enqueue_dma source(%dma_start3A_158 : memref<80x128xf32, #tpu.memory_space<vmem>>) target(%dma_start3A_154 : memref<80x128xf32, #tpu.memory_space<vmem_shared>>) target_semaphore(%run_scoped3A_146 : memref<!tpu.dma_semaphore, #tpu.memory_space<semaphore_mem>>)
          %dma_wait3A_159 = arith.constant 0 : i32
          %dma_wait3A_160 = arith.constant 0 : i32
          %dma_wait3A_161 = tpu.memref_slice %arg10[%cond3A_127, %dma_wait3A_159, %dma_wait3A_160] : memref<3x80x128xf32, #tpu.memory_space<vmem>> -> memref<1x80x128xf32, #tpu.memory_space<vmem>>
          %dma_wait3A_162 = tpu.memref_squeeze %dma_wait3A_161 : memref<1x80x128xf32, #tpu.memory_space<vmem>> -> memref<80x128xf32, #tpu.memory_space<vmem>>
          %dma_wait3A_163 = arith.constant 0 : i32
          %dma_wait3A_164 = tpu.memref_slice %arg7[%add3A_137, %dma_wait3A_163] : memref<10000x128xf32, #tpu.memory_space<vmem_shared>> -> memref<80x128xf32, #tpu.memory_space<vmem_shared>>
          %dma_wait3A_165 = arith.constant 0 : i32
          %dma_wait3A_166 = tpu.memref_slice %arg7[%add3A_137, %dma_wait3A_165] : memref<10000x128xf32, #tpu.memory_space<vmem_shared>> -> memref<80x128xf32, #tpu.memory_space<vmem_shared>>
          %dma_wait3A_167 = arith.constant 0 : i32
          %dma_wait3A_168 = arith.constant 0 : i32
          %dma_wait3A_169 = tpu.memref_slice %arg10[%cond3A_127, %dma_wait3A_167, %dma_wait3A_168] : memref<3x80x128xf32, #tpu.memory_space<vmem>> -> memref<1x80x128xf32, #tpu.memory_space<vmem>>
          %dma_wait3A_170 = tpu.memref_squeeze %dma_wait3A_169 : memref<1x80x128xf32, #tpu.memory_space<vmem>> -> memref<80x128xf32, #tpu.memory_space<vmem>>
          tpu.wait_dma2 semaphore(%run_scoped3A_146 : memref<!tpu.dma_semaphore, #tpu.memory_space<semaphore_mem>>) src(%dma_wait3A_170 : memref<80x128xf32, #tpu.memory_space<vmem>>) dst(%dma_wait3A_166 : memref<80x128xf32, #tpu.memory_space<vmem_shared>>)
          tpu.yield
        }) : () -> ()
        %add3A_138 = arith.constant 320 : i32
        %add3A_139 = arith.addi %mul3A_2, %add3A_138 : i32
        "tpu.region"() ({
          %run_scoped3A_146 = tpu.sem_alloc : memref<!tpu.dma_semaphore, #tpu.memory_space<semaphore_mem>>
          %dma_start3A_147 = arith.constant 0 : i32
          %dma_start3A_148 = arith.constant 0 : i32
          %dma_start3A_149 = tpu.memref_slice %arg10[%cond3A_127, %dma_start3A_147, %dma_start3A_148] : memref<3x80x128xf32, #tpu.memory_space<vmem>> -> memref<1x80x128xf32, #tpu.memory_space<vmem>>
          %dma_start3A_150 = tpu.memref_squeeze %dma_start3A_149 : memref<1x80x128xf32, #tpu.memory_space<vmem>> -> memref<80x128xf32, #tpu.memory_space<vmem>>
          %dma_start3A_151 = arith.constant 0 : i32
          %dma_start3A_152 = tpu.memref_slice %arg7[%add3A_139, %dma_start3A_151] : memref<10000x128xf32, #tpu.memory_space<vmem_shared>> -> memref<80x128xf32, #tpu.memory_space<vmem_shared>>
          %dma_start3A_153 = arith.constant 0 : i32
          %dma_start3A_154 = tpu.memref_slice %arg7[%add3A_139, %dma_start3A_153] : memref<10000x128xf32, #tpu.memory_space<vmem_shared>> -> memref<80x128xf32, #tpu.memory_space<vmem_shared>>
          %dma_start3A_155 = arith.constant 0 : i32
          %dma_start3A_156 = arith.constant 0 : i32
          %dma_start3A_157 = tpu.memref_slice %arg10[%cond3A_127, %dma_start3A_155, %dma_start3A_156] : memref<3x80x128xf32, #tpu.memory_space<vmem>> -> memref<1x80x128xf32, #tpu.memory_space<vmem>>
          %dma_start3A_158 = tpu.memref_squeeze %dma_start3A_157 : memref<1x80x128xf32, #tpu.memory_space<vmem>> -> memref<80x128xf32, #tpu.memory_space<vmem>>
          tpu.enqueue_dma source(%dma_start3A_158 : memref<80x128xf32, #tpu.memory_space<vmem>>) target(%dma_start3A_154 : memref<80x128xf32, #tpu.memory_space<vmem_shared>>) target_semaphore(%run_scoped3A_146 : memref<!tpu.dma_semaphore, #tpu.memory_space<semaphore_mem>>)
          %dma_wait3A_159 = arith.constant 0 : i32
          %dma_wait3A_160 = arith.constant 0 : i32
          %dma_wait3A_161 = tpu.memref_slice %arg10[%cond3A_127, %dma_wait3A_159, %dma_wait3A_160] : memref<3x80x128xf32, #tpu.memory_space<vmem>> -> memref<1x80x128xf32, #tpu.memory_space<vmem>>
          %dma_wait3A_162 = tpu.memref_squeeze %dma_wait3A_161 : memref<1x80x128xf32, #tpu.memory_space<vmem>> -> memref<80x128xf32, #tpu.memory_space<vmem>>
          %dma_wait3A_163 = arith.constant 0 : i32
          %dma_wait3A_164 = tpu.memref_slice %arg7[%add3A_139, %dma_wait3A_163] : memref<10000x128xf32, #tpu.memory_space<vmem_shared>> -> memref<80x128xf32, #tpu.memory_space<vmem_shared>>
          %dma_wait3A_165 = arith.constant 0 : i32
          %dma_wait3A_166 = tpu.memref_slice %arg7[%add3A_139, %dma_wait3A_165] : memref<10000x128xf32, #tpu.memory_space<vmem_shared>> -> memref<80x128xf32, #tpu.memory_space<vmem_shared>>
          %dma_wait3A_167 = arith.constant 0 : i32
          %dma_wait3A_168 = arith.constant 0 : i32
          %dma_wait3A_169 = tpu.memref_slice %arg10[%cond3A_127, %dma_wait3A_167, %dma_wait3A_168] : memref<3x80x128xf32, #tpu.memory_space<vmem>> -> memref<1x80x128xf32, #tpu.memory_space<vmem>>
          %dma_wait3A_170 = tpu.memref_squeeze %dma_wait3A_169 : memref<1x80x128xf32, #tpu.memory_space<vmem>> -> memref<80x128xf32, #tpu.memory_space<vmem>>
          tpu.wait_dma2 semaphore(%run_scoped3A_146 : memref<!tpu.dma_semaphore, #tpu.memory_space<semaphore_mem>>) src(%dma_wait3A_170 : memref<80x128xf32, #tpu.memory_space<vmem>>) dst(%dma_wait3A_166 : memref<80x128xf32, #tpu.memory_space<vmem_shared>>)
          tpu.yield
        }) : () -> ()
        %add3A_140 = arith.constant 400 : i32
        %add3A_141 = arith.addi %mul3A_2, %add3A_140 : i32
        "tpu.region"() ({
          %run_scoped3A_146 = tpu.sem_alloc : memref<!tpu.dma_semaphore, #tpu.memory_space<semaphore_mem>>
          %dma_start3A_147 = arith.constant 0 : i32
          %dma_start3A_148 = arith.constant 0 : i32
          %dma_start3A_149 = tpu.memref_slice %arg10[%cond3A_127, %dma_start3A_147, %dma_start3A_148] : memref<3x80x128xf32, #tpu.memory_space<vmem>> -> memref<1x80x128xf32, #tpu.memory_space<vmem>>
          %dma_start3A_150 = tpu.memref_squeeze %dma_start3A_149 : memref<1x80x128xf32, #tpu.memory_space<vmem>> -> memref<80x128xf32, #tpu.memory_space<vmem>>
          %dma_start3A_151 = arith.constant 0 : i32
          %dma_start3A_152 = tpu.memref_slice %arg7[%add3A_141, %dma_start3A_151] : memref<10000x128xf32, #tpu.memory_space<vmem_shared>> -> memref<80x128xf32, #tpu.memory_space<vmem_shared>>
          %dma_start3A_153 = arith.constant 0 : i32
          %dma_start3A_154 = tpu.memref_slice %arg7[%add3A_141, %dma_start3A_153] : memref<10000x128xf32, #tpu.memory_space<vmem_shared>> -> memref<80x128xf32, #tpu.memory_space<vmem_shared>>
          %dma_start3A_155 = arith.constant 0 : i32
          %dma_start3A_156 = arith.constant 0 : i32
          %dma_start3A_157 = tpu.memref_slice %arg10[%cond3A_127, %dma_start3A_155, %dma_start3A_156] : memref<3x80x128xf32, #tpu.memory_space<vmem>> -> memref<1x80x128xf32, #tpu.memory_space<vmem>>
          %dma_start3A_158 = tpu.memref_squeeze %dma_start3A_157 : memref<1x80x128xf32, #tpu.memory_space<vmem>> -> memref<80x128xf32, #tpu.memory_space<vmem>>
          tpu.enqueue_dma source(%dma_start3A_158 : memref<80x128xf32, #tpu.memory_space<vmem>>) target(%dma_start3A_154 : memref<80x128xf32, #tpu.memory_space<vmem_shared>>) target_semaphore(%run_scoped3A_146 : memref<!tpu.dma_semaphore, #tpu.memory_space<semaphore_mem>>)
          %dma_wait3A_159 = arith.constant 0 : i32
          %dma_wait3A_160 = arith.constant 0 : i32
          %dma_wait3A_161 = tpu.memref_slice %arg10[%cond3A_127, %dma_wait3A_159, %dma_wait3A_160] : memref<3x80x128xf32, #tpu.memory_space<vmem>> -> memref<1x80x128xf32, #tpu.memory_space<vmem>>
          %dma_wait3A_162 = tpu.memref_squeeze %dma_wait3A_161 : memref<1x80x128xf32, #tpu.memory_space<vmem>> -> memref<80x128xf32, #tpu.memory_space<vmem>>
          %dma_wait3A_163 = arith.constant 0 : i32
          %dma_wait3A_164 = tpu.memref_slice %arg7[%add3A_141, %dma_wait3A_163] : memref<10000x128xf32, #tpu.memory_space<vmem_shared>> -> memref<80x128xf32, #tpu.memory_space<vmem_shared>>
          %dma_wait3A_165 = arith.constant 0 : i32
          %dma_wait3A_166 = tpu.memref_slice %arg7[%add3A_141, %dma_wait3A_165] : memref<10000x128xf32, #tpu.memory_space<vmem_shared>> -> memref<80x128xf32, #tpu.memory_space<vmem_shared>>
          %dma_wait3A_167 = arith.constant 0 : i32
          %dma_wait3A_168 = arith.constant 0 : i32
          %dma_wait3A_169 = tpu.memref_slice %arg10[%cond3A_127, %dma_wait3A_167, %dma_wait3A_168] : memref<3x80x128xf32, #tpu.memory_space<vmem>> -> memref<1x80x128xf32, #tpu.memory_space<vmem>>
          %dma_wait3A_170 = tpu.memref_squeeze %dma_wait3A_169 : memref<1x80x128xf32, #tpu.memory_space<vmem>> -> memref<80x128xf32, #tpu.memory_space<vmem>>
          tpu.wait_dma2 semaphore(%run_scoped3A_146 : memref<!tpu.dma_semaphore, #tpu.memory_space<semaphore_mem>>) src(%dma_wait3A_170 : memref<80x128xf32, #tpu.memory_space<vmem>>) dst(%dma_wait3A_166 : memref<80x128xf32, #tpu.memory_space<vmem_shared>>)
          tpu.yield
        }) : () -> ()
        %add3A_142 = arith.constant 480 : i32
        %add3A_143 = arith.addi %mul3A_2, %add3A_142 : i32
        "tpu.region"() ({
          %run_scoped3A_146 = tpu.sem_alloc : memref<!tpu.dma_semaphore, #tpu.memory_space<semaphore_mem>>
          %dma_start3A_147 = arith.constant 0 : i32
          %dma_start3A_148 = arith.constant 0 : i32
          %dma_start3A_149 = tpu.memref_slice %arg10[%cond3A_127, %dma_start3A_147, %dma_start3A_148] : memref<3x80x128xf32, #tpu.memory_space<vmem>> -> memref<1x80x128xf32, #tpu.memory_space<vmem>>
          %dma_start3A_150 = tpu.memref_squeeze %dma_start3A_149 : memref<1x80x128xf32, #tpu.memory_space<vmem>> -> memref<80x128xf32, #tpu.memory_space<vmem>>
          %dma_start3A_151 = arith.constant 0 : i32
          %dma_start3A_152 = tpu.memref_slice %arg7[%add3A_143, %dma_start3A_151] : memref<10000x128xf32, #tpu.memory_space<vmem_shared>> -> memref<80x128xf32, #tpu.memory_space<vmem_shared>>
          %dma_start3A_153 = arith.constant 0 : i32
          %dma_start3A_154 = tpu.memref_slice %arg7[%add3A_143, %dma_start3A_153] : memref<10000x128xf32, #tpu.memory_space<vmem_shared>> -> memref<80x128xf32, #tpu.memory_space<vmem_shared>>
          %dma_start3A_155 = arith.constant 0 : i32
          %dma_start3A_156 = arith.constant 0 : i32
          %dma_start3A_157 = tpu.memref_slice %arg10[%cond3A_127, %dma_start3A_155, %dma_start3A_156] : memref<3x80x128xf32, #tpu.memory_space<vmem>> -> memref<1x80x128xf32, #tpu.memory_space<vmem>>
          %dma_start3A_158 = tpu.memref_squeeze %dma_start3A_157 : memref<1x80x128xf32, #tpu.memory_space<vmem>> -> memref<80x128xf32, #tpu.memory_space<vmem>>
          tpu.enqueue_dma source(%dma_start3A_158 : memref<80x128xf32, #tpu.memory_space<vmem>>) target(%dma_start3A_154 : memref<80x128xf32, #tpu.memory_space<vmem_shared>>) target_semaphore(%run_scoped3A_146 : memref<!tpu.dma_semaphore, #tpu.memory_space<semaphore_mem>>)
          %dma_wait3A_159 = arith.constant 0 : i32
          %dma_wait3A_160 = arith.constant 0 : i32
          %dma_wait3A_161 = tpu.memref_slice %arg10[%cond3A_127, %dma_wait3A_159, %dma_wait3A_160] : memref<3x80x128xf32, #tpu.memory_space<vmem>> -> memref<1x80x128xf32, #tpu.memory_space<vmem>>
          %dma_wait3A_162 = tpu.memref_squeeze %dma_wait3A_161 : memref<1x80x128xf32, #tpu.memory_space<vmem>> -> memref<80x128xf32, #tpu.memory_space<vmem>>
          %dma_wait3A_163 = arith.constant 0 : i32
          %dma_wait3A_164 = tpu.memref_slice %arg7[%add3A_143, %dma_wait3A_163] : memref<10000x128xf32, #tpu.memory_space<vmem_shared>> -> memref<80x128xf32, #tpu.memory_space<vmem_shared>>
          %dma_wait3A_165 = arith.constant 0 : i32
          %dma_wait3A_166 = tpu.memref_slice %arg7[%add3A_143, %dma_wait3A_165] : memref<10000x128xf32, #tpu.memory_space<vmem_shared>> -> memref<80x128xf32, #tpu.memory_space<vmem_shared>>
          %dma_wait3A_167 = arith.constant 0 : i32
          %dma_wait3A_168 = arith.constant 0 : i32
          %dma_wait3A_169 = tpu.memref_slice %arg10[%cond3A_127, %dma_wait3A_167, %dma_wait3A_168] : memref<3x80x128xf32, #tpu.memory_space<vmem>> -> memref<1x80x128xf32, #tpu.memory_space<vmem>>
          %dma_wait3A_170 = tpu.memref_squeeze %dma_wait3A_169 : memref<1x80x128xf32, #tpu.memory_space<vmem>> -> memref<80x128xf32, #tpu.memory_space<vmem>>
          tpu.wait_dma2 semaphore(%run_scoped3A_146 : memref<!tpu.dma_semaphore, #tpu.memory_space<semaphore_mem>>) src(%dma_wait3A_170 : memref<80x128xf32, #tpu.memory_space<vmem>>) dst(%dma_wait3A_166 : memref<80x128xf32, #tpu.memory_space<vmem_shared>>)
          tpu.yield
        }) : () -> ()
        %add3A_144 = arith.constant 560 : i32
        %add3A_145 = arith.addi %mul3A_2, %add3A_144 : i32
        "tpu.region"() ({
          %run_scoped3A_146 = tpu.sem_alloc : memref<!tpu.dma_semaphore, #tpu.memory_space<semaphore_mem>>
          %dma_start3A_147 = arith.constant 0 : i32
          %dma_start3A_148 = arith.constant 0 : i32
          %dma_start3A_149 = tpu.memref_slice %arg10[%cond3A_127, %dma_start3A_147, %dma_start3A_148] : memref<3x80x128xf32, #tpu.memory_space<vmem>> -> memref<1x80x128xf32, #tpu.memory_space<vmem>>
          %dma_start3A_150 = tpu.memref_squeeze %dma_start3A_149 : memref<1x80x128xf32, #tpu.memory_space<vmem>> -> memref<80x128xf32, #tpu.memory_space<vmem>>
          %dma_start3A_151 = arith.constant 0 : i32
          %dma_start3A_152 = tpu.memref_slice %arg7[%add3A_145, %dma_start3A_151] : memref<10000x128xf32, #tpu.memory_space<vmem_shared>> -> memref<80x128xf32, #tpu.memory_space<vmem_shared>>
          %dma_start3A_153 = arith.constant 0 : i32
          %dma_start3A_154 = tpu.memref_slice %arg7[%add3A_145, %dma_start3A_153] : memref<10000x128xf32, #tpu.memory_space<vmem_shared>> -> memref<80x128xf32, #tpu.memory_space<vmem_shared>>
          %dma_start3A_155 = arith.constant 0 : i32
          %dma_start3A_156 = arith.constant 0 : i32
          %dma_start3A_157 = tpu.memref_slice %arg10[%cond3A_127, %dma_start3A_155, %dma_start3A_156] : memref<3x80x128xf32, #tpu.memory_space<vmem>> -> memref<1x80x128xf32, #tpu.memory_space<vmem>>
          %dma_start3A_158 = tpu.memref_squeeze %dma_start3A_157 : memref<1x80x128xf32, #tpu.memory_space<vmem>> -> memref<80x128xf32, #tpu.memory_space<vmem>>
          tpu.enqueue_dma source(%dma_start3A_158 : memref<80x128xf32, #tpu.memory_space<vmem>>) target(%dma_start3A_154 : memref<80x128xf32, #tpu.memory_space<vmem_shared>>) target_semaphore(%run_scoped3A_146 : memref<!tpu.dma_semaphore, #tpu.memory_space<semaphore_mem>>)
          %dma_wait3A_159 = arith.constant 0 : i32
          %dma_wait3A_160 = arith.constant 0 : i32
          %dma_wait3A_161 = tpu.memref_slice %arg10[%cond3A_127, %dma_wait3A_159, %dma_wait3A_160] : memref<3x80x128xf32, #tpu.memory_space<vmem>> -> memref<1x80x128xf32, #tpu.memory_space<vmem>>
          %dma_wait3A_162 = tpu.memref_squeeze %dma_wait3A_161 : memref<1x80x128xf32, #tpu.memory_space<vmem>> -> memref<80x128xf32, #tpu.memory_space<vmem>>
          %dma_wait3A_163 = arith.constant 0 : i32
          %dma_wait3A_164 = tpu.memref_slice %arg7[%add3A_145, %dma_wait3A_163] : memref<10000x128xf32, #tpu.memory_space<vmem_shared>> -> memref<80x128xf32, #tpu.memory_space<vmem_shared>>
          %dma_wait3A_165 = arith.constant 0 : i32
          %dma_wait3A_166 = tpu.memref_slice %arg7[%add3A_145, %dma_wait3A_165] : memref<10000x128xf32, #tpu.memory_space<vmem_shared>> -> memref<80x128xf32, #tpu.memory_space<vmem_shared>>
          %dma_wait3A_167 = arith.constant 0 : i32
          %dma_wait3A_168 = arith.constant 0 : i32
          %dma_wait3A_169 = tpu.memref_slice %arg10[%cond3A_127, %dma_wait3A_167, %dma_wait3A_168] : memref<3x80x128xf32, #tpu.memory_space<vmem>> -> memref<1x80x128xf32, #tpu.memory_space<vmem>>
          %dma_wait3A_170 = tpu.memref_squeeze %dma_wait3A_169 : memref<1x80x128xf32, #tpu.memory_space<vmem>> -> memref<80x128xf32, #tpu.memory_space<vmem>>
          tpu.wait_dma2 semaphore(%run_scoped3A_146 : memref<!tpu.dma_semaphore, #tpu.memory_space<semaphore_mem>>) src(%dma_wait3A_170 : memref<80x128xf32, #tpu.memory_space<vmem>>) dst(%dma_wait3A_166 : memref<80x128xf32, #tpu.memory_space<vmem_shared>>)
          tpu.yield
        }) : () -> ()
      } else {
      }
    } else {
    }
    %barrier3A_65 = arith.constant 0 : index
    tpu.barrier barrier_id(%barrier3A_65)
    %dma_start3A = arith.constant 0 : i32
    %dma_start3A_66 = arith.constant 0 : i32
    %dma_start3A_67 = arith.constant 0 : i32
    %dma_start3A_68 = tpu.memref_slice %arg10[%dma_start3A, %dma_start3A_66, %dma_start3A_67] : memref<3x80x128xf32, #tpu.memory_space<vmem>> -> memref<1x80x128xf32, #tpu.memory_space<vmem>>
    %dma_start3A_69 = tpu.memref_squeeze %dma_start3A_68 : memref<1x80x128xf32, #tpu.memory_space<vmem>> -> memref<80x128xf32, #tpu.memory_space<vmem>>
    %dma_start3A_70 = arith.constant 0 : i32
    %dma_start3A_71 = tpu.memref_slice %arg8[%dma_start3A_70] : memref<10000xi32, #tpu.memory_space<vmem>> -> memref<80xi32, #tpu.memory_space<vmem>>
    %dma_start3A_72 = arith.constant 0 : i32
    %dma_start3A_73 = arith.constant 0 : i32
    %dma_start3A_74 = tpu.memref_slice %arg2[%dma_start3A_72, %dma_start3A_73] : memref<10000x128xf32, #tpu.memory_space<hbm>> -> memref<10000x128xf32, #tpu.memory_space<hbm>>
    tpu.enqueue_indirect_dma source(%dma_start3A_74 : memref<10000x128xf32, #tpu.memory_space<hbm>>) target(%dma_start3A_69 : memref<80x128xf32, #tpu.memory_space<vmem>>) offsets(%dma_start3A_71 : memref<80xi32, #tpu.memory_space<vmem>>) semaphore(%arg11 : memref<!tpu.dma_semaphore, #tpu.memory_space<semaphore_mem>>)
    %dma_start3A_75 = arith.constant 1 : i32
    %dma_start3A_76 = arith.constant 0 : i32
    %dma_start3A_77 = arith.constant 0 : i32
    %dma_start3A_78 = tpu.memref_slice %arg10[%dma_start3A_75, %dma_start3A_76, %dma_start3A_77] : memref<3x80x128xf32, #tpu.memory_space<vmem>> -> memref<1x80x128xf32, #tpu.memory_space<vmem>>
    %dma_start3A_79 = tpu.memref_squeeze %dma_start3A_78 : memref<1x80x128xf32, #tpu.memory_space<vmem>> -> memref<80x128xf32, #tpu.memory_space<vmem>>
    %dma_start3A_80 = arith.constant 80 : i32
    %dma_start3A_81 = tpu.memref_slice %arg8[%dma_start3A_80] : memref<10000xi32, #tpu.memory_space<vmem>> -> memref<80xi32, #tpu.memory_space<vmem>>
    %dma_start3A_82 = arith.constant 0 : i32
    %dma_start3A_83 = arith.constant 0 : i32
    %dma_start3A_84 = tpu.memref_slice %arg2[%dma_start3A_82, %dma_start3A_83] : memref<10000x128xf32, #tpu.memory_space<hbm>> -> memref<10000x128xf32, #tpu.memory_space<hbm>>
    tpu.enqueue_indirect_dma source(%dma_start3A_84 : memref<10000x128xf32, #tpu.memory_space<hbm>>) target(%dma_start3A_79 : memref<80x128xf32, #tpu.memory_space<vmem>>) offsets(%dma_start3A_81 : memref<80xi32, #tpu.memory_space<vmem>>) semaphore(%arg12 : memref<!tpu.dma_semaphore, #tpu.memory_space<semaphore_mem>>)
    %scan3A_85 = arith.constant 0 : i32
    %scan3A_86 = arith.constant 0 : i32
    %scan3A_87 = arith.constant 41 : i32
    %scan3A_88 = arith.addi %scan3A_86, %scan3A_87 : i32
    %scan3A_89 = arith.constant 1 : i32
    scf.for %scan3A_120 = %scan3A_86 to %scan3A_88 step %scan3A_89  : i32 {
      %mul3A_121 = arith.constant 3 : i32
      %mul3A_122 = arith.muli %mul3A_121, %scan3A_120 : i32
      %add3A_123 = arith.constant 0 : i32
      %add3A_124 = arith.addi %mul3A_122, %add3A_123 : i32
      %add3A_125 = arith.constant 2 : i32
      %add3A_126 = arith.addi %add3A_124, %add3A_125 : i32
      %mul3A_127 = arith.constant 80 : i32
      %mul3A_128 = arith.muli %add3A_126, %mul3A_127 : i32
      %dma_start3A_129 = arith.constant 2 : i32
      %dma_start3A_130 = arith.constant 0 : i32
      %dma_start3A_131 = arith.constant 0 : i32
      %dma_start3A_132 = tpu.memref_slice %arg10[%dma_start3A_129, %dma_start3A_130, %dma_start3A_131] : memref<3x80x128xf32, #tpu.memory_space<vmem>> -> memref<1x80x128xf32, #tpu.memory_space<vmem>>
      %dma_start3A_133 = tpu.memref_squeeze %dma_start3A_132 : memref<1x80x128xf32, #tpu.memory_space<vmem>> -> memref<80x128xf32, #tpu.memory_space<vmem>>
      %dma_start3A_134 = tpu.memref_slice %arg8[%mul3A_128] : memref<10000xi32, #tpu.memory_space<vmem>> -> memref<80xi32, #tpu.memory_space<vmem>>
      %dma_start3A_135 = arith.constant 0 : i32
      %dma_start3A_136 = arith.constant 0 : i32
      %dma_start3A_137 = tpu.memref_slice %arg2[%dma_start3A_135, %dma_start3A_136] : memref<10000x128xf32, #tpu.memory_space<hbm>> -> memref<10000x128xf32, #tpu.memory_space<hbm>>
      tpu.enqueue_indirect_dma source(%dma_start3A_137 : memref<10000x128xf32, #tpu.memory_space<hbm>>) target(%dma_start3A_133 : memref<80x128xf32, #tpu.memory_space<vmem>>) offsets(%dma_start3A_134 : memref<80xi32, #tpu.memory_space<vmem>>) semaphore(%arg13 : memref<!tpu.dma_semaphore, #tpu.memory_space<semaphore_mem>>)
      %mul3A_138 = arith.constant 80 : i32
      %mul3A_139 = arith.muli %add3A_124, %mul3A_138 : i32
      %dma_wait3A_140 = arith.constant 0 : i32
      %dma_wait3A_141 = arith.constant 0 : i32
      %dma_wait3A_142 = arith.constant 0 : i32
      %dma_wait3A_143 = tpu.memref_slice %arg10[%dma_wait3A_140, %dma_wait3A_141, %dma_wait3A_142] : memref<3x80x128xf32, #tpu.memory_space<vmem>> -> memref<1x80x128xf32, #tpu.memory_space<vmem>>
      %dma_wait3A_144 = tpu.memref_squeeze %dma_wait3A_143 : memref<1x80x128xf32, #tpu.memory_space<vmem>> -> memref<80x128xf32, #tpu.memory_space<vmem>>
      %dma_wait3A_145 = tpu.memref_slice %arg8[%mul3A_139] : memref<10000xi32, #tpu.memory_space<vmem>> -> memref<80xi32, #tpu.memory_space<vmem>>
      %dma_wait3A_146 = arith.constant 0 : i32
      %dma_wait3A_147 = arith.constant 0 : i32
      %dma_wait3A_148 = tpu.memref_slice %arg2[%dma_wait3A_146, %dma_wait3A_147] : memref<10000x128xf32, #tpu.memory_space<hbm>> -> memref<10000x128xf32, #tpu.memory_space<hbm>>
      tpu.wait_indirect_dma semaphore(%arg11 : memref<!tpu.dma_semaphore, #tpu.memory_space<semaphore_mem>>) src(%dma_wait3A_148 : memref<10000x128xf32, #tpu.memory_space<hbm>>) dst(%dma_wait3A_144 : memref<80x128xf32, #tpu.memory_space<vmem>>)
      %mul3A_149 = arith.constant 80 : i32
      %mul3A_150 = arith.muli %add3A_124, %mul3A_149 : i32
      %run_scoped3A_151 = arith.constant 0 : i32
      "tpu.region"() ({
        %run_scoped3A_214 = tpu.sem_alloc : memref<!tpu.dma_semaphore, #tpu.memory_space<semaphore_mem>>
        %dma_start3A_215 = arith.constant 0 : i32
        %dma_start3A_216 = arith.constant 0 : i32
        %dma_start3A_217 = tpu.memref_slice %arg10[%run_scoped3A_151, %dma_start3A_215, %dma_start3A_216] : memref<3x80x128xf32, #tpu.memory_space<vmem>> -> memref<1x80x128xf32, #tpu.memory_space<vmem>>
        %dma_start3A_218 = tpu.memref_squeeze %dma_start3A_217 : memref<1x80x128xf32, #tpu.memory_space<vmem>> -> memref<80x128xf32, #tpu.memory_space<vmem>>
        %dma_start3A_219 = tpu.memref_slice %arg9[%mul3A_150] : memref<10000xi32, #tpu.memory_space<vmem>> -> memref<80xi32, #tpu.memory_space<vmem>>
        %dma_start3A_220 = arith.constant 0 : i32
        %dma_start3A_221 = arith.constant 0 : i32
        %dma_start3A_222 = tpu.memref_slice %arg7[%dma_start3A_220, %dma_start3A_221] : memref<10000x128xf32, #tpu.memory_space<vmem_shared>> -> memref<10000x128xf32, #tpu.memory_space<vmem_shared>>
        tpu.enqueue_indirect_dma source(%dma_start3A_218 : memref<80x128xf32, #tpu.memory_space<vmem>>) target(%dma_start3A_222 : memref<10000x128xf32, #tpu.memory_space<vmem_shared>>) offsets(%dma_start3A_219 : memref<80xi32, #tpu.memory_space<vmem>>) semaphore(%run_scoped3A_214 : memref<!tpu.dma_semaphore, #tpu.memory_space<semaphore_mem>>) {add = true}
        %dma_wait3A_223 = arith.constant 0 : i32
        %dma_wait3A_224 = arith.constant 0 : i32
        %dma_wait3A_225 = tpu.memref_slice %arg10[%run_scoped3A_151, %dma_wait3A_223, %dma_wait3A_224] : memref<3x80x128xf32, #tpu.memory_space<vmem>> -> memref<1x80x128xf32, #tpu.memory_space<vmem>>
        %dma_wait3A_226 = tpu.memref_squeeze %dma_wait3A_225 : memref<1x80x128xf32, #tpu.memory_space<vmem>> -> memref<80x128xf32, #tpu.memory_space<vmem>>
        %dma_wait3A_227 = tpu.memref_slice %arg9[%mul3A_150] : memref<10000xi32, #tpu.memory_space<vmem>> -> memref<80xi32, #tpu.memory_space<vmem>>
        %dma_wait3A_228 = arith.constant 0 : i32
        %dma_wait3A_229 = arith.constant 0 : i32
        %dma_wait3A_230 = tpu.memref_slice %arg7[%dma_wait3A_228, %dma_wait3A_229] : memref<10000x128xf32, #tpu.memory_space<vmem_shared>> -> memref<10000x128xf32, #tpu.memory_space<vmem_shared>>
        tpu.wait_indirect_dma semaphore(%run_scoped3A_214 : memref<!tpu.dma_semaphore, #tpu.memory_space<semaphore_mem>>) src(%dma_wait3A_226 : memref<80x128xf32, #tpu.memory_space<vmem>>) dst(%dma_wait3A_230 : memref<10000x128xf32, #tpu.memory_space<vmem_shared>>)
        tpu.yield
      }) : () -> ()
      %mul3A_152 = arith.constant 3 : i32
      %mul3A_153 = arith.muli %mul3A_152, %scan3A_120 : i32
      %add3A_154 = arith.constant 1 : i32
      %add3A_155 = arith.addi %mul3A_153, %add3A_154 : i32
      %add3A_156 = arith.constant 2 : i32
      %add3A_157 = arith.addi %add3A_155, %add3A_156 : i32
      %mul3A_158 = arith.constant 80 : i32
      %mul3A_159 = arith.muli %add3A_157, %mul3A_158 : i32
      %dma_start3A_160 = arith.constant 0 : i32
      %dma_start3A_161 = arith.constant 0 : i32
      %dma_start3A_162 = arith.constant 0 : i32
      %dma_start3A_163 = tpu.memref_slice %arg10[%dma_start3A_160, %dma_start3A_161, %dma_start3A_162] : memref<3x80x128xf32, #tpu.memory_space<vmem>> -> memref<1x80x128xf32, #tpu.memory_space<vmem>>
      %dma_start3A_164 = tpu.memref_squeeze %dma_start3A_163 : memref<1x80x128xf32, #tpu.memory_space<vmem>> -> memref<80x128xf32, #tpu.memory_space<vmem>>
      %dma_start3A_165 = tpu.memref_slice %arg8[%mul3A_159] : memref<10000xi32, #tpu.memory_space<vmem>> -> memref<80xi32, #tpu.memory_space<vmem>>
      %dma_start3A_166 = arith.constant 0 : i32
      %dma_start3A_167 = arith.constant 0 : i32
      %dma_start3A_168 = tpu.memref_slice %arg2[%dma_start3A_166, %dma_start3A_167] : memref<10000x128xf32, #tpu.memory_space<hbm>> -> memref<10000x128xf32, #tpu.memory_space<hbm>>
      tpu.enqueue_indirect_dma source(%dma_start3A_168 : memref<10000x128xf32, #tpu.memory_space<hbm>>) target(%dma_start3A_164 : memref<80x128xf32, #tpu.memory_space<vmem>>) offsets(%dma_start3A_165 : memref<80xi32, #tpu.memory_space<vmem>>) semaphore(%arg11 : memref<!tpu.dma_semaphore, #tpu.memory_space<semaphore_mem>>)
      %mul3A_169 = arith.constant 80 : i32
      %mul3A_170 = arith.muli %add3A_155, %mul3A_169 : i32
      %dma_wait3A_171 = arith.constant 1 : i32
      %dma_wait3A_172 = arith.constant 0 : i32
      %dma_wait3A_173 = arith.constant 0 : i32
      %dma_wait3A_174 = tpu.memref_slice %arg10[%dma_wait3A_171, %dma_wait3A_172, %dma_wait3A_173] : memref<3x80x128xf32, #tpu.memory_space<vmem>> -> memref<1x80x128xf32, #tpu.memory_space<vmem>>
      %dma_wait3A_175 = tpu.memref_squeeze %dma_wait3A_174 : memref<1x80x128xf32, #tpu.memory_space<vmem>> -> memref<80x128xf32, #tpu.memory_space<vmem>>
      %dma_wait3A_176 = tpu.memref_slice %arg8[%mul3A_170] : memref<10000xi32, #tpu.memory_space<vmem>> -> memref<80xi32, #tpu.memory_space<vmem>>
      %dma_wait3A_177 = arith.constant 0 : i32
      %dma_wait3A_178 = arith.constant 0 : i32
      %dma_wait3A_179 = tpu.memref_slice %arg2[%dma_wait3A_177, %dma_wait3A_178] : memref<10000x128xf32, #tpu.memory_space<hbm>> -> memref<10000x128xf32, #tpu.memory_space<hbm>>
      tpu.wait_indirect_dma semaphore(%arg12 : memref<!tpu.dma_semaphore, #tpu.memory_space<semaphore_mem>>) src(%dma_wait3A_179 : memref<10000x128xf32, #tpu.memory_space<hbm>>) dst(%dma_wait3A_175 : memref<80x128xf32, #tpu.memory_space<vmem>>)
      %mul3A_180 = arith.constant 80 : i32
      %mul3A_181 = arith.muli %add3A_155, %mul3A_180 : i32
      %run_scoped3A_182 = arith.constant 1 : i32
      "tpu.region"() ({
        %run_scoped3A_214 = tpu.sem_alloc : memref<!tpu.dma_semaphore, #tpu.memory_space<semaphore_mem>>
        %dma_start3A_215 = arith.constant 0 : i32
        %dma_start3A_216 = arith.constant 0 : i32
        %dma_start3A_217 = tpu.memref_slice %arg10[%run_scoped3A_182, %dma_start3A_215, %dma_start3A_216] : memref<3x80x128xf32, #tpu.memory_space<vmem>> -> memref<1x80x128xf32, #tpu.memory_space<vmem>>
        %dma_start3A_218 = tpu.memref_squeeze %dma_start3A_217 : memref<1x80x128xf32, #tpu.memory_space<vmem>> -> memref<80x128xf32, #tpu.memory_space<vmem>>
        %dma_start3A_219 = tpu.memref_slice %arg9[%mul3A_181] : memref<10000xi32, #tpu.memory_space<vmem>> -> memref<80xi32, #tpu.memory_space<vmem>>
        %dma_start3A_220 = arith.constant 0 : i32
        %dma_start3A_221 = arith.constant 0 : i32
        %dma_start3A_222 = tpu.memref_slice %arg7[%dma_start3A_220, %dma_start3A_221] : memref<10000x128xf32, #tpu.memory_space<vmem_shared>> -> memref<10000x128xf32, #tpu.memory_space<vmem_shared>>
        tpu.enqueue_indirect_dma source(%dma_start3A_218 : memref<80x128xf32, #tpu.memory_space<vmem>>) target(%dma_start3A_222 : memref<10000x128xf32, #tpu.memory_space<vmem_shared>>) offsets(%dma_start3A_219 : memref<80xi32, #tpu.memory_space<vmem>>) semaphore(%run_scoped3A_214 : memref<!tpu.dma_semaphore, #tpu.memory_space<semaphore_mem>>) {add = true}
        %dma_wait3A_223 = arith.constant 0 : i32
        %dma_wait3A_224 = arith.constant 0 : i32
        %dma_wait3A_225 = tpu.memref_slice %arg10[%run_scoped3A_182, %dma_wait3A_223, %dma_wait3A_224] : memref<3x80x128xf32, #tpu.memory_space<vmem>> -> memref<1x80x128xf32, #tpu.memory_space<vmem>>
        %dma_wait3A_226 = tpu.memref_squeeze %dma_wait3A_225 : memref<1x80x128xf32, #tpu.memory_space<vmem>> -> memref<80x128xf32, #tpu.memory_space<vmem>>
        %dma_wait3A_227 = tpu.memref_slice %arg9[%mul3A_181] : memref<10000xi32, #tpu.memory_space<vmem>> -> memref<80xi32, #tpu.memory_space<vmem>>
        %dma_wait3A_228 = arith.constant 0 : i32
        %dma_wait3A_229 = arith.constant 0 : i32
        %dma_wait3A_230 = tpu.memref_slice %arg7[%dma_wait3A_228, %dma_wait3A_229] : memref<10000x128xf32, #tpu.memory_space<vmem_shared>> -> memref<10000x128xf32, #tpu.memory_space<vmem_shared>>
        tpu.wait_indirect_dma semaphore(%run_scoped3A_214 : memref<!tpu.dma_semaphore, #tpu.memory_space<semaphore_mem>>) src(%dma_wait3A_226 : memref<80x128xf32, #tpu.memory_space<vmem>>) dst(%dma_wait3A_230 : memref<10000x128xf32, #tpu.memory_space<vmem_shared>>)
        tpu.yield
      }) : () -> ()
      %mul3A_183 = arith.constant 3 : i32
      %mul3A_184 = arith.muli %mul3A_183, %scan3A_120 : i32
      %add3A_185 = arith.constant 2 : i32
      %add3A_186 = arith.addi %mul3A_184, %add3A_185 : i32
      %add3A_187 = arith.constant 2 : i32
      %add3A_188 = arith.addi %add3A_186, %add3A_187 : i32
      %mul3A_189 = arith.constant 80 : i32
      %mul3A_190 = arith.muli %add3A_188, %mul3A_189 : i32
      %dma_start3A_191 = arith.constant 1 : i32
      %dma_start3A_192 = arith.constant 0 : i32
      %dma_start3A_193 = arith.constant 0 : i32
      %dma_start3A_194 = tpu.memref_slice %arg10[%dma_start3A_191, %dma_start3A_192, %dma_start3A_193] : memref<3x80x128xf32, #tpu.memory_space<vmem>> -> memref<1x80x128xf32, #tpu.memory_space<vmem>>
      %dma_start3A_195 = tpu.memref_squeeze %dma_start3A_194 : memref<1x80x128xf32, #tpu.memory_space<vmem>> -> memref<80x128xf32, #tpu.memory_space<vmem>>
      %dma_start3A_196 = tpu.memref_slice %arg8[%mul3A_190] : memref<10000xi32, #tpu.memory_space<vmem>> -> memref<80xi32, #tpu.memory_space<vmem>>
      %dma_start3A_197 = arith.constant 0 : i32
      %dma_start3A_198 = arith.constant 0 : i32
      %dma_start3A_199 = tpu.memref_slice %arg2[%dma_start3A_197, %dma_start3A_198] : memref<10000x128xf32, #tpu.memory_space<hbm>> -> memref<10000x128xf32, #tpu.memory_space<hbm>>
      tpu.enqueue_indirect_dma source(%dma_start3A_199 : memref<10000x128xf32, #tpu.memory_space<hbm>>) target(%dma_start3A_195 : memref<80x128xf32, #tpu.memory_space<vmem>>) offsets(%dma_start3A_196 : memref<80xi32, #tpu.memory_space<vmem>>) semaphore(%arg12 : memref<!tpu.dma_semaphore, #tpu.memory_space<semaphore_mem>>)
      %mul3A_200 = arith.constant 80 : i32
      %mul3A_201 = arith.muli %add3A_186, %mul3A_200 : i32
      %dma_wait3A_202 = arith.constant 2 : i32
      %dma_wait3A_203 = arith.constant 0 : i32
      %dma_wait3A_204 = arith.constant 0 : i32
      %dma_wait3A_205 = tpu.memref_slice %arg10[%dma_wait3A_202, %dma_wait3A_203, %dma_wait3A_204] : memref<3x80x128xf32, #tpu.memory_space<vmem>> -> memref<1x80x128xf32, #tpu.memory_space<vmem>>
      %dma_wait3A_206 = tpu.memref_squeeze %dma_wait3A_205 : memref<1x80x128xf32, #tpu.memory_space<vmem>> -> memref<80x128xf32, #tpu.memory_space<vmem>>
      %dma_wait3A_207 = tpu.memref_slice %arg8[%mul3A_201] : memref<10000xi32, #tpu.memory_space<vmem>> -> memref<80xi32, #tpu.memory_space<vmem>>
      %dma_wait3A_208 = arith.constant 0 : i32
      %dma_wait3A_209 = arith.constant 0 : i32
      %dma_wait3A_210 = tpu.memref_slice %arg2[%dma_wait3A_208, %dma_wait3A_209] : memref<10000x128xf32, #tpu.memory_space<hbm>> -> memref<10000x128xf32, #tpu.memory_space<hbm>>
      tpu.wait_indirect_dma semaphore(%arg13 : memref<!tpu.dma_semaphore, #tpu.memory_space<semaphore_mem>>) src(%dma_wait3A_210 : memref<10000x128xf32, #tpu.memory_space<hbm>>) dst(%dma_wait3A_206 : memref<80x128xf32, #tpu.memory_space<vmem>>)
      %mul3A_211 = arith.constant 80 : i32
      %mul3A_212 = arith.muli %add3A_186, %mul3A_211 : i32
      %run_scoped3A_213 = arith.constant 2 : i32
      "tpu.region"() ({
        %run_scoped3A_214 = tpu.sem_alloc : memref<!tpu.dma_semaphore, #tpu.memory_space<semaphore_mem>>
        %dma_start3A_215 = arith.constant 0 : i32
        %dma_start3A_216 = arith.constant 0 : i32
        %dma_start3A_217 = tpu.memref_slice %arg10[%run_scoped3A_213, %dma_start3A_215, %dma_start3A_216] : memref<3x80x128xf32, #tpu.memory_space<vmem>> -> memref<1x80x128xf32, #tpu.memory_space<vmem>>
        %dma_start3A_218 = tpu.memref_squeeze %dma_start3A_217 : memref<1x80x128xf32, #tpu.memory_space<vmem>> -> memref<80x128xf32, #tpu.memory_space<vmem>>
        %dma_start3A_219 = tpu.memref_slice %arg9[%mul3A_212] : memref<10000xi32, #tpu.memory_space<vmem>> -> memref<80xi32, #tpu.memory_space<vmem>>
        %dma_start3A_220 = arith.constant 0 : i32
        %dma_start3A_221 = arith.constant 0 : i32
        %dma_start3A_222 = tpu.memref_slice %arg7[%dma_start3A_220, %dma_start3A_221] : memref<10000x128xf32, #tpu.memory_space<vmem_shared>> -> memref<10000x128xf32, #tpu.memory_space<vmem_shared>>
        tpu.enqueue_indirect_dma source(%dma_start3A_218 : memref<80x128xf32, #tpu.memory_space<vmem>>) target(%dma_start3A_222 : memref<10000x128xf32, #tpu.memory_space<vmem_shared>>) offsets(%dma_start3A_219 : memref<80xi32, #tpu.memory_space<vmem>>) semaphore(%run_scoped3A_214 : memref<!tpu.dma_semaphore, #tpu.memory_space<semaphore_mem>>) {add = true}
        %dma_wait3A_223 = arith.constant 0 : i32
        %dma_wait3A_224 = arith.constant 0 : i32
        %dma_wait3A_225 = tpu.memref_slice %arg10[%run_scoped3A_213, %dma_wait3A_223, %dma_wait3A_224] : memref<3x80x128xf32, #tpu.memory_space<vmem>> -> memref<1x80x128xf32, #tpu.memory_space<vmem>>
        %dma_wait3A_226 = tpu.memref_squeeze %dma_wait3A_225 : memref<1x80x128xf32, #tpu.memory_space<vmem>> -> memref<80x128xf32, #tpu.memory_space<vmem>>
        %dma_wait3A_227 = tpu.memref_slice %arg9[%mul3A_212] : memref<10000xi32, #tpu.memory_space<vmem>> -> memref<80xi32, #tpu.memory_space<vmem>>
        %dma_wait3A_228 = arith.constant 0 : i32
        %dma_wait3A_229 = arith.constant 0 : i32
        %dma_wait3A_230 = tpu.memref_slice %arg7[%dma_wait3A_228, %dma_wait3A_229] : memref<10000x128xf32, #tpu.memory_space<vmem_shared>> -> memref<10000x128xf32, #tpu.memory_space<vmem_shared>>
        tpu.wait_indirect_dma semaphore(%run_scoped3A_214 : memref<!tpu.dma_semaphore, #tpu.memory_space<semaphore_mem>>) src(%dma_wait3A_226 : memref<80x128xf32, #tpu.memory_space<vmem>>) dst(%dma_wait3A_230 : memref<10000x128xf32, #tpu.memory_space<vmem_shared>>)
        tpu.yield
      }) : () -> ()
    }
    %scan3A_90 = arith.constant 41 : i32
    %dma_wait3A = arith.constant 0 : i32
    %dma_wait3A_91 = arith.constant 0 : i32
    %dma_wait3A_92 = arith.constant 0 : i32
    %dma_wait3A_93 = tpu.memref_slice %arg10[%dma_wait3A, %dma_wait3A_91, %dma_wait3A_92] : memref<3x80x128xf32, #tpu.memory_space<vmem>> -> memref<1x80x128xf32, #tpu.memory_space<vmem>>
    %dma_wait3A_94 = tpu.memref_squeeze %dma_wait3A_93 : memref<1x80x128xf32, #tpu.memory_space<vmem>> -> memref<80x128xf32, #tpu.memory_space<vmem>>
    %dma_wait3A_95 = arith.constant 9840 : i32
    %dma_wait3A_96 = tpu.memref_slice %arg8[%dma_wait3A_95] : memref<10000xi32, #tpu.memory_space<vmem>> -> memref<80xi32, #tpu.memory_space<vmem>>
    %dma_wait3A_97 = arith.constant 0 : i32
    %dma_wait3A_98 = arith.constant 0 : i32
    %dma_wait3A_99 = tpu.memref_slice %arg2[%dma_wait3A_97, %dma_wait3A_98] : memref<10000x128xf32, #tpu.memory_space<hbm>> -> memref<10000x128xf32, #tpu.memory_space<hbm>>
    tpu.wait_indirect_dma semaphore(%arg11 : memref<!tpu.dma_semaphore, #tpu.memory_space<semaphore_mem>>) src(%dma_wait3A_99 : memref<10000x128xf32, #tpu.memory_space<hbm>>) dst(%dma_wait3A_94 : memref<80x128xf32, #tpu.memory_space<vmem>>)
    %run_scoped3A = arith.constant 0 : i32
    "tpu.region"() ({
      %run_scoped3A_120 = tpu.sem_alloc : memref<!tpu.dma_semaphore, #tpu.memory_space<semaphore_mem>>
      %dma_start3A_121 = arith.constant 0 : i32
      %dma_start3A_122 = arith.constant 0 : i32
      %dma_start3A_123 = tpu.memref_slice %arg10[%run_scoped3A, %dma_start3A_121, %dma_start3A_122] : memref<3x80x128xf32, #tpu.memory_space<vmem>> -> memref<1x80x128xf32, #tpu.memory_space<vmem>>
      %dma_start3A_124 = tpu.memref_squeeze %dma_start3A_123 : memref<1x80x128xf32, #tpu.memory_space<vmem>> -> memref<80x128xf32, #tpu.memory_space<vmem>>
      %dma_start3A_125 = arith.constant 9840 : i32
      %dma_start3A_126 = tpu.memref_slice %arg9[%dma_start3A_125] : memref<10000xi32, #tpu.memory_space<vmem>> -> memref<80xi32, #tpu.memory_space<vmem>>
      %dma_start3A_127 = arith.constant 0 : i32
      %dma_start3A_128 = arith.constant 0 : i32
      %dma_start3A_129 = tpu.memref_slice %arg7[%dma_start3A_127, %dma_start3A_128] : memref<10000x128xf32, #tpu.memory_space<vmem_shared>> -> memref<10000x128xf32, #tpu.memory_space<vmem_shared>>
      tpu.enqueue_indirect_dma source(%dma_start3A_124 : memref<80x128xf32, #tpu.memory_space<vmem>>) target(%dma_start3A_129 : memref<10000x128xf32, #tpu.memory_space<vmem_shared>>) offsets(%dma_start3A_126 : memref<80xi32, #tpu.memory_space<vmem>>) semaphore(%run_scoped3A_120 : memref<!tpu.dma_semaphore, #tpu.memory_space<semaphore_mem>>) {add = true}
      %dma_wait3A_130 = arith.constant 0 : i32
      %dma_wait3A_131 = arith.constant 0 : i32
      %dma_wait3A_132 = tpu.memref_slice %arg10[%run_scoped3A, %dma_wait3A_130, %dma_wait3A_131] : memref<3x80x128xf32, #tpu.memory_space<vmem>> -> memref<1x80x128xf32, #tpu.memory_space<vmem>>
      %dma_wait3A_133 = tpu.memref_squeeze %dma_wait3A_132 : memref<1x80x128xf32, #tpu.memory_space<vmem>> -> memref<80x128xf32, #tpu.memory_space<vmem>>
      %dma_wait3A_134 = arith.constant 9840 : i32
      %dma_wait3A_135 = tpu.memref_slice %arg9[%dma_wait3A_134] : memref<10000xi32, #tpu.memory_space<vmem>> -> memref<80xi32, #tpu.memory_space<vmem>>
      %dma_wait3A_136 = arith.constant 0 : i32
      %dma_wait3A_137 = arith.constant 0 : i32
      %dma_wait3A_138 = tpu.memref_slice %arg7[%dma_wait3A_136, %dma_wait3A_137] : memref<10000x128xf32, #tpu.memory_space<vmem_shared>> -> memref<10000x128xf32, #tpu.memory_space<vmem_shared>>
      tpu.wait_indirect_dma semaphore(%run_scoped3A_120 : memref<!tpu.dma_semaphore, #tpu.memory_space<semaphore_mem>>) src(%dma_wait3A_133 : memref<80x128xf32, #tpu.memory_space<vmem>>) dst(%dma_wait3A_138 : memref<10000x128xf32, #tpu.memory_space<vmem_shared>>)
      tpu.yield
    }) : () -> ()
    %dma_wait3A_100 = arith.constant 1 : i32
    %dma_wait3A_101 = arith.constant 0 : i32
    %dma_wait3A_102 = arith.constant 0 : i32
    %dma_wait3A_103 = tpu.memref_slice %arg10[%dma_wait3A_100, %dma_wait3A_101, %dma_wait3A_102] : memref<3x80x128xf32, #tpu.memory_space<vmem>> -> memref<1x80x128xf32, #tpu.memory_space<vmem>>
    %dma_wait3A_104 = tpu.memref_squeeze %dma_wait3A_103 : memref<1x80x128xf32, #tpu.memory_space<vmem>> -> memref<80x128xf32, #tpu.memory_space<vmem>>
    %dma_wait3A_105 = arith.constant 9920 : i32
    %dma_wait3A_106 = tpu.memref_slice %arg8[%dma_wait3A_105] : memref<10000xi32, #tpu.memory_space<vmem>> -> memref<80xi32, #tpu.memory_space<vmem>>
    %dma_wait3A_107 = arith.constant 0 : i32
    %dma_wait3A_108 = arith.constant 0 : i32
    %dma_wait3A_109 = tpu.memref_slice %arg2[%dma_wait3A_107, %dma_wait3A_108] : memref<10000x128xf32, #tpu.memory_space<hbm>> -> memref<10000x128xf32, #tpu.memory_space<hbm>>
    tpu.wait_indirect_dma semaphore(%arg12 : memref<!tpu.dma_semaphore, #tpu.memory_space<semaphore_mem>>) src(%dma_wait3A_109 : memref<10000x128xf32, #tpu.memory_space<hbm>>) dst(%dma_wait3A_104 : memref<80x128xf32, #tpu.memory_space<vmem>>)
    %run_scoped3A_110 = arith.constant 1 : i32
    "tpu.region"() ({
      %run_scoped3A_120 = tpu.sem_alloc : memref<!tpu.dma_semaphore, #tpu.memory_space<semaphore_mem>>
      %dma_start3A_121 = arith.constant 0 : i32
      %dma_start3A_122 = arith.constant 0 : i32
      %dma_start3A_123 = tpu.memref_slice %arg10[%run_scoped3A_110, %dma_start3A_121, %dma_start3A_122] : memref<3x80x128xf32, #tpu.memory_space<vmem>> -> memref<1x80x128xf32, #tpu.memory_space<vmem>>
      %dma_start3A_124 = tpu.memref_squeeze %dma_start3A_123 : memref<1x80x128xf32, #tpu.memory_space<vmem>> -> memref<80x128xf32, #tpu.memory_space<vmem>>
      %dma_start3A_125 = arith.constant 9920 : i32
      %dma_start3A_126 = tpu.memref_slice %arg9[%dma_start3A_125] : memref<10000xi32, #tpu.memory_space<vmem>> -> memref<80xi32, #tpu.memory_space<vmem>>
      %dma_start3A_127 = arith.constant 0 : i32
      %dma_start3A_128 = arith.constant 0 : i32
      %dma_start3A_129 = tpu.memref_slice %arg7[%dma_start3A_127, %dma_start3A_128] : memref<10000x128xf32, #tpu.memory_space<vmem_shared>> -> memref<10000x128xf32, #tpu.memory_space<vmem_shared>>
      tpu.enqueue_indirect_dma source(%dma_start3A_124 : memref<80x128xf32, #tpu.memory_space<vmem>>) target(%dma_start3A_129 : memref<10000x128xf32, #tpu.memory_space<vmem_shared>>) offsets(%dma_start3A_126 : memref<80xi32, #tpu.memory_space<vmem>>) semaphore(%run_scoped3A_120 : memref<!tpu.dma_semaphore, #tpu.memory_space<semaphore_mem>>) {add = true}
      %dma_wait3A_130 = arith.constant 0 : i32
      %dma_wait3A_131 = arith.constant 0 : i32
      %dma_wait3A_132 = tpu.memref_slice %arg10[%run_scoped3A_110, %dma_wait3A_130, %dma_wait3A_131] : memref<3x80x128xf32, #tpu.memory_space<vmem>> -> memref<1x80x128xf32, #tpu.memory_space<vmem>>
      %dma_wait3A_133 = tpu.memref_squeeze %dma_wait3A_132 : memref<1x80x128xf32, #tpu.memory_space<vmem>> -> memref<80x128xf32, #tpu.memory_space<vmem>>
      %dma_wait3A_134 = arith.constant 9920 : i32
      %dma_wait3A_135 = tpu.memref_slice %arg9[%dma_wait3A_134] : memref<10000xi32, #tpu.memory_space<vmem>> -> memref<80xi32, #tpu.memory_space<vmem>>
      %dma_wait3A_136 = arith.constant 0 : i32
      %dma_wait3A_137 = arith.constant 0 : i32
      %dma_wait3A_138 = tpu.memref_slice %arg7[%dma_wait3A_136, %dma_wait3A_137] : memref<10000x128xf32, #tpu.memory_space<vmem_shared>> -> memref<10000x128xf32, #tpu.memory_space<vmem_shared>>
      tpu.wait_indirect_dma semaphore(%run_scoped3A_120 : memref<!tpu.dma_semaphore, #tpu.memory_space<semaphore_mem>>) src(%dma_wait3A_133 : memref<80x128xf32, #tpu.memory_space<vmem>>) dst(%dma_wait3A_138 : memref<10000x128xf32, #tpu.memory_space<vmem_shared>>)
      tpu.yield
    }) : () -> ()
    %barrier3A_111 = arith.constant 0 : index
    tpu.barrier barrier_id(%barrier3A_111)
    %not3A_112 = arith.constant true
    %not3A_113 = arith.xori %eq3A_3, %not3A_112 : i1
    %convert_element_type3A_114 = arith.extui %not3A_113 : i1 to i32
    %cond3A_115 = arith.constant 0 : i32
    %cond3A_116 = arith.cmpi ne, %convert_element_type3A_114, %cond3A_115 : i32
    scf.if %cond3A_116 {
      "tpu.region"() ({
        %run_scoped3A_120 = tpu.sem_alloc : memref<!tpu.dma_semaphore, #tpu.memory_space<semaphore_mem>>
        %dma_start3A_121 = arith.constant 0 : i32
        %dma_start3A_122 = tpu.memref_slice %arg5[%arg0, %mul3A_2, %dma_start3A_121] : memref<2x10000x128xf32, #tpu.memory_space<hbm>> -> memref<1x624x128xf32, #tpu.memory_space<hbm>>
        %dma_start3A_123 = tpu.memref_squeeze %dma_start3A_122 : memref<1x624x128xf32, #tpu.memory_space<hbm>> -> memref<624x128xf32, #tpu.memory_space<hbm>>
        %dma_start3A_124 = arith.constant 0 : i32
        %dma_start3A_125 = tpu.memref_slice %arg7[%mul3A_2, %dma_start3A_124] : memref<10000x128xf32, #tpu.memory_space<vmem_shared>> -> memref<624x128xf32, #tpu.memory_space<vmem_shared>>
        tpu.enqueue_dma source(%dma_start3A_125 : memref<624x128xf32, #tpu.memory_space<vmem_shared>>) target(%dma_start3A_123 : memref<624x128xf32, #tpu.memory_space<hbm>>) target_semaphore(%run_scoped3A_120 : memref<!tpu.dma_semaphore, #tpu.memory_space<semaphore_mem>>)
        %dma_wait3A_126 = arith.constant 0 : i32
        %dma_wait3A_127 = tpu.memref_slice %arg5[%arg0, %mul3A_2, %dma_wait3A_126] : memref<2x10000x128xf32, #tpu.memory_space<hbm>> -> memref<1x624x128xf32, #tpu.memory_space<hbm>>
        %dma_wait3A_128 = tpu.memref_squeeze %dma_wait3A_127 : memref<1x624x128xf32, #tpu.memory_space<hbm>> -> memref<624x128xf32, #tpu.memory_space<hbm>>
        %dma_wait3A_129 = arith.constant 0 : i32
        %dma_wait3A_130 = tpu.memref_slice %arg7[%mul3A_2, %dma_wait3A_129] : memref<10000x128xf32, #tpu.memory_space<vmem_shared>> -> memref<624x128xf32, #tpu.memory_space<vmem_shared>>
        tpu.wait_dma2 semaphore(%run_scoped3A_120 : memref<!tpu.dma_semaphore, #tpu.memory_space<semaphore_mem>>) src(%dma_wait3A_130 : memref<624x128xf32, #tpu.memory_space<vmem_shared>>) dst(%dma_wait3A_128 : memref<624x128xf32, #tpu.memory_space<hbm>>)
        tpu.yield
      }) : () -> ()
    } else {
    }
    %convert_element_type3A_117 = arith.extui %eq3A_3 : i1 to i32
    %cond3A_118 = arith.constant 0 : i32
    %cond3A_119 = arith.cmpi ne, %convert_element_type3A_117, %cond3A_118 : i32
    scf.if %cond3A_119 {
      "tpu.region"() ({
        %run_scoped3A_120 = tpu.sem_alloc : memref<!tpu.dma_semaphore, #tpu.memory_space<semaphore_mem>>
        %dma_start3A_121 = arith.constant 0 : i32
        %dma_start3A_122 = tpu.memref_slice %arg5[%arg0, %mul3A_2, %dma_start3A_121] : memref<2x10000x128xf32, #tpu.memory_space<hbm>> -> memref<1x640x128xf32, #tpu.memory_space<hbm>>
        %dma_start3A_123 = tpu.memref_squeeze %dma_start3A_122 : memref<1x640x128xf32, #tpu.memory_space<hbm>> -> memref<640x128xf32, #tpu.memory_space<hbm>>
        %dma_start3A_124 = arith.constant 0 : i32
        %dma_start3A_125 = tpu.memref_slice %arg7[%mul3A_2, %dma_start3A_124] : memref<10000x128xf32, #tpu.memory_space<vmem_shared>> -> memref<640x128xf32, #tpu.memory_space<vmem_shared>>
        tpu.enqueue_dma source(%dma_start3A_125 : memref<640x128xf32, #tpu.memory_space<vmem_shared>>) target(%dma_start3A_123 : memref<640x128xf32, #tpu.memory_space<hbm>>) target_semaphore(%run_scoped3A_120 : memref<!tpu.dma_semaphore, #tpu.memory_space<semaphore_mem>>)
        %dma_wait3A_126 = arith.constant 0 : i32
        %dma_wait3A_127 = tpu.memref_slice %arg5[%arg0, %mul3A_2, %dma_wait3A_126] : memref<2x10000x128xf32, #tpu.memory_space<hbm>> -> memref<1x640x128xf32, #tpu.memory_space<hbm>>
        %dma_wait3A_128 = tpu.memref_squeeze %dma_wait3A_127 : memref<1x640x128xf32, #tpu.memory_space<hbm>> -> memref<640x128xf32, #tpu.memory_space<hbm>>
        %dma_wait3A_129 = arith.constant 0 : i32
        %dma_wait3A_130 = tpu.memref_slice %arg7[%mul3A_2, %dma_wait3A_129] : memref<10000x128xf32, #tpu.memory_space<vmem_shared>> -> memref<640x128xf32, #tpu.memory_space<vmem_shared>>
        tpu.wait_dma2 semaphore(%run_scoped3A_120 : memref<!tpu.dma_semaphore, #tpu.memory_space<semaphore_mem>>) src(%dma_wait3A_130 : memref<640x128xf32, #tpu.memory_space<vmem_shared>>) dst(%dma_wait3A_128 : memref<640x128xf32, #tpu.memory_space<hbm>>)
        tpu.yield
      }) : () -> ()
    } else {
    }
    return
  }
}

#map = affine_map<(d0, d1) -> (0, 0)>
#map1 = affine_map<(d0, d1) -> (0)>
#map2 = affine_map<(d0, d1) -> (0, 0, 0)>
module attributes {stable_mosaic.version = 14 : i64} {
  func.func @body(%arg0: i32, %arg1: i32, %arg2: memref<10000x128xf32, #tpu.memory_space<hbm>>, %arg3: memref<320000xi32, #tpu.memory_space<hbm>>, %arg4: memref<320000xi32, #tpu.memory_space<hbm>>, %arg5: memref<2x10000x128xf32, #tpu.memory_space<hbm>>, %arg6: memref<10000x128xf32, #tpu.memory_space<vmem_shared>>, %arg7: memref<10000xi32, #tpu.memory_space<vmem>>, %arg8: memref<10000xi32, #tpu.memory_space<vmem>>, %arg9: memref<3x80x128xf32, #tpu.memory_space<vmem>>, %arg10: memref<!tpu.dma_semaphore, #tpu.memory_space<semaphore_mem>>, %arg11: memref<!tpu.dma_semaphore, #tpu.memory_space<semaphore_mem>>, %arg12: memref<!tpu.dma_semaphore, #tpu.memory_space<semaphore_mem>>) attributes {dimension_semantics = [#tpu.dimension_semantics<core_parallel>, #tpu.dimension_semantics<subcore_parallel>], iteration_bounds = array<i64: 2, 16>, scalar_prefetch = 0 : i64, scratch_operands = 7 : i64, tpu.core_type = #tpu.core_type<sc_vector_subcore>, window_params = [{transform_indices = #map}, {transform_indices = #map1}, {transform_indices = #map1}, {transform_indices = #map2}]} {
    %mul3A = arith.constant 16 : i32
    %mul3A_0 = arith.muli %arg0, %mul3A : i32
    %add3A = arith.addi %mul3A_0, %arg1 : i32
    %mul3A_1 = arith.constant 624 : i32
    %mul3A_2 = arith.muli %arg1, %mul3A_1 : i32
    %eq3A = arith.constant 15 : i32
    %eq3A_3 = arith.cmpi eq, %arg1, %eq3A : i32
    %mul3A_4 = arith.constant 10000 : i32
    %mul3A_5 = arith.muli %add3A, %mul3A_4 : i32
    "tpu.region"() ({
      %run_scoped3A_81 = tpu.sem_alloc : memref<!tpu.dma_semaphore, #tpu.memory_space<semaphore_mem>>
      %dma_start3A_82 = tpu.memref_slice %arg3[%mul3A_5] : memref<320000xi32, #tpu.memory_space<hbm>> -> memref<10000xi32, #tpu.memory_space<hbm>>
      %dma_start3A_83 = tpu.memref_slice %arg3[%mul3A_5] : memref<320000xi32, #tpu.memory_space<hbm>> -> memref<10000xi32, #tpu.memory_space<hbm>>
      tpu.enqueue_dma source(%dma_start3A_83 : memref<10000xi32, #tpu.memory_space<hbm>>) target(%arg7 : memref<10000xi32, #tpu.memory_space<vmem>>) target_semaphore(%run_scoped3A_81 : memref<!tpu.dma_semaphore, #tpu.memory_space<semaphore_mem>>)
      %dma_wait3A_84 = tpu.memref_slice %arg3[%mul3A_5] : memref<320000xi32, #tpu.memory_space<hbm>> -> memref<10000xi32, #tpu.memory_space<hbm>>
      %dma_wait3A_85 = tpu.memref_slice %arg3[%mul3A_5] : memref<320000xi32, #tpu.memory_space<hbm>> -> memref<10000xi32, #tpu.memory_space<hbm>>
      tpu.wait_dma2 semaphore(%run_scoped3A_81 : memref<!tpu.dma_semaphore, #tpu.memory_space<semaphore_mem>>) src(%dma_wait3A_85 : memref<10000xi32, #tpu.memory_space<hbm>>) dst(%arg7 : memref<10000xi32, #tpu.memory_space<vmem>>)
      tpu.yield
    }) : () -> ()
    %mul3A_6 = arith.constant 10000 : i32
    %mul3A_7 = arith.muli %add3A, %mul3A_6 : i32
    "tpu.region"() ({
      %run_scoped3A_81 = tpu.sem_alloc : memref<!tpu.dma_semaphore, #tpu.memory_space<semaphore_mem>>
      %dma_start3A_82 = tpu.memref_slice %arg4[%mul3A_7] : memref<320000xi32, #tpu.memory_space<hbm>> -> memref<10000xi32, #tpu.memory_space<hbm>>
      %dma_start3A_83 = tpu.memref_slice %arg4[%mul3A_7] : memref<320000xi32, #tpu.memory_space<hbm>> -> memref<10000xi32, #tpu.memory_space<hbm>>
      tpu.enqueue_dma source(%dma_start3A_83 : memref<10000xi32, #tpu.memory_space<hbm>>) target(%arg8 : memref<10000xi32, #tpu.memory_space<vmem>>) target_semaphore(%run_scoped3A_81 : memref<!tpu.dma_semaphore, #tpu.memory_space<semaphore_mem>>)
      %dma_wait3A_84 = tpu.memref_slice %arg4[%mul3A_7] : memref<320000xi32, #tpu.memory_space<hbm>> -> memref<10000xi32, #tpu.memory_space<hbm>>
      %dma_wait3A_85 = tpu.memref_slice %arg4[%mul3A_7] : memref<320000xi32, #tpu.memory_space<hbm>> -> memref<10000xi32, #tpu.memory_space<hbm>>
      tpu.wait_dma2 semaphore(%run_scoped3A_81 : memref<!tpu.dma_semaphore, #tpu.memory_space<semaphore_mem>>) src(%dma_wait3A_85 : memref<10000xi32, #tpu.memory_space<hbm>>) dst(%arg8 : memref<10000xi32, #tpu.memory_space<vmem>>)
      tpu.yield
    }) : () -> ()
    %dma_start3A = arith.constant 0 : i32
    %dma_start3A_8 = arith.constant 0 : i32
    %dma_start3A_9 = arith.constant 0 : i32
    %dma_start3A_10 = tpu.memref_slice %arg9[%dma_start3A, %dma_start3A_8, %dma_start3A_9] : memref<3x80x128xf32, #tpu.memory_space<vmem>> -> memref<1x80x128xf32, #tpu.memory_space<vmem>>
    %dma_start3A_11 = tpu.memref_squeeze %dma_start3A_10 : memref<1x80x128xf32, #tpu.memory_space<vmem>> -> memref<80x128xf32, #tpu.memory_space<vmem>>
    %dma_start3A_12 = arith.constant 0 : i32
    %dma_start3A_13 = tpu.memref_slice %arg7[%dma_start3A_12] : memref<10000xi32, #tpu.memory_space<vmem>> -> memref<80xi32, #tpu.memory_space<vmem>>
    %dma_start3A_14 = arith.constant 0 : i32
    %dma_start3A_15 = arith.constant 0 : i32
    %dma_start3A_16 = tpu.memref_slice %arg2[%dma_start3A_14, %dma_start3A_15] : memref<10000x128xf32, #tpu.memory_space<hbm>> -> memref<10000x128xf32, #tpu.memory_space<hbm>>
    tpu.enqueue_indirect_dma source(%dma_start3A_16 : memref<10000x128xf32, #tpu.memory_space<hbm>>) target(%dma_start3A_11 : memref<80x128xf32, #tpu.memory_space<vmem>>) offsets(%dma_start3A_13 : memref<80xi32, #tpu.memory_space<vmem>>) semaphore(%arg10 : memref<!tpu.dma_semaphore, #tpu.memory_space<semaphore_mem>>)
    %dma_start3A_17 = arith.constant 1 : i32
    %dma_start3A_18 = arith.constant 0 : i32
    %dma_start3A_19 = arith.constant 0 : i32
    %dma_start3A_20 = tpu.memref_slice %arg9[%dma_start3A_17, %dma_start3A_18, %dma_start3A_19] : memref<3x80x128xf32, #tpu.memory_space<vmem>> -> memref<1x80x128xf32, #tpu.memory_space<vmem>>
    %dma_start3A_21 = tpu.memref_squeeze %dma_start3A_20 : memref<1x80x128xf32, #tpu.memory_space<vmem>> -> memref<80x128xf32, #tpu.memory_space<vmem>>
    %dma_start3A_22 = arith.constant 80 : i32
    %dma_start3A_23 = tpu.memref_slice %arg7[%dma_start3A_22] : memref<10000xi32, #tpu.memory_space<vmem>> -> memref<80xi32, #tpu.memory_space<vmem>>
    %dma_start3A_24 = arith.constant 0 : i32
    %dma_start3A_25 = arith.constant 0 : i32
    %dma_start3A_26 = tpu.memref_slice %arg2[%dma_start3A_24, %dma_start3A_25] : memref<10000x128xf32, #tpu.memory_space<hbm>> -> memref<10000x128xf32, #tpu.memory_space<hbm>>
    tpu.enqueue_indirect_dma source(%dma_start3A_26 : memref<10000x128xf32, #tpu.memory_space<hbm>>) target(%dma_start3A_21 : memref<80x128xf32, #tpu.memory_space<vmem>>) offsets(%dma_start3A_23 : memref<80xi32, #tpu.memory_space<vmem>>) semaphore(%arg11 : memref<!tpu.dma_semaphore, #tpu.memory_space<semaphore_mem>>)
    %scan3A = arith.constant 0 : i32
    %scan3A_27 = arith.constant 0 : i32
    %scan3A_28 = arith.constant 80 : i32
    %scan3A_29 = arith.addi %scan3A_27, %scan3A_28 : i32
    %scan3A_30 = arith.constant 1 : i32
    scf.for %scan3A_81 = %scan3A_27 to %scan3A_29 step %scan3A_30  : i32 {
      %broadcast_in_dim3A = arith.constant 0.000000e+00 : f32
      %broadcast_in_dim3A_82 = vector.broadcast %broadcast_in_dim3A : f32 to vector<16xf32>
      %swap3A = arith.constant 2 : i32
      %swap3A_83 = arith.index_cast %swap3A : i32 to index
      %swap3A_84 = arith.index_cast %scan3A_81 : i32 to index
      %swap3A_85 = arith.constant 0 : index
      %swap3A_86 = tpu.vector_load %arg9[%swap3A_83, %swap3A_84, %swap3A_85] {strides = array<i32>} : memref<3x80x128xf32, #tpu.memory_space<vmem>>, vector<1x1x16xf32>,
      %swap3A_87 = vector.shape_cast %swap3A_86 : vector<1x1x16xf32> to vector<16xf32>
      %swap3A_88 = vector.shape_cast %broadcast_in_dim3A_82 : vector<16xf32> to vector<1x1x16xf32>
      tpu.vector_store %arg9[%swap3A_83, %swap3A_84, %swap3A_85], %swap3A_88 {strides = array<i32>} : memref<3x80x128xf32, #tpu.memory_space<vmem>>, vector<1x1x16xf32>,
      %broadcast_in_dim3A_89 = arith.constant 0.000000e+00 : f32
      %broadcast_in_dim3A_90 = vector.broadcast %broadcast_in_dim3A_89 : f32 to vector<16xf32>
      %swap3A_91 = arith.constant 2 : i32
      %swap3A_92 = arith.index_cast %swap3A_91 : i32 to index
      %swap3A_93 = arith.index_cast %scan3A_81 : i32 to index
      %swap3A_94 = arith.constant 16 : index
      %swap3A_95 = tpu.vector_load %arg9[%swap3A_92, %swap3A_93, %swap3A_94] {strides = array<i32>} : memref<3x80x128xf32, #tpu.memory_space<vmem>>, vector<1x1x16xf32>,
      %swap3A_96 = vector.shape_cast %swap3A_95 : vector<1x1x16xf32> to vector<16xf32>
      %swap3A_97 = vector.shape_cast %broadcast_in_dim3A_90 : vector<16xf32> to vector<1x1x16xf32>
      tpu.vector_store %arg9[%swap3A_92, %swap3A_93, %swap3A_94], %swap3A_97 {strides = array<i32>} : memref<3x80x128xf32, #tpu.memory_space<vmem>>, vector<1x1x16xf32>,
      %broadcast_in_dim3A_98 = arith.constant 0.000000e+00 : f32
      %broadcast_in_dim3A_99 = vector.broadcast %broadcast_in_dim3A_98 : f32 to vector<16xf32>
      %swap3A_100 = arith.constant 2 : i32
      %swap3A_101 = arith.index_cast %swap3A_100 : i32 to index
      %swap3A_102 = arith.index_cast %scan3A_81 : i32 to index
      %swap3A_103 = arith.constant 32 : index
      %swap3A_104 = tpu.vector_load %arg9[%swap3A_101, %swap3A_102, %swap3A_103] {strides = array<i32>} : memref<3x80x128xf32, #tpu.memory_space<vmem>>, vector<1x1x16xf32>,
      %swap3A_105 = vector.shape_cast %swap3A_104 : vector<1x1x16xf32> to vector<16xf32>
      %swap3A_106 = vector.shape_cast %broadcast_in_dim3A_99 : vector<16xf32> to vector<1x1x16xf32>
      tpu.vector_store %arg9[%swap3A_101, %swap3A_102, %swap3A_103], %swap3A_106 {strides = array<i32>} : memref<3x80x128xf32, #tpu.memory_space<vmem>>, vector<1x1x16xf32>,
      %broadcast_in_dim3A_107 = arith.constant 0.000000e+00 : f32
      %broadcast_in_dim3A_108 = vector.broadcast %broadcast_in_dim3A_107 : f32 to vector<16xf32>
      %swap3A_109 = arith.constant 2 : i32
      %swap3A_110 = arith.index_cast %swap3A_109 : i32 to index
      %swap3A_111 = arith.index_cast %scan3A_81 : i32 to index
      %swap3A_112 = arith.constant 48 : index
      %swap3A_113 = tpu.vector_load %arg9[%swap3A_110, %swap3A_111, %swap3A_112] {strides = array<i32>} : memref<3x80x128xf32, #tpu.memory_space<vmem>>, vector<1x1x16xf32>,
      %swap3A_114 = vector.shape_cast %swap3A_113 : vector<1x1x16xf32> to vector<16xf32>
      %swap3A_115 = vector.shape_cast %broadcast_in_dim3A_108 : vector<16xf32> to vector<1x1x16xf32>
      tpu.vector_store %arg9[%swap3A_110, %swap3A_111, %swap3A_112], %swap3A_115 {strides = array<i32>} : memref<3x80x128xf32, #tpu.memory_space<vmem>>, vector<1x1x16xf32>,
      %broadcast_in_dim3A_116 = arith.constant 0.000000e+00 : f32
      %broadcast_in_dim3A_117 = vector.broadcast %broadcast_in_dim3A_116 : f32 to vector<16xf32>
      %swap3A_118 = arith.constant 2 : i32
      %swap3A_119 = arith.index_cast %swap3A_118 : i32 to index
      %swap3A_120 = arith.index_cast %scan3A_81 : i32 to index
      %swap3A_121 = arith.constant 64 : index
      %swap3A_122 = tpu.vector_load %arg9[%swap3A_119, %swap3A_120, %swap3A_121] {strides = array<i32>} : memref<3x80x128xf32, #tpu.memory_space<vmem>>, vector<1x1x16xf32>,
      %swap3A_123 = vector.shape_cast %swap3A_122 : vector<1x1x16xf32> to vector<16xf32>
      %swap3A_124 = vector.shape_cast %broadcast_in_dim3A_117 : vector<16xf32> to vector<1x1x16xf32>
      tpu.vector_store %arg9[%swap3A_119, %swap3A_120, %swap3A_121], %swap3A_124 {strides = array<i32>} : memref<3x80x128xf32, #tpu.memory_space<vmem>>, vector<1x1x16xf32>,
      %broadcast_in_dim3A_125 = arith.constant 0.000000e+00 : f32
      %broadcast_in_dim3A_126 = vector.broadcast %broadcast_in_dim3A_125 : f32 to vector<16xf32>
      %swap3A_127 = arith.constant 2 : i32
      %swap3A_128 = arith.index_cast %swap3A_127 : i32 to index
      %swap3A_129 = arith.index_cast %scan3A_81 : i32 to index
      %swap3A_130 = arith.constant 80 : index
      %swap3A_131 = tpu.vector_load %arg9[%swap3A_128, %swap3A_129, %swap3A_130] {strides = array<i32>} : memref<3x80x128xf32, #tpu.memory_space<vmem>>, vector<1x1x16xf32>,
      %swap3A_132 = vector.shape_cast %swap3A_131 : vector<1x1x16xf32> to vector<16xf32>
      %swap3A_133 = vector.shape_cast %broadcast_in_dim3A_126 : vector<16xf32> to vector<1x1x16xf32>
      tpu.vector_store %arg9[%swap3A_128, %swap3A_129, %swap3A_130], %swap3A_133 {strides = array<i32>} : memref<3x80x128xf32, #tpu.memory_space<vmem>>, vector<1x1x16xf32>,
      %broadcast_in_dim3A_134 = arith.constant 0.000000e+00 : f32
      %broadcast_in_dim3A_135 = vector.broadcast %broadcast_in_dim3A_134 : f32 to vector<16xf32>
      %swap3A_136 = arith.constant 2 : i32
      %swap3A_137 = arith.index_cast %swap3A_136 : i32 to index
      %swap3A_138 = arith.index_cast %scan3A_81 : i32 to index
      %swap3A_139 = arith.constant 96 : index
      %swap3A_140 = tpu.vector_load %arg9[%swap3A_137, %swap3A_138, %swap3A_139] {strides = array<i32>} : memref<3x80x128xf32, #tpu.memory_space<vmem>>, vector<1x1x16xf32>,
      %swap3A_141 = vector.shape_cast %swap3A_140 : vector<1x1x16xf32> to vector<16xf32>
      %swap3A_142 = vector.shape_cast %broadcast_in_dim3A_135 : vector<16xf32> to vector<1x1x16xf32>
      tpu.vector_store %arg9[%swap3A_137, %swap3A_138, %swap3A_139], %swap3A_142 {strides = array<i32>} : memref<3x80x128xf32, #tpu.memory_space<vmem>>, vector<1x1x16xf32>,
      %broadcast_in_dim3A_143 = arith.constant 0.000000e+00 : f32
      %broadcast_in_dim3A_144 = vector.broadcast %broadcast_in_dim3A_143 : f32 to vector<16xf32>
      %swap3A_145 = arith.constant 2 : i32
      %swap3A_146 = arith.index_cast %swap3A_145 : i32 to index
      %swap3A_147 = arith.index_cast %scan3A_81 : i32 to index
      %swap3A_148 = arith.constant 112 : index
      %swap3A_149 = tpu.vector_load %arg9[%swap3A_146, %swap3A_147, %swap3A_148] {strides = array<i32>} : memref<3x80x128xf32, #tpu.memory_space<vmem>>, vector<1x1x16xf32>,
      %swap3A_150 = vector.shape_cast %swap3A_149 : vector<1x1x16xf32> to vector<16xf32>
      %swap3A_151 = vector.shape_cast %broadcast_in_dim3A_144 : vector<16xf32> to vector<1x1x16xf32>
      tpu.vector_store %arg9[%swap3A_146, %swap3A_147, %swap3A_148], %swap3A_151 {strides = array<i32>} : memref<3x80x128xf32, #tpu.memory_space<vmem>>, vector<1x1x16xf32>,
    }
    %scan3A_31 = arith.constant 80 : i32
    %eq3A_32 = arith.constant 0 : i32
    %eq3A_33 = arith.cmpi eq, %arg0, %eq3A_32 : i32
    %not3A = arith.constant true
    %not3A_34 = arith.xori %eq3A_3, %not3A : i1
    %and3A = arith.andi %eq3A_33, %not3A_34 : i1
    %convert_element_type3A = arith.extui %and3A : i1 to i32
    %cond3A = arith.constant 0 : i32
    %cond3A_35 = arith.cmpi ne, %convert_element_type3A, %cond3A : i32
    scf.if %cond3A_35 {
      "tpu.region"() ({
        %run_scoped3A_81 = tpu.sem_alloc : memref<!tpu.dma_semaphore, #tpu.memory_space<semaphore_mem>>
        %dma_start3A_82 = arith.constant 0 : i32
        %dma_start3A_83 = tpu.memref_slice %arg6[%mul3A_2, %dma_start3A_82] : memref<10000x128xf32, #tpu.memory_space<vmem_shared>> -> memref<624x128xf32, #tpu.memory_space<vmem_shared>>
        %dma_start3A_84 = arith.constant 0 : i32
        %dma_start3A_85 = tpu.memref_slice %arg2[%mul3A_2, %dma_start3A_84] : memref<10000x128xf32, #tpu.memory_space<hbm>> -> memref<624x128xf32, #tpu.memory_space<hbm>>
        tpu.enqueue_dma source(%dma_start3A_85 : memref<624x128xf32, #tpu.memory_space<hbm>>) target(%dma_start3A_83 : memref<624x128xf32, #tpu.memory_space<vmem_shared>>) target_semaphore(%run_scoped3A_81 : memref<!tpu.dma_semaphore, #tpu.memory_space<semaphore_mem>>)
        %dma_wait3A_86 = arith.constant 0 : i32
        %dma_wait3A_87 = tpu.memref_slice %arg6[%mul3A_2, %dma_wait3A_86] : memref<10000x128xf32, #tpu.memory_space<vmem_shared>> -> memref<624x128xf32, #tpu.memory_space<vmem_shared>>
        %dma_wait3A_88 = arith.constant 0 : i32
        %dma_wait3A_89 = tpu.memref_slice %arg2[%mul3A_2, %dma_wait3A_88] : memref<10000x128xf32, #tpu.memory_space<hbm>> -> memref<624x128xf32, #tpu.memory_space<hbm>>
        tpu.wait_dma2 semaphore(%run_scoped3A_81 : memref<!tpu.dma_semaphore, #tpu.memory_space<semaphore_mem>>) src(%dma_wait3A_89 : memref<624x128xf32, #tpu.memory_space<hbm>>) dst(%dma_wait3A_87 : memref<624x128xf32, #tpu.memory_space<vmem_shared>>)
        tpu.yield
      }) : () -> ()
    } else {
    }
    %eq3A_36 = arith.constant 0 : i32
    %eq3A_37 = arith.cmpi eq, %arg0, %eq3A_36 : i32
    %and3A_38 = arith.andi %eq3A_37, %eq3A_3 : i1
    %convert_element_type3A_39 = arith.extui %and3A_38 : i1 to i32
    %cond3A_40 = arith.constant 0 : i32
    %cond3A_41 = arith.cmpi ne, %convert_element_type3A_39, %cond3A_40 : i32
    scf.if %cond3A_41 {
      "tpu.region"() ({
        %run_scoped3A_81 = tpu.sem_alloc : memref<!tpu.dma_semaphore, #tpu.memory_space<semaphore_mem>>
        %dma_start3A_82 = arith.constant 0 : i32
        %dma_start3A_83 = tpu.memref_slice %arg6[%mul3A_2, %dma_start3A_82] : memref<10000x128xf32, #tpu.memory_space<vmem_shared>> -> memref<640x128xf32, #tpu.memory_space<vmem_shared>>
        %dma_start3A_84 = arith.constant 0 : i32
        %dma_start3A_85 = tpu.memref_slice %arg2[%mul3A_2, %dma_start3A_84] : memref<10000x128xf32, #tpu.memory_space<hbm>> -> memref<640x128xf32, #tpu.memory_space<hbm>>
        tpu.enqueue_dma source(%dma_start3A_85 : memref<640x128xf32, #tpu.memory_space<hbm>>) target(%dma_start3A_83 : memref<640x128xf32, #tpu.memory_space<vmem_shared>>) target_semaphore(%run_scoped3A_81 : memref<!tpu.dma_semaphore, #tpu.memory_space<semaphore_mem>>)
        %dma_wait3A_86 = arith.constant 0 : i32
        %dma_wait3A_87 = tpu.memref_slice %arg6[%mul3A_2, %dma_wait3A_86] : memref<10000x128xf32, #tpu.memory_space<vmem_shared>> -> memref<640x128xf32, #tpu.memory_space<vmem_shared>>
        %dma_wait3A_88 = arith.constant 0 : i32
        %dma_wait3A_89 = tpu.memref_slice %arg2[%mul3A_2, %dma_wait3A_88] : memref<10000x128xf32, #tpu.memory_space<hbm>> -> memref<640x128xf32, #tpu.memory_space<hbm>>
        tpu.wait_dma2 semaphore(%run_scoped3A_81 : memref<!tpu.dma_semaphore, #tpu.memory_space<semaphore_mem>>) src(%dma_wait3A_89 : memref<640x128xf32, #tpu.memory_space<hbm>>) dst(%dma_wait3A_87 : memref<640x128xf32, #tpu.memory_space<vmem_shared>>)
        tpu.yield
      }) : () -> ()
    } else {
    }
    %ne3A = arith.constant 0 : i32
    %ne3A_42 = arith.cmpi ne, %arg0, %ne3A : i32
    %convert_element_type3A_43 = arith.extui %ne3A_42 : i1 to i32
    %cond3A_44 = arith.constant 0 : i32
    %cond3A_45 = arith.cmpi ne, %convert_element_type3A_43, %cond3A_44 : i32
    scf.if %cond3A_45 {
      %not3A_81 = arith.constant true
      %not3A_82 = arith.xori %eq3A_3, %not3A_81 : i1
      %convert_element_type3A_83 = arith.extui %not3A_82 : i1 to i32
      %cond3A_84 = arith.constant 2 : i32
      %cond3A_85 = arith.constant 0 : i32
      %cond3A_86 = arith.cmpi ne, %convert_element_type3A_83, %cond3A_85 : i32
      scf.if %cond3A_86 {
        %add3A_91 = arith.constant 0 : i32
        %add3A_92 = arith.addi %mul3A_2, %add3A_91 : i32
        "tpu.region"() ({
          %run_scoped3A_107 = tpu.sem_alloc : memref<!tpu.dma_semaphore, #tpu.memory_space<semaphore_mem>>
          %dma_start3A_108 = arith.constant 0 : i32
          %dma_start3A_109 = arith.constant 0 : i32
          %dma_start3A_110 = tpu.memref_slice %arg9[%cond3A_84, %dma_start3A_108, %dma_start3A_109] : memref<3x80x128xf32, #tpu.memory_space<vmem>> -> memref<1x80x128xf32, #tpu.memory_space<vmem>>
          %dma_start3A_111 = tpu.memref_squeeze %dma_start3A_110 : memref<1x80x128xf32, #tpu.memory_space<vmem>> -> memref<80x128xf32, #tpu.memory_space<vmem>>
          %dma_start3A_112 = arith.constant 0 : i32
          %dma_start3A_113 = tpu.memref_slice %arg6[%add3A_92, %dma_start3A_112] : memref<10000x128xf32, #tpu.memory_space<vmem_shared>> -> memref<80x128xf32, #tpu.memory_space<vmem_shared>>
          %dma_start3A_114 = arith.constant 0 : i32
          %dma_start3A_115 = tpu.memref_slice %arg6[%add3A_92, %dma_start3A_114] : memref<10000x128xf32, #tpu.memory_space<vmem_shared>> -> memref<80x128xf32, #tpu.memory_space<vmem_shared>>
          %dma_start3A_116 = arith.constant 0 : i32
          %dma_start3A_117 = arith.constant 0 : i32
          %dma_start3A_118 = tpu.memref_slice %arg9[%cond3A_84, %dma_start3A_116, %dma_start3A_117] : memref<3x80x128xf32, #tpu.memory_space<vmem>> -> memref<1x80x128xf32, #tpu.memory_space<vmem>>
          %dma_start3A_119 = tpu.memref_squeeze %dma_start3A_118 : memref<1x80x128xf32, #tpu.memory_space<vmem>> -> memref<80x128xf32, #tpu.memory_space<vmem>>
          tpu.enqueue_dma source(%dma_start3A_119 : memref<80x128xf32, #tpu.memory_space<vmem>>) target(%dma_start3A_115 : memref<80x128xf32, #tpu.memory_space<vmem_shared>>) target_semaphore(%run_scoped3A_107 : memref<!tpu.dma_semaphore, #tpu.memory_space<semaphore_mem>>)
          %dma_wait3A_120 = arith.constant 0 : i32
          %dma_wait3A_121 = arith.constant 0 : i32
          %dma_wait3A_122 = tpu.memref_slice %arg9[%cond3A_84, %dma_wait3A_120, %dma_wait3A_121] : memref<3x80x128xf32, #tpu.memory_space<vmem>> -> memref<1x80x128xf32, #tpu.memory_space<vmem>>
          %dma_wait3A_123 = tpu.memref_squeeze %dma_wait3A_122 : memref<1x80x128xf32, #tpu.memory_space<vmem>> -> memref<80x128xf32, #tpu.memory_space<vmem>>
          %dma_wait3A_124 = arith.constant 0 : i32
          %dma_wait3A_125 = tpu.memref_slice %arg6[%add3A_92, %dma_wait3A_124] : memref<10000x128xf32, #tpu.memory_space<vmem_shared>> -> memref<80x128xf32, #tpu.memory_space<vmem_shared>>
          %dma_wait3A_126 = arith.constant 0 : i32
          %dma_wait3A_127 = tpu.memref_slice %arg6[%add3A_92, %dma_wait3A_126] : memref<10000x128xf32, #tpu.memory_space<vmem_shared>> -> memref<80x128xf32, #tpu.memory_space<vmem_shared>>
          %dma_wait3A_128 = arith.constant 0 : i32
          %dma_wait3A_129 = arith.constant 0 : i32
          %dma_wait3A_130 = tpu.memref_slice %arg9[%cond3A_84, %dma_wait3A_128, %dma_wait3A_129] : memref<3x80x128xf32, #tpu.memory_space<vmem>> -> memref<1x80x128xf32, #tpu.memory_space<vmem>>
          %dma_wait3A_131 = tpu.memref_squeeze %dma_wait3A_130 : memref<1x80x128xf32, #tpu.memory_space<vmem>> -> memref<80x128xf32, #tpu.memory_space<vmem>>
          tpu.wait_dma2 semaphore(%run_scoped3A_107 : memref<!tpu.dma_semaphore, #tpu.memory_space<semaphore_mem>>) src(%dma_wait3A_131 : memref<80x128xf32, #tpu.memory_space<vmem>>) dst(%dma_wait3A_127 : memref<80x128xf32, #tpu.memory_space<vmem_shared>>)
          tpu.yield
        }) : () -> ()
        %add3A_93 = arith.constant 80 : i32
        %add3A_94 = arith.addi %mul3A_2, %add3A_93 : i32
        "tpu.region"() ({
          %run_scoped3A_107 = tpu.sem_alloc : memref<!tpu.dma_semaphore, #tpu.memory_space<semaphore_mem>>
          %dma_start3A_108 = arith.constant 0 : i32
          %dma_start3A_109 = arith.constant 0 : i32
          %dma_start3A_110 = tpu.memref_slice %arg9[%cond3A_84, %dma_start3A_108, %dma_start3A_109] : memref<3x80x128xf32, #tpu.memory_space<vmem>> -> memref<1x80x128xf32, #tpu.memory_space<vmem>>
          %dma_start3A_111 = tpu.memref_squeeze %dma_start3A_110 : memref<1x80x128xf32, #tpu.memory_space<vmem>> -> memref<80x128xf32, #tpu.memory_space<vmem>>
          %dma_start3A_112 = arith.constant 0 : i32
          %dma_start3A_113 = tpu.memref_slice %arg6[%add3A_94, %dma_start3A_112] : memref<10000x128xf32, #tpu.memory_space<vmem_shared>> -> memref<80x128xf32, #tpu.memory_space<vmem_shared>>
          %dma_start3A_114 = arith.constant 0 : i32
          %dma_start3A_115 = tpu.memref_slice %arg6[%add3A_94, %dma_start3A_114] : memref<10000x128xf32, #tpu.memory_space<vmem_shared>> -> memref<80x128xf32, #tpu.memory_space<vmem_shared>>
          %dma_start3A_116 = arith.constant 0 : i32
          %dma_start3A_117 = arith.constant 0 : i32
          %dma_start3A_118 = tpu.memref_slice %arg9[%cond3A_84, %dma_start3A_116, %dma_start3A_117] : memref<3x80x128xf32, #tpu.memory_space<vmem>> -> memref<1x80x128xf32, #tpu.memory_space<vmem>>
          %dma_start3A_119 = tpu.memref_squeeze %dma_start3A_118 : memref<1x80x128xf32, #tpu.memory_space<vmem>> -> memref<80x128xf32, #tpu.memory_space<vmem>>
          tpu.enqueue_dma source(%dma_start3A_119 : memref<80x128xf32, #tpu.memory_space<vmem>>) target(%dma_start3A_115 : memref<80x128xf32, #tpu.memory_space<vmem_shared>>) target_semaphore(%run_scoped3A_107 : memref<!tpu.dma_semaphore, #tpu.memory_space<semaphore_mem>>)
          %dma_wait3A_120 = arith.constant 0 : i32
          %dma_wait3A_121 = arith.constant 0 : i32
          %dma_wait3A_122 = tpu.memref_slice %arg9[%cond3A_84, %dma_wait3A_120, %dma_wait3A_121] : memref<3x80x128xf32, #tpu.memory_space<vmem>> -> memref<1x80x128xf32, #tpu.memory_space<vmem>>
          %dma_wait3A_123 = tpu.memref_squeeze %dma_wait3A_122 : memref<1x80x128xf32, #tpu.memory_space<vmem>> -> memref<80x128xf32, #tpu.memory_space<vmem>>
          %dma_wait3A_124 = arith.constant 0 : i32
          %dma_wait3A_125 = tpu.memref_slice %arg6[%add3A_94, %dma_wait3A_124] : memref<10000x128xf32, #tpu.memory_space<vmem_shared>> -> memref<80x128xf32, #tpu.memory_space<vmem_shared>>
          %dma_wait3A_126 = arith.constant 0 : i32
          %dma_wait3A_127 = tpu.memref_slice %arg6[%add3A_94, %dma_wait3A_126] : memref<10000x128xf32, #tpu.memory_space<vmem_shared>> -> memref<80x128xf32, #tpu.memory_space<vmem_shared>>
          %dma_wait3A_128 = arith.constant 0 : i32
          %dma_wait3A_129 = arith.constant 0 : i32
          %dma_wait3A_130 = tpu.memref_slice %arg9[%cond3A_84, %dma_wait3A_128, %dma_wait3A_129] : memref<3x80x128xf32, #tpu.memory_space<vmem>> -> memref<1x80x128xf32, #tpu.memory_space<vmem>>
          %dma_wait3A_131 = tpu.memref_squeeze %dma_wait3A_130 : memref<1x80x128xf32, #tpu.memory_space<vmem>> -> memref<80x128xf32, #tpu.memory_space<vmem>>
          tpu.wait_dma2 semaphore(%run_scoped3A_107 : memref<!tpu.dma_semaphore, #tpu.memory_space<semaphore_mem>>) src(%dma_wait3A_131 : memref<80x128xf32, #tpu.memory_space<vmem>>) dst(%dma_wait3A_127 : memref<80x128xf32, #tpu.memory_space<vmem_shared>>)
          tpu.yield
        }) : () -> ()
        %add3A_95 = arith.constant 160 : i32
        %add3A_96 = arith.addi %mul3A_2, %add3A_95 : i32
        "tpu.region"() ({
          %run_scoped3A_107 = tpu.sem_alloc : memref<!tpu.dma_semaphore, #tpu.memory_space<semaphore_mem>>
          %dma_start3A_108 = arith.constant 0 : i32
          %dma_start3A_109 = arith.constant 0 : i32
          %dma_start3A_110 = tpu.memref_slice %arg9[%cond3A_84, %dma_start3A_108, %dma_start3A_109] : memref<3x80x128xf32, #tpu.memory_space<vmem>> -> memref<1x80x128xf32, #tpu.memory_space<vmem>>
          %dma_start3A_111 = tpu.memref_squeeze %dma_start3A_110 : memref<1x80x128xf32, #tpu.memory_space<vmem>> -> memref<80x128xf32, #tpu.memory_space<vmem>>
          %dma_start3A_112 = arith.constant 0 : i32
          %dma_start3A_113 = tpu.memref_slice %arg6[%add3A_96, %dma_start3A_112] : memref<10000x128xf32, #tpu.memory_space<vmem_shared>> -> memref<80x128xf32, #tpu.memory_space<vmem_shared>>
          %dma_start3A_114 = arith.constant 0 : i32
          %dma_start3A_115 = tpu.memref_slice %arg6[%add3A_96, %dma_start3A_114] : memref<10000x128xf32, #tpu.memory_space<vmem_shared>> -> memref<80x128xf32, #tpu.memory_space<vmem_shared>>
          %dma_start3A_116 = arith.constant 0 : i32
          %dma_start3A_117 = arith.constant 0 : i32
          %dma_start3A_118 = tpu.memref_slice %arg9[%cond3A_84, %dma_start3A_116, %dma_start3A_117] : memref<3x80x128xf32, #tpu.memory_space<vmem>> -> memref<1x80x128xf32, #tpu.memory_space<vmem>>
          %dma_start3A_119 = tpu.memref_squeeze %dma_start3A_118 : memref<1x80x128xf32, #tpu.memory_space<vmem>> -> memref<80x128xf32, #tpu.memory_space<vmem>>
          tpu.enqueue_dma source(%dma_start3A_119 : memref<80x128xf32, #tpu.memory_space<vmem>>) target(%dma_start3A_115 : memref<80x128xf32, #tpu.memory_space<vmem_shared>>) target_semaphore(%run_scoped3A_107 : memref<!tpu.dma_semaphore, #tpu.memory_space<semaphore_mem>>)
          %dma_wait3A_120 = arith.constant 0 : i32
          %dma_wait3A_121 = arith.constant 0 : i32
          %dma_wait3A_122 = tpu.memref_slice %arg9[%cond3A_84, %dma_wait3A_120, %dma_wait3A_121] : memref<3x80x128xf32, #tpu.memory_space<vmem>> -> memref<1x80x128xf32, #tpu.memory_space<vmem>>
          %dma_wait3A_123 = tpu.memref_squeeze %dma_wait3A_122 : memref<1x80x128xf32, #tpu.memory_space<vmem>> -> memref<80x128xf32, #tpu.memory_space<vmem>>
          %dma_wait3A_124 = arith.constant 0 : i32
          %dma_wait3A_125 = tpu.memref_slice %arg6[%add3A_96, %dma_wait3A_124] : memref<10000x128xf32, #tpu.memory_space<vmem_shared>> -> memref<80x128xf32, #tpu.memory_space<vmem_shared>>
          %dma_wait3A_126 = arith.constant 0 : i32
          %dma_wait3A_127 = tpu.memref_slice %arg6[%add3A_96, %dma_wait3A_126] : memref<10000x128xf32, #tpu.memory_space<vmem_shared>> -> memref<80x128xf32, #tpu.memory_space<vmem_shared>>
          %dma_wait3A_128 = arith.constant 0 : i32
          %dma_wait3A_129 = arith.constant 0 : i32
          %dma_wait3A_130 = tpu.memref_slice %arg9[%cond3A_84, %dma_wait3A_128, %dma_wait3A_129] : memref<3x80x128xf32, #tpu.memory_space<vmem>> -> memref<1x80x128xf32, #tpu.memory_space<vmem>>
          %dma_wait3A_131 = tpu.memref_squeeze %dma_wait3A_130 : memref<1x80x128xf32, #tpu.memory_space<vmem>> -> memref<80x128xf32, #tpu.memory_space<vmem>>
          tpu.wait_dma2 semaphore(%run_scoped3A_107 : memref<!tpu.dma_semaphore, #tpu.memory_space<semaphore_mem>>) src(%dma_wait3A_131 : memref<80x128xf32, #tpu.memory_space<vmem>>) dst(%dma_wait3A_127 : memref<80x128xf32, #tpu.memory_space<vmem_shared>>)
          tpu.yield
        }) : () -> ()
        %add3A_97 = arith.constant 240 : i32
        %add3A_98 = arith.addi %mul3A_2, %add3A_97 : i32
        "tpu.region"() ({
          %run_scoped3A_107 = tpu.sem_alloc : memref<!tpu.dma_semaphore, #tpu.memory_space<semaphore_mem>>
          %dma_start3A_108 = arith.constant 0 : i32
          %dma_start3A_109 = arith.constant 0 : i32
          %dma_start3A_110 = tpu.memref_slice %arg9[%cond3A_84, %dma_start3A_108, %dma_start3A_109] : memref<3x80x128xf32, #tpu.memory_space<vmem>> -> memref<1x80x128xf32, #tpu.memory_space<vmem>>
          %dma_start3A_111 = tpu.memref_squeeze %dma_start3A_110 : memref<1x80x128xf32, #tpu.memory_space<vmem>> -> memref<80x128xf32, #tpu.memory_space<vmem>>
          %dma_start3A_112 = arith.constant 0 : i32
          %dma_start3A_113 = tpu.memref_slice %arg6[%add3A_98, %dma_start3A_112] : memref<10000x128xf32, #tpu.memory_space<vmem_shared>> -> memref<80x128xf32, #tpu.memory_space<vmem_shared>>
          %dma_start3A_114 = arith.constant 0 : i32
          %dma_start3A_115 = tpu.memref_slice %arg6[%add3A_98, %dma_start3A_114] : memref<10000x128xf32, #tpu.memory_space<vmem_shared>> -> memref<80x128xf32, #tpu.memory_space<vmem_shared>>
          %dma_start3A_116 = arith.constant 0 : i32
          %dma_start3A_117 = arith.constant 0 : i32
          %dma_start3A_118 = tpu.memref_slice %arg9[%cond3A_84, %dma_start3A_116, %dma_start3A_117] : memref<3x80x128xf32, #tpu.memory_space<vmem>> -> memref<1x80x128xf32, #tpu.memory_space<vmem>>
          %dma_start3A_119 = tpu.memref_squeeze %dma_start3A_118 : memref<1x80x128xf32, #tpu.memory_space<vmem>> -> memref<80x128xf32, #tpu.memory_space<vmem>>
          tpu.enqueue_dma source(%dma_start3A_119 : memref<80x128xf32, #tpu.memory_space<vmem>>) target(%dma_start3A_115 : memref<80x128xf32, #tpu.memory_space<vmem_shared>>) target_semaphore(%run_scoped3A_107 : memref<!tpu.dma_semaphore, #tpu.memory_space<semaphore_mem>>)
          %dma_wait3A_120 = arith.constant 0 : i32
          %dma_wait3A_121 = arith.constant 0 : i32
          %dma_wait3A_122 = tpu.memref_slice %arg9[%cond3A_84, %dma_wait3A_120, %dma_wait3A_121] : memref<3x80x128xf32, #tpu.memory_space<vmem>> -> memref<1x80x128xf32, #tpu.memory_space<vmem>>
          %dma_wait3A_123 = tpu.memref_squeeze %dma_wait3A_122 : memref<1x80x128xf32, #tpu.memory_space<vmem>> -> memref<80x128xf32, #tpu.memory_space<vmem>>
          %dma_wait3A_124 = arith.constant 0 : i32
          %dma_wait3A_125 = tpu.memref_slice %arg6[%add3A_98, %dma_wait3A_124] : memref<10000x128xf32, #tpu.memory_space<vmem_shared>> -> memref<80x128xf32, #tpu.memory_space<vmem_shared>>
          %dma_wait3A_126 = arith.constant 0 : i32
          %dma_wait3A_127 = tpu.memref_slice %arg6[%add3A_98, %dma_wait3A_126] : memref<10000x128xf32, #tpu.memory_space<vmem_shared>> -> memref<80x128xf32, #tpu.memory_space<vmem_shared>>
          %dma_wait3A_128 = arith.constant 0 : i32
          %dma_wait3A_129 = arith.constant 0 : i32
          %dma_wait3A_130 = tpu.memref_slice %arg9[%cond3A_84, %dma_wait3A_128, %dma_wait3A_129] : memref<3x80x128xf32, #tpu.memory_space<vmem>> -> memref<1x80x128xf32, #tpu.memory_space<vmem>>
          %dma_wait3A_131 = tpu.memref_squeeze %dma_wait3A_130 : memref<1x80x128xf32, #tpu.memory_space<vmem>> -> memref<80x128xf32, #tpu.memory_space<vmem>>
          tpu.wait_dma2 semaphore(%run_scoped3A_107 : memref<!tpu.dma_semaphore, #tpu.memory_space<semaphore_mem>>) src(%dma_wait3A_131 : memref<80x128xf32, #tpu.memory_space<vmem>>) dst(%dma_wait3A_127 : memref<80x128xf32, #tpu.memory_space<vmem_shared>>)
          tpu.yield
        }) : () -> ()
        %add3A_99 = arith.constant 320 : i32
        %add3A_100 = arith.addi %mul3A_2, %add3A_99 : i32
        "tpu.region"() ({
          %run_scoped3A_107 = tpu.sem_alloc : memref<!tpu.dma_semaphore, #tpu.memory_space<semaphore_mem>>
          %dma_start3A_108 = arith.constant 0 : i32
          %dma_start3A_109 = arith.constant 0 : i32
          %dma_start3A_110 = tpu.memref_slice %arg9[%cond3A_84, %dma_start3A_108, %dma_start3A_109] : memref<3x80x128xf32, #tpu.memory_space<vmem>> -> memref<1x80x128xf32, #tpu.memory_space<vmem>>
          %dma_start3A_111 = tpu.memref_squeeze %dma_start3A_110 : memref<1x80x128xf32, #tpu.memory_space<vmem>> -> memref<80x128xf32, #tpu.memory_space<vmem>>
          %dma_start3A_112 = arith.constant 0 : i32
          %dma_start3A_113 = tpu.memref_slice %arg6[%add3A_100, %dma_start3A_112] : memref<10000x128xf32, #tpu.memory_space<vmem_shared>> -> memref<80x128xf32, #tpu.memory_space<vmem_shared>>
          %dma_start3A_114 = arith.constant 0 : i32
          %dma_start3A_115 = tpu.memref_slice %arg6[%add3A_100, %dma_start3A_114] : memref<10000x128xf32, #tpu.memory_space<vmem_shared>> -> memref<80x128xf32, #tpu.memory_space<vmem_shared>>
          %dma_start3A_116 = arith.constant 0 : i32
          %dma_start3A_117 = arith.constant 0 : i32
          %dma_start3A_118 = tpu.memref_slice %arg9[%cond3A_84, %dma_start3A_116, %dma_start3A_117] : memref<3x80x128xf32, #tpu.memory_space<vmem>> -> memref<1x80x128xf32, #tpu.memory_space<vmem>>
          %dma_start3A_119 = tpu.memref_squeeze %dma_start3A_118 : memref<1x80x128xf32, #tpu.memory_space<vmem>> -> memref<80x128xf32, #tpu.memory_space<vmem>>
          tpu.enqueue_dma source(%dma_start3A_119 : memref<80x128xf32, #tpu.memory_space<vmem>>) target(%dma_start3A_115 : memref<80x128xf32, #tpu.memory_space<vmem_shared>>) target_semaphore(%run_scoped3A_107 : memref<!tpu.dma_semaphore, #tpu.memory_space<semaphore_mem>>)
          %dma_wait3A_120 = arith.constant 0 : i32
          %dma_wait3A_121 = arith.constant 0 : i32
          %dma_wait3A_122 = tpu.memref_slice %arg9[%cond3A_84, %dma_wait3A_120, %dma_wait3A_121] : memref<3x80x128xf32, #tpu.memory_space<vmem>> -> memref<1x80x128xf32, #tpu.memory_space<vmem>>
          %dma_wait3A_123 = tpu.memref_squeeze %dma_wait3A_122 : memref<1x80x128xf32, #tpu.memory_space<vmem>> -> memref<80x128xf32, #tpu.memory_space<vmem>>
          %dma_wait3A_124 = arith.constant 0 : i32
          %dma_wait3A_125 = tpu.memref_slice %arg6[%add3A_100, %dma_wait3A_124] : memref<10000x128xf32, #tpu.memory_space<vmem_shared>> -> memref<80x128xf32, #tpu.memory_space<vmem_shared>>
          %dma_wait3A_126 = arith.constant 0 : i32
          %dma_wait3A_127 = tpu.memref_slice %arg6[%add3A_100, %dma_wait3A_126] : memref<10000x128xf32, #tpu.memory_space<vmem_shared>> -> memref<80x128xf32, #tpu.memory_space<vmem_shared>>
          %dma_wait3A_128 = arith.constant 0 : i32
          %dma_wait3A_129 = arith.constant 0 : i32
          %dma_wait3A_130 = tpu.memref_slice %arg9[%cond3A_84, %dma_wait3A_128, %dma_wait3A_129] : memref<3x80x128xf32, #tpu.memory_space<vmem>> -> memref<1x80x128xf32, #tpu.memory_space<vmem>>
          %dma_wait3A_131 = tpu.memref_squeeze %dma_wait3A_130 : memref<1x80x128xf32, #tpu.memory_space<vmem>> -> memref<80x128xf32, #tpu.memory_space<vmem>>
          tpu.wait_dma2 semaphore(%run_scoped3A_107 : memref<!tpu.dma_semaphore, #tpu.memory_space<semaphore_mem>>) src(%dma_wait3A_131 : memref<80x128xf32, #tpu.memory_space<vmem>>) dst(%dma_wait3A_127 : memref<80x128xf32, #tpu.memory_space<vmem_shared>>)
          tpu.yield
        }) : () -> ()
        %add3A_101 = arith.constant 400 : i32
        %add3A_102 = arith.addi %mul3A_2, %add3A_101 : i32
        "tpu.region"() ({
          %run_scoped3A_107 = tpu.sem_alloc : memref<!tpu.dma_semaphore, #tpu.memory_space<semaphore_mem>>
          %dma_start3A_108 = arith.constant 0 : i32
          %dma_start3A_109 = arith.constant 0 : i32
          %dma_start3A_110 = tpu.memref_slice %arg9[%cond3A_84, %dma_start3A_108, %dma_start3A_109] : memref<3x80x128xf32, #tpu.memory_space<vmem>> -> memref<1x80x128xf32, #tpu.memory_space<vmem>>
          %dma_start3A_111 = tpu.memref_squeeze %dma_start3A_110 : memref<1x80x128xf32, #tpu.memory_space<vmem>> -> memref<80x128xf32, #tpu.memory_space<vmem>>
          %dma_start3A_112 = arith.constant 0 : i32
          %dma_start3A_113 = tpu.memref_slice %arg6[%add3A_102, %dma_start3A_112] : memref<10000x128xf32, #tpu.memory_space<vmem_shared>> -> memref<80x128xf32, #tpu.memory_space<vmem_shared>>
          %dma_start3A_114 = arith.constant 0 : i32
          %dma_start3A_115 = tpu.memref_slice %arg6[%add3A_102, %dma_start3A_114] : memref<10000x128xf32, #tpu.memory_space<vmem_shared>> -> memref<80x128xf32, #tpu.memory_space<vmem_shared>>
          %dma_start3A_116 = arith.constant 0 : i32
          %dma_start3A_117 = arith.constant 0 : i32
          %dma_start3A_118 = tpu.memref_slice %arg9[%cond3A_84, %dma_start3A_116, %dma_start3A_117] : memref<3x80x128xf32, #tpu.memory_space<vmem>> -> memref<1x80x128xf32, #tpu.memory_space<vmem>>
          %dma_start3A_119 = tpu.memref_squeeze %dma_start3A_118 : memref<1x80x128xf32, #tpu.memory_space<vmem>> -> memref<80x128xf32, #tpu.memory_space<vmem>>
          tpu.enqueue_dma source(%dma_start3A_119 : memref<80x128xf32, #tpu.memory_space<vmem>>) target(%dma_start3A_115 : memref<80x128xf32, #tpu.memory_space<vmem_shared>>) target_semaphore(%run_scoped3A_107 : memref<!tpu.dma_semaphore, #tpu.memory_space<semaphore_mem>>)
          %dma_wait3A_120 = arith.constant 0 : i32
          %dma_wait3A_121 = arith.constant 0 : i32
          %dma_wait3A_122 = tpu.memref_slice %arg9[%cond3A_84, %dma_wait3A_120, %dma_wait3A_121] : memref<3x80x128xf32, #tpu.memory_space<vmem>> -> memref<1x80x128xf32, #tpu.memory_space<vmem>>
          %dma_wait3A_123 = tpu.memref_squeeze %dma_wait3A_122 : memref<1x80x128xf32, #tpu.memory_space<vmem>> -> memref<80x128xf32, #tpu.memory_space<vmem>>
          %dma_wait3A_124 = arith.constant 0 : i32
          %dma_wait3A_125 = tpu.memref_slice %arg6[%add3A_102, %dma_wait3A_124] : memref<10000x128xf32, #tpu.memory_space<vmem_shared>> -> memref<80x128xf32, #tpu.memory_space<vmem_shared>>
          %dma_wait3A_126 = arith.constant 0 : i32
          %dma_wait3A_127 = tpu.memref_slice %arg6[%add3A_102, %dma_wait3A_126] : memref<10000x128xf32, #tpu.memory_space<vmem_shared>> -> memref<80x128xf32, #tpu.memory_space<vmem_shared>>
          %dma_wait3A_128 = arith.constant 0 : i32
          %dma_wait3A_129 = arith.constant 0 : i32
          %dma_wait3A_130 = tpu.memref_slice %arg9[%cond3A_84, %dma_wait3A_128, %dma_wait3A_129] : memref<3x80x128xf32, #tpu.memory_space<vmem>> -> memref<1x80x128xf32, #tpu.memory_space<vmem>>
          %dma_wait3A_131 = tpu.memref_squeeze %dma_wait3A_130 : memref<1x80x128xf32, #tpu.memory_space<vmem>> -> memref<80x128xf32, #tpu.memory_space<vmem>>
          tpu.wait_dma2 semaphore(%run_scoped3A_107 : memref<!tpu.dma_semaphore, #tpu.memory_space<semaphore_mem>>) src(%dma_wait3A_131 : memref<80x128xf32, #tpu.memory_space<vmem>>) dst(%dma_wait3A_127 : memref<80x128xf32, #tpu.memory_space<vmem_shared>>)
          tpu.yield
        }) : () -> ()
        %add3A_103 = arith.constant 480 : i32
        %add3A_104 = arith.addi %mul3A_2, %add3A_103 : i32
        "tpu.region"() ({
          %run_scoped3A_107 = tpu.sem_alloc : memref<!tpu.dma_semaphore, #tpu.memory_space<semaphore_mem>>
          %dma_start3A_108 = arith.constant 0 : i32
          %dma_start3A_109 = arith.constant 0 : i32
          %dma_start3A_110 = tpu.memref_slice %arg9[%cond3A_84, %dma_start3A_108, %dma_start3A_109] : memref<3x80x128xf32, #tpu.memory_space<vmem>> -> memref<1x80x128xf32, #tpu.memory_space<vmem>>
          %dma_start3A_111 = tpu.memref_squeeze %dma_start3A_110 : memref<1x80x128xf32, #tpu.memory_space<vmem>> -> memref<80x128xf32, #tpu.memory_space<vmem>>
          %dma_start3A_112 = arith.constant 0 : i32
          %dma_start3A_113 = tpu.memref_slice %arg6[%add3A_104, %dma_start3A_112] : memref<10000x128xf32, #tpu.memory_space<vmem_shared>> -> memref<80x128xf32, #tpu.memory_space<vmem_shared>>
          %dma_start3A_114 = arith.constant 0 : i32
          %dma_start3A_115 = tpu.memref_slice %arg6[%add3A_104, %dma_start3A_114] : memref<10000x128xf32, #tpu.memory_space<vmem_shared>> -> memref<80x128xf32, #tpu.memory_space<vmem_shared>>
          %dma_start3A_116 = arith.constant 0 : i32
          %dma_start3A_117 = arith.constant 0 : i32
          %dma_start3A_118 = tpu.memref_slice %arg9[%cond3A_84, %dma_start3A_116, %dma_start3A_117] : memref<3x80x128xf32, #tpu.memory_space<vmem>> -> memref<1x80x128xf32, #tpu.memory_space<vmem>>
          %dma_start3A_119 = tpu.memref_squeeze %dma_start3A_118 : memref<1x80x128xf32, #tpu.memory_space<vmem>> -> memref<80x128xf32, #tpu.memory_space<vmem>>
          tpu.enqueue_dma source(%dma_start3A_119 : memref<80x128xf32, #tpu.memory_space<vmem>>) target(%dma_start3A_115 : memref<80x128xf32, #tpu.memory_space<vmem_shared>>) target_semaphore(%run_scoped3A_107 : memref<!tpu.dma_semaphore, #tpu.memory_space<semaphore_mem>>)
          %dma_wait3A_120 = arith.constant 0 : i32
          %dma_wait3A_121 = arith.constant 0 : i32
          %dma_wait3A_122 = tpu.memref_slice %arg9[%cond3A_84, %dma_wait3A_120, %dma_wait3A_121] : memref<3x80x128xf32, #tpu.memory_space<vmem>> -> memref<1x80x128xf32, #tpu.memory_space<vmem>>
          %dma_wait3A_123 = tpu.memref_squeeze %dma_wait3A_122 : memref<1x80x128xf32, #tpu.memory_space<vmem>> -> memref<80x128xf32, #tpu.memory_space<vmem>>
          %dma_wait3A_124 = arith.constant 0 : i32
          %dma_wait3A_125 = tpu.memref_slice %arg6[%add3A_104, %dma_wait3A_124] : memref<10000x128xf32, #tpu.memory_space<vmem_shared>> -> memref<80x128xf32, #tpu.memory_space<vmem_shared>>
          %dma_wait3A_126 = arith.constant 0 : i32
          %dma_wait3A_127 = tpu.memref_slice %arg6[%add3A_104, %dma_wait3A_126] : memref<10000x128xf32, #tpu.memory_space<vmem_shared>> -> memref<80x128xf32, #tpu.memory_space<vmem_shared>>
          %dma_wait3A_128 = arith.constant 0 : i32
          %dma_wait3A_129 = arith.constant 0 : i32
          %dma_wait3A_130 = tpu.memref_slice %arg9[%cond3A_84, %dma_wait3A_128, %dma_wait3A_129] : memref<3x80x128xf32, #tpu.memory_space<vmem>> -> memref<1x80x128xf32, #tpu.memory_space<vmem>>
          %dma_wait3A_131 = tpu.memref_squeeze %dma_wait3A_130 : memref<1x80x128xf32, #tpu.memory_space<vmem>> -> memref<80x128xf32, #tpu.memory_space<vmem>>
          tpu.wait_dma2 semaphore(%run_scoped3A_107 : memref<!tpu.dma_semaphore, #tpu.memory_space<semaphore_mem>>) src(%dma_wait3A_131 : memref<80x128xf32, #tpu.memory_space<vmem>>) dst(%dma_wait3A_127 : memref<80x128xf32, #tpu.memory_space<vmem_shared>>)
          tpu.yield
        }) : () -> ()
        %add3A_105 = arith.constant 560 : i32
        %add3A_106 = arith.addi %mul3A_2, %add3A_105 : i32
        "tpu.region"() ({
          %run_scoped3A_107 = tpu.sem_alloc : memref<!tpu.dma_semaphore, #tpu.memory_space<semaphore_mem>>
          %dma_start3A_108 = arith.constant 0 : i32
          %dma_start3A_109 = arith.constant 0 : i32
          %dma_start3A_110 = tpu.memref_slice %arg9[%cond3A_84, %dma_start3A_108, %dma_start3A_109] : memref<3x80x128xf32, #tpu.memory_space<vmem>> -> memref<1x80x128xf32, #tpu.memory_space<vmem>>
          %dma_start3A_111 = tpu.memref_squeeze %dma_start3A_110 : memref<1x80x128xf32, #tpu.memory_space<vmem>> -> memref<80x128xf32, #tpu.memory_space<vmem>>
          %dma_start3A_112 = arith.constant 0 : i32
          %dma_start3A_113 = arith.constant 0 : i32
          %dma_start3A_114 = tpu.memref_slice %dma_start3A_111[%dma_start3A_112, %dma_start3A_113] : memref<80x128xf32, #tpu.memory_space<vmem>> -> memref<64x128xf32, #tpu.memory_space<vmem>>
          %dma_start3A_115 = arith.constant 0 : i32
          %dma_start3A_116 = tpu.memref_slice %arg6[%add3A_106, %dma_start3A_115] : memref<10000x128xf32, #tpu.memory_space<vmem_shared>> -> memref<64x128xf32, #tpu.memory_space<vmem_shared>>
          %dma_start3A_117 = arith.constant 0 : i32
          %dma_start3A_118 = tpu.memref_slice %arg6[%add3A_106, %dma_start3A_117] : memref<10000x128xf32, #tpu.memory_space<vmem_shared>> -> memref<64x128xf32, #tpu.memory_space<vmem_shared>>
          %dma_start3A_119 = arith.constant 0 : i32
          %dma_start3A_120 = arith.constant 0 : i32
          %dma_start3A_121 = tpu.memref_slice %arg9[%cond3A_84, %dma_start3A_119, %dma_start3A_120] : memref<3x80x128xf32, #tpu.memory_space<vmem>> -> memref<1x80x128xf32, #tpu.memory_space<vmem>>
          %dma_start3A_122 = tpu.memref_squeeze %dma_start3A_121 : memref<1x80x128xf32, #tpu.memory_space<vmem>> -> memref<80x128xf32, #tpu.memory_space<vmem>>
          %dma_start3A_123 = arith.constant 0 : i32
          %dma_start3A_124 = arith.constant 0 : i32
          %dma_start3A_125 = tpu.memref_slice %dma_start3A_122[%dma_start3A_123, %dma_start3A_124] : memref<80x128xf32, #tpu.memory_space<vmem>> -> memref<64x128xf32, #tpu.memory_space<vmem>>
          tpu.enqueue_dma source(%dma_start3A_125 : memref<64x128xf32, #tpu.memory_space<vmem>>) target(%dma_start3A_118 : memref<64x128xf32, #tpu.memory_space<vmem_shared>>) target_semaphore(%run_scoped3A_107 : memref<!tpu.dma_semaphore, #tpu.memory_space<semaphore_mem>>)
          %dma_wait3A_126 = arith.constant 0 : i32
          %dma_wait3A_127 = arith.constant 0 : i32
          %dma_wait3A_128 = tpu.memref_slice %arg9[%cond3A_84, %dma_wait3A_126, %dma_wait3A_127] : memref<3x80x128xf32, #tpu.memory_space<vmem>> -> memref<1x80x128xf32, #tpu.memory_space<vmem>>
          %dma_wait3A_129 = tpu.memref_squeeze %dma_wait3A_128 : memref<1x80x128xf32, #tpu.memory_space<vmem>> -> memref<80x128xf32, #tpu.memory_space<vmem>>
          %dma_wait3A_130 = arith.constant 0 : i32
          %dma_wait3A_131 = arith.constant 0 : i32
          %dma_wait3A_132 = tpu.memref_slice %dma_wait3A_129[%dma_wait3A_130, %dma_wait3A_131] : memref<80x128xf32, #tpu.memory_space<vmem>> -> memref<64x128xf32, #tpu.memory_space<vmem>>
          %dma_wait3A_133 = arith.constant 0 : i32
          %dma_wait3A_134 = tpu.memref_slice %arg6[%add3A_106, %dma_wait3A_133] : memref<10000x128xf32, #tpu.memory_space<vmem_shared>> -> memref<64x128xf32, #tpu.memory_space<vmem_shared>>
          %dma_wait3A_135 = arith.constant 0 : i32
          %dma_wait3A_136 = tpu.memref_slice %arg6[%add3A_106, %dma_wait3A_135] : memref<10000x128xf32, #tpu.memory_space<vmem_shared>> -> memref<64x128xf32, #tpu.memory_space<vmem_shared>>
          %dma_wait3A_137 = arith.constant 0 : i32
          %dma_wait3A_138 = arith.constant 0 : i32
          %dma_wait3A_139 = tpu.memref_slice %arg9[%cond3A_84, %dma_wait3A_137, %dma_wait3A_138] : memref<3x80x128xf32, #tpu.memory_space<vmem>> -> memref<1x80x128xf32, #tpu.memory_space<vmem>>
          %dma_wait3A_140 = tpu.memref_squeeze %dma_wait3A_139 : memref<1x80x128xf32, #tpu.memory_space<vmem>> -> memref<80x128xf32, #tpu.memory_space<vmem>>
          %dma_wait3A_141 = arith.constant 0 : i32
          %dma_wait3A_142 = arith.constant 0 : i32
          %dma_wait3A_143 = tpu.memref_slice %dma_wait3A_140[%dma_wait3A_141, %dma_wait3A_142] : memref<80x128xf32, #tpu.memory_space<vmem>> -> memref<64x128xf32, #tpu.memory_space<vmem>>
          tpu.wait_dma2 semaphore(%run_scoped3A_107 : memref<!tpu.dma_semaphore, #tpu.memory_space<semaphore_mem>>) src(%dma_wait3A_143 : memref<64x128xf32, #tpu.memory_space<vmem>>) dst(%dma_wait3A_136 : memref<64x128xf32, #tpu.memory_space<vmem_shared>>)
          tpu.yield
        }) : () -> ()
      } else {
      }
      %convert_element_type3A_87 = arith.extui %eq3A_3 : i1 to i32
      %cond3A_88 = arith.constant 2 : i32
      %cond3A_89 = arith.constant 0 : i32
      %cond3A_90 = arith.cmpi ne, %convert_element_type3A_87, %cond3A_89 : i32
      scf.if %cond3A_90 {
        %add3A_91 = arith.constant 0 : i32
        %add3A_92 = arith.addi %mul3A_2, %add3A_91 : i32
        "tpu.region"() ({
          %run_scoped3A_107 = tpu.sem_alloc : memref<!tpu.dma_semaphore, #tpu.memory_space<semaphore_mem>>
          %dma_start3A_108 = arith.constant 0 : i32
          %dma_start3A_109 = arith.constant 0 : i32
          %dma_start3A_110 = tpu.memref_slice %arg9[%cond3A_88, %dma_start3A_108, %dma_start3A_109] : memref<3x80x128xf32, #tpu.memory_space<vmem>> -> memref<1x80x128xf32, #tpu.memory_space<vmem>>
          %dma_start3A_111 = tpu.memref_squeeze %dma_start3A_110 : memref<1x80x128xf32, #tpu.memory_space<vmem>> -> memref<80x128xf32, #tpu.memory_space<vmem>>
          %dma_start3A_112 = arith.constant 0 : i32
          %dma_start3A_113 = tpu.memref_slice %arg6[%add3A_92, %dma_start3A_112] : memref<10000x128xf32, #tpu.memory_space<vmem_shared>> -> memref<80x128xf32, #tpu.memory_space<vmem_shared>>
          %dma_start3A_114 = arith.constant 0 : i32
          %dma_start3A_115 = tpu.memref_slice %arg6[%add3A_92, %dma_start3A_114] : memref<10000x128xf32, #tpu.memory_space<vmem_shared>> -> memref<80x128xf32, #tpu.memory_space<vmem_shared>>
          %dma_start3A_116 = arith.constant 0 : i32
          %dma_start3A_117 = arith.constant 0 : i32
          %dma_start3A_118 = tpu.memref_slice %arg9[%cond3A_88, %dma_start3A_116, %dma_start3A_117] : memref<3x80x128xf32, #tpu.memory_space<vmem>> -> memref<1x80x128xf32, #tpu.memory_space<vmem>>
          %dma_start3A_119 = tpu.memref_squeeze %dma_start3A_118 : memref<1x80x128xf32, #tpu.memory_space<vmem>> -> memref<80x128xf32, #tpu.memory_space<vmem>>
          tpu.enqueue_dma source(%dma_start3A_119 : memref<80x128xf32, #tpu.memory_space<vmem>>) target(%dma_start3A_115 : memref<80x128xf32, #tpu.memory_space<vmem_shared>>) target_semaphore(%run_scoped3A_107 : memref<!tpu.dma_semaphore, #tpu.memory_space<semaphore_mem>>)
          %dma_wait3A_120 = arith.constant 0 : i32
          %dma_wait3A_121 = arith.constant 0 : i32
          %dma_wait3A_122 = tpu.memref_slice %arg9[%cond3A_88, %dma_wait3A_120, %dma_wait3A_121] : memref<3x80x128xf32, #tpu.memory_space<vmem>> -> memref<1x80x128xf32, #tpu.memory_space<vmem>>
          %dma_wait3A_123 = tpu.memref_squeeze %dma_wait3A_122 : memref<1x80x128xf32, #tpu.memory_space<vmem>> -> memref<80x128xf32, #tpu.memory_space<vmem>>
          %dma_wait3A_124 = arith.constant 0 : i32
          %dma_wait3A_125 = tpu.memref_slice %arg6[%add3A_92, %dma_wait3A_124] : memref<10000x128xf32, #tpu.memory_space<vmem_shared>> -> memref<80x128xf32, #tpu.memory_space<vmem_shared>>
          %dma_wait3A_126 = arith.constant 0 : i32
          %dma_wait3A_127 = tpu.memref_slice %arg6[%add3A_92, %dma_wait3A_126] : memref<10000x128xf32, #tpu.memory_space<vmem_shared>> -> memref<80x128xf32, #tpu.memory_space<vmem_shared>>
          %dma_wait3A_128 = arith.constant 0 : i32
          %dma_wait3A_129 = arith.constant 0 : i32
          %dma_wait3A_130 = tpu.memref_slice %arg9[%cond3A_88, %dma_wait3A_128, %dma_wait3A_129] : memref<3x80x128xf32, #tpu.memory_space<vmem>> -> memref<1x80x128xf32, #tpu.memory_space<vmem>>
          %dma_wait3A_131 = tpu.memref_squeeze %dma_wait3A_130 : memref<1x80x128xf32, #tpu.memory_space<vmem>> -> memref<80x128xf32, #tpu.memory_space<vmem>>
          tpu.wait_dma2 semaphore(%run_scoped3A_107 : memref<!tpu.dma_semaphore, #tpu.memory_space<semaphore_mem>>) src(%dma_wait3A_131 : memref<80x128xf32, #tpu.memory_space<vmem>>) dst(%dma_wait3A_127 : memref<80x128xf32, #tpu.memory_space<vmem_shared>>)
          tpu.yield
        }) : () -> ()
        %add3A_93 = arith.constant 80 : i32
        %add3A_94 = arith.addi %mul3A_2, %add3A_93 : i32
        "tpu.region"() ({
          %run_scoped3A_107 = tpu.sem_alloc : memref<!tpu.dma_semaphore, #tpu.memory_space<semaphore_mem>>
          %dma_start3A_108 = arith.constant 0 : i32
          %dma_start3A_109 = arith.constant 0 : i32
          %dma_start3A_110 = tpu.memref_slice %arg9[%cond3A_88, %dma_start3A_108, %dma_start3A_109] : memref<3x80x128xf32, #tpu.memory_space<vmem>> -> memref<1x80x128xf32, #tpu.memory_space<vmem>>
          %dma_start3A_111 = tpu.memref_squeeze %dma_start3A_110 : memref<1x80x128xf32, #tpu.memory_space<vmem>> -> memref<80x128xf32, #tpu.memory_space<vmem>>
          %dma_start3A_112 = arith.constant 0 : i32
          %dma_start3A_113 = tpu.memref_slice %arg6[%add3A_94, %dma_start3A_112] : memref<10000x128xf32, #tpu.memory_space<vmem_shared>> -> memref<80x128xf32, #tpu.memory_space<vmem_shared>>
          %dma_start3A_114 = arith.constant 0 : i32
          %dma_start3A_115 = tpu.memref_slice %arg6[%add3A_94, %dma_start3A_114] : memref<10000x128xf32, #tpu.memory_space<vmem_shared>> -> memref<80x128xf32, #tpu.memory_space<vmem_shared>>
          %dma_start3A_116 = arith.constant 0 : i32
          %dma_start3A_117 = arith.constant 0 : i32
          %dma_start3A_118 = tpu.memref_slice %arg9[%cond3A_88, %dma_start3A_116, %dma_start3A_117] : memref<3x80x128xf32, #tpu.memory_space<vmem>> -> memref<1x80x128xf32, #tpu.memory_space<vmem>>
          %dma_start3A_119 = tpu.memref_squeeze %dma_start3A_118 : memref<1x80x128xf32, #tpu.memory_space<vmem>> -> memref<80x128xf32, #tpu.memory_space<vmem>>
          tpu.enqueue_dma source(%dma_start3A_119 : memref<80x128xf32, #tpu.memory_space<vmem>>) target(%dma_start3A_115 : memref<80x128xf32, #tpu.memory_space<vmem_shared>>) target_semaphore(%run_scoped3A_107 : memref<!tpu.dma_semaphore, #tpu.memory_space<semaphore_mem>>)
          %dma_wait3A_120 = arith.constant 0 : i32
          %dma_wait3A_121 = arith.constant 0 : i32
          %dma_wait3A_122 = tpu.memref_slice %arg9[%cond3A_88, %dma_wait3A_120, %dma_wait3A_121] : memref<3x80x128xf32, #tpu.memory_space<vmem>> -> memref<1x80x128xf32, #tpu.memory_space<vmem>>
          %dma_wait3A_123 = tpu.memref_squeeze %dma_wait3A_122 : memref<1x80x128xf32, #tpu.memory_space<vmem>> -> memref<80x128xf32, #tpu.memory_space<vmem>>
          %dma_wait3A_124 = arith.constant 0 : i32
          %dma_wait3A_125 = tpu.memref_slice %arg6[%add3A_94, %dma_wait3A_124] : memref<10000x128xf32, #tpu.memory_space<vmem_shared>> -> memref<80x128xf32, #tpu.memory_space<vmem_shared>>
          %dma_wait3A_126 = arith.constant 0 : i32
          %dma_wait3A_127 = tpu.memref_slice %arg6[%add3A_94, %dma_wait3A_126] : memref<10000x128xf32, #tpu.memory_space<vmem_shared>> -> memref<80x128xf32, #tpu.memory_space<vmem_shared>>
          %dma_wait3A_128 = arith.constant 0 : i32
          %dma_wait3A_129 = arith.constant 0 : i32
          %dma_wait3A_130 = tpu.memref_slice %arg9[%cond3A_88, %dma_wait3A_128, %dma_wait3A_129] : memref<3x80x128xf32, #tpu.memory_space<vmem>> -> memref<1x80x128xf32, #tpu.memory_space<vmem>>
          %dma_wait3A_131 = tpu.memref_squeeze %dma_wait3A_130 : memref<1x80x128xf32, #tpu.memory_space<vmem>> -> memref<80x128xf32, #tpu.memory_space<vmem>>
          tpu.wait_dma2 semaphore(%run_scoped3A_107 : memref<!tpu.dma_semaphore, #tpu.memory_space<semaphore_mem>>) src(%dma_wait3A_131 : memref<80x128xf32, #tpu.memory_space<vmem>>) dst(%dma_wait3A_127 : memref<80x128xf32, #tpu.memory_space<vmem_shared>>)
          tpu.yield
        }) : () -> ()
        %add3A_95 = arith.constant 160 : i32
        %add3A_96 = arith.addi %mul3A_2, %add3A_95 : i32
        "tpu.region"() ({
          %run_scoped3A_107 = tpu.sem_alloc : memref<!tpu.dma_semaphore, #tpu.memory_space<semaphore_mem>>
          %dma_start3A_108 = arith.constant 0 : i32
          %dma_start3A_109 = arith.constant 0 : i32
          %dma_start3A_110 = tpu.memref_slice %arg9[%cond3A_88, %dma_start3A_108, %dma_start3A_109] : memref<3x80x128xf32, #tpu.memory_space<vmem>> -> memref<1x80x128xf32, #tpu.memory_space<vmem>>
          %dma_start3A_111 = tpu.memref_squeeze %dma_start3A_110 : memref<1x80x128xf32, #tpu.memory_space<vmem>> -> memref<80x128xf32, #tpu.memory_space<vmem>>
          %dma_start3A_112 = arith.constant 0 : i32
          %dma_start3A_113 = tpu.memref_slice %arg6[%add3A_96, %dma_start3A_112] : memref<10000x128xf32, #tpu.memory_space<vmem_shared>> -> memref<80x128xf32, #tpu.memory_space<vmem_shared>>
          %dma_start3A_114 = arith.constant 0 : i32
          %dma_start3A_115 = tpu.memref_slice %arg6[%add3A_96, %dma_start3A_114] : memref<10000x128xf32, #tpu.memory_space<vmem_shared>> -> memref<80x128xf32, #tpu.memory_space<vmem_shared>>
          %dma_start3A_116 = arith.constant 0 : i32
          %dma_start3A_117 = arith.constant 0 : i32
          %dma_start3A_118 = tpu.memref_slice %arg9[%cond3A_88, %dma_start3A_116, %dma_start3A_117] : memref<3x80x128xf32, #tpu.memory_space<vmem>> -> memref<1x80x128xf32, #tpu.memory_space<vmem>>
          %dma_start3A_119 = tpu.memref_squeeze %dma_start3A_118 : memref<1x80x128xf32, #tpu.memory_space<vmem>> -> memref<80x128xf32, #tpu.memory_space<vmem>>
          tpu.enqueue_dma source(%dma_start3A_119 : memref<80x128xf32, #tpu.memory_space<vmem>>) target(%dma_start3A_115 : memref<80x128xf32, #tpu.memory_space<vmem_shared>>) target_semaphore(%run_scoped3A_107 : memref<!tpu.dma_semaphore, #tpu.memory_space<semaphore_mem>>)
          %dma_wait3A_120 = arith.constant 0 : i32
          %dma_wait3A_121 = arith.constant 0 : i32
          %dma_wait3A_122 = tpu.memref_slice %arg9[%cond3A_88, %dma_wait3A_120, %dma_wait3A_121] : memref<3x80x128xf32, #tpu.memory_space<vmem>> -> memref<1x80x128xf32, #tpu.memory_space<vmem>>
          %dma_wait3A_123 = tpu.memref_squeeze %dma_wait3A_122 : memref<1x80x128xf32, #tpu.memory_space<vmem>> -> memref<80x128xf32, #tpu.memory_space<vmem>>
          %dma_wait3A_124 = arith.constant 0 : i32
          %dma_wait3A_125 = tpu.memref_slice %arg6[%add3A_96, %dma_wait3A_124] : memref<10000x128xf32, #tpu.memory_space<vmem_shared>> -> memref<80x128xf32, #tpu.memory_space<vmem_shared>>
          %dma_wait3A_126 = arith.constant 0 : i32
          %dma_wait3A_127 = tpu.memref_slice %arg6[%add3A_96, %dma_wait3A_126] : memref<10000x128xf32, #tpu.memory_space<vmem_shared>> -> memref<80x128xf32, #tpu.memory_space<vmem_shared>>
          %dma_wait3A_128 = arith.constant 0 : i32
          %dma_wait3A_129 = arith.constant 0 : i32
          %dma_wait3A_130 = tpu.memref_slice %arg9[%cond3A_88, %dma_wait3A_128, %dma_wait3A_129] : memref<3x80x128xf32, #tpu.memory_space<vmem>> -> memref<1x80x128xf32, #tpu.memory_space<vmem>>
          %dma_wait3A_131 = tpu.memref_squeeze %dma_wait3A_130 : memref<1x80x128xf32, #tpu.memory_space<vmem>> -> memref<80x128xf32, #tpu.memory_space<vmem>>
          tpu.wait_dma2 semaphore(%run_scoped3A_107 : memref<!tpu.dma_semaphore, #tpu.memory_space<semaphore_mem>>) src(%dma_wait3A_131 : memref<80x128xf32, #tpu.memory_space<vmem>>) dst(%dma_wait3A_127 : memref<80x128xf32, #tpu.memory_space<vmem_shared>>)
          tpu.yield
        }) : () -> ()
        %add3A_97 = arith.constant 240 : i32
        %add3A_98 = arith.addi %mul3A_2, %add3A_97 : i32
        "tpu.region"() ({
          %run_scoped3A_107 = tpu.sem_alloc : memref<!tpu.dma_semaphore, #tpu.memory_space<semaphore_mem>>
          %dma_start3A_108 = arith.constant 0 : i32
          %dma_start3A_109 = arith.constant 0 : i32
          %dma_start3A_110 = tpu.memref_slice %arg9[%cond3A_88, %dma_start3A_108, %dma_start3A_109] : memref<3x80x128xf32, #tpu.memory_space<vmem>> -> memref<1x80x128xf32, #tpu.memory_space<vmem>>
          %dma_start3A_111 = tpu.memref_squeeze %dma_start3A_110 : memref<1x80x128xf32, #tpu.memory_space<vmem>> -> memref<80x128xf32, #tpu.memory_space<vmem>>
          %dma_start3A_112 = arith.constant 0 : i32
          %dma_start3A_113 = tpu.memref_slice %arg6[%add3A_98, %dma_start3A_112] : memref<10000x128xf32, #tpu.memory_space<vmem_shared>> -> memref<80x128xf32, #tpu.memory_space<vmem_shared>>
          %dma_start3A_114 = arith.constant 0 : i32
          %dma_start3A_115 = tpu.memref_slice %arg6[%add3A_98, %dma_start3A_114] : memref<10000x128xf32, #tpu.memory_space<vmem_shared>> -> memref<80x128xf32, #tpu.memory_space<vmem_shared>>
          %dma_start3A_116 = arith.constant 0 : i32
          %dma_start3A_117 = arith.constant 0 : i32
          %dma_start3A_118 = tpu.memref_slice %arg9[%cond3A_88, %dma_start3A_116, %dma_start3A_117] : memref<3x80x128xf32, #tpu.memory_space<vmem>> -> memref<1x80x128xf32, #tpu.memory_space<vmem>>
          %dma_start3A_119 = tpu.memref_squeeze %dma_start3A_118 : memref<1x80x128xf32, #tpu.memory_space<vmem>> -> memref<80x128xf32, #tpu.memory_space<vmem>>
          tpu.enqueue_dma source(%dma_start3A_119 : memref<80x128xf32, #tpu.memory_space<vmem>>) target(%dma_start3A_115 : memref<80x128xf32, #tpu.memory_space<vmem_shared>>) target_semaphore(%run_scoped3A_107 : memref<!tpu.dma_semaphore, #tpu.memory_space<semaphore_mem>>)
          %dma_wait3A_120 = arith.constant 0 : i32
          %dma_wait3A_121 = arith.constant 0 : i32
          %dma_wait3A_122 = tpu.memref_slice %arg9[%cond3A_88, %dma_wait3A_120, %dma_wait3A_121] : memref<3x80x128xf32, #tpu.memory_space<vmem>> -> memref<1x80x128xf32, #tpu.memory_space<vmem>>
          %dma_wait3A_123 = tpu.memref_squeeze %dma_wait3A_122 : memref<1x80x128xf32, #tpu.memory_space<vmem>> -> memref<80x128xf32, #tpu.memory_space<vmem>>
          %dma_wait3A_124 = arith.constant 0 : i32
          %dma_wait3A_125 = tpu.memref_slice %arg6[%add3A_98, %dma_wait3A_124] : memref<10000x128xf32, #tpu.memory_space<vmem_shared>> -> memref<80x128xf32, #tpu.memory_space<vmem_shared>>
          %dma_wait3A_126 = arith.constant 0 : i32
          %dma_wait3A_127 = tpu.memref_slice %arg6[%add3A_98, %dma_wait3A_126] : memref<10000x128xf32, #tpu.memory_space<vmem_shared>> -> memref<80x128xf32, #tpu.memory_space<vmem_shared>>
          %dma_wait3A_128 = arith.constant 0 : i32
          %dma_wait3A_129 = arith.constant 0 : i32
          %dma_wait3A_130 = tpu.memref_slice %arg9[%cond3A_88, %dma_wait3A_128, %dma_wait3A_129] : memref<3x80x128xf32, #tpu.memory_space<vmem>> -> memref<1x80x128xf32, #tpu.memory_space<vmem>>
          %dma_wait3A_131 = tpu.memref_squeeze %dma_wait3A_130 : memref<1x80x128xf32, #tpu.memory_space<vmem>> -> memref<80x128xf32, #tpu.memory_space<vmem>>
          tpu.wait_dma2 semaphore(%run_scoped3A_107 : memref<!tpu.dma_semaphore, #tpu.memory_space<semaphore_mem>>) src(%dma_wait3A_131 : memref<80x128xf32, #tpu.memory_space<vmem>>) dst(%dma_wait3A_127 : memref<80x128xf32, #tpu.memory_space<vmem_shared>>)
          tpu.yield
        }) : () -> ()
        %add3A_99 = arith.constant 320 : i32
        %add3A_100 = arith.addi %mul3A_2, %add3A_99 : i32
        "tpu.region"() ({
          %run_scoped3A_107 = tpu.sem_alloc : memref<!tpu.dma_semaphore, #tpu.memory_space<semaphore_mem>>
          %dma_start3A_108 = arith.constant 0 : i32
          %dma_start3A_109 = arith.constant 0 : i32
          %dma_start3A_110 = tpu.memref_slice %arg9[%cond3A_88, %dma_start3A_108, %dma_start3A_109] : memref<3x80x128xf32, #tpu.memory_space<vmem>> -> memref<1x80x128xf32, #tpu.memory_space<vmem>>
          %dma_start3A_111 = tpu.memref_squeeze %dma_start3A_110 : memref<1x80x128xf32, #tpu.memory_space<vmem>> -> memref<80x128xf32, #tpu.memory_space<vmem>>
          %dma_start3A_112 = arith.constant 0 : i32
          %dma_start3A_113 = tpu.memref_slice %arg6[%add3A_100, %dma_start3A_112] : memref<10000x128xf32, #tpu.memory_space<vmem_shared>> -> memref<80x128xf32, #tpu.memory_space<vmem_shared>>
          %dma_start3A_114 = arith.constant 0 : i32
          %dma_start3A_115 = tpu.memref_slice %arg6[%add3A_100, %dma_start3A_114] : memref<10000x128xf32, #tpu.memory_space<vmem_shared>> -> memref<80x128xf32, #tpu.memory_space<vmem_shared>>
          %dma_start3A_116 = arith.constant 0 : i32
          %dma_start3A_117 = arith.constant 0 : i32
          %dma_start3A_118 = tpu.memref_slice %arg9[%cond3A_88, %dma_start3A_116, %dma_start3A_117] : memref<3x80x128xf32, #tpu.memory_space<vmem>> -> memref<1x80x128xf32, #tpu.memory_space<vmem>>
          %dma_start3A_119 = tpu.memref_squeeze %dma_start3A_118 : memref<1x80x128xf32, #tpu.memory_space<vmem>> -> memref<80x128xf32, #tpu.memory_space<vmem>>
          tpu.enqueue_dma source(%dma_start3A_119 : memref<80x128xf32, #tpu.memory_space<vmem>>) target(%dma_start3A_115 : memref<80x128xf32, #tpu.memory_space<vmem_shared>>) target_semaphore(%run_scoped3A_107 : memref<!tpu.dma_semaphore, #tpu.memory_space<semaphore_mem>>)
          %dma_wait3A_120 = arith.constant 0 : i32
          %dma_wait3A_121 = arith.constant 0 : i32
          %dma_wait3A_122 = tpu.memref_slice %arg9[%cond3A_88, %dma_wait3A_120, %dma_wait3A_121] : memref<3x80x128xf32, #tpu.memory_space<vmem>> -> memref<1x80x128xf32, #tpu.memory_space<vmem>>
          %dma_wait3A_123 = tpu.memref_squeeze %dma_wait3A_122 : memref<1x80x128xf32, #tpu.memory_space<vmem>> -> memref<80x128xf32, #tpu.memory_space<vmem>>
          %dma_wait3A_124 = arith.constant 0 : i32
          %dma_wait3A_125 = tpu.memref_slice %arg6[%add3A_100, %dma_wait3A_124] : memref<10000x128xf32, #tpu.memory_space<vmem_shared>> -> memref<80x128xf32, #tpu.memory_space<vmem_shared>>
          %dma_wait3A_126 = arith.constant 0 : i32
          %dma_wait3A_127 = tpu.memref_slice %arg6[%add3A_100, %dma_wait3A_126] : memref<10000x128xf32, #tpu.memory_space<vmem_shared>> -> memref<80x128xf32, #tpu.memory_space<vmem_shared>>
          %dma_wait3A_128 = arith.constant 0 : i32
          %dma_wait3A_129 = arith.constant 0 : i32
          %dma_wait3A_130 = tpu.memref_slice %arg9[%cond3A_88, %dma_wait3A_128, %dma_wait3A_129] : memref<3x80x128xf32, #tpu.memory_space<vmem>> -> memref<1x80x128xf32, #tpu.memory_space<vmem>>
          %dma_wait3A_131 = tpu.memref_squeeze %dma_wait3A_130 : memref<1x80x128xf32, #tpu.memory_space<vmem>> -> memref<80x128xf32, #tpu.memory_space<vmem>>
          tpu.wait_dma2 semaphore(%run_scoped3A_107 : memref<!tpu.dma_semaphore, #tpu.memory_space<semaphore_mem>>) src(%dma_wait3A_131 : memref<80x128xf32, #tpu.memory_space<vmem>>) dst(%dma_wait3A_127 : memref<80x128xf32, #tpu.memory_space<vmem_shared>>)
          tpu.yield
        }) : () -> ()
        %add3A_101 = arith.constant 400 : i32
        %add3A_102 = arith.addi %mul3A_2, %add3A_101 : i32
        "tpu.region"() ({
          %run_scoped3A_107 = tpu.sem_alloc : memref<!tpu.dma_semaphore, #tpu.memory_space<semaphore_mem>>
          %dma_start3A_108 = arith.constant 0 : i32
          %dma_start3A_109 = arith.constant 0 : i32
          %dma_start3A_110 = tpu.memref_slice %arg9[%cond3A_88, %dma_start3A_108, %dma_start3A_109] : memref<3x80x128xf32, #tpu.memory_space<vmem>> -> memref<1x80x128xf32, #tpu.memory_space<vmem>>
          %dma_start3A_111 = tpu.memref_squeeze %dma_start3A_110 : memref<1x80x128xf32, #tpu.memory_space<vmem>> -> memref<80x128xf32, #tpu.memory_space<vmem>>
          %dma_start3A_112 = arith.constant 0 : i32
          %dma_start3A_113 = tpu.memref_slice %arg6[%add3A_102, %dma_start3A_112] : memref<10000x128xf32, #tpu.memory_space<vmem_shared>> -> memref<80x128xf32, #tpu.memory_space<vmem_shared>>
          %dma_start3A_114 = arith.constant 0 : i32
          %dma_start3A_115 = tpu.memref_slice %arg6[%add3A_102, %dma_start3A_114] : memref<10000x128xf32, #tpu.memory_space<vmem_shared>> -> memref<80x128xf32, #tpu.memory_space<vmem_shared>>
          %dma_start3A_116 = arith.constant 0 : i32
          %dma_start3A_117 = arith.constant 0 : i32
          %dma_start3A_118 = tpu.memref_slice %arg9[%cond3A_88, %dma_start3A_116, %dma_start3A_117] : memref<3x80x128xf32, #tpu.memory_space<vmem>> -> memref<1x80x128xf32, #tpu.memory_space<vmem>>
          %dma_start3A_119 = tpu.memref_squeeze %dma_start3A_118 : memref<1x80x128xf32, #tpu.memory_space<vmem>> -> memref<80x128xf32, #tpu.memory_space<vmem>>
          tpu.enqueue_dma source(%dma_start3A_119 : memref<80x128xf32, #tpu.memory_space<vmem>>) target(%dma_start3A_115 : memref<80x128xf32, #tpu.memory_space<vmem_shared>>) target_semaphore(%run_scoped3A_107 : memref<!tpu.dma_semaphore, #tpu.memory_space<semaphore_mem>>)
          %dma_wait3A_120 = arith.constant 0 : i32
          %dma_wait3A_121 = arith.constant 0 : i32
          %dma_wait3A_122 = tpu.memref_slice %arg9[%cond3A_88, %dma_wait3A_120, %dma_wait3A_121] : memref<3x80x128xf32, #tpu.memory_space<vmem>> -> memref<1x80x128xf32, #tpu.memory_space<vmem>>
          %dma_wait3A_123 = tpu.memref_squeeze %dma_wait3A_122 : memref<1x80x128xf32, #tpu.memory_space<vmem>> -> memref<80x128xf32, #tpu.memory_space<vmem>>
          %dma_wait3A_124 = arith.constant 0 : i32
          %dma_wait3A_125 = tpu.memref_slice %arg6[%add3A_102, %dma_wait3A_124] : memref<10000x128xf32, #tpu.memory_space<vmem_shared>> -> memref<80x128xf32, #tpu.memory_space<vmem_shared>>
          %dma_wait3A_126 = arith.constant 0 : i32
          %dma_wait3A_127 = tpu.memref_slice %arg6[%add3A_102, %dma_wait3A_126] : memref<10000x128xf32, #tpu.memory_space<vmem_shared>> -> memref<80x128xf32, #tpu.memory_space<vmem_shared>>
          %dma_wait3A_128 = arith.constant 0 : i32
          %dma_wait3A_129 = arith.constant 0 : i32
          %dma_wait3A_130 = tpu.memref_slice %arg9[%cond3A_88, %dma_wait3A_128, %dma_wait3A_129] : memref<3x80x128xf32, #tpu.memory_space<vmem>> -> memref<1x80x128xf32, #tpu.memory_space<vmem>>
          %dma_wait3A_131 = tpu.memref_squeeze %dma_wait3A_130 : memref<1x80x128xf32, #tpu.memory_space<vmem>> -> memref<80x128xf32, #tpu.memory_space<vmem>>
          tpu.wait_dma2 semaphore(%run_scoped3A_107 : memref<!tpu.dma_semaphore, #tpu.memory_space<semaphore_mem>>) src(%dma_wait3A_131 : memref<80x128xf32, #tpu.memory_space<vmem>>) dst(%dma_wait3A_127 : memref<80x128xf32, #tpu.memory_space<vmem_shared>>)
          tpu.yield
        }) : () -> ()
        %add3A_103 = arith.constant 480 : i32
        %add3A_104 = arith.addi %mul3A_2, %add3A_103 : i32
        "tpu.region"() ({
          %run_scoped3A_107 = tpu.sem_alloc : memref<!tpu.dma_semaphore, #tpu.memory_space<semaphore_mem>>
          %dma_start3A_108 = arith.constant 0 : i32
          %dma_start3A_109 = arith.constant 0 : i32
          %dma_start3A_110 = tpu.memref_slice %arg9[%cond3A_88, %dma_start3A_108, %dma_start3A_109] : memref<3x80x128xf32, #tpu.memory_space<vmem>> -> memref<1x80x128xf32, #tpu.memory_space<vmem>>
          %dma_start3A_111 = tpu.memref_squeeze %dma_start3A_110 : memref<1x80x128xf32, #tpu.memory_space<vmem>> -> memref<80x128xf32, #tpu.memory_space<vmem>>
          %dma_start3A_112 = arith.constant 0 : i32
          %dma_start3A_113 = tpu.memref_slice %arg6[%add3A_104, %dma_start3A_112] : memref<10000x128xf32, #tpu.memory_space<vmem_shared>> -> memref<80x128xf32, #tpu.memory_space<vmem_shared>>
          %dma_start3A_114 = arith.constant 0 : i32
          %dma_start3A_115 = tpu.memref_slice %arg6[%add3A_104, %dma_start3A_114] : memref<10000x128xf32, #tpu.memory_space<vmem_shared>> -> memref<80x128xf32, #tpu.memory_space<vmem_shared>>
          %dma_start3A_116 = arith.constant 0 : i32
          %dma_start3A_117 = arith.constant 0 : i32
          %dma_start3A_118 = tpu.memref_slice %arg9[%cond3A_88, %dma_start3A_116, %dma_start3A_117] : memref<3x80x128xf32, #tpu.memory_space<vmem>> -> memref<1x80x128xf32, #tpu.memory_space<vmem>>
          %dma_start3A_119 = tpu.memref_squeeze %dma_start3A_118 : memref<1x80x128xf32, #tpu.memory_space<vmem>> -> memref<80x128xf32, #tpu.memory_space<vmem>>
          tpu.enqueue_dma source(%dma_start3A_119 : memref<80x128xf32, #tpu.memory_space<vmem>>) target(%dma_start3A_115 : memref<80x128xf32, #tpu.memory_space<vmem_shared>>) target_semaphore(%run_scoped3A_107 : memref<!tpu.dma_semaphore, #tpu.memory_space<semaphore_mem>>)
          %dma_wait3A_120 = arith.constant 0 : i32
          %dma_wait3A_121 = arith.constant 0 : i32
          %dma_wait3A_122 = tpu.memref_slice %arg9[%cond3A_88, %dma_wait3A_120, %dma_wait3A_121] : memref<3x80x128xf32, #tpu.memory_space<vmem>> -> memref<1x80x128xf32, #tpu.memory_space<vmem>>
          %dma_wait3A_123 = tpu.memref_squeeze %dma_wait3A_122 : memref<1x80x128xf32, #tpu.memory_space<vmem>> -> memref<80x128xf32, #tpu.memory_space<vmem>>
          %dma_wait3A_124 = arith.constant 0 : i32
          %dma_wait3A_125 = tpu.memref_slice %arg6[%add3A_104, %dma_wait3A_124] : memref<10000x128xf32, #tpu.memory_space<vmem_shared>> -> memref<80x128xf32, #tpu.memory_space<vmem_shared>>
          %dma_wait3A_126 = arith.constant 0 : i32
          %dma_wait3A_127 = tpu.memref_slice %arg6[%add3A_104, %dma_wait3A_126] : memref<10000x128xf32, #tpu.memory_space<vmem_shared>> -> memref<80x128xf32, #tpu.memory_space<vmem_shared>>
          %dma_wait3A_128 = arith.constant 0 : i32
          %dma_wait3A_129 = arith.constant 0 : i32
          %dma_wait3A_130 = tpu.memref_slice %arg9[%cond3A_88, %dma_wait3A_128, %dma_wait3A_129] : memref<3x80x128xf32, #tpu.memory_space<vmem>> -> memref<1x80x128xf32, #tpu.memory_space<vmem>>
          %dma_wait3A_131 = tpu.memref_squeeze %dma_wait3A_130 : memref<1x80x128xf32, #tpu.memory_space<vmem>> -> memref<80x128xf32, #tpu.memory_space<vmem>>
          tpu.wait_dma2 semaphore(%run_scoped3A_107 : memref<!tpu.dma_semaphore, #tpu.memory_space<semaphore_mem>>) src(%dma_wait3A_131 : memref<80x128xf32, #tpu.memory_space<vmem>>) dst(%dma_wait3A_127 : memref<80x128xf32, #tpu.memory_space<vmem_shared>>)
          tpu.yield
        }) : () -> ()
        %add3A_105 = arith.constant 560 : i32
        %add3A_106 = arith.addi %mul3A_2, %add3A_105 : i32
        "tpu.region"() ({
          %run_scoped3A_107 = tpu.sem_alloc : memref<!tpu.dma_semaphore, #tpu.memory_space<semaphore_mem>>
          %dma_start3A_108 = arith.constant 0 : i32
          %dma_start3A_109 = arith.constant 0 : i32
          %dma_start3A_110 = tpu.memref_slice %arg9[%cond3A_88, %dma_start3A_108, %dma_start3A_109] : memref<3x80x128xf32, #tpu.memory_space<vmem>> -> memref<1x80x128xf32, #tpu.memory_space<vmem>>
          %dma_start3A_111 = tpu.memref_squeeze %dma_start3A_110 : memref<1x80x128xf32, #tpu.memory_space<vmem>> -> memref<80x128xf32, #tpu.memory_space<vmem>>
          %dma_start3A_112 = arith.constant 0 : i32
          %dma_start3A_113 = tpu.memref_slice %arg6[%add3A_106, %dma_start3A_112] : memref<10000x128xf32, #tpu.memory_space<vmem_shared>> -> memref<80x128xf32, #tpu.memory_space<vmem_shared>>
          %dma_start3A_114 = arith.constant 0 : i32
          %dma_start3A_115 = tpu.memref_slice %arg6[%add3A_106, %dma_start3A_114] : memref<10000x128xf32, #tpu.memory_space<vmem_shared>> -> memref<80x128xf32, #tpu.memory_space<vmem_shared>>
          %dma_start3A_116 = arith.constant 0 : i32
          %dma_start3A_117 = arith.constant 0 : i32
          %dma_start3A_118 = tpu.memref_slice %arg9[%cond3A_88, %dma_start3A_116, %dma_start3A_117] : memref<3x80x128xf32, #tpu.memory_space<vmem>> -> memref<1x80x128xf32, #tpu.memory_space<vmem>>
          %dma_start3A_119 = tpu.memref_squeeze %dma_start3A_118 : memref<1x80x128xf32, #tpu.memory_space<vmem>> -> memref<80x128xf32, #tpu.memory_space<vmem>>
          tpu.enqueue_dma source(%dma_start3A_119 : memref<80x128xf32, #tpu.memory_space<vmem>>) target(%dma_start3A_115 : memref<80x128xf32, #tpu.memory_space<vmem_shared>>) target_semaphore(%run_scoped3A_107 : memref<!tpu.dma_semaphore, #tpu.memory_space<semaphore_mem>>)
          %dma_wait3A_120 = arith.constant 0 : i32
          %dma_wait3A_121 = arith.constant 0 : i32
          %dma_wait3A_122 = tpu.memref_slice %arg9[%cond3A_88, %dma_wait3A_120, %dma_wait3A_121] : memref<3x80x128xf32, #tpu.memory_space<vmem>> -> memref<1x80x128xf32, #tpu.memory_space<vmem>>
          %dma_wait3A_123 = tpu.memref_squeeze %dma_wait3A_122 : memref<1x80x128xf32, #tpu.memory_space<vmem>> -> memref<80x128xf32, #tpu.memory_space<vmem>>
          %dma_wait3A_124 = arith.constant 0 : i32
          %dma_wait3A_125 = tpu.memref_slice %arg6[%add3A_106, %dma_wait3A_124] : memref<10000x128xf32, #tpu.memory_space<vmem_shared>> -> memref<80x128xf32, #tpu.memory_space<vmem_shared>>
          %dma_wait3A_126 = arith.constant 0 : i32
          %dma_wait3A_127 = tpu.memref_slice %arg6[%add3A_106, %dma_wait3A_126] : memref<10000x128xf32, #tpu.memory_space<vmem_shared>> -> memref<80x128xf32, #tpu.memory_space<vmem_shared>>
          %dma_wait3A_128 = arith.constant 0 : i32
          %dma_wait3A_129 = arith.constant 0 : i32
          %dma_wait3A_130 = tpu.memref_slice %arg9[%cond3A_88, %dma_wait3A_128, %dma_wait3A_129] : memref<3x80x128xf32, #tpu.memory_space<vmem>> -> memref<1x80x128xf32, #tpu.memory_space<vmem>>
          %dma_wait3A_131 = tpu.memref_squeeze %dma_wait3A_130 : memref<1x80x128xf32, #tpu.memory_space<vmem>> -> memref<80x128xf32, #tpu.memory_space<vmem>>
          tpu.wait_dma2 semaphore(%run_scoped3A_107 : memref<!tpu.dma_semaphore, #tpu.memory_space<semaphore_mem>>) src(%dma_wait3A_131 : memref<80x128xf32, #tpu.memory_space<vmem>>) dst(%dma_wait3A_127 : memref<80x128xf32, #tpu.memory_space<vmem_shared>>)
          tpu.yield
        }) : () -> ()
      } else {
      }
    } else {
    }
    %barrier3A = arith.constant 0 : index
    tpu.barrier barrier_id(%barrier3A)
    %scan3A_46 = arith.constant 0 : i32
    %scan3A_47 = arith.constant 0 : i32
    %scan3A_48 = arith.constant 41 : i32
    %scan3A_49 = arith.addi %scan3A_47, %scan3A_48 : i32
    %scan3A_50 = arith.constant 1 : i32
    scf.for %scan3A_81 = %scan3A_47 to %scan3A_49 step %scan3A_50  : i32 {
      %mul3A_82 = arith.constant 3 : i32
      %mul3A_83 = arith.muli %mul3A_82, %scan3A_81 : i32
      %add3A_84 = arith.constant 0 : i32
      %add3A_85 = arith.addi %mul3A_83, %add3A_84 : i32
      %add3A_86 = arith.constant 2 : i32
      %add3A_87 = arith.addi %add3A_85, %add3A_86 : i32
      %mul3A_88 = arith.constant 80 : i32
      %mul3A_89 = arith.muli %add3A_87, %mul3A_88 : i32
      %dma_start3A_90 = arith.constant 2 : i32
      %dma_start3A_91 = arith.constant 0 : i32
      %dma_start3A_92 = arith.constant 0 : i32
      %dma_start3A_93 = tpu.memref_slice %arg9[%dma_start3A_90, %dma_start3A_91, %dma_start3A_92] : memref<3x80x128xf32, #tpu.memory_space<vmem>> -> memref<1x80x128xf32, #tpu.memory_space<vmem>>
      %dma_start3A_94 = tpu.memref_squeeze %dma_start3A_93 : memref<1x80x128xf32, #tpu.memory_space<vmem>> -> memref<80x128xf32, #tpu.memory_space<vmem>>
      %dma_start3A_95 = tpu.memref_slice %arg7[%mul3A_89] : memref<10000xi32, #tpu.memory_space<vmem>> -> memref<80xi32, #tpu.memory_space<vmem>>
      %dma_start3A_96 = arith.constant 0 : i32
      %dma_start3A_97 = arith.constant 0 : i32
      %dma_start3A_98 = tpu.memref_slice %arg2[%dma_start3A_96, %dma_start3A_97] : memref<10000x128xf32, #tpu.memory_space<hbm>> -> memref<10000x128xf32, #tpu.memory_space<hbm>>
      tpu.enqueue_indirect_dma source(%dma_start3A_98 : memref<10000x128xf32, #tpu.memory_space<hbm>>) target(%dma_start3A_94 : memref<80x128xf32, #tpu.memory_space<vmem>>) offsets(%dma_start3A_95 : memref<80xi32, #tpu.memory_space<vmem>>) semaphore(%arg12 : memref<!tpu.dma_semaphore, #tpu.memory_space<semaphore_mem>>)
      %mul3A_99 = arith.constant 80 : i32
      %mul3A_100 = arith.muli %add3A_85, %mul3A_99 : i32
      %dma_wait3A_101 = arith.constant 0 : i32
      %dma_wait3A_102 = arith.constant 0 : i32
      %dma_wait3A_103 = arith.constant 0 : i32
      %dma_wait3A_104 = tpu.memref_slice %arg9[%dma_wait3A_101, %dma_wait3A_102, %dma_wait3A_103] : memref<3x80x128xf32, #tpu.memory_space<vmem>> -> memref<1x80x128xf32, #tpu.memory_space<vmem>>
      %dma_wait3A_105 = tpu.memref_squeeze %dma_wait3A_104 : memref<1x80x128xf32, #tpu.memory_space<vmem>> -> memref<80x128xf32, #tpu.memory_space<vmem>>
      %dma_wait3A_106 = tpu.memref_slice %arg7[%mul3A_100] : memref<10000xi32, #tpu.memory_space<vmem>> -> memref<80xi32, #tpu.memory_space<vmem>>
      %dma_wait3A_107 = arith.constant 0 : i32
      %dma_wait3A_108 = arith.constant 0 : i32
      %dma_wait3A_109 = tpu.memref_slice %arg2[%dma_wait3A_107, %dma_wait3A_108] : memref<10000x128xf32, #tpu.memory_space<hbm>> -> memref<10000x128xf32, #tpu.memory_space<hbm>>
      tpu.wait_indirect_dma semaphore(%arg10 : memref<!tpu.dma_semaphore, #tpu.memory_space<semaphore_mem>>) src(%dma_wait3A_109 : memref<10000x128xf32, #tpu.memory_space<hbm>>) dst(%dma_wait3A_105 : memref<80x128xf32, #tpu.memory_space<vmem>>)
      %mul3A_110 = arith.constant 80 : i32
      %mul3A_111 = arith.muli %add3A_85, %mul3A_110 : i32
      %run_scoped3A_112 = arith.constant 0 : i32
      "tpu.region"() ({
        %run_scoped3A_175 = tpu.sem_alloc : memref<!tpu.dma_semaphore, #tpu.memory_space<semaphore_mem>>
        %dma_start3A_176 = arith.constant 0 : i32
        %dma_start3A_177 = arith.constant 0 : i32
        %dma_start3A_178 = tpu.memref_slice %arg9[%run_scoped3A_112, %dma_start3A_176, %dma_start3A_177] : memref<3x80x128xf32, #tpu.memory_space<vmem>> -> memref<1x80x128xf32, #tpu.memory_space<vmem>>
        %dma_start3A_179 = tpu.memref_squeeze %dma_start3A_178 : memref<1x80x128xf32, #tpu.memory_space<vmem>> -> memref<80x128xf32, #tpu.memory_space<vmem>>
        %dma_start3A_180 = tpu.memref_slice %arg8[%mul3A_111] : memref<10000xi32, #tpu.memory_space<vmem>> -> memref<80xi32, #tpu.memory_space<vmem>>
        %dma_start3A_181 = arith.constant 0 : i32
        %dma_start3A_182 = arith.constant 0 : i32
        %dma_start3A_183 = tpu.memref_slice %arg6[%dma_start3A_181, %dma_start3A_182] : memref<10000x128xf32, #tpu.memory_space<vmem_shared>> -> memref<10000x128xf32, #tpu.memory_space<vmem_shared>>
        tpu.enqueue_indirect_dma source(%dma_start3A_179 : memref<80x128xf32, #tpu.memory_space<vmem>>) target(%dma_start3A_183 : memref<10000x128xf32, #tpu.memory_space<vmem_shared>>) offsets(%dma_start3A_180 : memref<80xi32, #tpu.memory_space<vmem>>) semaphore(%run_scoped3A_175 : memref<!tpu.dma_semaphore, #tpu.memory_space<semaphore_mem>>) {add = true}
        %dma_wait3A_184 = arith.constant 0 : i32
        %dma_wait3A_185 = arith.constant 0 : i32
        %dma_wait3A_186 = tpu.memref_slice %arg9[%run_scoped3A_112, %dma_wait3A_184, %dma_wait3A_185] : memref<3x80x128xf32, #tpu.memory_space<vmem>> -> memref<1x80x128xf32, #tpu.memory_space<vmem>>
        %dma_wait3A_187 = tpu.memref_squeeze %dma_wait3A_186 : memref<1x80x128xf32, #tpu.memory_space<vmem>> -> memref<80x128xf32, #tpu.memory_space<vmem>>
        %dma_wait3A_188 = tpu.memref_slice %arg8[%mul3A_111] : memref<10000xi32, #tpu.memory_space<vmem>> -> memref<80xi32, #tpu.memory_space<vmem>>
        %dma_wait3A_189 = arith.constant 0 : i32
        %dma_wait3A_190 = arith.constant 0 : i32
        %dma_wait3A_191 = tpu.memref_slice %arg6[%dma_wait3A_189, %dma_wait3A_190] : memref<10000x128xf32, #tpu.memory_space<vmem_shared>> -> memref<10000x128xf32, #tpu.memory_space<vmem_shared>>
        tpu.wait_indirect_dma semaphore(%run_scoped3A_175 : memref<!tpu.dma_semaphore, #tpu.memory_space<semaphore_mem>>) src(%dma_wait3A_187 : memref<80x128xf32, #tpu.memory_space<vmem>>) dst(%dma_wait3A_191 : memref<10000x128xf32, #tpu.memory_space<vmem_shared>>)
        tpu.yield
      }) : () -> ()
      %mul3A_113 = arith.constant 3 : i32
      %mul3A_114 = arith.muli %mul3A_113, %scan3A_81 : i32
      %add3A_115 = arith.constant 1 : i32
      %add3A_116 = arith.addi %mul3A_114, %add3A_115 : i32
      %add3A_117 = arith.constant 2 : i32
      %add3A_118 = arith.addi %add3A_116, %add3A_117 : i32
      %mul3A_119 = arith.constant 80 : i32
      %mul3A_120 = arith.muli %add3A_118, %mul3A_119 : i32
      %dma_start3A_121 = arith.constant 0 : i32
      %dma_start3A_122 = arith.constant 0 : i32
      %dma_start3A_123 = arith.constant 0 : i32
      %dma_start3A_124 = tpu.memref_slice %arg9[%dma_start3A_121, %dma_start3A_122, %dma_start3A_123] : memref<3x80x128xf32, #tpu.memory_space<vmem>> -> memref<1x80x128xf32, #tpu.memory_space<vmem>>
      %dma_start3A_125 = tpu.memref_squeeze %dma_start3A_124 : memref<1x80x128xf32, #tpu.memory_space<vmem>> -> memref<80x128xf32, #tpu.memory_space<vmem>>
      %dma_start3A_126 = tpu.memref_slice %arg7[%mul3A_120] : memref<10000xi32, #tpu.memory_space<vmem>> -> memref<80xi32, #tpu.memory_space<vmem>>
      %dma_start3A_127 = arith.constant 0 : i32
      %dma_start3A_128 = arith.constant 0 : i32
      %dma_start3A_129 = tpu.memref_slice %arg2[%dma_start3A_127, %dma_start3A_128] : memref<10000x128xf32, #tpu.memory_space<hbm>> -> memref<10000x128xf32, #tpu.memory_space<hbm>>
      tpu.enqueue_indirect_dma source(%dma_start3A_129 : memref<10000x128xf32, #tpu.memory_space<hbm>>) target(%dma_start3A_125 : memref<80x128xf32, #tpu.memory_space<vmem>>) offsets(%dma_start3A_126 : memref<80xi32, #tpu.memory_space<vmem>>) semaphore(%arg10 : memref<!tpu.dma_semaphore, #tpu.memory_space<semaphore_mem>>)
      %mul3A_130 = arith.constant 80 : i32
      %mul3A_131 = arith.muli %add3A_116, %mul3A_130 : i32
      %dma_wait3A_132 = arith.constant 1 : i32
      %dma_wait3A_133 = arith.constant 0 : i32
      %dma_wait3A_134 = arith.constant 0 : i32
      %dma_wait3A_135 = tpu.memref_slice %arg9[%dma_wait3A_132, %dma_wait3A_133, %dma_wait3A_134] : memref<3x80x128xf32, #tpu.memory_space<vmem>> -> memref<1x80x128xf32, #tpu.memory_space<vmem>>
      %dma_wait3A_136 = tpu.memref_squeeze %dma_wait3A_135 : memref<1x80x128xf32, #tpu.memory_space<vmem>> -> memref<80x128xf32, #tpu.memory_space<vmem>>
      %dma_wait3A_137 = tpu.memref_slice %arg7[%mul3A_131] : memref<10000xi32, #tpu.memory_space<vmem>> -> memref<80xi32, #tpu.memory_space<vmem>>
      %dma_wait3A_138 = arith.constant 0 : i32
      %dma_wait3A_139 = arith.constant 0 : i32
      %dma_wait3A_140 = tpu.memref_slice %arg2[%dma_wait3A_138, %dma_wait3A_139] : memref<10000x128xf32, #tpu.memory_space<hbm>> -> memref<10000x128xf32, #tpu.memory_space<hbm>>
      tpu.wait_indirect_dma semaphore(%arg11 : memref<!tpu.dma_semaphore, #tpu.memory_space<semaphore_mem>>) src(%dma_wait3A_140 : memref<10000x128xf32, #tpu.memory_space<hbm>>) dst(%dma_wait3A_136 : memref<80x128xf32, #tpu.memory_space<vmem>>)
      %mul3A_141 = arith.constant 80 : i32
      %mul3A_142 = arith.muli %add3A_116, %mul3A_141 : i32
      %run_scoped3A_143 = arith.constant 1 : i32
      "tpu.region"() ({
        %run_scoped3A_175 = tpu.sem_alloc : memref<!tpu.dma_semaphore, #tpu.memory_space<semaphore_mem>>
        %dma_start3A_176 = arith.constant 0 : i32
        %dma_start3A_177 = arith.constant 0 : i32
        %dma_start3A_178 = tpu.memref_slice %arg9[%run_scoped3A_143, %dma_start3A_176, %dma_start3A_177] : memref<3x80x128xf32, #tpu.memory_space<vmem>> -> memref<1x80x128xf32, #tpu.memory_space<vmem>>
        %dma_start3A_179 = tpu.memref_squeeze %dma_start3A_178 : memref<1x80x128xf32, #tpu.memory_space<vmem>> -> memref<80x128xf32, #tpu.memory_space<vmem>>
        %dma_start3A_180 = tpu.memref_slice %arg8[%mul3A_142] : memref<10000xi32, #tpu.memory_space<vmem>> -> memref<80xi32, #tpu.memory_space<vmem>>
        %dma_start3A_181 = arith.constant 0 : i32
        %dma_start3A_182 = arith.constant 0 : i32
        %dma_start3A_183 = tpu.memref_slice %arg6[%dma_start3A_181, %dma_start3A_182] : memref<10000x128xf32, #tpu.memory_space<vmem_shared>> -> memref<10000x128xf32, #tpu.memory_space<vmem_shared>>
        tpu.enqueue_indirect_dma source(%dma_start3A_179 : memref<80x128xf32, #tpu.memory_space<vmem>>) target(%dma_start3A_183 : memref<10000x128xf32, #tpu.memory_space<vmem_shared>>) offsets(%dma_start3A_180 : memref<80xi32, #tpu.memory_space<vmem>>) semaphore(%run_scoped3A_175 : memref<!tpu.dma_semaphore, #tpu.memory_space<semaphore_mem>>) {add = true}
        %dma_wait3A_184 = arith.constant 0 : i32
        %dma_wait3A_185 = arith.constant 0 : i32
        %dma_wait3A_186 = tpu.memref_slice %arg9[%run_scoped3A_143, %dma_wait3A_184, %dma_wait3A_185] : memref<3x80x128xf32, #tpu.memory_space<vmem>> -> memref<1x80x128xf32, #tpu.memory_space<vmem>>
        %dma_wait3A_187 = tpu.memref_squeeze %dma_wait3A_186 : memref<1x80x128xf32, #tpu.memory_space<vmem>> -> memref<80x128xf32, #tpu.memory_space<vmem>>
        %dma_wait3A_188 = tpu.memref_slice %arg8[%mul3A_142] : memref<10000xi32, #tpu.memory_space<vmem>> -> memref<80xi32, #tpu.memory_space<vmem>>
        %dma_wait3A_189 = arith.constant 0 : i32
        %dma_wait3A_190 = arith.constant 0 : i32
        %dma_wait3A_191 = tpu.memref_slice %arg6[%dma_wait3A_189, %dma_wait3A_190] : memref<10000x128xf32, #tpu.memory_space<vmem_shared>> -> memref<10000x128xf32, #tpu.memory_space<vmem_shared>>
        tpu.wait_indirect_dma semaphore(%run_scoped3A_175 : memref<!tpu.dma_semaphore, #tpu.memory_space<semaphore_mem>>) src(%dma_wait3A_187 : memref<80x128xf32, #tpu.memory_space<vmem>>) dst(%dma_wait3A_191 : memref<10000x128xf32, #tpu.memory_space<vmem_shared>>)
        tpu.yield
      }) : () -> ()
      %mul3A_144 = arith.constant 3 : i32
      %mul3A_145 = arith.muli %mul3A_144, %scan3A_81 : i32
      %add3A_146 = arith.constant 2 : i32
      %add3A_147 = arith.addi %mul3A_145, %add3A_146 : i32
      %add3A_148 = arith.constant 2 : i32
      %add3A_149 = arith.addi %add3A_147, %add3A_148 : i32
      %mul3A_150 = arith.constant 80 : i32
      %mul3A_151 = arith.muli %add3A_149, %mul3A_150 : i32
      %dma_start3A_152 = arith.constant 1 : i32
      %dma_start3A_153 = arith.constant 0 : i32
      %dma_start3A_154 = arith.constant 0 : i32
      %dma_start3A_155 = tpu.memref_slice %arg9[%dma_start3A_152, %dma_start3A_153, %dma_start3A_154] : memref<3x80x128xf32, #tpu.memory_space<vmem>> -> memref<1x80x128xf32, #tpu.memory_space<vmem>>
      %dma_start3A_156 = tpu.memref_squeeze %dma_start3A_155 : memref<1x80x128xf32, #tpu.memory_space<vmem>> -> memref<80x128xf32, #tpu.memory_space<vmem>>
      %dma_start3A_157 = tpu.memref_slice %arg7[%mul3A_151] : memref<10000xi32, #tpu.memory_space<vmem>> -> memref<80xi32, #tpu.memory_space<vmem>>
      %dma_start3A_158 = arith.constant 0 : i32
      %dma_start3A_159 = arith.constant 0 : i32
      %dma_start3A_160 = tpu.memref_slice %arg2[%dma_start3A_158, %dma_start3A_159] : memref<10000x128xf32, #tpu.memory_space<hbm>> -> memref<10000x128xf32, #tpu.memory_space<hbm>>
      tpu.enqueue_indirect_dma source(%dma_start3A_160 : memref<10000x128xf32, #tpu.memory_space<hbm>>) target(%dma_start3A_156 : memref<80x128xf32, #tpu.memory_space<vmem>>) offsets(%dma_start3A_157 : memref<80xi32, #tpu.memory_space<vmem>>) semaphore(%arg11 : memref<!tpu.dma_semaphore, #tpu.memory_space<semaphore_mem>>)
      %mul3A_161 = arith.constant 80 : i32
      %mul3A_162 = arith.muli %add3A_147, %mul3A_161 : i32
      %dma_wait3A_163 = arith.constant 2 : i32
      %dma_wait3A_164 = arith.constant 0 : i32
      %dma_wait3A_165 = arith.constant 0 : i32
      %dma_wait3A_166 = tpu.memref_slice %arg9[%dma_wait3A_163, %dma_wait3A_164, %dma_wait3A_165] : memref<3x80x128xf32, #tpu.memory_space<vmem>> -> memref<1x80x128xf32, #tpu.memory_space<vmem>>
      %dma_wait3A_167 = tpu.memref_squeeze %dma_wait3A_166 : memref<1x80x128xf32, #tpu.memory_space<vmem>> -> memref<80x128xf32, #tpu.memory_space<vmem>>
      %dma_wait3A_168 = tpu.memref_slice %arg7[%mul3A_162] : memref<10000xi32, #tpu.memory_space<vmem>> -> memref<80xi32, #tpu.memory_space<vmem>>
      %dma_wait3A_169 = arith.constant 0 : i32
      %dma_wait3A_170 = arith.constant 0 : i32
      %dma_wait3A_171 = tpu.memref_slice %arg2[%dma_wait3A_169, %dma_wait3A_170] : memref<10000x128xf32, #tpu.memory_space<hbm>> -> memref<10000x128xf32, #tpu.memory_space<hbm>>
      tpu.wait_indirect_dma semaphore(%arg12 : memref<!tpu.dma_semaphore, #tpu.memory_space<semaphore_mem>>) src(%dma_wait3A_171 : memref<10000x128xf32, #tpu.memory_space<hbm>>) dst(%dma_wait3A_167 : memref<80x128xf32, #tpu.memory_space<vmem>>)
      %mul3A_172 = arith.constant 80 : i32
      %mul3A_173 = arith.muli %add3A_147, %mul3A_172 : i32
      %run_scoped3A_174 = arith.constant 2 : i32
      "tpu.region"() ({
        %run_scoped3A_175 = tpu.sem_alloc : memref<!tpu.dma_semaphore, #tpu.memory_space<semaphore_mem>>
        %dma_start3A_176 = arith.constant 0 : i32
        %dma_start3A_177 = arith.constant 0 : i32
        %dma_start3A_178 = tpu.memref_slice %arg9[%run_scoped3A_174, %dma_start3A_176, %dma_start3A_177] : memref<3x80x128xf32, #tpu.memory_space<vmem>> -> memref<1x80x128xf32, #tpu.memory_space<vmem>>
        %dma_start3A_179 = tpu.memref_squeeze %dma_start3A_178 : memref<1x80x128xf32, #tpu.memory_space<vmem>> -> memref<80x128xf32, #tpu.memory_space<vmem>>
        %dma_start3A_180 = tpu.memref_slice %arg8[%mul3A_173] : memref<10000xi32, #tpu.memory_space<vmem>> -> memref<80xi32, #tpu.memory_space<vmem>>
        %dma_start3A_181 = arith.constant 0 : i32
        %dma_start3A_182 = arith.constant 0 : i32
        %dma_start3A_183 = tpu.memref_slice %arg6[%dma_start3A_181, %dma_start3A_182] : memref<10000x128xf32, #tpu.memory_space<vmem_shared>> -> memref<10000x128xf32, #tpu.memory_space<vmem_shared>>
        tpu.enqueue_indirect_dma source(%dma_start3A_179 : memref<80x128xf32, #tpu.memory_space<vmem>>) target(%dma_start3A_183 : memref<10000x128xf32, #tpu.memory_space<vmem_shared>>) offsets(%dma_start3A_180 : memref<80xi32, #tpu.memory_space<vmem>>) semaphore(%run_scoped3A_175 : memref<!tpu.dma_semaphore, #tpu.memory_space<semaphore_mem>>) {add = true}
        %dma_wait3A_184 = arith.constant 0 : i32
        %dma_wait3A_185 = arith.constant 0 : i32
        %dma_wait3A_186 = tpu.memref_slice %arg9[%run_scoped3A_174, %dma_wait3A_184, %dma_wait3A_185] : memref<3x80x128xf32, #tpu.memory_space<vmem>> -> memref<1x80x128xf32, #tpu.memory_space<vmem>>
        %dma_wait3A_187 = tpu.memref_squeeze %dma_wait3A_186 : memref<1x80x128xf32, #tpu.memory_space<vmem>> -> memref<80x128xf32, #tpu.memory_space<vmem>>
        %dma_wait3A_188 = tpu.memref_slice %arg8[%mul3A_173] : memref<10000xi32, #tpu.memory_space<vmem>> -> memref<80xi32, #tpu.memory_space<vmem>>
        %dma_wait3A_189 = arith.constant 0 : i32
        %dma_wait3A_190 = arith.constant 0 : i32
        %dma_wait3A_191 = tpu.memref_slice %arg6[%dma_wait3A_189, %dma_wait3A_190] : memref<10000x128xf32, #tpu.memory_space<vmem_shared>> -> memref<10000x128xf32, #tpu.memory_space<vmem_shared>>
        tpu.wait_indirect_dma semaphore(%run_scoped3A_175 : memref<!tpu.dma_semaphore, #tpu.memory_space<semaphore_mem>>) src(%dma_wait3A_187 : memref<80x128xf32, #tpu.memory_space<vmem>>) dst(%dma_wait3A_191 : memref<10000x128xf32, #tpu.memory_space<vmem_shared>>)
        tpu.yield
      }) : () -> ()
    }
    %scan3A_51 = arith.constant 41 : i32
    %dma_wait3A = arith.constant 0 : i32
    %dma_wait3A_52 = arith.constant 0 : i32
    %dma_wait3A_53 = arith.constant 0 : i32
    %dma_wait3A_54 = tpu.memref_slice %arg9[%dma_wait3A, %dma_wait3A_52, %dma_wait3A_53] : memref<3x80x128xf32, #tpu.memory_space<vmem>> -> memref<1x80x128xf32, #tpu.memory_space<vmem>>
    %dma_wait3A_55 = tpu.memref_squeeze %dma_wait3A_54 : memref<1x80x128xf32, #tpu.memory_space<vmem>> -> memref<80x128xf32, #tpu.memory_space<vmem>>
    %dma_wait3A_56 = arith.constant 9840 : i32
    %dma_wait3A_57 = tpu.memref_slice %arg7[%dma_wait3A_56] : memref<10000xi32, #tpu.memory_space<vmem>> -> memref<80xi32, #tpu.memory_space<vmem>>
    %dma_wait3A_58 = arith.constant 0 : i32
    %dma_wait3A_59 = arith.constant 0 : i32
    %dma_wait3A_60 = tpu.memref_slice %arg2[%dma_wait3A_58, %dma_wait3A_59] : memref<10000x128xf32, #tpu.memory_space<hbm>> -> memref<10000x128xf32, #tpu.memory_space<hbm>>
    tpu.wait_indirect_dma semaphore(%arg10 : memref<!tpu.dma_semaphore, #tpu.memory_space<semaphore_mem>>) src(%dma_wait3A_60 : memref<10000x128xf32, #tpu.memory_space<hbm>>) dst(%dma_wait3A_55 : memref<80x128xf32, #tpu.memory_space<vmem>>)
    %run_scoped3A = arith.constant 0 : i32
    "tpu.region"() ({
      %run_scoped3A_81 = tpu.sem_alloc : memref<!tpu.dma_semaphore, #tpu.memory_space<semaphore_mem>>
      %dma_start3A_82 = arith.constant 0 : i32
      %dma_start3A_83 = arith.constant 0 : i32
      %dma_start3A_84 = tpu.memref_slice %arg9[%run_scoped3A, %dma_start3A_82, %dma_start3A_83] : memref<3x80x128xf32, #tpu.memory_space<vmem>> -> memref<1x80x128xf32, #tpu.memory_space<vmem>>
      %dma_start3A_85 = tpu.memref_squeeze %dma_start3A_84 : memref<1x80x128xf32, #tpu.memory_space<vmem>> -> memref<80x128xf32, #tpu.memory_space<vmem>>
      %dma_start3A_86 = arith.constant 9840 : i32
      %dma_start3A_87 = tpu.memref_slice %arg8[%dma_start3A_86] : memref<10000xi32, #tpu.memory_space<vmem>> -> memref<80xi32, #tpu.memory_space<vmem>>
      %dma_start3A_88 = arith.constant 0 : i32
      %dma_start3A_89 = arith.constant 0 : i32
      %dma_start3A_90 = tpu.memref_slice %arg6[%dma_start3A_88, %dma_start3A_89] : memref<10000x128xf32, #tpu.memory_space<vmem_shared>> -> memref<10000x128xf32, #tpu.memory_space<vmem_shared>>
      tpu.enqueue_indirect_dma source(%dma_start3A_85 : memref<80x128xf32, #tpu.memory_space<vmem>>) target(%dma_start3A_90 : memref<10000x128xf32, #tpu.memory_space<vmem_shared>>) offsets(%dma_start3A_87 : memref<80xi32, #tpu.memory_space<vmem>>) semaphore(%run_scoped3A_81 : memref<!tpu.dma_semaphore, #tpu.memory_space<semaphore_mem>>) {add = true}
      %dma_wait3A_91 = arith.constant 0 : i32
      %dma_wait3A_92 = arith.constant 0 : i32
      %dma_wait3A_93 = tpu.memref_slice %arg9[%run_scoped3A, %dma_wait3A_91, %dma_wait3A_92] : memref<3x80x128xf32, #tpu.memory_space<vmem>> -> memref<1x80x128xf32, #tpu.memory_space<vmem>>
      %dma_wait3A_94 = tpu.memref_squeeze %dma_wait3A_93 : memref<1x80x128xf32, #tpu.memory_space<vmem>> -> memref<80x128xf32, #tpu.memory_space<vmem>>
      %dma_wait3A_95 = arith.constant 9840 : i32
      %dma_wait3A_96 = tpu.memref_slice %arg8[%dma_wait3A_95] : memref<10000xi32, #tpu.memory_space<vmem>> -> memref<80xi32, #tpu.memory_space<vmem>>
      %dma_wait3A_97 = arith.constant 0 : i32
      %dma_wait3A_98 = arith.constant 0 : i32
      %dma_wait3A_99 = tpu.memref_slice %arg6[%dma_wait3A_97, %dma_wait3A_98] : memref<10000x128xf32, #tpu.memory_space<vmem_shared>> -> memref<10000x128xf32, #tpu.memory_space<vmem_shared>>
      tpu.wait_indirect_dma semaphore(%run_scoped3A_81 : memref<!tpu.dma_semaphore, #tpu.memory_space<semaphore_mem>>) src(%dma_wait3A_94 : memref<80x128xf32, #tpu.memory_space<vmem>>) dst(%dma_wait3A_99 : memref<10000x128xf32, #tpu.memory_space<vmem_shared>>)
      tpu.yield
    }) : () -> ()
    %dma_wait3A_61 = arith.constant 1 : i32
    %dma_wait3A_62 = arith.constant 0 : i32
    %dma_wait3A_63 = arith.constant 0 : i32
    %dma_wait3A_64 = tpu.memref_slice %arg9[%dma_wait3A_61, %dma_wait3A_62, %dma_wait3A_63] : memref<3x80x128xf32, #tpu.memory_space<vmem>> -> memref<1x80x128xf32, #tpu.memory_space<vmem>>
    %dma_wait3A_65 = tpu.memref_squeeze %dma_wait3A_64 : memref<1x80x128xf32, #tpu.memory_space<vmem>> -> memref<80x128xf32, #tpu.memory_space<vmem>>
    %dma_wait3A_66 = arith.constant 9920 : i32
    %dma_wait3A_67 = tpu.memref_slice %arg7[%dma_wait3A_66] : memref<10000xi32, #tpu.memory_space<vmem>> -> memref<80xi32, #tpu.memory_space<vmem>>
    %dma_wait3A_68 = arith.constant 0 : i32
    %dma_wait3A_69 = arith.constant 0 : i32
    %dma_wait3A_70 = tpu.memref_slice %arg2[%dma_wait3A_68, %dma_wait3A_69] : memref<10000x128xf32, #tpu.memory_space<hbm>> -> memref<10000x128xf32, #tpu.memory_space<hbm>>
    tpu.wait_indirect_dma semaphore(%arg11 : memref<!tpu.dma_semaphore, #tpu.memory_space<semaphore_mem>>) src(%dma_wait3A_70 : memref<10000x128xf32, #tpu.memory_space<hbm>>) dst(%dma_wait3A_65 : memref<80x128xf32, #tpu.memory_space<vmem>>)
    %run_scoped3A_71 = arith.constant 1 : i32
    "tpu.region"() ({
      %run_scoped3A_81 = tpu.sem_alloc : memref<!tpu.dma_semaphore, #tpu.memory_space<semaphore_mem>>
      %dma_start3A_82 = arith.constant 0 : i32
      %dma_start3A_83 = arith.constant 0 : i32
      %dma_start3A_84 = tpu.memref_slice %arg9[%run_scoped3A_71, %dma_start3A_82, %dma_start3A_83] : memref<3x80x128xf32, #tpu.memory_space<vmem>> -> memref<1x80x128xf32, #tpu.memory_space<vmem>>
      %dma_start3A_85 = tpu.memref_squeeze %dma_start3A_84 : memref<1x80x128xf32, #tpu.memory_space<vmem>> -> memref<80x128xf32, #tpu.memory_space<vmem>>
      %dma_start3A_86 = arith.constant 9920 : i32
      %dma_start3A_87 = tpu.memref_slice %arg8[%dma_start3A_86] : memref<10000xi32, #tpu.memory_space<vmem>> -> memref<80xi32, #tpu.memory_space<vmem>>
      %dma_start3A_88 = arith.constant 0 : i32
      %dma_start3A_89 = arith.constant 0 : i32
      %dma_start3A_90 = tpu.memref_slice %arg6[%dma_start3A_88, %dma_start3A_89] : memref<10000x128xf32, #tpu.memory_space<vmem_shared>> -> memref<10000x128xf32, #tpu.memory_space<vmem_shared>>
      tpu.enqueue_indirect_dma source(%dma_start3A_85 : memref<80x128xf32, #tpu.memory_space<vmem>>) target(%dma_start3A_90 : memref<10000x128xf32, #tpu.memory_space<vmem_shared>>) offsets(%dma_start3A_87 : memref<80xi32, #tpu.memory_space<vmem>>) semaphore(%run_scoped3A_81 : memref<!tpu.dma_semaphore, #tpu.memory_space<semaphore_mem>>) {add = true}
      %dma_wait3A_91 = arith.constant 0 : i32
      %dma_wait3A_92 = arith.constant 0 : i32
      %dma_wait3A_93 = tpu.memref_slice %arg9[%run_scoped3A_71, %dma_wait3A_91, %dma_wait3A_92] : memref<3x80x128xf32, #tpu.memory_space<vmem>> -> memref<1x80x128xf32, #tpu.memory_space<vmem>>
      %dma_wait3A_94 = tpu.memref_squeeze %dma_wait3A_93 : memref<1x80x128xf32, #tpu.memory_space<vmem>> -> memref<80x128xf32, #tpu.memory_space<vmem>>
      %dma_wait3A_95 = arith.constant 9920 : i32
      %dma_wait3A_96 = tpu.memref_slice %arg8[%dma_wait3A_95] : memref<10000xi32, #tpu.memory_space<vmem>> -> memref<80xi32, #tpu.memory_space<vmem>>
      %dma_wait3A_97 = arith.constant 0 : i32
      %dma_wait3A_98 = arith.constant 0 : i32
      %dma_wait3A_99 = tpu.memref_slice %arg6[%dma_wait3A_97, %dma_wait3A_98] : memref<10000x128xf32, #tpu.memory_space<vmem_shared>> -> memref<10000x128xf32, #tpu.memory_space<vmem_shared>>
      tpu.wait_indirect_dma semaphore(%run_scoped3A_81 : memref<!tpu.dma_semaphore, #tpu.memory_space<semaphore_mem>>) src(%dma_wait3A_94 : memref<80x128xf32, #tpu.memory_space<vmem>>) dst(%dma_wait3A_99 : memref<10000x128xf32, #tpu.memory_space<vmem_shared>>)
      tpu.yield
    }) : () -> ()
    %barrier3A_72 = arith.constant 0 : index
    tpu.barrier barrier_id(%barrier3A_72)
    %not3A_73 = arith.constant true
    %not3A_74 = arith.xori %eq3A_3, %not3A_73 : i1
    %convert_element_type3A_75 = arith.extui %not3A_74 : i1 to i32
    %cond3A_76 = arith.constant 0 : i32
    %cond3A_77 = arith.cmpi ne, %convert_element_type3A_75, %cond3A_76 : i32
    scf.if %cond3A_77 {
      "tpu.region"() ({
        %run_scoped3A_81 = tpu.sem_alloc : memref<!tpu.dma_semaphore, #tpu.memory_space<semaphore_mem>>
        %dma_start3A_82 = arith.constant 0 : i32
        %dma_start3A_83 = tpu.memref_slice %arg5[%arg0, %mul3A_2, %dma_start3A_82] : memref<2x10000x128xf32, #tpu.memory_space<hbm>> -> memref<1x624x128xf32, #tpu.memory_space<hbm>>
        %dma_start3A_84 = tpu.memref_squeeze %dma_start3A_83 : memref<1x624x128xf32, #tpu.memory_space<hbm>> -> memref<624x128xf32, #tpu.memory_space<hbm>>
        %dma_start3A_85 = arith.constant 0 : i32
        %dma_start3A_86 = tpu.memref_slice %arg6[%mul3A_2, %dma_start3A_85] : memref<10000x128xf32, #tpu.memory_space<vmem_shared>> -> memref<624x128xf32, #tpu.memory_space<vmem_shared>>
        tpu.enqueue_dma source(%dma_start3A_86 : memref<624x128xf32, #tpu.memory_space<vmem_shared>>) target(%dma_start3A_84 : memref<624x128xf32, #tpu.memory_space<hbm>>) target_semaphore(%run_scoped3A_81 : memref<!tpu.dma_semaphore, #tpu.memory_space<semaphore_mem>>)
        %dma_wait3A_87 = arith.constant 0 : i32
        %dma_wait3A_88 = tpu.memref_slice %arg5[%arg0, %mul3A_2, %dma_wait3A_87] : memref<2x10000x128xf32, #tpu.memory_space<hbm>> -> memref<1x624x128xf32, #tpu.memory_space<hbm>>
        %dma_wait3A_89 = tpu.memref_squeeze %dma_wait3A_88 : memref<1x624x128xf32, #tpu.memory_space<hbm>> -> memref<624x128xf32, #tpu.memory_space<hbm>>
        %dma_wait3A_90 = arith.constant 0 : i32
        %dma_wait3A_91 = tpu.memref_slice %arg6[%mul3A_2, %dma_wait3A_90] : memref<10000x128xf32, #tpu.memory_space<vmem_shared>> -> memref<624x128xf32, #tpu.memory_space<vmem_shared>>
        tpu.wait_dma2 semaphore(%run_scoped3A_81 : memref<!tpu.dma_semaphore, #tpu.memory_space<semaphore_mem>>) src(%dma_wait3A_91 : memref<624x128xf32, #tpu.memory_space<vmem_shared>>) dst(%dma_wait3A_89 : memref<624x128xf32, #tpu.memory_space<hbm>>)
        tpu.yield
      }) : () -> ()
    } else {
    }
    %convert_element_type3A_78 = arith.extui %eq3A_3 : i1 to i32
    %cond3A_79 = arith.constant 0 : i32
    %cond3A_80 = arith.cmpi ne, %convert_element_type3A_78, %cond3A_79 : i32
    scf.if %cond3A_80 {
      "tpu.region"() ({
        %run_scoped3A_81 = tpu.sem_alloc : memref<!tpu.dma_semaphore, #tpu.memory_space<semaphore_mem>>
        %dma_start3A_82 = arith.constant 0 : i32
        %dma_start3A_83 = tpu.memref_slice %arg5[%arg0, %mul3A_2, %dma_start3A_82] : memref<2x10000x128xf32, #tpu.memory_space<hbm>> -> memref<1x640x128xf32, #tpu.memory_space<hbm>>
        %dma_start3A_84 = tpu.memref_squeeze %dma_start3A_83 : memref<1x640x128xf32, #tpu.memory_space<hbm>> -> memref<640x128xf32, #tpu.memory_space<hbm>>
        %dma_start3A_85 = arith.constant 0 : i32
        %dma_start3A_86 = tpu.memref_slice %arg6[%mul3A_2, %dma_start3A_85] : memref<10000x128xf32, #tpu.memory_space<vmem_shared>> -> memref<640x128xf32, #tpu.memory_space<vmem_shared>>
        tpu.enqueue_dma source(%dma_start3A_86 : memref<640x128xf32, #tpu.memory_space<vmem_shared>>) target(%dma_start3A_84 : memref<640x128xf32, #tpu.memory_space<hbm>>) target_semaphore(%run_scoped3A_81 : memref<!tpu.dma_semaphore, #tpu.memory_space<semaphore_mem>>)
        %dma_wait3A_87 = arith.constant 0 : i32
        %dma_wait3A_88 = tpu.memref_slice %arg5[%arg0, %mul3A_2, %dma_wait3A_87] : memref<2x10000x128xf32, #tpu.memory_space<hbm>> -> memref<1x640x128xf32, #tpu.memory_space<hbm>>
        %dma_wait3A_89 = tpu.memref_squeeze %dma_wait3A_88 : memref<1x640x128xf32, #tpu.memory_space<hbm>> -> memref<640x128xf32, #tpu.memory_space<hbm>>
        %dma_wait3A_90 = arith.constant 0 : i32
        %dma_wait3A_91 = tpu.memref_slice %arg6[%mul3A_2, %dma_wait3A_90] : memref<10000x128xf32, #tpu.memory_space<vmem_shared>> -> memref<640x128xf32, #tpu.memory_space<vmem_shared>>
        tpu.wait_dma2 semaphore(%run_scoped3A_81 : memref<!tpu.dma_semaphore, #tpu.memory_space<semaphore_mem>>) src(%dma_wait3A_91 : memref<640x128xf32, #tpu.memory_space<vmem_shared>>) dst(%dma_wait3A_89 : memref<640x128xf32, #tpu.memory_space<hbm>>)
        tpu.yield
      }) : () -> ()
    } else {
    }
    return
  }
}

module attributes {stable_mosaic.version = 14 : i64} {
  func.func @body(%arg0: i32, %arg1: memref<2x2000x128xf32, #tpu.memory_space<vmem>>, %arg2: memref<2000x1xf32, #tpu.memory_space<vmem>>, %arg3: memref<128x128xf32, #tpu.memory_space<vmem>>, %arg4: memref<1x128xf32, #tpu.memory_space<vmem>>, %arg5: memref<2000x128xf32, #tpu.memory_space<vmem>>) attributes {dimension_semantics = [#tpu.dimension_semantics<arbitrary>], iteration_bounds = array<i64: 5>, scalar_prefetch = 0 : i64, scratch_operands = 0 : i64, tpu.core_type = #tpu.core_type<tc>, window_params = [{transform_indices = @transform_0, window_bounds = array<i64: 2, 2000, 128>}, {transform_indices = @transform_1, window_bounds = array<i64: 2000, 1>}, {pipeline_mode = #tpu.pipeline_mode<synchronous>, transform_indices = @transform_2, window_bounds = array<i64: 128, 128>}, {pipeline_mode = #tpu.pipeline_mode<synchronous>, transform_indices = @transform_3, window_bounds = array<i64: 1, 128>}, {transform_indices = @transform_4, window_bounds = array<i64: 2000, 128>}]} {
    %get3A = arith.constant 0 : index
    %get3A_0 = arith.constant 0 : index
    %get3A_1 = arith.constant 0 : index
    %get3A_2 = vector.load %arg1[%get3A, %get3A_0, %get3A_1] : memref<2x2000x128xf32, #tpu.memory_space<vmem>>, vector<1x2000x128xf32>
    %get3A_3 = vector.shape_cast %get3A_2 : vector<1x2000x128xf32> to vector<2000x128xf32>
    %get3A_4 = arith.constant 1 : index
    %get3A_5 = arith.constant 0 : index
    %get3A_6 = arith.constant 0 : index
    %get3A_7 = vector.load %arg1[%get3A_4, %get3A_5, %get3A_6] : memref<2x2000x128xf32, #tpu.memory_space<vmem>>, vector<1x2000x128xf32>
    %get3A_8 = vector.shape_cast %get3A_7 : vector<1x2000x128xf32> to vector<2000x128xf32>
    %add3A = arith.addf %get3A_3, %get3A_8 : vector<2000x128xf32>
    %get3A_9 = arith.constant 0 : index
    %get3A_10 = arith.constant 0 : index
    %get3A_11 = vector.load %arg2[%get3A_9, %get3A_10] : memref<2000x1xf32, #tpu.memory_space<vmem>>, vector<2000x1xf32>
    %div3A = vector.broadcast %get3A_11 : vector<2000x1xf32> to vector<2000x128xf32>
    %div3A_12 = arith.divf %add3A, %div3A : vector<2000x128xf32>
    %get3A_13 = arith.constant 0 : index
    %get3A_14 = arith.constant 0 : index
    %get3A_15 = vector.load %arg3[%get3A_13, %get3A_14] : memref<128x128xf32, #tpu.memory_space<vmem>>, vector<128x128xf32>
    %dot_general3A = arith.constant dense<0.000000e+00> : vector<2000x128xf32>
    %dot_general3A_16 = tpu.matmul %div3A_12, %get3A_15, %dot_general3A {dimension_numbers = #tpu.dot_dimension_numbers<[1], [0], [0], [1], [0, 0, 1, 1], [], []>, transpose_lhs_hint = false} : vector<2000x128xf32>, vector<128x128xf32>, vector<2000x128xf32> -> vector<2000x128xf32>
    %get3A_17 = arith.constant 0 : index
    %get3A_18 = arith.constant 0 : index
    %get3A_19 = vector.load %arg4[%get3A_17, %get3A_18] : memref<1x128xf32, #tpu.memory_space<vmem>>, vector<1x128xf32>
    %add3A_20 = vector.broadcast %get3A_19 : vector<1x128xf32> to vector<2000x128xf32>
    %add3A_21 = arith.addf %dot_general3A_16, %add3A_20 : vector<2000x128xf32>
    %swap3A = arith.constant 0 : index
    %swap3A_22 = arith.constant 0 : index
    %swap3A_23 = vector.load %arg5[%swap3A, %swap3A_22] : memref<2000x128xf32, #tpu.memory_space<vmem>>, vector<2000x128xf32>
    tpu.vector_store %arg5[%swap3A, %swap3A_22], %add3A_21 {strides = array<i32>} : memref<2000x128xf32, #tpu.memory_space<vmem>>, vector<2000x128xf32>,
    return
  }
  func.func @transform_0(%arg0: i32) -> (i32, i32, i32) {
    %c0_i32 = arith.constant 0 : i32
    %c0_i32_0 = arith.constant 0 : i32
    %c0_i32_1 = arith.constant 0 : i32
    return %c0_i32, %arg0, %c0_i32_0 : i32, i32, i32
  }
  func.func @transform_1(%arg0: i32) -> (i32, i32) {
    %c0_i32 = arith.constant 0 : i32
    %c0_i32_0 = arith.constant 0 : i32
    return %arg0, %c0_i32 : i32, i32
  }
  func.func @transform_2(%arg0: i32) -> (i32, i32) {
    %c0_i32 = arith.constant 0 : i32
    %c0_i32_0 = arith.constant 0 : i32
    %c0_i32_1 = arith.constant 0 : i32
    return %c0_i32, %c0_i32_0 : i32, i32
  }
  func.func @transform_3(%arg0: i32) -> (i32, i32) {
    %c0_i32 = arith.constant 0 : i32
    %c0_i32_0 = arith.constant 0 : i32
    %c0_i32_1 = arith.constant 0 : i32
    return %c0_i32, %c0_i32_0 : i32, i32
  }
  func.func @transform_4(%arg0: i32) -> (i32, i32) {
    %c0_i32 = arith.constant 0 : i32
    %c0_i32_0 = arith.constant 0 : i32
    return %arg0, %c0_i32 : i32, i32
  }
}

module attributes {stable_mosaic.version = 14 : i64} {
  func.func @body(%arg0: i32, %arg1: memref<2x2000x128xf32, #tpu.memory_space<vmem>>, %arg2: memref<2x2000x128xf32, #tpu.memory_space<vmem>>, %arg3: memref<128x128xf32, #tpu.memory_space<vmem>>, %arg4: memref<1x128xf32, #tpu.memory_space<vmem>>, %arg5: memref<2000x128xf32, #tpu.memory_space<vmem>>, %arg6: memref<2000x1xf32, #tpu.memory_space<vmem>>) attributes {dimension_semantics = [#tpu.dimension_semantics<arbitrary>], iteration_bounds = array<i64: 5>, scalar_prefetch = 0 : i64, scratch_operands = 0 : i64, tpu.core_type = #tpu.core_type<tc>, window_params = [{transform_indices = @transform_0, window_bounds = array<i64: 2, 2000, 128>}, {transform_indices = @transform_1, window_bounds = array<i64: 2, 2000, 128>}, {pipeline_mode = #tpu.pipeline_mode<synchronous>, transform_indices = @transform_2, window_bounds = array<i64: 128, 128>}, {pipeline_mode = #tpu.pipeline_mode<synchronous>, transform_indices = @transform_3, window_bounds = array<i64: 1, 128>}, {transform_indices = @transform_4, window_bounds = array<i64: 2000, 128>}, {transform_indices = @transform_5, window_bounds = array<i64: 2000, 1>}]} {
    %get3A = arith.constant 0 : index
    %get3A_0 = arith.constant 0 : index
    %get3A_1 = arith.constant 0 : index
    %get3A_2 = vector.load %arg2[%get3A, %get3A_0, %get3A_1] : memref<2x2000x128xf32, #tpu.memory_space<vmem>>, vector<1x2000x1xf32>
    %get3A_3 = vector.shape_cast %get3A_2 : vector<1x2000x1xf32> to vector<2000x1xf32>
    %get3A_4 = arith.constant 1 : index
    %get3A_5 = arith.constant 0 : index
    %get3A_6 = arith.constant 0 : index
    %get3A_7 = vector.load %arg2[%get3A_4, %get3A_5, %get3A_6] : memref<2x2000x128xf32, #tpu.memory_space<vmem>>, vector<1x2000x1xf32>
    %get3A_8 = vector.shape_cast %get3A_7 : vector<1x2000x1xf32> to vector<2000x1xf32>
    %add3A = arith.addf %get3A_3, %get3A_8 : vector<2000x1xf32>
    %add3A_9 = arith.constant 1.000000e+00 : f32
    %add3A_10 = vector.broadcast %add3A_9 : f32 to vector<2000x1xf32>
    %add3A_11 = arith.addf %add3A, %add3A_10 : vector<2000x1xf32>
    %get3A_12 = arith.constant 0 : index
    %get3A_13 = arith.constant 0 : index
    %get3A_14 = arith.constant 0 : index
    %get3A_15 = vector.load %arg1[%get3A_12, %get3A_13, %get3A_14] : memref<2x2000x128xf32, #tpu.memory_space<vmem>>, vector<1x2000x128xf32>
    %get3A_16 = vector.shape_cast %get3A_15 : vector<1x2000x128xf32> to vector<2000x128xf32>
    %get3A_17 = arith.constant 1 : index
    %get3A_18 = arith.constant 0 : index
    %get3A_19 = arith.constant 0 : index
    %get3A_20 = vector.load %arg1[%get3A_17, %get3A_18, %get3A_19] : memref<2x2000x128xf32, #tpu.memory_space<vmem>>, vector<1x2000x128xf32>
    %get3A_21 = vector.shape_cast %get3A_20 : vector<1x2000x128xf32> to vector<2000x128xf32>
    %add3A_22 = arith.addf %get3A_16, %get3A_21 : vector<2000x128xf32>
    %div3A = vector.broadcast %add3A_11 : vector<2000x1xf32> to vector<2000x128xf32>
    %div3A_23 = arith.divf %add3A_22, %div3A : vector<2000x128xf32>
    %get3A_24 = arith.constant 0 : index
    %get3A_25 = arith.constant 0 : index
    %get3A_26 = vector.load %arg3[%get3A_24, %get3A_25] : memref<128x128xf32, #tpu.memory_space<vmem>>, vector<128x128xf32>
    %dot_general3A = arith.constant dense<0.000000e+00> : vector<2000x128xf32>
    %dot_general3A_27 = tpu.matmul %div3A_23, %get3A_26, %dot_general3A {dimension_numbers = #tpu.dot_dimension_numbers<[1], [0], [0], [1], [0, 0, 1, 1], [], []>, transpose_lhs_hint = false} : vector<2000x128xf32>, vector<128x128xf32>, vector<2000x128xf32> -> vector<2000x128xf32>
    %get3A_28 = arith.constant 0 : index
    %get3A_29 = arith.constant 0 : index
    %get3A_30 = vector.load %arg4[%get3A_28, %get3A_29] : memref<1x128xf32, #tpu.memory_space<vmem>>, vector<1x128xf32>
    %add3A_31 = vector.broadcast %get3A_30 : vector<1x128xf32> to vector<2000x128xf32>
    %add3A_32 = arith.addf %dot_general3A_27, %add3A_31 : vector<2000x128xf32>
    %max3A = arith.constant 0.000000e+00 : f32
    %max3A_33 = vector.broadcast %max3A : f32 to vector<2000x128xf32>
    %max3A_34 = arith.maximumf %add3A_32, %max3A_33 : vector<2000x128xf32>
    %swap3A = arith.constant 0 : index
    %swap3A_35 = arith.constant 0 : index
    %swap3A_36 = vector.load %arg5[%swap3A, %swap3A_35] : memref<2000x128xf32, #tpu.memory_space<vmem>>, vector<2000x128xf32>
    tpu.vector_store %arg5[%swap3A, %swap3A_35], %max3A_34 {strides = array<i32>} : memref<2000x128xf32, #tpu.memory_space<vmem>>, vector<2000x128xf32>,
    %swap3A_37 = arith.constant 0 : index
    %swap3A_38 = arith.constant 0 : index
    %swap3A_39 = vector.load %arg6[%swap3A_37, %swap3A_38] : memref<2000x1xf32, #tpu.memory_space<vmem>>, vector<2000x1xf32>
    tpu.vector_store %arg6[%swap3A_37, %swap3A_38], %add3A_11 {strides = array<i32>} : memref<2000x1xf32, #tpu.memory_space<vmem>>, vector<2000x1xf32>,
    return
  }
  func.func @transform_0(%arg0: i32) -> (i32, i32, i32) {
    %c0_i32 = arith.constant 0 : i32
    %c0_i32_0 = arith.constant 0 : i32
    %c0_i32_1 = arith.constant 0 : i32
    return %c0_i32, %arg0, %c0_i32_0 : i32, i32, i32
  }
  func.func @transform_1(%arg0: i32) -> (i32, i32, i32) {
    %c0_i32 = arith.constant 0 : i32
    %c0_i32_0 = arith.constant 0 : i32
    %c0_i32_1 = arith.constant 0 : i32
    return %c0_i32, %arg0, %c0_i32_0 : i32, i32, i32
  }
  func.func @transform_2(%arg0: i32) -> (i32, i32) {
    %c0_i32 = arith.constant 0 : i32
    %c0_i32_0 = arith.constant 0 : i32
    %c0_i32_1 = arith.constant 0 : i32
    return %c0_i32, %c0_i32_0 : i32, i32
  }
  func.func @transform_3(%arg0: i32) -> (i32, i32) {
    %c0_i32 = arith.constant 0 : i32
    %c0_i32_0 = arith.constant 0 : i32
    %c0_i32_1 = arith.constant 0 : i32
    return %c0_i32, %c0_i32_0 : i32, i32
  }
  func.func @transform_4(%arg0: i32) -> (i32, i32) {
    %c0_i32 = arith.constant 0 : i32
    %c0_i32_0 = arith.constant 0 : i32
    return %arg0, %c0_i32 : i32, i32
  }
  func.func @transform_5(%arg0: i32) -> (i32, i32) {
    %c0_i32 = arith.constant 0 : i32
    %c0_i32_0 = arith.constant 0 : i32
    return %arg0, %c0_i32 : i32, i32
  }
}

</mosaic_0001>

<sc_bundles>
// kernel: kernel.6.cloned.1.call-start
scs
__scs_entry_jumppad:
0x0: {  	(pc) =	sbr.rel $0x88, $3  }
0x1: {  	(tag) =	ssettag $0x0;
	lr =	simm.s32 $0x1  }
0x2: {  	[smem:$0x3F9B] =	sst lr;
	_ =	strace $0xD0000000  }
0x3: {  	_ = 	snop  }
0x4: {  	_ = 	snop  }
0x5: {  	_ = 	snop  }
0x6: {  	_ = 	snop  }
0x7: {  	_ = 	snop  }
__scs_overlays_trampoline_lowered:
0x8: {  	[smem:$0x3FAA] =	sst s0  }
0x9: {  	[smem:$0x3FAB] =	sst s1  }
0xa: {  	[smem:$0x3FAC] =	sst s2  }
0xb: {  	[smem:$0x3FAD] =	sst s3  }
0xc: {  	[smem:$0x3FAE] =	sst s4  }
0xd: {  	[smem:$0x3FAF] =	sst s5  }
0xe: {  	[smem:$0x3FB0] =	sst s6  }
0xf: {  	[smem:$0x3FB1] =	sst s7  }
0x10: {  	[smem:$0x3FB2] =	sst s8  }
0x11: {  	[smem:$0x3FB3] =	sst s9;
	s0 =	simm.s32 @!p0 $0x0  }
0x12: {  	s1 =	sld [smem:$0x3F99];
	s0 =	simm.s32 @p0 $0x1  }
0x13: {  	[smem:$0x3FB4] =	sst s0;
	s0 =	simm.s32 @!p1 $0x0  }
0x14: {  	s2 =	sld [smem:$0x3F98];
	s0 =	simm.s32 @p1 $0x1  }
0x15: {  	[smem:$0x3FB5] =	sst s0;
	s0 =	simm.s32 @!p2 $0x0  }
0x16: {  	s3 =	sld [smem:$0x3FDB];
	s0 =	simm.s32 @p2 $0x1  }
0x17: {  	s4 =	simm.s32 $0x1BF5;
	[smem:$0x3FB7] =	sst s0  }
0x18: {  	s0 =	sld [smem:$0x3F9A];
	_ =	swait.ge [sflag:s4], $0x0  }
0x19: {  	s7 =	sld [smem:$0x3F9B]  }
0x1a: {  	s8 =	sadd.s32 $0xFFFFE003, lr  }
0x1b: {  	s9 =	sadd.s32 $0xFFFFFEF7, lr;
	s5 =	simm.s32 $0xFFFFFFFF;
	p2 =	slt.u32 s8, $0xFFFFF086  }
0x1c: {  	p1 =	slt.u32 s9, $0xF7A;
	s5 =	simm.s32 @!p2 $0x0  }
0x1d: {  	s5 =	simm.s32 @p1 $0x1;
	p0 =	seq.s32 s7, s2  }
0x1e: {  	s7 =	smul.u32 @!p0 $0xF7A, s2;
	p2 =	seq.s32 @!p0 s5, $0x0  }
0x1f: {  	s9 =	smul.u32 $0xF7A, s1;
	s8 =	simm.s32 @!p0 $0x1BF5;
	p2 =	por !p2, p0  }
0x20: {  	[sflag:s8] =	ssyncset.s32 @!p0 $0xFFFFF086;
	s6 =	sadd.s32 @!p0 s3, s7;
	s7 =	simm.s32 @!p0 $0x108  }
0x21: {  	s3 =	sadd.s32 s3, s9;
	s6 =	sadd.s32 @!p0 $0x88, s6;
	s7 =	simm.s32 @p2 $0x1082  }
0x22: {  	[simem:s7], [sflag:s8] =	dma.local @!p0 [hbm:s6], $0xF7A  }
0x23: {  	s9 =	sor.u32 $0xD0000000, s2;
	s6 =	simm.s32 $0x108;
	_ =	swait.ge @!p0 [sflag:s8], $0x0  }
0x24: {  	s3 =	sadd.s32 $0x88, s3;
	s6 =	simm.s32 @!p1 $0x1082;
	[sflag:s4] =	ssyncset.s32 $0xFFFFF086  }
0x25: {  	[simem:s6], [sflag:s4] =	dma.local [hbm:s3], $0xF7A  }
0x26: {  	[smem:$0x3F9B] =	sst s1;
	(tag) =	ssettag s2;
	_ =	strace s9  }
0x27: {  	s1 =	sld [smem:$0x3FAB]  }
0x28: {  	s2 =	sld [smem:$0x3FAC]  }
0x29: {  	s4 =	sld [smem:$0x3FAE]  }
0x2a: {  	p0 =	seq.s32 s5, $0x0;
	s5 =	sld [smem:$0x3FAF]  }
0x2b: {  	s6 =	sld [smem:$0x3FB0]  }
0x2c: {  	s7 =	sld [smem:$0x3FB1]  }
0x2d: {  	s3 =	simm.s32 $0x108;
	s8 =	sld [smem:$0x3FB2]  }
0x2e: {  	s3 =	simm.s32 @!p0 $0x1082;
	s9 =	sld [smem:$0x3FB3]  }
0x2f: {  	lr =	sadd.s32 s0, s3;
	s0 =	sld [smem:$0x3FAA]  }
0x30: {  	s3 =	sld [smem:$0x3FAD]  }
0x31: {  	[smem:$0x3FB6] =	sst s10  }
0x32: {  	s10 =	sld [smem:$0x3FB4];
	_ =	sdelay $0x3  }
0x33: {  	p0 =	seq.s32 s10, $0x1;
	s10 =	sld [smem:$0x3FB6];
	_ =	sdelay $0x3  }
0x34: {  	[smem:$0x3FB6] =	sst s10  }
0x35: {  	s10 =	sld [smem:$0x3FB5];
	_ =	sdelay $0x3  }
0x36: {  	p1 =	seq.s32 s10, $0x1;
	s10 =	sld [smem:$0x3FB6];
	_ =	sdelay $0x3  }
0x37: {  	[smem:$0x3FB6] =	sst s10  }
0x38: {  	s10 =	sld [smem:$0x3FB7]  }
0x39: {  	_ = 	snop;
	(pc) =	sbr.ind lr, $3  }
0x3a: {  	_ = 	snop  }
0x3b: {  	_ = 	snop  }
0x3c: {  	p2 =	seq.s32 s10, $0x1;
	s10 =	sld [smem:$0x3FB6]  }
0x3d: {  	_ =	shalt  }
0x3e: {  	_ =	shalt  }
0x3f: {  	_ =	shalt  }
0x40: {  	_ =	shalt  }
0x41: {  	_ =	shalt  }
0x42: {  	_ =	shalt  }
0x43: {  	_ =	shalt  }
0x44: {  	_ =	shalt  }
0x45: {  	_ =	shalt  }
0x46: {  	_ =	shalt  }
0x47: {  	_ =	shalt  }
0x48: {  	_ =	shalt  }
0x49: {  	_ =	shalt  }
0x4a: {  	_ =	shalt  }
0x4b: {  	_ =	shalt  }
0x4c: {  	_ =	shalt  }
0x4d: {  	_ =	shalt  }
0x4e: {  	_ =	shalt  }
0x4f: {  	_ =	shalt  }
0x50: {  	_ =	shalt  }
0x51: {  	_ =	shalt  }
0x52: {  	_ =	shalt  }
0x53: {  	_ =	shalt  }
0x54: {  	_ =	shalt  }
0x55: {  	_ =	shalt  }
0x56: {  	_ =	shalt  }
0x57: {  	_ =	shalt  }
0x58: {  	_ =	shalt  }
0x59: {  	_ =	shalt  }
0x5a: {  	_ =	shalt  }
0x5b: {  	_ =	shalt  }
0x5c: {  	_ =	shalt  }
0x5d: {  	_ =	shalt  }
0x5e: {  	_ =	shalt  }
0x5f: {  	_ =	shalt  }
0x60: {  	_ =	shalt  }
0x61: {  	_ =	shalt  }
0x62: {  	_ =	shalt  }
0x63: {  	_ =	shalt  }
0x64: {  	_ =	shalt  }
0x65: {  	_ =	shalt  }
0x66: {  	_ =	shalt  }
0x67: {  	_ =	shalt  }
0x68: {  	_ =	shalt  }
0x69: {  	_ =	shalt  }
0x6a: {  	_ =	shalt  }
0x6b: {  	_ =	shalt  }
0x6c: {  	_ =	shalt  }
0x6d: {  	_ =	shalt  }
0x6e: {  	_ =	shalt  }
0x6f: {  	_ =	shalt  }
0x70: {  	_ =	shalt  }
0x71: {  	_ =	shalt  }
0x72: {  	_ =	shalt  }
0x73: {  	_ =	shalt  }
0x74: {  	_ =	shalt  }
0x75: {  	_ =	shalt  }
0x76: {  	_ =	shalt  }
0x77: {  	_ =	shalt  }
0x78: {  	_ =	shalt  }
0x79: {  	_ =	shalt  }
0x7a: {  	_ =	shalt  }
0x7b: {  	_ =	shalt  }
0x7c: {  	_ =	shalt  }
0x7d: {  	_ =	shalt  }
0x7e: {  	_ =	shalt  }
0x7f: {  	_ =	shalt  }
0x80: {  	_ =	shalt  }
0x81: {  	_ =	shalt  }
0x82: {  	_ =	shalt  }
0x83: {  	_ =	shalt  }
0x84: {  	_ =	shalt  }
0x85: {  	_ =	shalt  }
0x86: {  	_ =	shalt  }
0x87: {  	_ =	shalt  }
.Lfunc_end0:
.L_simem_size_0:
called_computation_lowered:
.L_overlay_start_0:
0x88: {  	s2 =	sld [smem:$0x3FD9]  }
0x89: {  	s3 =	sld [smem:$0x3FFE];
	_ =	sdelay $0x1  }
0x8a: {  	s1 =	srdreg.scid  }
0x8b: {  	s0 =	sand.u32 $0x1, s1  }
0x8c: {  	s17 =	sshll.u32 s0, $0xA;
	s2 =	sadd.s32 s3, s2  }
0x8d: {  	s2 =	sadd.s32 s2, s17  }
0x8e: {  	[smem:$0x3FC2] =	sst s2  }
0x8f: {  	_ = 	snop  }
0x90: {  	s2 =	sld [smem:$0x3FC8];
	(tm) =	ssettm $0x1  }
0x91: {  	s18 =	sld [smem:$0x3FFB];
	_ =	sdelay $0x3  }
0x92: {  	_ =	strace s18  }
0x93: {  	s3 =	sld [smem:$0x3FFC];
	_ =	sdelay $0x3  }
0x94: {  	_ =	strace s3  }
0x95: {  	s3 =	sld [smem:$0x3FFD];
	_ =	sdelay $0x3  }
0x96: {  	_ =	strace s3  }
0x97: {  	_ =	strace $0x8FFFFFFF  }
0x98: {  	s19 =	sld [smem:$0x3FDB];
	_ =	sdelay $0x1  }
0x99: {  	s4 =	simm.s32 $_scs_section_size  }
0x9a: {  	s5 =	simm.s32 $_size__tile_overlayer_lowered;
	s6 =	simm.s32 $_tile_overlayer_lowered  }
0x9b: {  	s22 =	simm.s32 $0x1BFF;
	s21 =	sshll.u32 s6, $0x1;
	s3 =	sadd.s32 s4, s19  }
0x9c: {  	s7 =	simm.s32 $0x0;
	s20 =	sshll.u32 s5, $0x1;
	s5 =	sadd.s32 s21, s3  }
0x9d: {  	[timem:s7], [sflag:s22] =	dma.local [hbm:s5], s20  }
0x9e: {  	_ =	swait.ge [sflag:s22], s20  }
0x9f: {  	s4 =	ssub.s32 $0x0, s20;
	[sflag:s22] =	ssyncset.done $0x0  }
0xa0: {  	[sflag:s22] =	ssyncadd.s32 s4;
	_ =	sdelay $0x1  }
0xa1: {  	s23 =	simm.s32 $0x1B8B  }
0xa2: {  	_ =	swait.ge [sflag:s23], $0x1  }
0xa3: {  	[sflag:s23] =	ssyncset.done $0x0  }
0xa4: {  	s25 =	simm.s32 $0x1B8E;
	s24 =	sld [smem:$0x3FFE];
	[sflag:s23] =	ssyncadd.s32 $0xFFFFFFFF  }
0xa5: {  	s26 =	simm.s32 $execute0_lowered;
	[smem:$0x3FD2] =	sst s25  }
0xa6: {  	s5 =	sshll.u32 s26, $0x1;
	_ =	strace $0x80000046;
	[dreg:$0x1] =	wrdreg $0xFFFFFFFF  }
0xa7: {  	s28 =	simm.s32 $_size_execute0_lowered;
	s3 =	sadd.s32 s3, s5;
	[dreg:$0x0] =	wrdreg $0x0  }
0xa8: {  	s5 =	sshll.u32 s28, $0x1;
	[dreg:$0x2] =	wrdreg s3  }
0xa9: {  	[dreg:$0x3] =	wrdreg s5  }
0xaa: {  	[dreg:$0x4] =	wrdreg $0xC0  }
0xab: {  	_ =	task [dreg:s7], $0x5FFFF  }
0xac: {  	[dreg:$0x1] =	wrdreg $0xFFFFFFFF  }
0xad: {  	[dreg:$0x0] =	wrdreg $0x60  }
0xae: {  	[dreg:$0x2] =	wrdreg s2  }
0xaf: {  	[dreg:$0x3] =	wrdreg s24  }
0xb0: {  	[dreg:$0x4] =	wrdreg $0x0  }
0xb1: {  	[dreg:$0x5] =	wrdreg $0x9  }
0xb2: {  	_ =	task.clear_ibuf [dreg:s7], $0x6FFFF;
	_ =	strace $0x90000046  }
0xb3: {  	s29 =	simm.s32 $0x9;
	_ =	strace $0x80000048  }
0xb4: {  	_ =	swait.ge [sflag:s29], $0x1  }
0xb5: {  	[sflag:s29] =	ssyncadd.s32 $0xFFFFFFFF  }
0xb6: {  	_ =	strace $0x90000048  }
0xb7: {  	_ =	sfence  }
0xb8: {  	s30 =	sld [smem:$0x0];
	_ =	sdelay $0x2  }
0xb9: {  	s31 =	sshll.u32 s1, $0xD;
	s1 =	sshrl.u32 s1, $0x2  }
0xba: {  	s3 =	sand.u32 $0x4000, s31;
	s1 =	sadd.s32 s1, s30  }
0xbb: {  	s0 =	sor.u32 s3, s0;
	s1 =	sshll.u32 s1, $0x11  }
0xbc: {  	s0 =	sor.u32 s1, s0  }
0xbd: {  	s0 =	sadd.s32 $0x8F2B, s0  }
0xbe: {  	[sflag:s0] =	ssyncadd.remote.s32 $0x1  }
0xbf: {  	_ =	sfence.sel $0xFFFF  }
0xc0: {  	[dreg:$0x0] =	wrdreg $0xFFFFFFFF;
	(pc) =	sbr.abs _section_cstart, $3  }
0xc1: {  	[dreg:$0x1] =	wrdreg $0xFFFFFFFF  }
0xc2: {  	_ =	task.clear_ibuf [dreg:s7], $0x2FFFF;
	_ =	strace $0x9FFFFFFF  }
0xc3: {  	(tm) =	ssettm $0x7FFFFFFF  }
tec
execute0_lowered:
.L_overlay_start_1:
0x0: {  	(tag) =	ssettag $0x1  }
0x1: {  	s0 =	rddreg [dreg:$0x0]  }
0x2: {  	s2 =	rddreg [dreg:$0x1]  }
0x3: {  	s1 =	srdreg.scid;
	s3 =	rddreg [dreg:$0x2]  }
0x4: {  	s9 =	stileid.u32;
	s5 =	simm.s32 $0x0;
	s1 =	sand.u32 $0x1, s1  }
0x5: {  	[smem:$0x7FF] =	sst s5;
	s6 =	smul.u32 $0x4E000, s9;
	s8 =	sadd.s32 $0x15000, s2  }
0x6: {  	s21 =	smul.u32 $0x13800, s9;
	s15 =	sadd.s32 $0x124800, s3;
	s16 =	sadd.s32 $0x127000, s3  }
0x7: {  	p0 =	seq.s32 s9, $0xF;
	p1 =	sne.s32 s9, $0xF;
	s28 =	sadd.s32 $0x133800, s3  }
0x8: {  	s29 =	sadd.s32 $0x136000, s3;
	s31 =	sadd.s32 $0x24900, s0;
	s4 =	sshll.u32 s1, $0x4  }
0x9: {  	_ =	strace $0x80000047;
	s17 =	ssub.s32 $0x2, s1;
	s19 =	smul.u32 $0x138800, s1  }
0xa: {  	p3 =	sne.s32 @p0 s1, $0x0;
	p5 =	sne.s32 @!p0 s1, $0x0;
	[dreg:$0x10] =	wrdreg s31  }
0xb: {  	s1 =	simm.s32 $0x4;
	s4 =	sor.u32 s9, s4;
	s7 =	sshrl.u32 s17, $0x1  }
0xc: {  	s6 =	sshrl.u32 s6, $0x2;
	p2 =	por !p3, !p0;
	p3 =	por p3, !p0  }
0xd: {  	p4 =	por !p5, p0;
	p5 =	por p5, p0;
	s4 =	smul.u32 $0x4E2, s4  }
0xe: {  	s5 =	ssub.s32 s17, s7;
	s7 =	sadd.s32 s6, s3;
	s17 =	sadd.s32 $0x129800, s3  }
0xf: {  	s10 =	sadd.s32 $0x2800, s7;
	s11 =	sadd.s32 $0x5000, s7;
	s6 =	sadd.s32 $0x7800, s7  }
0x10: {  	s20 =	sadd.s32 $0xA000, s7;
	s12 =	sadd.s32 $0xC800, s7;
	[dreg:$0x6] =	wrdreg s6  }
0x11: {  	s22 =	sadd.s32 $0xF000, s7;
	s14 =	sadd.s32 $0x11800, s7;
	[dreg:$0x7] =	wrdreg s20  }
0x12: {  	s30 =	smax.u32 s5, $0x1;
	s5 =	simm.s32 $0x1;
	[dreg:$0x8] =	wrdreg s12  }
0x13: {  	s4 =	sadd.s32 s4, s2;
	s2 =	sadd.s32 $0x63200, s2;
	[dreg:$0x9] =	wrdreg s22  }
0x14: {  	s6 =	sadd.s32 s21, s19;
	s22 =	sadd.s32 $0x12C000, s3;
	[dreg:$0xf] =	wrdreg s30  }
0x15: {  	s20 =	simm.s32 $0x3;
	s21 =	simm.s32 $0x0;
	s18 =	sadd.s32 $0xB200, s4  }
0x16: {  	s4 =	sadd.s32 $0x1400, s4;
	s6 =	sshrl.u32 s6, $0x3;
	[dreg:$0x4] =	wrdreg s18  }
0x17: {  	[dreg:$0x5] =	wrdreg s4;
	s4 =	sshrl.u32 s19, $0x3;
	s23 =	sadd.s32 s2, s6  }
0x18: {  	s18 =	smul.u32 $0x2700, s9;
	s24 =	sadd.s32 s8, s6;
	s6 =	simm.s32 $0x18780  }
0x19: {  	s19 =	simm.s32 $0x2;
	[dreg:$0xa] =	wrdreg s23;
	s4 =	sadd.s32 $0x24900, s4  }
0x1a: {  	[dreg:$0xc] =	wrdreg s24;
	s23 =	sadd.s32 $0x12E800, s3;
	s2 =	sadd.s32 s2, s4  }
0x1b: {  	s25 =	sadd.s32 s8, s4;
	s26 =	sadd.s32 s0, s18;
	[dreg:$0xb] =	wrdreg s2  }
0x1c: {  	s4 =	simm.s32 $0x1D780;
	s18 =	simm.s32 $0x1AF80;
	[dreg:$0xd] =	wrdreg s25  }
0x1d: {  	v0 =	vimm.f32 $0.0e+00;
	v1 =	vimm.f32 $1.000000000e+00;
	[dreg:$0xe] =	wrdreg s26;
	s26 =	sadd.s32 $0x131000, s3;
	s2 =	simm.s32 $0x50  }
.LBB2_1:
0x1e: {  	s8 =	simm.s32 $0x0;
	s9 =	rddreg [dreg:$0x4];
	s12 =	simm.s32 $0x13880  }
0x1f: {  	[tilespmem:s12], [sflag:$0x4] =	stream.linear.gather [hbm4b:s9+s8], $0x2710, $0x38;
	[tilespmem:$0x1FF80] =	vst v63  }
0x20: {  	_ =	swait.ge [sflag:s1], $0x2710  }
0x21: {  	[sflag:s1] =	ssyncset.done $0x0  }
0x22: {  	s31 =	simm.s32 $0x16000;
	s30 =	rddreg [dreg:$0x5];
	[sflag:s1] =	ssyncadd.s32 $0xFFFFD8F0  }
0x23: {  	[tilespmem:s31], [sflag:$0x4] =	stream.linear.gather [hbm4b:s30+s8], $0x2710, $0x38;
	[tilespmem:$0x1FF80] =	vst v63  }
0x24: {  	_ =	swait.ge [sflag:s1], $0x2710  }
0x25: {  	[sflag:s1] =	ssyncset.done $0x0  }
0x26: {  	s24 =	simm.s32 $0x0;
	s25 =	simm.s32 $0x200;
	[sflag:s1] =	ssyncadd.s32 $0xFFFFD8F0  }
.LBB2_2:
0x27: {  	p6 =	sne.s32 s25, $0x9E00;
	[tilespmem:s24+$0x187F0] =	vst v0  }
0x28: {  	[tilespmem:s24+$0x18780] =	vst v0  }
0x29: {  	[tilespmem:s24+$0x18790] =	vst v0  }
.Ltmp0:
0x2a: {  	[tilespmem:s24+$0x187A0] =	vst v0;
	(pc) =	sbr.rel @p6 .LBB2_2-.Ltmp0, $4  }
0x2b: {  	[tilespmem:s24+$0x187B0] =	vst v0  }
0x2c: {  	[tilespmem:s24+$0x187C0] =	vst v0  }
0x2d: {  	[tilespmem:s24+$0x187D0] =	vst v0  }
0x2e: {  	[tilespmem:s24+$0x187E0] =	vst v0;
	s24 =	sshra.s32 s25, $0x2;
	s25 =	sadd.s32 $0x200, s25  }
0x2f: {  	[tilespmem:s24+$0x187F0] =	vst v0  }
0x30: {  	[tilespmem:s24+$0x18780] =	vst v0  }
0x31: {  	[tilespmem:s24+$0x18790] =	vst v0  }
0x32: {  	[tilespmem:s24+$0x187A0] =	vst v0  }
0x33: {  	[tilespmem:s24+$0x187B0] =	vst v0  }
0x34: {  	[tilespmem:s24+$0x187C0] =	vst v0  }
0x35: {  	[tilespmem:s24+$0x187D0] =	vst v0  }
0x36: {  	[tilespmem:s24+$0x187E0] =	vst v0;
	s24 =	simm.s32 $0x0;
	s25 =	simm.s32 $0x200  }
.LBB2_4:
0x37: {  	p6 =	sne.s32 s25, $0x9E00;
	[tilespmem:s24+$0x1D7F0] =	vst v1  }
0x38: {  	[tilespmem:s24+$0x1D780] =	vst v1  }
0x39: {  	[tilespmem:s24+$0x1D790] =	vst v1  }
.Ltmp1:
0x3a: {  	[tilespmem:s24+$0x1D7A0] =	vst v1;
	(pc) =	sbr.rel @p6 .LBB2_4-.Ltmp1, $4  }
0x3b: {  	[tilespmem:s24+$0x1D7B0] =	vst v1  }
0x3c: {  	[tilespmem:s24+$0x1D7C0] =	vst v1  }
0x3d: {  	[tilespmem:s24+$0x1D7D0] =	vst v1  }
0x3e: {  	[tilespmem:s24+$0x1D7E0] =	vst v1;
	s24 =	sshra.s32 s25, $0x2;
	s25 =	sadd.s32 $0x200, s25  }
0x3f: {  	[tilespmem:s24+$0x1D7F0] =	vst v1  }
0x40: {  	[tilespmem:s24+$0x1D780] =	vst v1  }
0x41: {  	[tilespmem:s24+$0x1D790] =	vst v1  }
0x42: {  	[tilespmem:s24+$0x1D7A0] =	vst v1  }
0x43: {  	[tilespmem:s24+$0x1D7B0] =	vst v1  }
0x44: {  	[tilespmem:s24+$0x1D7C0] =	vst v1  }
0x45: {  	[tilespmem:s24+$0x1D7D0] =	vst v1  }
0x46: {  	[tilespmem:s24+$0x1D7E0] =	vst v1;
	s8 =	simm.s32 @p1 $0x18780;
	s24 =	simm.s32 @p1 $0x4  }
0x47: {  	[spmem:s7] =	stream.linear.scatter @p1 [tilespmem:s8], [sflag:$0x4], $0x2800, $0x38;
	[tilespmem:$0x1FF80] =	vst v63  }
0x48: {  	_ =	swait.ge @p1 [sflag:s24], $0x2800  }
0x49: {  	[sflag:s24] =	ssyncset.done @p1 $0x0  }
0x4a: {  	[sflag:s24] =	ssyncadd.s32 @p1 $0xFFFFD800  }
0x4b: {  	[spmem:s10] =	stream.linear.scatter @p1 [tilespmem:s8], [sflag:$0x4], $0x2800, $0x38;
	[tilespmem:$0x1FF80] =	vst v63  }
0x4c: {  	_ =	swait.ge @p1 [sflag:s24], $0x2800  }
0x4d: {  	[sflag:s24] =	ssyncset.done @p1 $0x0  }
0x4e: {  	[sflag:s24] =	ssyncadd.s32 @p1 $0xFFFFD800  }
0x4f: {  	[spmem:s11] =	stream.linear.scatter @p1 [tilespmem:s8], [sflag:$0x4], $0x2800, $0x38;
	[tilespmem:$0x1FF80] =	vst v63  }
0x50: {  	_ =	swait.ge @p1 [sflag:s24], $0x2800  }
0x51: {  	[sflag:s24] =	ssyncset.done @p1 $0x0  }
0x52: {  	s9 =	rddreg [dreg:$0x6];
	[sflag:s24] =	ssyncadd.s32 @p1 $0xFFFFD800  }
0x53: {  	[spmem:s9] =	stream.linear.scatter @p1 [tilespmem:s8], [sflag:$0x4], $0x2800, $0x38;
	[tilespmem:$0x1FF80] =	vst v63  }
0x54: {  	_ =	swait.ge @p1 [sflag:s24], $0x2800  }
0x55: {  	[sflag:s24] =	ssyncset.done @p1 $0x0  }
0x56: {  	s9 =	rddreg [dreg:$0x7];
	[sflag:s24] =	ssyncadd.s32 @p1 $0xFFFFD800  }
0x57: {  	[spmem:s9] =	stream.linear.scatter @p1 [tilespmem:s8], [sflag:$0x4], $0x2800, $0x38;
	[tilespmem:$0x1FF80] =	vst v63  }
0x58: {  	_ =	swait.ge @p1 [sflag:s24], $0x2800  }
0x59: {  	[sflag:s24] =	ssyncset.done @p1 $0x0  }
0x5a: {  	s9 =	rddreg [dreg:$0x8];
	[sflag:s24] =	ssyncadd.s32 @p1 $0xFFFFD800  }
0x5b: {  	[spmem:s9] =	stream.linear.scatter @p1 [tilespmem:s8], [sflag:$0x4], $0x2800, $0x38;
	[tilespmem:$0x1FF80] =	vst v63  }
0x5c: {  	_ =	swait.ge @p1 [sflag:s24], $0x2800  }
0x5d: {  	[sflag:s24] =	ssyncset.done @p1 $0x0  }
0x5e: {  	s9 =	rddreg [dreg:$0x9];
	[sflag:s24] =	ssyncadd.s32 @p1 $0xFFFFD800  }
0x5f: {  	[spmem:s9] =	stream.linear.scatter @p1 [tilespmem:s8], [sflag:$0x4], $0x2800, $0x38;
	[tilespmem:$0x1FF80] =	vst v63  }
0x60: {  	_ =	swait.ge @p1 [sflag:s24], $0x2800  }
0x61: {  	[sflag:s24] =	ssyncset.done @p1 $0x0  }
0x62: {  	[sflag:s24] =	ssyncadd.s32 @p1 $0xFFFFD800  }
0x63: {  	[spmem:s14] =	stream.linear.scatter @p1 [tilespmem:s8], [sflag:$0x4], $0x2000, $0x38;
	[tilespmem:$0x1FF80] =	vst v63  }
0x64: {  	_ =	swait.ge @p1 [sflag:s24], $0x2000  }
0x65: {  	[sflag:s24] =	ssyncset.done @p1 $0x0  }
0x66: {  	s8 =	simm.s32 @!p1 $0x18780;
	[sflag:s24] =	ssyncadd.s32 @p1 $0xFFFFE000;
	s24 =	simm.s32 @!p1 $0x4  }
0x67: {  	[spmem:s15] =	stream.linear.scatter @!p1 [tilespmem:s8], [sflag:$0x4], $0x2800, $0x38;
	[tilespmem:$0x1FF80] =	vst v63  }
0x68: {  	_ =	swait.ge @!p1 [sflag:s24], $0x2800  }
0x69: {  	[sflag:s24] =	ssyncset.done @!p1 $0x0  }
0x6a: {  	[sflag:s24] =	ssyncadd.s32 @!p1 $0xFFFFD800  }
0x6b: {  	[spmem:s16] =	stream.linear.scatter @!p1 [tilespmem:s8], [sflag:$0x4], $0x2800, $0x38;
	[tilespmem:$0x1FF80] =	vst v63  }
0x6c: {  	_ =	swait.ge @!p1 [sflag:s24], $0x2800  }
0x6d: {  	[sflag:s24] =	ssyncset.done @!p1 $0x0  }
0x6e: {  	[sflag:s24] =	ssyncadd.s32 @!p1 $0xFFFFD800  }
0x6f: {  	[spmem:s17] =	stream.linear.scatter @!p1 [tilespmem:s8], [sflag:$0x4], $0x2800, $0x38;
	[tilespmem:$0x1FF80] =	vst v63  }
0x70: {  	_ =	swait.ge @!p1 [sflag:s24], $0x2800  }
0x71: {  	[sflag:s24] =	ssyncset.done @!p1 $0x0  }
0x72: {  	[sflag:s24] =	ssyncadd.s32 @!p1 $0xFFFFD800  }
0x73: {  	[spmem:s22] =	stream.linear.scatter @!p1 [tilespmem:s8], [sflag:$0x4], $0x2800, $0x38;
	[tilespmem:$0x1FF80] =	vst v63  }
0x74: {  	_ =	swait.ge @!p1 [sflag:s24], $0x2800  }
0x75: {  	[sflag:s24] =	ssyncset.done @!p1 $0x0  }
0x76: {  	[sflag:s24] =	ssyncadd.s32 @!p1 $0xFFFFD800  }
0x77: {  	[spmem:s23] =	stream.linear.scatter @!p1 [tilespmem:s8], [sflag:$0x4], $0x2800, $0x38;
	[tilespmem:$0x1FF80] =	vst v63  }
0x78: {  	_ =	swait.ge @!p1 [sflag:s24], $0x2800  }
0x79: {  	[sflag:s24] =	ssyncset.done @!p1 $0x0  }
0x7a: {  	[sflag:s24] =	ssyncadd.s32 @!p1 $0xFFFFD800  }
0x7b: {  	[spmem:s26] =	stream.linear.scatter @!p1 [tilespmem:s8], [sflag:$0x4], $0x2800, $0x38;
	[tilespmem:$0x1FF80] =	vst v63  }
0x7c: {  	_ =	swait.ge @!p1 [sflag:s24], $0x2800  }
0x7d: {  	[sflag:s24] =	ssyncset.done @!p1 $0x0  }
0x7e: {  	[sflag:s24] =	ssyncadd.s32 @!p1 $0xFFFFD800  }
0x7f: {  	[spmem:s28] =	stream.linear.scatter @!p1 [tilespmem:s8], [sflag:$0x4], $0x2800, $0x38;
	[tilespmem:$0x1FF80] =	vst v63  }
0x80: {  	_ =	swait.ge @!p1 [sflag:s24], $0x2800  }
0x81: {  	[sflag:s24] =	ssyncset.done @!p1 $0x0  }
0x82: {  	[sflag:s24] =	ssyncadd.s32 @!p1 $0xFFFFD800  }
0x83: {  	[spmem:s29] =	stream.linear.scatter @!p1 [tilespmem:s8], [sflag:$0x4], $0x2800, $0x38;
	[tilespmem:$0x1FF80] =	vst v63  }
0x84: {  	_ =	swait.ge @!p1 [sflag:s24], $0x2800  }
0x85: {  	[sflag:s24] =	ssyncset.done @!p1 $0x0  }
0x86: {  	[sflag:s24] =	ssyncadd.s32 @!p1 $0xFFFFD800  }
0x87: {  	s8 =	simm.s32 $0x0;
	[bflag:$0x0] =	sbarrier.arrive $0xFFFF  }
.LBB2_6:
0x88: {  	p6 =	sne.s32 s8, $0x9B00  }
.Ltmp2:
0x89: {  	_ = 	snop;
	(pc) =	sbr.rel @p6 .LBB2_6-.Ltmp2, $4  }
0x8a: {  	_ = 	snop  }
0x8b: {  	s24 =	sshra.s32 s8, $0x2  }
0x8c: {  	s8 =	sadd.s32 $0x140, s8;
	s24 =	sadd.s32 $0x16000, s24  }
0x8d: {  	[spmem:s3] =	stream.indirect.scatter.add.f32 [tilespmem:s4], [sflag:$0x1], $0x80, s24, s2, $0xb8;
	[tilespmem:$0x1FF80] =	vst v63  }
0x8e: {  	_ =	swait.ge [sflag:s5], $0x2800  }
0x8f: {  	s24 =	simm.s32 $0x7C;
	[sflag:s5] =	ssyncset.done $0x0  }
.LBB2_8:
0x90: {  	p6 =	sne.s32 s24, $0x1;
	s24 =	sadd.s32 $0xFFFFFFFF, s24;
	[sflag:s5] =	ssyncadd.s32 $0xFFFFD800  }
.Ltmp3:
0x91: {  	(pc) =	sbr.rel @p6 .LBB2_8-.Ltmp3, $3  }
0x92: {  	_ =	sdelay $0x1  }
0x93: {  	_ =	swait.ge [sflag:s5], $0x2800  }
0x94: {  	[sflag:s5] =	ssyncset.done $0x0  }
0x95: {  	[sflag:s5] =	ssyncadd.s32 $0xFFFFD800  }
0x96: {  	s8 =	simm.s32 @p0 $0x1FC4;
	[bflag:$0x0] =	sbarrier.arrive $0xFFFF  }
0x97: {  	s24 =	sshrl.u32 @p0 s15, $0x3;
	s25 =	simm.s32 @p0 $0x4;
	s9 =	rddreg [dreg:$0xb]  }
0x98: {  	[hbm:s9], [sflag:s8] =	dma.local @p0 [spmem:s24], $0x2800  }
0x99: {  	_ =	swait.ge @p0 [sflag:s25], $0x2800  }
0x9a: {  	[sflag:s25] =	ssyncset.done @p0 $0x0  }
0x9b: {  	[sflag:s25] =	ssyncadd.s32 @p0 $0xFFFFD800  }
0x9c: {  	s30 =	simm.s32 @!p2 $0x4;
	s25 =	simm.s32 @!p2 $0x18780;
	[bflag:$0x0] =	sbarrier.arrive @p0 $0xFFFF  }
0x9d: {  	[spmem:s15] =	stream.linear.scatter @!p2 [tilespmem:s25], [sflag:$0x4], $0x2800, $0x38;
	[tilespmem:$0x1FF80] =	vst v63  }
0x9e: {  	_ =	swait.ge @!p2 [sflag:s30], $0x2800  }
0x9f: {  	[sflag:s30] =	ssyncset.done @!p2 $0x0  }
0xa0: {  	[sflag:s30] =	ssyncadd.s32 @!p2 $0xFFFFD800  }
0xa1: {  	[spmem:s16] =	stream.linear.scatter @!p2 [tilespmem:s25], [sflag:$0x4], $0x2800, $0x38;
	[tilespmem:$0x1FF80] =	vst v63  }
0xa2: {  	_ =	swait.ge @!p2 [sflag:s30], $0x2800  }
0xa3: {  	[sflag:s30] =	ssyncset.done @!p2 $0x0  }
0xa4: {  	[sflag:s30] =	ssyncadd.s32 @!p2 $0xFFFFD800  }
0xa5: {  	[spmem:s17] =	stream.linear.scatter @!p2 [tilespmem:s25], [sflag:$0x4], $0x2800, $0x38;
	[tilespmem:$0x1FF80] =	vst v63  }
0xa6: {  	_ =	swait.ge @!p2 [sflag:s30], $0x2800  }
0xa7: {  	[sflag:s30] =	ssyncset.done @!p2 $0x0  }
0xa8: {  	[sflag:s30] =	ssyncadd.s32 @!p2 $0xFFFFD800  }
0xa9: {  	[spmem:s22] =	stream.linear.scatter @!p2 [tilespmem:s25], [sflag:$0x4], $0x2800, $0x38;
	[tilespmem:$0x1FF80] =	vst v63  }
0xaa: {  	_ =	swait.ge @!p2 [sflag:s30], $0x2800  }
0xab: {  	[sflag:s30] =	ssyncset.done @!p2 $0x0  }
0xac: {  	[sflag:s30] =	ssyncadd.s32 @!p2 $0xFFFFD800  }
0xad: {  	[spmem:s23] =	stream.linear.scatter @!p2 [tilespmem:s25], [sflag:$0x4], $0x2800, $0x38;
	[tilespmem:$0x1FF80] =	vst v63  }
0xae: {  	_ =	swait.ge @!p2 [sflag:s30], $0x2800  }
0xaf: {  	[sflag:s30] =	ssyncset.done @!p2 $0x0  }
0xb0: {  	[sflag:s30] =	ssyncadd.s32 @!p2 $0xFFFFD800  }
0xb1: {  	[spmem:s26] =	stream.linear.scatter @!p2 [tilespmem:s25], [sflag:$0x4], $0x2800, $0x38;
	[tilespmem:$0x1FF80] =	vst v63  }
0xb2: {  	_ =	swait.ge @!p2 [sflag:s30], $0x2800  }
0xb3: {  	[sflag:s30] =	ssyncset.done @!p2 $0x0  }
0xb4: {  	[sflag:s30] =	ssyncadd.s32 @!p2 $0xFFFFD800  }
0xb5: {  	[spmem:s28] =	stream.linear.scatter @!p2 [tilespmem:s25], [sflag:$0x4], $0x2800, $0x38;
	[tilespmem:$0x1FF80] =	vst v63  }
0xb6: {  	_ =	swait.ge @!p2 [sflag:s30], $0x2800  }
0xb7: {  	[sflag:s30] =	ssyncset.done @!p2 $0x0  }
0xb8: {  	[sflag:s30] =	ssyncadd.s32 @!p2 $0xFFFFD800  }
0xb9: {  	[spmem:s29] =	stream.linear.scatter @!p2 [tilespmem:s25], [sflag:$0x4], $0x2800, $0x38;
	[tilespmem:$0x1FF80] =	vst v63  }
0xba: {  	_ =	swait.ge @!p2 [sflag:s30], $0x2800  }
0xbb: {  	[sflag:s30] =	ssyncset.done @!p2 $0x0  }
0xbc: {  	s25 =	sshrl.u32 @!p3 s15, $0x3;
	s9 =	rddreg [dreg:$0x10];
	[sflag:s30] =	ssyncadd.s32 @!p2 $0xFFFFD800  }
0xbd: {  	[spmem:s25], [sflag:s8] =	dma.local @!p3 [hbm:s9], $0x2800  }
0xbe: {  	s8 =	simm.s32 @!p3 $0x4  }
0xbf: {  	s9 =	stileid.u32;
	_ =	swait.ge @!p3 [sflag:s8], $0x2800  }
0xc0: {  	s31 =	sshrl.u32 @!p0 s7, $0x3;
	s25 =	sshll.u32 @!p0 s9, $0x6;
	[sflag:s8] =	ssyncset.done @!p3 $0x0  }
0xc1: {  	s25 =	sor.u32 @!p0 $0x1C04, s25;
	[sflag:s8] =	ssyncadd.s32 @!p3 $0xFFFFD800;
	s8 =	rddreg [dreg:$0xa]  }
0xc2: {  	[hbm:s8], [sflag:s25] =	dma.local @!p0 [spmem:s31], $0x2700  }
0xc3: {  	s8 =	simm.s32 @!p0 $0x4  }
0xc4: {  	_ =	swait.ge @!p0 [sflag:s8], $0x2700  }
0xc5: {  	[sflag:s8] =	ssyncset.done @!p0 $0x0  }
0xc6: {  	[sflag:s8] =	ssyncadd.s32 @!p0 $0xFFFFD900  }
0xc7: {  	s30 =	simm.s32 @!p4 $0x4;
	s8 =	simm.s32 @!p4 $0x18780;
	[bflag:$0x0] =	sbarrier.arrive @!p0 $0xFFFF  }
0xc8: {  	[spmem:s7] =	stream.linear.scatter @!p4 [tilespmem:s8], [sflag:$0x4], $0x2800, $0x38;
	[tilespmem:$0x1FF80] =	vst v63  }
0xc9: {  	_ =	swait.ge @!p4 [sflag:s30], $0x2800  }
0xca: {  	[sflag:s30] =	ssyncset.done @!p4 $0x0  }
0xcb: {  	[sflag:s30] =	ssyncadd.s32 @!p4 $0xFFFFD800  }
0xcc: {  	[spmem:s10] =	stream.linear.scatter @!p4 [tilespmem:s8], [sflag:$0x4], $0x2800, $0x38;
	[tilespmem:$0x1FF80] =	vst v63  }
0xcd: {  	_ =	swait.ge @!p4 [sflag:s30], $0x2800  }
0xce: {  	[sflag:s30] =	ssyncset.done @!p4 $0x0  }
0xcf: {  	[sflag:s30] =	ssyncadd.s32 @!p4 $0xFFFFD800  }
0xd0: {  	[spmem:s11] =	stream.linear.scatter @!p4 [tilespmem:s8], [sflag:$0x4], $0x2800, $0x38;
	[tilespmem:$0x1FF80] =	vst v63  }
0xd1: {  	_ =	swait.ge @!p4 [sflag:s30], $0x2800  }
0xd2: {  	[sflag:s30] =	ssyncset.done @!p4 $0x0  }
0xd3: {  	s9 =	rddreg [dreg:$0x6];
	[sflag:s30] =	ssyncadd.s32 @!p4 $0xFFFFD800  }
0xd4: {  	[spmem:s9] =	stream.linear.scatter @!p4 [tilespmem:s8], [sflag:$0x4], $0x2800, $0x38;
	[tilespmem:$0x1FF80] =	vst v63  }
0xd5: {  	_ =	swait.ge @!p4 [sflag:s30], $0x2800  }
0xd6: {  	[sflag:s30] =	ssyncset.done @!p4 $0x0  }
0xd7: {  	s9 =	rddreg [dreg:$0x7];
	[sflag:s30] =	ssyncadd.s32 @!p4 $0xFFFFD800  }
0xd8: {  	[spmem:s9] =	stream.linear.scatter @!p4 [tilespmem:s8], [sflag:$0x4], $0x2800, $0x38;
	[tilespmem:$0x1FF80] =	vst v63  }
0xd9: {  	_ =	swait.ge @!p4 [sflag:s30], $0x2800  }
0xda: {  	[sflag:s30] =	ssyncset.done @!p4 $0x0  }
0xdb: {  	s9 =	rddreg [dreg:$0x8];
	[sflag:s30] =	ssyncadd.s32 @!p4 $0xFFFFD800  }
0xdc: {  	[spmem:s9] =	stream.linear.scatter @!p4 [tilespmem:s8], [sflag:$0x4], $0x2800, $0x38;
	[tilespmem:$0x1FF80] =	vst v63  }
0xdd: {  	_ =	swait.ge @!p4 [sflag:s30], $0x2800  }
0xde: {  	[sflag:s30] =	ssyncset.done @!p4 $0x0  }
0xdf: {  	s9 =	rddreg [dreg:$0x9];
	[sflag:s30] =	ssyncadd.s32 @!p4 $0xFFFFD800  }
0xe0: {  	[spmem:s9] =	stream.linear.scatter @!p4 [tilespmem:s8], [sflag:$0x4], $0x2800, $0x38;
	[tilespmem:$0x1FF80] =	vst v63  }
0xe1: {  	_ =	swait.ge @!p4 [sflag:s30], $0x2800  }
0xe2: {  	[sflag:s30] =	ssyncset.done @!p4 $0x0  }
0xe3: {  	[sflag:s30] =	ssyncadd.s32 @!p4 $0xFFFFD800  }
0xe4: {  	[spmem:s14] =	stream.linear.scatter @!p4 [tilespmem:s8], [sflag:$0x4], $0x2000, $0x38;
	[tilespmem:$0x1FF80] =	vst v63  }
0xe5: {  	_ =	swait.ge @!p4 [sflag:s30], $0x2000  }
0xe6: {  	[sflag:s30] =	ssyncset.done @!p4 $0x0  }
0xe7: {  	s8 =	sshrl.u32 @!p5 s7, $0x3;
	s9 =	rddreg [dreg:$0xe];
	[sflag:s30] =	ssyncadd.s32 @!p4 $0xFFFFE000  }
0xe8: {  	[spmem:s8], [sflag:s25] =	dma.local @!p5 [hbm:s9], $0x2700  }
0xe9: {  	s8 =	simm.s32 @!p5 $0x4  }
0xea: {  	_ =	swait.ge @!p5 [sflag:s8], $0x2700  }
0xeb: {  	[sflag:s8] =	ssyncset.done @!p5 $0x0  }
0xec: {  	[sflag:s8] =	ssyncadd.s32 @!p5 $0xFFFFD900  }
0xed: {  	s12 =	smov.u32 s10;
	s10 =	simm.s32 $0x13880;
	[bflag:$0x0] =	sbarrier.arrive $0xFFFF  }
0xee: {  	[tilespmem:s6], [sflag:$0x1] =	stream.indirect.gather [hbm4b:s0+s2], $0x80, s10, s2, $0xb8;
	[tilespmem:$0x1FF80] =	vst v63  }
0xef: {  	s13 =	smov.u32 s11;
	s11 =	simm.s32 $0x138D0  }
0xf0: {  	[tilespmem:s18], [sflag:$0x2] =	stream.indirect.gather [hbm4b:s0+s2], $0x80, s11, s2, $0xb8;
	[tilespmem:$0x1FF80] =	vst v63  }
0xf1: {  	s9 =	simm.s32 $0x13920  }
0xf2: {  	[tilespmem:s4], [sflag:$0x3] =	stream.indirect.gather [hbm4b:s0+s2], $0x80, s9, s2, $0xb8;
	[tilespmem:$0x1FF80] =	vst v63  }
0xf3: {  	_ =	swait.ge [sflag:s5], $0x2800  }
0xf4: {  	[sflag:s5] =	ssyncset.done $0x0  }
0xf5: {  	s10 =	simm.s32 $0x16000;
	[sflag:s5] =	ssyncadd.s32 $0xFFFFD800  }
0xf6: {  	[spmem:s3] =	stream.indirect.scatter.add.f32 [tilespmem:s6], [sflag:$0x4], $0x80, s10, s2, $0xb8;
	[tilespmem:$0x1FF80] =	vst v63  }
0xf7: {  	_ =	swait.ge [sflag:s1], $0x2800  }
0xf8: {  	[sflag:s1] =	ssyncset.done $0x0  }
0xf9: {  	s11 =	simm.s32 $0x13970;
	[sflag:s1] =	ssyncadd.s32 $0xFFFFD800  }
0xfa: {  	[tilespmem:s6], [sflag:$0x1] =	stream.indirect.gather [hbm4b:s0+s2], $0x80, s11, s2, $0xb8;
	[tilespmem:$0x1FF80] =	vst v63  }
0xfb: {  	_ =	swait.ge [sflag:s19], $0x2800  }
0xfc: {  	[sflag:s19] =	ssyncset.done $0x0  }
0xfd: {  	s9 =	simm.s32 $0x16050;
	[sflag:s19] =	ssyncadd.s32 $0xFFFFD800  }
0xfe: {  	[spmem:s3] =	stream.indirect.scatter.add.f32 [tilespmem:s18], [sflag:$0x4], $0x80, s9, s2, $0xb8;
	[tilespmem:$0x1FF80] =	vst v63  }
0xff: {  	_ =	swait.ge [sflag:s1], $0x2800  }
0x100: {  	[sflag:s1] =	ssyncset.done $0x0  }
0x101: {  	s10 =	simm.s32 $0x139C0;
	[sflag:s1] =	ssyncadd.s32 $0xFFFFD800  }
0x102: {  	[tilespmem:s18], [sflag:$0x2] =	stream.indirect.gather [hbm4b:s0+s2], $0x80, s10, s2, $0xb8;
	[tilespmem:$0x1FF80] =	vst v63  }
0x103: {  	_ =	swait.ge [sflag:s20], $0x2800  }
0x104: {  	[sflag:s20] =	ssyncset.done $0x0  }
0x105: {  	s11 =	simm.s32 $0x160A0;
	[sflag:s20] =	ssyncadd.s32 $0xFFFFD800  }
0x106: {  	[spmem:s3] =	stream.indirect.scatter.add.f32 [tilespmem:s4], [sflag:$0x4], $0x80, s11, s2, $0xb8;
	[tilespmem:$0x1FF80] =	vst v63  }
0x107: {  	_ =	swait.ge [sflag:s1], $0x2800  }
0x108: {  	s30 =	simm.s32 $0xF0;
	s8 =	simm.s32 $0x780;
	[sflag:s1] =	ssyncset.done $0x0  }
.LBB2_10:
0x109: {  	s9 =	sadd.s32 $0x13920, s30  }
0x10a: {  	[sflag:s1] =	ssyncadd.s32 $0xFFFFD800;
	s10 =	smov.u32 s8;
	s11 =	sadd.s32 $0x3C0, s8  }
0x10b: {  	[tilespmem:s4], [sflag:$0x3] =	stream.indirect.gather [hbm4b:s0+s2], $0x80, s9, s2, $0xb8;
	[tilespmem:$0x1FF80] =	vst v63  }
0x10c: {  	p6 =	sne.s32 s8, $0x9600;
	_ =	swait.ge [sflag:s5], $0x2800  }
0x10d: {  	[sflag:s5] =	ssyncset.done $0x0  }
0x10e: {  	s8 =	sadd.s32 $0x16000, s30;
	[sflag:s5] =	ssyncadd.s32 $0xFFFFD800  }
0x10f: {  	[spmem:s3] =	stream.indirect.scatter.add.f32 [tilespmem:s6], [sflag:$0x4], $0x80, s8, s2, $0xb8;
	[tilespmem:$0x1FF80] =	vst v63  }
0x110: {  	_ =	swait.ge [sflag:s1], $0x2800  }
0x111: {  	[sflag:s1] =	ssyncset.done $0x0  }
0x112: {  	s8 =	sadd.s32 $0x13970, s30;
	[sflag:s1] =	ssyncadd.s32 $0xFFFFD800  }
0x113: {  	[tilespmem:s6], [sflag:$0x1] =	stream.indirect.gather [hbm4b:s0+s2], $0x80, s8, s2, $0xb8;
	[tilespmem:$0x1FF80] =	vst v63  }
0x114: {  	_ =	swait.ge [sflag:s19], $0x2800  }
0x115: {  	[sflag:s19] =	ssyncset.done $0x0  }
0x116: {  	s8 =	sadd.s32 $0x16050, s30;
	[sflag:s19] =	ssyncadd.s32 $0xFFFFD800  }
0x117: {  	[spmem:s3] =	stream.indirect.scatter.add.f32 [tilespmem:s18], [sflag:$0x4], $0x80, s8, s2, $0xb8;
	[tilespmem:$0x1FF80] =	vst v63  }
0x118: {  	_ =	swait.ge [sflag:s1], $0x2800  }
0x119: {  	[sflag:s1] =	ssyncset.done $0x0  }
0x11a: {  	s8 =	sadd.s32 $0x139C0, s30;
	[sflag:s1] =	ssyncadd.s32 $0xFFFFD800  }
0x11b: {  	[tilespmem:s18], [sflag:$0x2] =	stream.indirect.gather [hbm4b:s0+s2], $0x80, s8, s2, $0xb8;
	[tilespmem:$0x1FF80] =	vst v63  }
0x11c: {  	_ =	swait.ge [sflag:s20], $0x2800  }
.Ltmp4:
0x11d: {  	[sflag:s20] =	ssyncset.done $0x0;
	(pc) =	sbr.rel @p6 .LBB2_10-.Ltmp4, $4  }
0x11e: {  	s8 =	sadd.s32 $0x160A0, s30;
	[sflag:s20] =	ssyncadd.s32 $0xFFFFD800  }
0x11f: {  	[spmem:s3] =	stream.indirect.scatter.add.f32 [tilespmem:s4], [sflag:$0x4], $0x80, s8, s2, $0xb8;
	[tilespmem:$0x1FF80] =	vst v63  }
0x120: {  	_ =	swait.ge [sflag:s1], $0x2800  }
0x121: {  	s30 =	sshra.s32 s10, $0x2;
	s8 =	smov.u32 s11;
	[sflag:s1] =	ssyncset.done $0x0  }
0x122: {  	s8 =	sadd.s32 $0x13920, s30;
	[sflag:s1] =	ssyncadd.s32 $0xFFFFD800  }
0x123: {  	[tilespmem:s4], [sflag:$0x3] =	stream.indirect.gather [hbm4b:s0+s2], $0x80, s8, s2, $0xb8;
	[tilespmem:$0x1FF80] =	vst v63  }
0x124: {  	_ =	swait.ge [sflag:s5], $0x2800  }
0x125: {  	[sflag:s5] =	ssyncset.done $0x0  }
0x126: {  	s9 =	sadd.s32 $0x16000, s30;
	[sflag:s5] =	ssyncadd.s32 $0xFFFFD800  }
0x127: {  	[spmem:s3] =	stream.indirect.scatter.add.f32 [tilespmem:s6], [sflag:$0x4], $0x80, s9, s2, $0xb8;
	[tilespmem:$0x1FF80] =	vst v63  }
0x128: {  	_ =	swait.ge [sflag:s1], $0x2800  }
0x129: {  	[sflag:s1] =	ssyncset.done $0x0  }
0x12a: {  	s10 =	sadd.s32 $0x13970, s30;
	[sflag:s1] =	ssyncadd.s32 $0xFFFFD800  }
0x12b: {  	[tilespmem:s6], [sflag:$0x1] =	stream.indirect.gather [hbm4b:s0+s2], $0x80, s10, s2, $0xb8;
	[tilespmem:$0x1FF80] =	vst v63  }
0x12c: {  	_ =	swait.ge [sflag:s19], $0x2800  }
0x12d: {  	[sflag:s19] =	ssyncset.done $0x0  }
0x12e: {  	s11 =	sadd.s32 $0x16050, s30;
	[sflag:s19] =	ssyncadd.s32 $0xFFFFD800  }
0x12f: {  	[spmem:s3] =	stream.indirect.scatter.add.f32 [tilespmem:s18], [sflag:$0x4], $0x80, s11, s2, $0xb8;
	[tilespmem:$0x1FF80] =	vst v63  }
0x130: {  	_ =	swait.ge [sflag:s1], $0x2800  }
0x131: {  	[sflag:s1] =	ssyncset.done $0x0  }
0x132: {  	s9 =	sadd.s32 $0x139C0, s30;
	[sflag:s1] =	ssyncadd.s32 $0xFFFFD800  }
0x133: {  	[tilespmem:s18], [sflag:$0x2] =	stream.indirect.gather [hbm4b:s0+s2], $0x80, s9, s2, $0xb8;
	[tilespmem:$0x1FF80] =	vst v63  }
0x134: {  	_ =	swait.ge [sflag:s20], $0x2800  }
0x135: {  	[sflag:s20] =	ssyncset.done $0x0  }
0x136: {  	s10 =	sadd.s32 $0x160A0, s30;
	[sflag:s20] =	ssyncadd.s32 $0xFFFFD800  }
0x137: {  	[spmem:s3] =	stream.indirect.scatter.add.f32 [tilespmem:s4], [sflag:$0x4], $0x80, s10, s2, $0xb8;
	[tilespmem:$0x1FF80] =	vst v63  }
0x138: {  	_ =	swait.ge [sflag:s1], $0x2800  }
0x139: {  	[sflag:s1] =	ssyncset.done $0x0  }
0x13a: {  	[sflag:s1] =	ssyncadd.s32 $0xFFFFD800  }
0x13b: {  	_ =	swait.ge [sflag:s5], $0x2800  }
0x13c: {  	[sflag:s5] =	ssyncset.done $0x0  }
0x13d: {  	s11 =	simm.s32 $0x18670;
	[sflag:s5] =	ssyncadd.s32 $0xFFFFD800  }
0x13e: {  	[spmem:s3] =	stream.indirect.scatter.add.f32 [tilespmem:s6], [sflag:$0x4], $0x80, s11, s2, $0xb8;
	[tilespmem:$0x1FF80] =	vst v63  }
0x13f: {  	_ =	swait.ge [sflag:s1], $0x2800  }
0x140: {  	[sflag:s1] =	ssyncset.done $0x0  }
0x141: {  	[sflag:s1] =	ssyncadd.s32 $0xFFFFD800  }
0x142: {  	_ =	swait.ge [sflag:s19], $0x2800  }
0x143: {  	[sflag:s19] =	ssyncset.done $0x0  }
0x144: {  	s30 =	simm.s32 $0x186C0;
	[sflag:s19] =	ssyncadd.s32 $0xFFFFD800  }
0x145: {  	[spmem:s3] =	stream.indirect.scatter.add.f32 [tilespmem:s18], [sflag:$0x4], $0x80, s30, s2, $0xb8;
	[tilespmem:$0x1FF80] =	vst v63  }
0x146: {  	_ =	swait.ge [sflag:s1], $0x2800  }
0x147: {  	[sflag:s1] =	ssyncset.done $0x0  }
0x148: {  	[sflag:s1] =	ssyncadd.s32 $0xFFFFD800  }
0x149: {  	[bflag:$0x0] =	sbarrier.arrive $0xFFFF  }
0x14a: {  	s8 =	simm.s32 @p0 $0x1FC4;
	s9 =	rddreg [dreg:$0xd]  }
0x14b: {  	[hbm:s9], [sflag:s8] =	dma.local @p0 [spmem:s24], $0x2800  }
0x14c: {  	s8 =	simm.s32 @p0 $0x4  }
0x14d: {  	_ =	swait.ge @p0 [sflag:s8], $0x2800  }
0x14e: {  	[sflag:s8] =	ssyncset.done @p0 $0x0  }
0x14f: {  	[sflag:s8] =	ssyncadd.s32 @p0 $0xFFFFD800;
	s8 =	rddreg [dreg:$0xc]  }
0x150: {  	[hbm:s8], [sflag:s25] =	dma.local @!p0 [spmem:s31], $0x2700  }
0x151: {  	s8 =	simm.s32 @!p0 $0x4  }
0x152: {  	_ =	swait.ge @!p0 [sflag:s8], $0x2700  }
0x153: {  	s21 =	sadd.s32 $0x1, s21;
	s31 =	rddreg [dreg:$0xf]  }
0x154: {  	p6 =	sne.s32 s21, s31  }
.Ltmp5:
0x155: {  	_ = 	snop;
	(pc) =	sbr.rel @p6 .LBB2_1-.Ltmp5, $3  }
0x156: {  	_ =	sdelay $0x1  }
0x157: {  	[sflag:s8] =	ssyncset.done @!p0 $0x0  }
0x158: {  	s10 =	smov.u32 s12;
	s11 =	smov.u32 s13;
	[sflag:s8] =	ssyncadd.s32 @!p0 $0xFFFFD900  }
0x159: {  	_ =	sfence.sel $0x180000  }
0x15a: {  	[bflag:$0x0] =	sbarrier.arrive $0xFFFF  }
0x15b: {  	_ =	strace $0x90000047  }
0x15c: {  	s0 =	stileid.u32;
	[bflag:$0x2] =	sbarrier.arrive $0xFFFF  }
0x15d: {  	p0 =	sne.s32 s0, $0x0;
	s0 =	rddreg [dreg:$0x3]  }
0x15e: {  	s0 =	sadd.s32 @!p0 $0x100000, s0  }
0x15f: {  	[sflag:s0] =	ssyncadd.tile.s32 @!p0 $0x1;
	_ =	shalt  }
.Lfunc_end2:
_tile_overlayer_lowered:
.L_overlay_start_2:
0x160: {  	(tag) =	ssettag $0x2  }
0x161: {  	s0 =	rddreg [dreg:$0x0];
	s2 =	stileid.u32  }
0x162: {  	s1 =	rddreg [dreg:$0x1];
	p0 =	sne.s32 s2, $0x0  }
0x163: {  	s3 =	rddreg [dreg:$0x2];
	[bflag:$0x3] =	sbarrier.arrive $0xFFFF;
	s2 =	simm.s32 @!p0 $0x1C04  }
0x164: {  	[timem:s3], [sflag:s2] =	dma.local @!p0 [hbm:s0], s1  }
0x165: {  	s0 =	simm.s32 @!p0 $0x4  }
0x166: {  	_ =	swait.ge @!p0 [sflag:s0], s1  }
0x167: {  	s1 =	ssub.s32 @!p0 $0x0, s1;
	[sflag:s0] =	ssyncset.done @!p0 $0x0  }
0x168: {  	[sflag:s0] =	ssyncadd.s32 @!p0 s1  }
0x169: {  	[bflag:$0x3] =	sbarrier.arrive $0xFFFF  }
0x16a: {  	_ =	shalt  }

// kernel: kernel.9.cloned.1.call-start
scs
__scs_entry_jumppad:
0x0: {  	(pc) =	sbr.rel $0x88, $3  }
0x1: {  	(tag) =	ssettag $0x0;
	lr =	simm.s32 $0x1  }
0x2: {  	[smem:$0x3F9B] =	sst lr;
	_ =	strace $0xD0000000  }
0x3: {  	_ = 	snop  }
0x4: {  	_ = 	snop  }
0x5: {  	_ = 	snop  }
0x6: {  	_ = 	snop  }
0x7: {  	_ = 	snop  }
__scs_overlays_trampoline_lowered:
0x8: {  	[smem:$0x3FAA] =	sst s0  }
0x9: {  	[smem:$0x3FAB] =	sst s1  }
0xa: {  	[smem:$0x3FAC] =	sst s2  }
0xb: {  	[smem:$0x3FAD] =	sst s3  }
0xc: {  	[smem:$0x3FAE] =	sst s4  }
0xd: {  	[smem:$0x3FAF] =	sst s5  }
0xe: {  	[smem:$0x3FB0] =	sst s6  }
0xf: {  	[smem:$0x3FB1] =	sst s7  }
0x10: {  	[smem:$0x3FB2] =	sst s8  }
0x11: {  	[smem:$0x3FB3] =	sst s9;
	s0 =	simm.s32 @!p0 $0x0  }
0x12: {  	s1 =	sld [smem:$0x3F99];
	s0 =	simm.s32 @p0 $0x1  }
0x13: {  	[smem:$0x3FB4] =	sst s0;
	s0 =	simm.s32 @!p1 $0x0  }
0x14: {  	s2 =	sld [smem:$0x3F98];
	s0 =	simm.s32 @p1 $0x1  }
0x15: {  	[smem:$0x3FB5] =	sst s0;
	s0 =	simm.s32 @!p2 $0x0  }
0x16: {  	s3 =	sld [smem:$0x3FDB];
	s0 =	simm.s32 @p2 $0x1  }
0x17: {  	s4 =	simm.s32 $0x1BF5;
	[smem:$0x3FB7] =	sst s0  }
0x18: {  	s0 =	sld [smem:$0x3F9A];
	_ =	swait.ge [sflag:s4], $0x0  }
0x19: {  	s7 =	sld [smem:$0x3F9B]  }
0x1a: {  	s8 =	sadd.s32 $0xFFFFE003, lr  }
0x1b: {  	s9 =	sadd.s32 $0xFFFFFEF7, lr;
	s5 =	simm.s32 $0xFFFFFFFF;
	p2 =	slt.u32 s8, $0xFFFFF086  }
0x1c: {  	p1 =	slt.u32 s9, $0xF7A;
	s5 =	simm.s32 @!p2 $0x0  }
0x1d: {  	s5 =	simm.s32 @p1 $0x1;
	p0 =	seq.s32 s7, s2  }
0x1e: {  	s7 =	smul.u32 @!p0 $0xF7A, s2;
	p2 =	seq.s32 @!p0 s5, $0x0  }
0x1f: {  	s9 =	smul.u32 $0xF7A, s1;
	s8 =	simm.s32 @!p0 $0x1BF5;
	p2 =	por !p2, p0  }
0x20: {  	[sflag:s8] =	ssyncset.s32 @!p0 $0xFFFFF086;
	s6 =	sadd.s32 @!p0 s3, s7;
	s7 =	simm.s32 @!p0 $0x108  }
0x21: {  	s3 =	sadd.s32 s3, s9;
	s6 =	sadd.s32 @!p0 $0x88, s6;
	s7 =	simm.s32 @p2 $0x1082  }
0x22: {  	[simem:s7], [sflag:s8] =	dma.local @!p0 [hbm:s6], $0xF7A  }
0x23: {  	s9 =	sor.u32 $0xD0000000, s2;
	s6 =	simm.s32 $0x108;
	_ =	swait.ge @!p0 [sflag:s8], $0x0  }
0x24: {  	s3 =	sadd.s32 $0x88, s3;
	s6 =	simm.s32 @!p1 $0x1082;
	[sflag:s4] =	ssyncset.s32 $0xFFFFF086  }
0x25: {  	[simem:s6], [sflag:s4] =	dma.local [hbm:s3], $0xF7A  }
0x26: {  	[smem:$0x3F9B] =	sst s1;
	(tag) =	ssettag s2;
	_ =	strace s9  }
0x27: {  	s1 =	sld [smem:$0x3FAB]  }
0x28: {  	s2 =	sld [smem:$0x3FAC]  }
0x29: {  	s4 =	sld [smem:$0x3FAE]  }
0x2a: {  	p0 =	seq.s32 s5, $0x0;
	s5 =	sld [smem:$0x3FAF]  }
0x2b: {  	s6 =	sld [smem:$0x3FB0]  }
0x2c: {  	s7 =	sld [smem:$0x3FB1]  }
0x2d: {  	s3 =	simm.s32 $0x108;
	s8 =	sld [smem:$0x3FB2]  }
0x2e: {  	s3 =	simm.s32 @!p0 $0x1082;
	s9 =	sld [smem:$0x3FB3]  }
0x2f: {  	lr =	sadd.s32 s0, s3;
	s0 =	sld [smem:$0x3FAA]  }
0x30: {  	s3 =	sld [smem:$0x3FAD]  }
0x31: {  	[smem:$0x3FB6] =	sst s10  }
0x32: {  	s10 =	sld [smem:$0x3FB4];
	_ =	sdelay $0x3  }
0x33: {  	p0 =	seq.s32 s10, $0x1;
	s10 =	sld [smem:$0x3FB6];
	_ =	sdelay $0x3  }
0x34: {  	[smem:$0x3FB6] =	sst s10  }
0x35: {  	s10 =	sld [smem:$0x3FB5];
	_ =	sdelay $0x3  }
0x36: {  	p1 =	seq.s32 s10, $0x1;
	s10 =	sld [smem:$0x3FB6];
	_ =	sdelay $0x3  }
0x37: {  	[smem:$0x3FB6] =	sst s10  }
0x38: {  	s10 =	sld [smem:$0x3FB7]  }
0x39: {  	_ = 	snop;
	(pc) =	sbr.ind lr, $3  }
0x3a: {  	_ = 	snop  }
0x3b: {  	_ = 	snop  }
0x3c: {  	p2 =	seq.s32 s10, $0x1;
	s10 =	sld [smem:$0x3FB6]  }
0x3d: {  	_ =	shalt  }
0x3e: {  	_ =	shalt  }
0x3f: {  	_ =	shalt  }
0x40: {  	_ =	shalt  }
0x41: {  	_ =	shalt  }
0x42: {  	_ =	shalt  }
0x43: {  	_ =	shalt  }
0x44: {  	_ =	shalt  }
0x45: {  	_ =	shalt  }
0x46: {  	_ =	shalt  }
0x47: {  	_ =	shalt  }
0x48: {  	_ =	shalt  }
0x49: {  	_ =	shalt  }
0x4a: {  	_ =	shalt  }
0x4b: {  	_ =	shalt  }
0x4c: {  	_ =	shalt  }
0x4d: {  	_ =	shalt  }
0x4e: {  	_ =	shalt  }
0x4f: {  	_ =	shalt  }
0x50: {  	_ =	shalt  }
0x51: {  	_ =	shalt  }
0x52: {  	_ =	shalt  }
0x53: {  	_ =	shalt  }
0x54: {  	_ =	shalt  }
0x55: {  	_ =	shalt  }
0x56: {  	_ =	shalt  }
0x57: {  	_ =	shalt  }
0x58: {  	_ =	shalt  }
0x59: {  	_ =	shalt  }
0x5a: {  	_ =	shalt  }
0x5b: {  	_ =	shalt  }
0x5c: {  	_ =	shalt  }
0x5d: {  	_ =	shalt  }
0x5e: {  	_ =	shalt  }
0x5f: {  	_ =	shalt  }
0x60: {  	_ =	shalt  }
0x61: {  	_ =	shalt  }
0x62: {  	_ =	shalt  }
0x63: {  	_ =	shalt  }
0x64: {  	_ =	shalt  }
0x65: {  	_ =	shalt  }
0x66: {  	_ =	shalt  }
0x67: {  	_ =	shalt  }
0x68: {  	_ =	shalt  }
0x69: {  	_ =	shalt  }
0x6a: {  	_ =	shalt  }
0x6b: {  	_ =	shalt  }
0x6c: {  	_ =	shalt  }
0x6d: {  	_ =	shalt  }
0x6e: {  	_ =	shalt  }
0x6f: {  	_ =	shalt  }
0x70: {  	_ =	shalt  }
0x71: {  	_ =	shalt  }
0x72: {  	_ =	shalt  }
0x73: {  	_ =	shalt  }
0x74: {  	_ =	shalt  }
0x75: {  	_ =	shalt  }
0x76: {  	_ =	shalt  }
0x77: {  	_ =	shalt  }
0x78: {  	_ =	shalt  }
0x79: {  	_ =	shalt  }
0x7a: {  	_ =	shalt  }
0x7b: {  	_ =	shalt  }
0x7c: {  	_ =	shalt  }
0x7d: {  	_ =	shalt  }
0x7e: {  	_ =	shalt  }
0x7f: {  	_ =	shalt  }
0x80: {  	_ =	shalt  }
0x81: {  	_ =	shalt  }
0x82: {  	_ =	shalt  }
0x83: {  	_ =	shalt  }
0x84: {  	_ =	shalt  }
0x85: {  	_ =	shalt  }
0x86: {  	_ =	shalt  }
0x87: {  	_ =	shalt  }
.Lfunc_end0:
.L_simem_size_0:
called_computation.1_lowered:
.L_overlay_start_0:
0x88: {  	s2 =	sld [smem:$0x3FD9]  }
0x89: {  	s3 =	sld [smem:$0x3FFE];
	_ =	sdelay $0x1  }
0x8a: {  	s1 =	srdreg.scid  }
0x8b: {  	s0 =	sand.u32 $0x1, s1  }
0x8c: {  	s17 =	sshll.u32 s0, $0xA;
	s2 =	sadd.s32 s3, s2  }
0x8d: {  	s2 =	sadd.s32 s2, s17  }
0x8e: {  	[smem:$0x3FC2] =	sst s2  }
0x8f: {  	_ = 	snop  }
0x90: {  	s2 =	sld [smem:$0x3FD0];
	(tm) =	ssettm $0x1  }
0x91: {  	s18 =	sld [smem:$0x3FFB];
	_ =	sdelay $0x3  }
0x92: {  	_ =	strace s18  }
0x93: {  	s3 =	sld [smem:$0x3FFC];
	_ =	sdelay $0x3  }
0x94: {  	_ =	strace s3  }
0x95: {  	s3 =	sld [smem:$0x3FFD];
	_ =	sdelay $0x3  }
0x96: {  	_ =	strace s3  }
0x97: {  	_ =	strace $0x8FFFFFFF  }
0x98: {  	s19 =	sld [smem:$0x3FDB];
	_ =	sdelay $0x1  }
0x99: {  	s4 =	simm.s32 $_scs_section_size  }
0x9a: {  	s5 =	simm.s32 $_size__tile_overlayer_lowered;
	s6 =	simm.s32 $_tile_overlayer_lowered  }
0x9b: {  	s22 =	simm.s32 $0x1BFF;
	s21 =	sshll.u32 s6, $0x1;
	s3 =	sadd.s32 s4, s19  }
0x9c: {  	s7 =	simm.s32 $0x0;
	s20 =	sshll.u32 s5, $0x1;
	s5 =	sadd.s32 s21, s3  }
0x9d: {  	[timem:s7], [sflag:s22] =	dma.local [hbm:s5], s20  }
0x9e: {  	_ =	swait.ge [sflag:s22], s20  }
0x9f: {  	s4 =	ssub.s32 $0x0, s20;
	[sflag:s22] =	ssyncset.done $0x0  }
0xa0: {  	[sflag:s22] =	ssyncadd.s32 s4;
	_ =	sdelay $0x1  }
0xa1: {  	s23 =	simm.s32 $0x1B8B  }
0xa2: {  	_ =	swait.ge [sflag:s23], $0x1  }
0xa3: {  	[sflag:s23] =	ssyncset.done $0x0  }
0xa4: {  	s25 =	simm.s32 $0x1B8E;
	s24 =	sld [smem:$0x3FFE];
	[sflag:s23] =	ssyncadd.s32 $0xFFFFFFFF  }
0xa5: {  	s26 =	simm.s32 $execute0_lowered;
	[smem:$0x3FD2] =	sst s25  }
0xa6: {  	s5 =	sshll.u32 s26, $0x1;
	_ =	strace $0x80000049;
	[dreg:$0x1] =	wrdreg $0xFFFFFFFF  }
0xa7: {  	s28 =	simm.s32 $_size_execute0_lowered;
	s3 =	sadd.s32 s3, s5;
	[dreg:$0x0] =	wrdreg $0x0  }
0xa8: {  	s5 =	sshll.u32 s28, $0x1;
	[dreg:$0x2] =	wrdreg s3  }
0xa9: {  	[dreg:$0x3] =	wrdreg s5  }
0xaa: {  	[dreg:$0x4] =	wrdreg $0xC0  }
0xab: {  	_ =	task [dreg:s7], $0x5FFFF  }
0xac: {  	[dreg:$0x1] =	wrdreg $0xFFFFFFFF  }
0xad: {  	[dreg:$0x0] =	wrdreg $0x60  }
0xae: {  	[dreg:$0x2] =	wrdreg s2  }
0xaf: {  	[dreg:$0x3] =	wrdreg s24  }
0xb0: {  	[dreg:$0x4] =	wrdreg $0x0  }
0xb1: {  	[dreg:$0x5] =	wrdreg $0x9  }
0xb2: {  	_ =	task.clear_ibuf [dreg:s7], $0x6FFFF;
	_ =	strace $0x90000049  }
0xb3: {  	s29 =	simm.s32 $0x9;
	_ =	strace $0x8000004B  }
0xb4: {  	_ =	swait.ge [sflag:s29], $0x1  }
0xb5: {  	[sflag:s29] =	ssyncadd.s32 $0xFFFFFFFF  }
0xb6: {  	_ =	strace $0x9000004B  }
0xb7: {  	_ =	sfence  }
0xb8: {  	s30 =	sld [smem:$0x0];
	_ =	sdelay $0x2  }
0xb9: {  	s31 =	sshll.u32 s1, $0xD;
	s1 =	sshrl.u32 s1, $0x2  }
0xba: {  	s3 =	sand.u32 $0x4000, s31;
	s1 =	sadd.s32 s1, s30  }
0xbb: {  	s0 =	sor.u32 s3, s0;
	s1 =	sshll.u32 s1, $0x11  }
0xbc: {  	s0 =	sor.u32 s1, s0  }
0xbd: {  	s0 =	sadd.s32 $0x8F2B, s0  }
0xbe: {  	[sflag:s0] =	ssyncadd.remote.s32 $0x1  }
0xbf: {  	_ =	sfence.sel $0xFFFF  }
0xc0: {  	[dreg:$0x0] =	wrdreg $0xFFFFFFFF;
	(pc) =	sbr.abs _section_cstart, $3  }
0xc1: {  	[dreg:$0x1] =	wrdreg $0xFFFFFFFF  }
0xc2: {  	_ =	task.clear_ibuf [dreg:s7], $0x2FFFF;
	_ =	strace $0x9FFFFFFF  }
0xc3: {  	(tm) =	ssettm $0x7FFFFFFF  }
tec
execute0_lowered:
.L_overlay_start_1:
0x0: {  	(tag) =	ssettag $0x1  }
0x1: {  	s0 =	rddreg [dreg:$0x0]  }
0x2: {  	s5 =	rddreg [dreg:$0x1]  }
0x3: {  	s1 =	srdreg.scid;
	s3 =	rddreg [dreg:$0x2]  }
0x4: {  	s2 =	stileid.u32;
	s4 =	simm.s32 $0x0;
	s29 =	simm.s32 $0x13880  }
0x5: {  	s30 =	simm.s32 $0x4;
	s31 =	simm.s32 $0x16000;
	s1 =	sand.u32 $0x1, s1  }
0x6: {  	[smem:$0x7FF] =	sst s4;
	s9 =	sadd.s32 $0x15000, s5;
	p0 =	seq.s32 s2, $0xF  }
0x7: {  	s13 =	smul.u32 $0x4E000, s2;
	p2 =	sne.s32 s2, $0xF;
	s20 =	sadd.s32 $0x127000, s3  }
0x8: {  	s21 =	sadd.s32 $0x129800, s3;
	_ =	strace $0x8000004A;
	[dreg:$0xb] =	wrdreg s20  }
0x9: {  	s19 =	smul.u32 $0x13800, s2;
	s22 =	sadd.s32 $0x12C000, s3;
	[dreg:$0xc] =	wrdreg s21  }
0xa: {  	s23 =	sadd.s32 $0x12E800, s3;
	s24 =	smul.u32 $0x2700, s2;
	[dreg:$0xd] =	wrdreg s22  }
0xb: {  	s12 =	sadd.s32 $0x131000, s3;
	s25 =	sadd.s32 $0x133800, s3;
	[dreg:$0xe] =	wrdreg s23  }
0xc: {  	s26 =	sadd.s32 $0x136000, s3;
	s28 =	sadd.s32 $0x24900, s0;
	[dreg:$0xf] =	wrdreg s12  }
0xd: {  	s6 =	sshll.u32 s1, $0x4;
	s7 =	ssub.s32 $0x2, s1;
	[dreg:$0x10] =	wrdreg s25  }
0xe: {  	p1 =	seq.s32 s1, $0x0;
	s1 =	smul.u32 $0x138800, s1;
	[dreg:$0x11] =	wrdreg s26  }
0xf: {  	[dreg:$0x12] =	wrdreg s28;
	s12 =	simm.s32 $0x1;
	s6 =	sor.u32 s2, s6  }
0x10: {  	s8 =	sshrl.u32 s7, $0x1;
	p3 =	por !p1, !p2;
	p4 =	por !p1, !p0  }
0x11: {  	s23 =	sadd.s32 s0, s24;
	s8 =	ssub.s32 s7, s8;
	s7 =	sshrl.u32 s13, $0x2  }
0x12: {  	s6 =	smul.u32 $0x4E2, s6;
	p3 =	por !p3, !p3;
	s7 =	sadd.s32 s7, s3  }
0x13: {  	p4 =	por !p4, !p4;
	s13 =	simm.s32 $0x2;
	s10 =	sadd.s32 $0x2800, s7  }
0x14: {  	s25 =	smax.u32 s8, $0x1;
	s14 =	sadd.s32 $0x5000, s7;
	[dreg:$0x4] =	wrdreg s10  }
0x15: {  	s8 =	simm.s32 $0x18780;
	s15 =	sadd.s32 $0x7800, s7;
	[dreg:$0x5] =	wrdreg s14  }
0x16: {  	s6 =	sadd.s32 s6, s5;
	s16 =	sadd.s32 $0xA000, s7;
	[dreg:$0x6] =	wrdreg s15  }
0x17: {  	s17 =	sadd.s32 $0xC800, s7;
	s18 =	sadd.s32 $0xF000, s7;
	[dreg:$0x7] =	wrdreg s16  }
0x18: {  	s11 =	sadd.s32 $0x11800, s7;
	s5 =	sadd.s32 $0xB200, s6;
	[dreg:$0x8] =	wrdreg s17  }
0x19: {  	s6 =	sadd.s32 $0x1400, s6;
	[dreg:$0x9] =	wrdreg s18;
	s14 =	sadd.s32 $0x124800, s3  }
0x1a: {  	[dreg:$0xa] =	wrdreg s11;
	s10 =	sadd.s32 s19, s1;
	s1 =	sshrl.u32 s1, $0x3  }
0x1b: {  	s11 =	simm.s32 $0x1D780;
	s15 =	simm.s32 $0x3;
	s16 =	simm.s32 $0x18670  }
0x1c: {  	s17 =	simm.s32 $0x186C0;
	s10 =	sshrl.u32 s10, $0x3;
	s1 =	sadd.s32 s9, s1  }
0x1d: {  	s18 =	simm.s32 $0x0;
	s21 =	sadd.s32 s9, s10;
	s24 =	sadd.s32 $0x24900, s1  }
0x1e: {  	v0 =	vimm.f32 $0.0e+00;
	s1 =	simm.s32 $0x50;
	s9 =	simm.s32 $0x138D0;
	s10 =	simm.s32 $0x1AF80  }
.LBB2_1:
0x1f: {  	[tilespmem:s29], [sflag:$0x4] =	stream.linear.gather [hbm4b:s5+s4], $0x2710, $0x38;
	[tilespmem:$0x1FF80] =	vst v63  }
0x20: {  	_ =	swait.ge [sflag:s30], $0x2710  }
0x21: {  	[sflag:s30] =	ssyncset.done $0x0  }
0x22: {  	[sflag:s30] =	ssyncadd.s32 $0xFFFFD8F0  }
0x23: {  	[tilespmem:s31], [sflag:$0x4] =	stream.linear.gather [hbm4b:s6+s4], $0x2710, $0x38;
	[tilespmem:$0x1FF80] =	vst v63  }
0x24: {  	_ =	swait.ge [sflag:s30], $0x2710  }
0x25: {  	[sflag:s30] =	ssyncset.done $0x0  }
0x26: {  	[sflag:s30] =	ssyncadd.s32 $0xFFFFD8F0  }
0x27: {  	[tilespmem:s8], [sflag:$0x1] =	stream.indirect.gather [hbm4b:s0+s1], $0x80, s29, s1, $0xb8;
	[tilespmem:$0x1FF80] =	vst v63  }
0x28: {  	s19 =	simm.s32 $0x0;
	s20 =	simm.s32 $0x200  }
0x29: {  	[tilespmem:s10], [sflag:$0x2] =	stream.indirect.gather [hbm4b:s0+s1], $0x80, s9, s1, $0xb8;
	[tilespmem:$0x1FF80] =	vst v63  }
.LBB2_2:
0x2a: {  	p5 =	sne.s32 s20, $0x9E00;
	[tilespmem:s19+$0x1D7F0] =	vst v0  }
0x2b: {  	[tilespmem:s19+$0x1D780] =	vst v0  }
0x2c: {  	[tilespmem:s19+$0x1D790] =	vst v0  }
.Ltmp0:
0x2d: {  	[tilespmem:s19+$0x1D7A0] =	vst v0;
	(pc) =	sbr.rel @p5 .LBB2_2-.Ltmp0, $4  }
0x2e: {  	[tilespmem:s19+$0x1D7B0] =	vst v0  }
0x2f: {  	[tilespmem:s19+$0x1D7C0] =	vst v0  }
0x30: {  	[tilespmem:s19+$0x1D7D0] =	vst v0  }
0x31: {  	[tilespmem:s19+$0x1D7E0] =	vst v0;
	s19 =	sshra.s32 s20, $0x2;
	s20 =	sadd.s32 $0x200, s20  }
0x32: {  	[tilespmem:s19+$0x1D7F0] =	vst v0  }
0x33: {  	[tilespmem:s19+$0x1D780] =	vst v0  }
0x34: {  	[tilespmem:s19+$0x1D790] =	vst v0  }
.Ltmp1:
0x35: {  	[tilespmem:s19+$0x1D7A0] =	vst v0;
	(pc) =	sbr.rel @!p3 .LBB2_5-.Ltmp1, $4  }
0x36: {  	[tilespmem:s19+$0x1D7B0] =	vst v0  }
0x37: {  	[tilespmem:s19+$0x1D7C0] =	vst v0  }
0x38: {  	[tilespmem:s19+$0x1D7D0] =	vst v0  }
0x39: {  	[tilespmem:s19+$0x1D7E0] =	vst v0  }
0x3a: {  	s19 =	sshll.u32 s2, $0x6  }
.Ltmp2:
0x3b: {  	s20 =	sshrl.u32 s7, $0x3;
	s19 =	sor.u32 $0x1C04, s19;
	(pc) =	sbr.rel .LBB2_9-.Ltmp2, $4  }
0x3c: {  	[spmem:s20], [sflag:s19] =	dma.local [hbm:s23], $0x2700  }
0x3d: {  	_ =	swait.ge [sflag:s30], $0x2700  }
0x3e: {  	[sflag:s30] =	ssyncset.done $0x0  }
0x3f: {  	[sflag:s30] =	ssyncadd.s32 $0xFFFFD900  }
.LBB2_5:
.Ltmp3:
0x40: {  	(pc) =	sbr.rel @!p4 .LBB2_7-.Ltmp3, $1  }
0x41: {  	_ =	sdelay $0x3  }
0x42: {  	s19 =	sshrl.u32 s14, $0x3  }
.Ltmp4:
0x43: {  	s20 =	rddreg [dreg:$0x12];
	s22 =	simm.s32 $0x1FC4;
	(pc) =	sbr.rel .LBB2_9-.Ltmp4, $4  }
0x44: {  	[spmem:s19], [sflag:s22] =	dma.local [hbm:s20], $0x2800  }
0x45: {  	_ =	swait.ge [sflag:s30], $0x2800  }
0x46: {  	[sflag:s30] =	ssyncset.done $0x0  }
0x47: {  	[sflag:s30] =	ssyncadd.s32 $0xFFFFD800  }
.LBB2_7:
.Ltmp5:
0x48: {  	(pc) =	sbr.rel @p1 .LBB2_9-.Ltmp5, $1  }
0x49: {  	_ =	sdelay $0x3  }
0x4a: {  	s19 =	simm.s32 @p2 $0x1D780;
	s20 =	simm.s32 @p2 $0x4  }
0x4b: {  	[spmem:s7] =	stream.linear.scatter @p2 [tilespmem:s19], [sflag:$0x4], $0x2800, $0x38;
	[tilespmem:$0x1FF80] =	vst v63  }
0x4c: {  	_ =	swait.ge @p2 [sflag:s20], $0x2800  }
0x4d: {  	[sflag:s20] =	ssyncset.done @p2 $0x0  }
0x4e: {  	s22 =	rddreg [dreg:$0x4];
	[sflag:s20] =	ssyncadd.s32 @p2 $0xFFFFD800  }
0x4f: {  	[spmem:s22] =	stream.linear.scatter @p2 [tilespmem:s19], [sflag:$0x4], $0x2800, $0x38;
	[tilespmem:$0x1FF80] =	vst v63  }
0x50: {  	_ =	swait.ge @p2 [sflag:s20], $0x2800  }
0x51: {  	[sflag:s20] =	ssyncset.done @p2 $0x0  }
0x52: {  	s22 =	rddreg [dreg:$0x5];
	[sflag:s20] =	ssyncadd.s32 @p2 $0xFFFFD800  }
0x53: {  	[spmem:s22] =	stream.linear.scatter @p2 [tilespmem:s19], [sflag:$0x4], $0x2800, $0x38;
	[tilespmem:$0x1FF80] =	vst v63  }
0x54: {  	_ =	swait.ge @p2 [sflag:s20], $0x2800  }
0x55: {  	[sflag:s20] =	ssyncset.done @p2 $0x0  }
0x56: {  	s22 =	rddreg [dreg:$0x6];
	[sflag:s20] =	ssyncadd.s32 @p2 $0xFFFFD800  }
0x57: {  	[spmem:s22] =	stream.linear.scatter @p2 [tilespmem:s19], [sflag:$0x4], $0x2800, $0x38;
	[tilespmem:$0x1FF80] =	vst v63  }
0x58: {  	_ =	swait.ge @p2 [sflag:s20], $0x2800  }
0x59: {  	[sflag:s20] =	ssyncset.done @p2 $0x0  }
0x5a: {  	s22 =	rddreg [dreg:$0x7];
	[sflag:s20] =	ssyncadd.s32 @p2 $0xFFFFD800  }
0x5b: {  	[spmem:s22] =	stream.linear.scatter @p2 [tilespmem:s19], [sflag:$0x4], $0x2800, $0x38;
	[tilespmem:$0x1FF80] =	vst v63  }
0x5c: {  	_ =	swait.ge @p2 [sflag:s20], $0x2800  }
0x5d: {  	[sflag:s20] =	ssyncset.done @p2 $0x0  }
0x5e: {  	s22 =	rddreg [dreg:$0x8];
	[sflag:s20] =	ssyncadd.s32 @p2 $0xFFFFD800  }
0x5f: {  	[spmem:s22] =	stream.linear.scatter @p2 [tilespmem:s19], [sflag:$0x4], $0x2800, $0x38;
	[tilespmem:$0x1FF80] =	vst v63  }
0x60: {  	_ =	swait.ge @p2 [sflag:s20], $0x2800  }
0x61: {  	[sflag:s20] =	ssyncset.done @p2 $0x0  }
0x62: {  	s22 =	rddreg [dreg:$0x9];
	[sflag:s20] =	ssyncadd.s32 @p2 $0xFFFFD800  }
0x63: {  	[spmem:s22] =	stream.linear.scatter @p2 [tilespmem:s19], [sflag:$0x4], $0x2800, $0x38;
	[tilespmem:$0x1FF80] =	vst v63  }
0x64: {  	_ =	swait.ge @p2 [sflag:s20], $0x2800  }
0x65: {  	[sflag:s20] =	ssyncset.done @p2 $0x0  }
0x66: {  	s22 =	rddreg [dreg:$0xa];
	[sflag:s20] =	ssyncadd.s32 @p2 $0xFFFFD800  }
0x67: {  	[spmem:s22] =	stream.linear.scatter @p2 [tilespmem:s19], [sflag:$0x4], $0x2000, $0x38;
	[tilespmem:$0x1FF80] =	vst v63  }
0x68: {  	_ =	swait.ge @p2 [sflag:s20], $0x2000  }
0x69: {  	[sflag:s20] =	ssyncset.done @p2 $0x0  }
0x6a: {  	s19 =	simm.s32 @!p2 $0x1D780;
	[sflag:s20] =	ssyncadd.s32 @p2 $0xFFFFE000;
	s20 =	simm.s32 @!p2 $0x4  }
0x6b: {  	[spmem:s14] =	stream.linear.scatter @!p2 [tilespmem:s19], [sflag:$0x4], $0x2800, $0x38;
	[tilespmem:$0x1FF80] =	vst v63  }
0x6c: {  	_ =	swait.ge @!p2 [sflag:s20], $0x2800  }
0x6d: {  	[sflag:s20] =	ssyncset.done @!p2 $0x0  }
0x6e: {  	s22 =	rddreg [dreg:$0xb];
	[sflag:s20] =	ssyncadd.s32 @!p2 $0xFFFFD800  }
0x6f: {  	[spmem:s22] =	stream.linear.scatter @!p2 [tilespmem:s19], [sflag:$0x4], $0x2800, $0x38;
	[tilespmem:$0x1FF80] =	vst v63  }
0x70: {  	_ =	swait.ge @!p2 [sflag:s20], $0x2800  }
0x71: {  	[sflag:s20] =	ssyncset.done @!p2 $0x0  }
0x72: {  	s22 =	rddreg [dreg:$0xc];
	[sflag:s20] =	ssyncadd.s32 @!p2 $0xFFFFD800  }
0x73: {  	[spmem:s22] =	stream.linear.scatter @!p2 [tilespmem:s19], [sflag:$0x4], $0x2800, $0x38;
	[tilespmem:$0x1FF80] =	vst v63  }
0x74: {  	_ =	swait.ge @!p2 [sflag:s20], $0x2800  }
0x75: {  	[sflag:s20] =	ssyncset.done @!p2 $0x0  }
0x76: {  	s22 =	rddreg [dreg:$0xd];
	[sflag:s20] =	ssyncadd.s32 @!p2 $0xFFFFD800  }
0x77: {  	[spmem:s22] =	stream.linear.scatter @!p2 [tilespmem:s19], [sflag:$0x4], $0x2800, $0x38;
	[tilespmem:$0x1FF80] =	vst v63  }
0x78: {  	_ =	swait.ge @!p2 [sflag:s20], $0x2800  }
0x79: {  	[sflag:s20] =	ssyncset.done @!p2 $0x0  }
0x7a: {  	s22 =	rddreg [dreg:$0xe];
	[sflag:s20] =	ssyncadd.s32 @!p2 $0xFFFFD800  }
0x7b: {  	[spmem:s22] =	stream.linear.scatter @!p2 [tilespmem:s19], [sflag:$0x4], $0x2800, $0x38;
	[tilespmem:$0x1FF80] =	vst v63  }
0x7c: {  	_ =	swait.ge @!p2 [sflag:s20], $0x2800  }
0x7d: {  	[sflag:s20] =	ssyncset.done @!p2 $0x0  }
0x7e: {  	s22 =	rddreg [dreg:$0xf];
	[sflag:s20] =	ssyncadd.s32 @!p2 $0xFFFFD800  }
0x7f: {  	[spmem:s22] =	stream.linear.scatter @!p2 [tilespmem:s19], [sflag:$0x4], $0x2800, $0x38;
	[tilespmem:$0x1FF80] =	vst v63  }
0x80: {  	_ =	swait.ge @!p2 [sflag:s20], $0x2800  }
0x81: {  	[sflag:s20] =	ssyncset.done @!p2 $0x0  }
0x82: {  	s22 =	rddreg [dreg:$0x10];
	[sflag:s20] =	ssyncadd.s32 @!p2 $0xFFFFD800  }
0x83: {  	[spmem:s22] =	stream.linear.scatter @!p2 [tilespmem:s19], [sflag:$0x4], $0x2800, $0x38;
	[tilespmem:$0x1FF80] =	vst v63  }
0x84: {  	_ =	swait.ge @!p2 [sflag:s20], $0x2800  }
0x85: {  	[sflag:s20] =	ssyncset.done @!p2 $0x0  }
0x86: {  	s22 =	rddreg [dreg:$0x11];
	[sflag:s20] =	ssyncadd.s32 @!p2 $0xFFFFD800  }
0x87: {  	[spmem:s22] =	stream.linear.scatter @!p2 [tilespmem:s19], [sflag:$0x4], $0x2800, $0x38;
	[tilespmem:$0x1FF80] =	vst v63  }
0x88: {  	_ =	swait.ge @!p2 [sflag:s20], $0x2800  }
0x89: {  	[sflag:s20] =	ssyncset.done @!p2 $0x0  }
0x8a: {  	[sflag:s20] =	ssyncadd.s32 @!p2 $0xFFFFD800  }
.LBB2_9:
0x8b: {  	[bflag:$0x0] =	sbarrier.arrive $0xFFFF;
	s19 =	simm.s32 $0x13920  }
0x8c: {  	[tilespmem:s11], [sflag:$0x3] =	stream.indirect.gather [hbm4b:s0+s1], $0x80, s19, s1, $0xb8;
	[tilespmem:$0x1FF80] =	vst v63  }
0x8d: {  	_ =	swait.ge [sflag:s12], $0x2800  }
0x8e: {  	[sflag:s12] =	ssyncset.done $0x0  }
0x8f: {  	s28 =	simm.s32 $0x16000;
	[sflag:s12] =	ssyncadd.s32 $0xFFFFD800  }
0x90: {  	[spmem:s3] =	stream.indirect.scatter.add.f32 [tilespmem:s8], [sflag:$0x4], $0x80, s28, s1, $0xb8;
	[tilespmem:$0x1FF80] =	vst v63  }
0x91: {  	_ =	swait.ge [sflag:s30], $0x2800  }
0x92: {  	[sflag:s30] =	ssyncset.done $0x0  }
0x93: {  	s20 =	simm.s32 $0x13970;
	[sflag:s30] =	ssyncadd.s32 $0xFFFFD800  }
0x94: {  	[tilespmem:s8], [sflag:$0x1] =	stream.indirect.gather [hbm4b:s0+s1], $0x80, s20, s1, $0xb8;
	[tilespmem:$0x1FF80] =	vst v63  }
0x95: {  	_ =	swait.ge [sflag:s13], $0x2800  }
0x96: {  	[sflag:s13] =	ssyncset.done $0x0  }
0x97: {  	s22 =	simm.s32 $0x16050;
	[sflag:s13] =	ssyncadd.s32 $0xFFFFD800  }
0x98: {  	[spmem:s3] =	stream.indirect.scatter.add.f32 [tilespmem:s10], [sflag:$0x4], $0x80, s22, s1, $0xb8;
	[tilespmem:$0x1FF80] =	vst v63  }
0x99: {  	_ =	swait.ge [sflag:s30], $0x2800  }
0x9a: {  	[sflag:s30] =	ssyncset.done $0x0  }
0x9b: {  	s26 =	simm.s32 $0x139C0;
	[sflag:s30] =	ssyncadd.s32 $0xFFFFD800  }
0x9c: {  	[tilespmem:s10], [sflag:$0x2] =	stream.indirect.gather [hbm4b:s0+s1], $0x80, s26, s1, $0xb8;
	[tilespmem:$0x1FF80] =	vst v63  }
0x9d: {  	_ =	swait.ge [sflag:s15], $0x2800  }
0x9e: {  	[sflag:s15] =	ssyncset.done $0x0  }
0x9f: {  	s28 =	simm.s32 $0x160A0;
	[sflag:s15] =	ssyncadd.s32 $0xFFFFD800  }
0xa0: {  	[spmem:s3] =	stream.indirect.scatter.add.f32 [tilespmem:s11], [sflag:$0x4], $0x80, s28, s1, $0xb8;
	[tilespmem:$0x1FF80] =	vst v63  }
0xa1: {  	_ =	swait.ge [sflag:s30], $0x2800  }
0xa2: {  	s19 =	simm.s32 $0xF0;
	s20 =	simm.s32 $0x780;
	[sflag:s30] =	ssyncset.done $0x0  }
.LBB2_10:
0xa3: {  	s22 =	sadd.s32 $0x13920, s19  }
0xa4: {  	[sflag:s30] =	ssyncadd.s32 $0xFFFFD800;
	s26 =	smov.u32 s20;
	s28 =	sadd.s32 $0x3C0, s20  }
0xa5: {  	[tilespmem:s11], [sflag:$0x3] =	stream.indirect.gather [hbm4b:s0+s1], $0x80, s22, s1, $0xb8;
	[tilespmem:$0x1FF80] =	vst v63  }
0xa6: {  	p5 =	sne.s32 s20, $0x9600;
	_ =	swait.ge [sflag:s12], $0x2800  }
0xa7: {  	[sflag:s12] =	ssyncset.done $0x0  }
0xa8: {  	s20 =	sadd.s32 $0x16000, s19;
	[sflag:s12] =	ssyncadd.s32 $0xFFFFD800  }
0xa9: {  	[spmem:s3] =	stream.indirect.scatter.add.f32 [tilespmem:s8], [sflag:$0x4], $0x80, s20, s1, $0xb8;
	[tilespmem:$0x1FF80] =	vst v63  }
0xaa: {  	_ =	swait.ge [sflag:s30], $0x2800  }
0xab: {  	[sflag:s30] =	ssyncset.done $0x0  }
0xac: {  	s20 =	sadd.s32 $0x13970, s19;
	[sflag:s30] =	ssyncadd.s32 $0xFFFFD800  }
0xad: {  	[tilespmem:s8], [sflag:$0x1] =	stream.indirect.gather [hbm4b:s0+s1], $0x80, s20, s1, $0xb8;
	[tilespmem:$0x1FF80] =	vst v63  }
0xae: {  	_ =	swait.ge [sflag:s13], $0x2800  }
0xaf: {  	[sflag:s13] =	ssyncset.done $0x0  }
0xb0: {  	s20 =	sadd.s32 $0x16050, s19;
	[sflag:s13] =	ssyncadd.s32 $0xFFFFD800  }
0xb1: {  	[spmem:s3] =	stream.indirect.scatter.add.f32 [tilespmem:s10], [sflag:$0x4], $0x80, s20, s1, $0xb8;
	[tilespmem:$0x1FF80] =	vst v63  }
0xb2: {  	_ =	swait.ge [sflag:s30], $0x2800  }
0xb3: {  	[sflag:s30] =	ssyncset.done $0x0  }
0xb4: {  	s20 =	sadd.s32 $0x139C0, s19;
	[sflag:s30] =	ssyncadd.s32 $0xFFFFD800  }
0xb5: {  	[tilespmem:s10], [sflag:$0x2] =	stream.indirect.gather [hbm4b:s0+s1], $0x80, s20, s1, $0xb8;
	[tilespmem:$0x1FF80] =	vst v63  }
0xb6: {  	_ =	swait.ge [sflag:s15], $0x2800  }
.Ltmp6:
0xb7: {  	[sflag:s15] =	ssyncset.done $0x0;
	(pc) =	sbr.rel @p5 .LBB2_10-.Ltmp6, $4  }
0xb8: {  	s19 =	sadd.s32 $0x160A0, s19;
	[sflag:s15] =	ssyncadd.s32 $0xFFFFD800  }
0xb9: {  	[spmem:s3] =	stream.indirect.scatter.add.f32 [tilespmem:s11], [sflag:$0x4], $0x80, s19, s1, $0xb8;
	[tilespmem:$0x1FF80] =	vst v63  }
0xba: {  	_ =	swait.ge [sflag:s30], $0x2800  }
0xbb: {  	s20 =	smov.u32 s28;
	s19 =	sshra.s32 s26, $0x2;
	[sflag:s30] =	ssyncset.done $0x0  }
0xbc: {  	s20 =	sadd.s32 $0x13920, s19;
	[sflag:s30] =	ssyncadd.s32 $0xFFFFD800  }
0xbd: {  	[tilespmem:s11], [sflag:$0x3] =	stream.indirect.gather [hbm4b:s0+s1], $0x80, s20, s1, $0xb8;
	[tilespmem:$0x1FF80] =	vst v63  }
0xbe: {  	_ =	swait.ge [sflag:s12], $0x2800  }
0xbf: {  	[sflag:s12] =	ssyncset.done $0x0  }
0xc0: {  	s26 =	sadd.s32 $0x16000, s19;
	[sflag:s12] =	ssyncadd.s32 $0xFFFFD800  }
0xc1: {  	[spmem:s3] =	stream.indirect.scatter.add.f32 [tilespmem:s8], [sflag:$0x4], $0x80, s26, s1, $0xb8;
	[tilespmem:$0x1FF80] =	vst v63  }
0xc2: {  	_ =	swait.ge [sflag:s30], $0x2800  }
0xc3: {  	[sflag:s30] =	ssyncset.done $0x0  }
0xc4: {  	s28 =	sadd.s32 $0x13970, s19;
	[sflag:s30] =	ssyncadd.s32 $0xFFFFD800  }
0xc5: {  	[tilespmem:s8], [sflag:$0x1] =	stream.indirect.gather [hbm4b:s0+s1], $0x80, s28, s1, $0xb8;
	[tilespmem:$0x1FF80] =	vst v63  }
0xc6: {  	_ =	swait.ge [sflag:s13], $0x2800  }
0xc7: {  	[sflag:s13] =	ssyncset.done $0x0  }
0xc8: {  	s22 =	sadd.s32 $0x16050, s19;
	[sflag:s13] =	ssyncadd.s32 $0xFFFFD800  }
0xc9: {  	[spmem:s3] =	stream.indirect.scatter.add.f32 [tilespmem:s10], [sflag:$0x4], $0x80, s22, s1, $0xb8;
	[tilespmem:$0x1FF80] =	vst v63  }
0xca: {  	_ =	swait.ge [sflag:s30], $0x2800  }
0xcb: {  	[sflag:s30] =	ssyncset.done $0x0  }
0xcc: {  	s26 =	sadd.s32 $0x139C0, s19;
	[sflag:s30] =	ssyncadd.s32 $0xFFFFD800  }
0xcd: {  	[tilespmem:s10], [sflag:$0x2] =	stream.indirect.gather [hbm4b:s0+s1], $0x80, s26, s1, $0xb8;
	[tilespmem:$0x1FF80] =	vst v63  }
0xce: {  	_ =	swait.ge [sflag:s15], $0x2800  }
0xcf: {  	[sflag:s15] =	ssyncset.done $0x0  }
0xd0: {  	s28 =	sadd.s32 $0x160A0, s19;
	[sflag:s15] =	ssyncadd.s32 $0xFFFFD800  }
0xd1: {  	[spmem:s3] =	stream.indirect.scatter.add.f32 [tilespmem:s11], [sflag:$0x4], $0x80, s28, s1, $0xb8;
	[tilespmem:$0x1FF80] =	vst v63  }
0xd2: {  	_ =	swait.ge [sflag:s30], $0x2800  }
0xd3: {  	[sflag:s30] =	ssyncset.done $0x0  }
0xd4: {  	[sflag:s30] =	ssyncadd.s32 $0xFFFFD800  }
0xd5: {  	_ =	swait.ge [sflag:s12], $0x2800  }
0xd6: {  	[sflag:s12] =	ssyncset.done $0x0  }
0xd7: {  	[sflag:s12] =	ssyncadd.s32 $0xFFFFD800  }
0xd8: {  	[spmem:s3] =	stream.indirect.scatter.add.f32 [tilespmem:s8], [sflag:$0x4], $0x80, s16, s1, $0xb8;
	[tilespmem:$0x1FF80] =	vst v63  }
0xd9: {  	_ =	swait.ge [sflag:s30], $0x2800  }
0xda: {  	[sflag:s30] =	ssyncset.done $0x0  }
0xdb: {  	[sflag:s30] =	ssyncadd.s32 $0xFFFFD800  }
0xdc: {  	_ =	swait.ge [sflag:s13], $0x2800  }
0xdd: {  	[sflag:s13] =	ssyncset.done $0x0  }
0xde: {  	[sflag:s13] =	ssyncadd.s32 $0xFFFFD800  }
0xdf: {  	[spmem:s3] =	stream.indirect.scatter.add.f32 [tilespmem:s10], [sflag:$0x4], $0x80, s17, s1, $0xb8;
	[tilespmem:$0x1FF80] =	vst v63  }
0xe0: {  	_ =	swait.ge [sflag:s30], $0x2800  }
0xe1: {  	[sflag:s30] =	ssyncset.done $0x0  }
0xe2: {  	[sflag:s30] =	ssyncadd.s32 $0xFFFFD800  }
0xe3: {  	s20 =	simm.s32 @p0 $0x1FC4;
	s19 =	sshrl.u32 @p0 s14, $0x3;
	[bflag:$0x0] =	sbarrier.arrive $0xFFFF  }
0xe4: {  	[hbm:s24], [sflag:s20] =	dma.local @p0 [spmem:s19], $0x2800  }
0xe5: {  	s19 =	simm.s32 @p0 $0x4  }
0xe6: {  	s18 =	sadd.s32 $0x1, s18;
	_ =	swait.ge @p0 [sflag:s19], $0x2800  }
0xe7: {  	p5 =	sne.s32 s18, s25;
	s20 =	sshll.u32 @!p0 s2, $0x6;
	[sflag:s19] =	ssyncset.done @p0 $0x0  }
0xe8: {  	[sflag:s19] =	ssyncadd.s32 @p0 $0xFFFFD800;
	s19 =	sor.u32 @!p0 $0x1C04, s20;
	s20 =	sshrl.u32 @!p0 s7, $0x3  }
0xe9: {  	[hbm:s21], [sflag:s19] =	dma.local @!p0 [spmem:s20], $0x2700  }
.Ltmp7:
0xea: {  	_ = 	snop;
	(pc) =	sbr.rel @p5 .LBB2_1-.Ltmp7, $4  }
0xeb: {  	s19 =	simm.s32 @!p0 $0x4  }
0xec: {  	_ =	swait.ge @!p0 [sflag:s19], $0x2700  }
0xed: {  	[sflag:s19] =	ssyncset.done @!p0 $0x0  }
0xee: {  	[sflag:s19] =	ssyncadd.s32 @!p0 $0xFFFFD900  }
0xef: {  	_ =	sfence.sel $0x180000  }
0xf0: {  	[bflag:$0x0] =	sbarrier.arrive $0xFFFF  }
0xf1: {  	_ =	strace $0x9000004A  }
0xf2: {  	[bflag:$0x2] =	sbarrier.arrive $0xFFFF  }
0xf3: {  	p0 =	sne.s32 s2, $0x0;
	s0 =	rddreg [dreg:$0x3]  }
0xf4: {  	s0 =	sadd.s32 @!p0 $0x100000, s0  }
0xf5: {  	[sflag:s0] =	ssyncadd.tile.s32 @!p0 $0x1;
	_ =	shalt  }
.Lfunc_end2:
_tile_overlayer_lowered:
.L_overlay_start_2:
0xf6: {  	(tag) =	ssettag $0x2  }
0xf7: {  	s0 =	rddreg [dreg:$0x0];
	s2 =	stileid.u32  }
0xf8: {  	s1 =	rddreg [dreg:$0x1];
	p0 =	sne.s32 s2, $0x0  }
0xf9: {  	s3 =	rddreg [dreg:$0x2];
	[bflag:$0x3] =	sbarrier.arrive $0xFFFF;
	s2 =	simm.s32 @!p0 $0x1C04  }
0xfa: {  	[timem:s3], [sflag:s2] =	dma.local @!p0 [hbm:s0], s1  }
0xfb: {  	s0 =	simm.s32 @!p0 $0x4  }
0xfc: {  	_ =	swait.ge @!p0 [sflag:s0], s1  }
0xfd: {  	s1 =	ssub.s32 @!p0 $0x0, s1;
	[sflag:s0] =	ssyncset.done @!p0 $0x0  }
0xfe: {  	[sflag:s0] =	ssyncadd.s32 @!p0 s1  }
0xff: {  	[bflag:$0x3] =	sbarrier.arrive $0xFFFF  }
0x100: {  	_ =	shalt  }

</sc_bundles>
